<compile_context>
chip_gen: v7x
topology: tpu7x:2x2x1
jax: 0.10.2.dev20260603
libtpu: 0.0.44.dev20260713+nightly
codegen_flags: <defaults>
</compile_context>

<pallas_src>
import jax
import jax.numpy as jnp
from jax import lax
from jax.experimental import pallas as pl
from jax.experimental.pallas import tpu as pltpu
from jax.experimental.pallas import tpu_sc as plsc

N = 10000
F = 128
HID = 16
OUT = 7
E = 320000
NPAD = 10240
NW = 32
EPT = E // NW
CHUNK = 256
K = 10
NCHUNK = 40
EPT_PAD = NCHUNK * CHUNK
NSUP = NCHUNK // K
RPT = NPAD // 16

_mesh = plsc.VectorSubcoreMesh(core_axis_name="c", subcore_axis_name="s")
_params = pltpu.CompilerParams(use_tc_tiling_on_sc=False)


def _stage_and_zero(row_hbm, col_hbm, zeros_hbm, rowv, colv, acc):
    cid = lax.axis_index("c")
    sid = lax.axis_index("s")
    wid = sid * 2 + cid
    if rowv is not None:
        pltpu.sync_copy(row_hbm.at[wid], rowv)
    pltpu.sync_copy(col_hbm.at[wid], colv)
    pltpu.sync_copy(zeros_hbm.at[pl.ds(sid * RPT, RPT)],
                    acc.at[pl.ds(sid * RPT, RPT)])
    plsc.subcore_barrier()
    return cid, sid


def _writeback(out_hbm, acc, cid, sid):
    plsc.subcore_barrier()
    pltpu.sync_copy(acc.at[pl.ds(sid * RPT, RPT)],
                    out_hbm.at[cid, pl.ds(sid * RPT, RPT)])


def _make_prop(c):

    def body(y_hbm, row_hbm, col_hbm, zeros_hbm, out_hbm,
             rowv, colv, msg, acc, gsem, ssem):
        cid, sid = _stage_and_zero(row_hbm, col_hbm, zeros_hbm,
                                   rowv, colv, acc)
        for b in range(K):
            pltpu.async_copy(y_hbm.at[rowv.at[b]], msg.at[b], gsem)

        @pl.loop(0, NSUP)
        def _sup(s):
            p = lax.rem(s, 2)
            base = p * K
            nbase = (1 - p) * K
            for b in range(K):
                pltpu.make_async_copy(
                    y_hbm.at[rowv.at[s * K + b]],
                    msg.at[base + b], gsem).wait()

            @pl.when(s >= 1)
            def _drain_prev():
                for b in range(K):
                    pltpu.make_async_copy(
                        msg.at[nbase + b],
                        acc.at[colv.at[(s - 1) * K + b]], ssem).wait()

            @pl.when(s < NSUP - 1)
            def _issue_next():
                for b in range(K):
                    pltpu.async_copy(
                        y_hbm.at[rowv.at[(s + 1) * K + b]],
                        msg.at[nbase + b], gsem)

            for b in range(K):
                pltpu.async_copy(msg.at[base + b],
                                 acc.at[colv.at[s * K + b]], ssem, add=True)

        lastbase = ((NSUP - 1) % 2) * K
        for b in range(K):
            pltpu.make_async_copy(
                msg.at[lastbase + b],
                acc.at[colv.at[(NSUP - 1) * K + b]], ssem).wait()

        _writeback(out_hbm, acc, cid, sid)

    return pl.kernel(
        body,
        out_type=jax.ShapeDtypeStruct((2, NPAD, c), jnp.float32),
        mesh=_mesh,
        scratch_types=[
            pltpu.VMEM((NCHUNK, CHUNK), jnp.int32),
            pltpu.VMEM((NCHUNK, CHUNK), jnp.int32),
            pltpu.VMEM((2 * K, CHUNK, c), jnp.float32),
            pltpu.VMEM_SHARED((NPAD, c), jnp.float32),
            pltpu.SemaphoreType.DMA,
            pltpu.SemaphoreType.DMA,
        ],
        compiler_params=_params,
    )


def _make_deg(c):

    def body(ones_hbm, col_hbm, zeros_hbm, out_hbm,
             colv, onesv, acc, ssem):
        cid, sid = _stage_and_zero(None, col_hbm, zeros_hbm,
                                   None, colv, acc)
        pltpu.sync_copy(ones_hbm, onesv)

        @pl.loop(0, NSUP)
        def _sup(s):
            descs = [
                pltpu.async_copy(onesv, acc.at[colv.at[s * K + b]], ssem,
                                 add=True)
                for b in range(K)
            ]
            for d in descs:
                d.wait()

        _writeback(out_hbm, acc, cid, sid)

    return pl.kernel(
        body,
        out_type=jax.ShapeDtypeStruct((2, NPAD, c), jnp.float32),
        mesh=_mesh,
        scratch_types=[
            pltpu.VMEM((NCHUNK, CHUNK), jnp.int32),
            pltpu.VMEM((CHUNK, c), jnp.float32),
            pltpu.VMEM_SHARED((NPAD, c), jnp.float32),
            pltpu.SemaphoreType.DMA,
        ],
        compiler_params=_params,
    )


_prop16 = _make_prop(16)
_prop8 = _make_prop(16)
_deg1 = _make_deg(16)


def _tc1a_body(x_ref, embfull_ref, w1_ref, w1x_ref, h1_ref):
    x = x_ref[...]
    mean = jnp.sum(x, axis=0, keepdims=True) / N
    sq = jnp.sum(x * x, axis=0, keepdims=True) / N
    var = jnp.maximum(sq - mean * mean, 0.0)
    std = jnp.sqrt(var)
    std = jnp.where(std == 0.0, 1.0, std)
    xn = (x - mean) / std
    c0 = jnp.dot(embfull_ref[...], w1_ref[...],
                 preferred_element_type=jnp.float32)
    h1 = jnp.dot(xn, w1x_ref[...], preferred_element_type=jnp.float32) + c0
    h1_ref[pl.ds(0, N), :] = h1


_tc1a = pl.pallas_call(
    _tc1a_body,
    out_shape=jax.ShapeDtypeStruct((NPAD, HID), jnp.float32),
)


def _tc1b_body(h1_ref, deg1_ref, y1_ref, dinv_ref):
    deg = deg1_ref[0][:, 0:1] + deg1_ref[1][:, 0:1] + 1.0
    dinv = lax.rsqrt(deg)
    dinv_ref[...] = dinv
    y1_ref[...] = dinv * h1_ref[...]


_tc1b = pl.pallas_call(
    _tc1b_body,
    out_shape=[
        jax.ShapeDtypeStruct((NPAD, HID), jnp.float32),
        jax.ShapeDtypeStruct((NPAD, 1), jnp.float32),
    ],
)


def _tc2_body(acc_ref, y1_ref, dinv_ref, b1_ref, w2p_ref, y2_ref):
    dinv = dinv_ref[...]
    g1 = dinv * (acc_ref[0] + acc_ref[1] + y1_ref[...]) + b1_ref[...]
    r = jnp.maximum(g1, 0.0)
    h2 = jnp.dot(r, w2p_ref[...], preferred_element_type=jnp.float32)
    y2_ref[...] = dinv * h2


_tc2 = pl.pallas_call(
    _tc2_body,
    out_shape=jax.ShapeDtypeStruct((NPAD, 16), jnp.float32),
)


def _tc3_body(acc_ref, y2_ref, dinv_ref, b2_ref, out_ref):
    dinv = dinv_ref[...]
    g2 = dinv * (acc_ref[0] + acc_ref[1] + y2_ref[...]) + b2_ref[...]
    lane = lax.broadcasted_iota(jnp.int32, (NPAD, 16), 1)
    g2m = jnp.where(lane < OUT, g2, jnp.float32(-1e30))
    m = jnp.max(g2m, axis=1, keepdims=True)
    ex = jnp.exp(g2m - m)
    lse = jnp.log(jnp.sum(ex, axis=1, keepdims=True))
    out_ref[...] = g2m - m - lse


_tc3 = pl.pallas_call(
    _tc3_body,
    out_shape=jax.ShapeDtypeStruct((NPAD, 16), jnp.float32),
)


def kernel(x, edge_index, emb_table, W1, b1, W2, b2):
    f32 = jnp.float32
    row = edge_index[0].reshape(NW, EPT)
    col = edge_index[1].reshape(NW, EPT)
    row32 = jnp.pad(row, ((0, 0), (0, EPT_PAD - EPT))).reshape(
        NW, NCHUNK, CHUNK)
    col32 = jnp.pad(col, ((0, 0), (0, EPT_PAD - EPT)),
                    constant_values=N).reshape(NW, NCHUNK, CHUNK)
    zeros16 = jnp.zeros((NPAD, 16), f32)
    zeros1 = jnp.zeros((NPAD, 16), f32)
    ones_chunk = jnp.ones((CHUNK, 16), f32)
    embfull = jnp.concatenate(
        [emb_table, jnp.zeros((F, 1), f32)], axis=1).reshape(1, F * 16)
    w1x = W1.reshape(F, 16, 16)[:, 15, :]
    b1r = b1.reshape(1, HID)
    w2p = jnp.concatenate([W2, jnp.zeros((HID, 16 - OUT), f32)], axis=1)
    b2r = jnp.concatenate([b2, jnp.zeros((16 - OUT,), f32)]).reshape(1, 16)

    deg1 = _deg1(ones_chunk, col32, zeros1)
    h1 = _tc1a(x, embfull, W1, w1x)
    y1, dinv = _tc1b(h1, deg1)
    acc1 = _prop16(y1, row32, col32, zeros16)
    y2 = _tc2(acc1, y1, dinv, b1r, w2p)
    acc2 = _prop8(y2, row32, col32, zeros16)
    out = _tc3(acc2, y2, dinv, b2r)
    return out[:N, :OUT]

# --- scband reference (transcript-rebuilt; emitter-appended) ---
"""Pipeline reference for scband-gcn-88218628260128 (READ-ONLY COPY).

The authoritative reference and input builder live on the scoring server;
editing this copy changes nothing except your own understanding.
"""

import jax, jax.numpy as jnp
import numpy as np

N = 10000
F = 128
FEAT_EMB = 15
EMB = FEAT_EMB + 1
CHANNELS = F * EMB
HID = 16
OUT = 7
E = 320000


def setup_inputs(seed: int = 0) -> dict:
    key = jax.random.key(seed)
    ks = jax.random.split(key, 8)
    x = jax.random.normal(ks[0], (N, F), dtype=jnp.float32)
    edge_index = jax.random.randint(ks[1], (2, E), 0, N, dtype=jnp.int32)
    emb_table = jax.random.normal(ks[2], (F, FEAT_EMB), dtype=jnp.float32)
    W1 = jax.random.normal(ks[3], (CHANNELS, HID), dtype=jnp.float32) / np.sqrt(CHANNELS)
    b1 = jnp.zeros((HID,), dtype=jnp.float32)
    W2 = jax.random.normal(ks[4], (HID, OUT), dtype=jnp.float32) / np.sqrt(HID)
    b2 = jnp.zeros((OUT,), dtype=jnp.float32)
    return {"x": x, "edge_index": edge_index, "emb_table": emb_table,
            "W1": W1, "b1": b1, "W2": W2, "b2": b2}


def _standardize(x):
    # sklearn StandardScaler: per-feature zero mean, unit (population) std
    mean = jnp.mean(x, axis=0, keepdims=True)
    std = jnp.std(x, axis=0, keepdims=True)
    std = jnp.where(std == 0.0, 1.0, std)
    return (x - mean) / std


def _expand_features(x_norm, emb_table):
    # For each node: concat feature_embedding_table.weight [F, FEAT_EMB]
    # with the node's normalized values [F, 1] -> [F, EMB], then flatten.
    n = x_norm.shape[0]
    tab = jnp.broadcast_to(emb_table[None, :, :], (n, F, FEAT_EMB))
    cat = jnp.concatenate([tab, x_norm[:, :, None]], axis=2)  # [N, F, EMB]
    return cat.reshape(n, F * EMB)


def _gcn_conv(x, edge_index, W, b):
    # PyG GCNConv: x' = D^-1/2 (A + I) D^-1/2 (X W) + b
    h = x @ W
    n = h.shape[0]
    row = edge_index[0]
    col = edge_index[1]
    loop = jnp.arange(n, dtype=row.dtype)
    row = jnp.concatenate([row, loop])
    col = jnp.concatenate([col, loop])
    ones = jnp.ones(row.shape[0], dtype=h.dtype)
    deg = jnp.zeros((n,), dtype=h.dtype).at[col].add(ones)
    dinv = jnp.where(deg > 0, deg ** -0.5, 0.0)
    norm = dinv[row] * dinv[col]
    msgs = h[row] * norm[:, None]
    out = jnp.zeros_like(h).at[col].add(msgs)
    return out + b


def reference(x, edge_index, emb_table, W1, b1, W2, b2):
    # eval mode: dropout_adj and Dropout are identity
    x_norm = _standardize(x)
    feats = _expand_features(x_norm, emb_table)
    h = _gcn_conv(feats, edge_index, W1, b1)
    h = jax.nn.relu(h)
    h = _gcn_conv(h, edge_index, W2, b2)
    return jax.nn.log_softmax(h, axis=1)

if __name__ == "__main__":
    import jax
    _d = setup_inputs()
    print(jax.jit(kernel)(*tuple(_d.values())))

</pallas_src>

<mosaic_0001>
#map = affine_map<(d0, d1) -> (0, 0)>
#map1 = affine_map<(d0, d1) -> (0, 0, 0)>
module attributes {stable_mosaic.version = 14 : i64} {
  func.func @body(%arg0: i32, %arg1: i32, %arg2: memref<10240x16xf32, #tpu.memory_space<hbm>>, %arg3: memref<32x40x256xi32, #tpu.memory_space<hbm>>, %arg4: memref<32x40x256xi32, #tpu.memory_space<hbm>>, %arg5: memref<10240x16xf32, #tpu.memory_space<hbm>>, %arg6: memref<2x10240x16xf32, #tpu.memory_space<hbm>>, %arg7: memref<40x256xi32, #tpu.memory_space<vmem>>, %arg8: memref<40x256xi32, #tpu.memory_space<vmem>>, %arg9: memref<20x256x16xf32, #tpu.memory_space<vmem>>, %arg10: memref<10240x16xf32, #tpu.memory_space<vmem_shared>>, %arg11: memref<!tpu.dma_semaphore, #tpu.memory_space<semaphore_mem>>, %arg12: memref<!tpu.dma_semaphore, #tpu.memory_space<semaphore_mem>>) attributes {dimension_semantics = [#tpu.dimension_semantics<core_parallel>, #tpu.dimension_semantics<subcore_parallel>], iteration_bounds = array<i64: 2, 16>, scalar_prefetch = 0 : i64, scratch_operands = 6 : i64, tpu.core_type = #tpu.core_type<sc_vector_subcore>, window_params = [{transform_indices = #map}, {transform_indices = #map1}, {transform_indices = #map1}, {transform_indices = #map}, {transform_indices = #map1}]} {
    %mul3A = arith.constant 2 : i32
    %mul3A_0 = arith.muli %arg1, %mul3A : i32
    %add3A = arith.addi %mul3A_0, %arg0 : i32
    "tpu.region"() ({
      %run_scoped3A = tpu.sem_alloc : memref<!tpu.dma_semaphore, #tpu.memory_space<semaphore_mem>>
      %dma_start3A_252 = arith.constant 0 : i32
      %dma_start3A_253 = arith.constant 0 : i32
      %dma_start3A_254 = tpu.memref_slice %arg3[%add3A, %dma_start3A_252, %dma_start3A_253] : memref<32x40x256xi32, #tpu.memory_space<hbm>> -> memref<1x40x256xi32, #tpu.memory_space<hbm>>
      %dma_start3A_255 = tpu.memref_squeeze %dma_start3A_254 : memref<1x40x256xi32, #tpu.memory_space<hbm>> -> memref<40x256xi32, #tpu.memory_space<hbm>>
      %dma_start3A_256 = arith.constant 0 : i32
      %dma_start3A_257 = arith.constant 0 : i32
      %dma_start3A_258 = tpu.memref_slice %arg3[%add3A, %dma_start3A_256, %dma_start3A_257] : memref<32x40x256xi32, #tpu.memory_space<hbm>> -> memref<1x40x256xi32, #tpu.memory_space<hbm>>
      %dma_start3A_259 = tpu.memref_squeeze %dma_start3A_258 : memref<1x40x256xi32, #tpu.memory_space<hbm>> -> memref<40x256xi32, #tpu.memory_space<hbm>>
      tpu.enqueue_dma source(%dma_start3A_259 : memref<40x256xi32, #tpu.memory_space<hbm>>) target(%arg7 : memref<40x256xi32, #tpu.memory_space<vmem>>) target_semaphore(%run_scoped3A : memref<!tpu.dma_semaphore, #tpu.memory_space<semaphore_mem>>)
      %dma_wait3A_260 = arith.constant 0 : i32
      %dma_wait3A_261 = arith.constant 0 : i32
      %dma_wait3A_262 = tpu.memref_slice %arg3[%add3A, %dma_wait3A_260, %dma_wait3A_261] : memref<32x40x256xi32, #tpu.memory_space<hbm>> -> memref<1x40x256xi32, #tpu.memory_space<hbm>>
      %dma_wait3A_263 = tpu.memref_squeeze %dma_wait3A_262 : memref<1x40x256xi32, #tpu.memory_space<hbm>> -> memref<40x256xi32, #tpu.memory_space<hbm>>
      %dma_wait3A_264 = arith.constant 0 : i32
      %dma_wait3A_265 = arith.constant 0 : i32
      %dma_wait3A_266 = tpu.memref_slice %arg3[%add3A, %dma_wait3A_264, %dma_wait3A_265] : memref<32x40x256xi32, #tpu.memory_space<hbm>> -> memref<1x40x256xi32, #tpu.memory_space<hbm>>
      %dma_wait3A_267 = tpu.memref_squeeze %dma_wait3A_266 : memref<1x40x256xi32, #tpu.memory_space<hbm>> -> memref<40x256xi32, #tpu.memory_space<hbm>>
      tpu.wait_dma2 semaphore(%run_scoped3A : memref<!tpu.dma_semaphore, #tpu.memory_space<semaphore_mem>>) src(%dma_wait3A_267 : memref<40x256xi32, #tpu.memory_space<hbm>>) dst(%arg7 : memref<40x256xi32, #tpu.memory_space<vmem>>)
      tpu.yield
    }) : () -> ()
    "tpu.region"() ({
      %run_scoped3A = tpu.sem_alloc : memref<!tpu.dma_semaphore, #tpu.memory_space<semaphore_mem>>
      %dma_start3A_252 = arith.constant 0 : i32
      %dma_start3A_253 = arith.constant 0 : i32
      %dma_start3A_254 = tpu.memref_slice %arg4[%add3A, %dma_start3A_252, %dma_start3A_253] : memref<32x40x256xi32, #tpu.memory_space<hbm>> -> memref<1x40x256xi32, #tpu.memory_space<hbm>>
      %dma_start3A_255 = tpu.memref_squeeze %dma_start3A_254 : memref<1x40x256xi32, #tpu.memory_space<hbm>> -> memref<40x256xi32, #tpu.memory_space<hbm>>
      %dma_start3A_256 = arith.constant 0 : i32
      %dma_start3A_257 = arith.constant 0 : i32
      %dma_start3A_258 = tpu.memref_slice %arg4[%add3A, %dma_start3A_256, %dma_start3A_257] : memref<32x40x256xi32, #tpu.memory_space<hbm>> -> memref<1x40x256xi32, #tpu.memory_space<hbm>>
      %dma_start3A_259 = tpu.memref_squeeze %dma_start3A_258 : memref<1x40x256xi32, #tpu.memory_space<hbm>> -> memref<40x256xi32, #tpu.memory_space<hbm>>
      tpu.enqueue_dma source(%dma_start3A_259 : memref<40x256xi32, #tpu.memory_space<hbm>>) target(%arg8 : memref<40x256xi32, #tpu.memory_space<vmem>>) target_semaphore(%run_scoped3A : memref<!tpu.dma_semaphore, #tpu.memory_space<semaphore_mem>>)
      %dma_wait3A_260 = arith.constant 0 : i32
      %dma_wait3A_261 = arith.constant 0 : i32
      %dma_wait3A_262 = tpu.memref_slice %arg4[%add3A, %dma_wait3A_260, %dma_wait3A_261] : memref<32x40x256xi32, #tpu.memory_space<hbm>> -> memref<1x40x256xi32, #tpu.memory_space<hbm>>
      %dma_wait3A_263 = tpu.memref_squeeze %dma_wait3A_262 : memref<1x40x256xi32, #tpu.memory_space<hbm>> -> memref<40x256xi32, #tpu.memory_space<hbm>>
      %dma_wait3A_264 = arith.constant 0 : i32
      %dma_wait3A_265 = arith.constant 0 : i32
      %dma_wait3A_266 = tpu.memref_slice %arg4[%add3A, %dma_wait3A_264, %dma_wait3A_265] : memref<32x40x256xi32, #tpu.memory_space<hbm>> -> memref<1x40x256xi32, #tpu.memory_space<hbm>>
      %dma_wait3A_267 = tpu.memref_squeeze %dma_wait3A_266 : memref<1x40x256xi32, #tpu.memory_space<hbm>> -> memref<40x256xi32, #tpu.memory_space<hbm>>
      tpu.wait_dma2 semaphore(%run_scoped3A : memref<!tpu.dma_semaphore, #tpu.memory_space<semaphore_mem>>) src(%dma_wait3A_267 : memref<40x256xi32, #tpu.memory_space<hbm>>) dst(%arg8 : memref<40x256xi32, #tpu.memory_space<vmem>>)
      tpu.yield
    }) : () -> ()
    %mul3A_1 = arith.constant 640 : i32
    %mul3A_2 = arith.muli %arg1, %mul3A_1 : i32
    %mul3A_3 = arith.constant 640 : i32
    %mul3A_4 = arith.muli %arg1, %mul3A_3 : i32
    "tpu.region"() ({
      %run_scoped3A = tpu.sem_alloc : memref<!tpu.dma_semaphore, #tpu.memory_space<semaphore_mem>>
      %dma_start3A_252 = arith.constant 0 : i32
      %dma_start3A_253 = tpu.memref_slice %arg10[%mul3A_4, %dma_start3A_252] : memref<10240x16xf32, #tpu.memory_space<vmem_shared>> -> memref<640x16xf32, #tpu.memory_space<vmem_shared>>
      %dma_start3A_254 = arith.constant 0 : i32
      %dma_start3A_255 = tpu.memref_slice %arg5[%mul3A_2, %dma_start3A_254] : memref<10240x16xf32, #tpu.memory_space<hbm>> -> memref<640x16xf32, #tpu.memory_space<hbm>>
      tpu.enqueue_dma source(%dma_start3A_255 : memref<640x16xf32, #tpu.memory_space<hbm>>) target(%dma_start3A_253 : memref<640x16xf32, #tpu.memory_space<vmem_shared>>) target_semaphore(%run_scoped3A : memref<!tpu.dma_semaphore, #tpu.memory_space<semaphore_mem>>)
      %dma_wait3A_256 = arith.constant 0 : i32
      %dma_wait3A_257 = tpu.memref_slice %arg10[%mul3A_4, %dma_wait3A_256] : memref<10240x16xf32, #tpu.memory_space<vmem_shared>> -> memref<640x16xf32, #tpu.memory_space<vmem_shared>>
      %dma_wait3A_258 = arith.constant 0 : i32
      %dma_wait3A_259 = tpu.memref_slice %arg5[%mul3A_2, %dma_wait3A_258] : memref<10240x16xf32, #tpu.memory_space<hbm>> -> memref<640x16xf32, #tpu.memory_space<hbm>>
      tpu.wait_dma2 semaphore(%run_scoped3A : memref<!tpu.dma_semaphore, #tpu.memory_space<semaphore_mem>>) src(%dma_wait3A_259 : memref<640x16xf32, #tpu.memory_space<hbm>>) dst(%dma_wait3A_257 : memref<640x16xf32, #tpu.memory_space<vmem_shared>>)
      tpu.yield
    }) : () -> ()
    %barrier3A = arith.constant 0 : index
    tpu.barrier barrier_id(%barrier3A)
    %dma_start3A = arith.constant 0 : i32
    %dma_start3A_5 = arith.constant 0 : i32
    %dma_start3A_6 = arith.constant 0 : i32
    %dma_start3A_7 = arith.constant 0 : i32
    %dma_start3A_8 = tpu.memref_slice %arg9[%dma_start3A_5, %dma_start3A_6, %dma_start3A_7] : memref<20x256x16xf32, #tpu.memory_space<vmem>> -> memref<1x256x16xf32, #tpu.memory_space<vmem>>
    %dma_start3A_9 = tpu.memref_squeeze %dma_start3A_8 : memref<1x256x16xf32, #tpu.memory_space<vmem>> -> memref<256x16xf32, #tpu.memory_space<vmem>>
    %dma_start3A_10 = arith.constant 0 : i32
    %dma_start3A_11 = tpu.memref_slice %arg7[%dma_start3A, %dma_start3A_10] : memref<40x256xi32, #tpu.memory_space<vmem>> -> memref<1x256xi32, #tpu.memory_space<vmem>>
    %dma_start3A_12 = tpu.memref_squeeze %dma_start3A_11 : memref<1x256xi32, #tpu.memory_space<vmem>> -> memref<256xi32, #tpu.memory_space<vmem>>
    %dma_start3A_13 = arith.constant 0 : i32
    %dma_start3A_14 = arith.constant 0 : i32
    %dma_start3A_15 = tpu.memref_slice %arg2[%dma_start3A_13, %dma_start3A_14] : memref<10240x16xf32, #tpu.memory_space<hbm>> -> memref<10240x16xf32, #tpu.memory_space<hbm>>
    tpu.enqueue_indirect_dma source(%dma_start3A_15 : memref<10240x16xf32, #tpu.memory_space<hbm>>) target(%dma_start3A_9 : memref<256x16xf32, #tpu.memory_space<vmem>>) offsets(%dma_start3A_12 : memref<256xi32, #tpu.memory_space<vmem>>) semaphore(%arg11 : memref<!tpu.dma_semaphore, #tpu.memory_space<semaphore_mem>>)
    %dma_start3A_16 = arith.constant 1 : i32
    %dma_start3A_17 = arith.constant 1 : i32
    %dma_start3A_18 = arith.constant 0 : i32
    %dma_start3A_19 = arith.constant 0 : i32
    %dma_start3A_20 = tpu.memref_slice %arg9[%dma_start3A_17, %dma_start3A_18, %dma_start3A_19] : memref<20x256x16xf32, #tpu.memory_space<vmem>> -> memref<1x256x16xf32, #tpu.memory_space<vmem>>
    %dma_start3A_21 = tpu.memref_squeeze %dma_start3A_20 : memref<1x256x16xf32, #tpu.memory_space<vmem>> -> memref<256x16xf32, #tpu.memory_space<vmem>>
    %dma_start3A_22 = arith.constant 0 : i32
    %dma_start3A_23 = tpu.memref_slice %arg7[%dma_start3A_16, %dma_start3A_22] : memref<40x256xi32, #tpu.memory_space<vmem>> -> memref<1x256xi32, #tpu.memory_space<vmem>>
    %dma_start3A_24 = tpu.memref_squeeze %dma_start3A_23 : memref<1x256xi32, #tpu.memory_space<vmem>> -> memref<256xi32, #tpu.memory_space<vmem>>
    %dma_start3A_25 = arith.constant 0 : i32
    %dma_start3A_26 = arith.constant 0 : i32
    %dma_start3A_27 = tpu.memref_slice %arg2[%dma_start3A_25, %dma_start3A_26] : memref<10240x16xf32, #tpu.memory_space<hbm>> -> memref<10240x16xf32, #tpu.memory_space<hbm>>
    tpu.enqueue_indirect_dma source(%dma_start3A_27 : memref<10240x16xf32, #tpu.memory_space<hbm>>) target(%dma_start3A_21 : memref<256x16xf32, #tpu.memory_space<vmem>>) offsets(%dma_start3A_24 : memref<256xi32, #tpu.memory_space<vmem>>) semaphore(%arg11 : memref<!tpu.dma_semaphore, #tpu.memory_space<semaphore_mem>>)
    %dma_start3A_28 = arith.constant 2 : i32
    %dma_start3A_29 = arith.constant 2 : i32
    %dma_start3A_30 = arith.constant 0 : i32
    %dma_start3A_31 = arith.constant 0 : i32
    %dma_start3A_32 = tpu.memref_slice %arg9[%dma_start3A_29, %dma_start3A_30, %dma_start3A_31] : memref<20x256x16xf32, #tpu.memory_space<vmem>> -> memref<1x256x16xf32, #tpu.memory_space<vmem>>
    %dma_start3A_33 = tpu.memref_squeeze %dma_start3A_32 : memref<1x256x16xf32, #tpu.memory_space<vmem>> -> memref<256x16xf32, #tpu.memory_space<vmem>>
    %dma_start3A_34 = arith.constant 0 : i32
    %dma_start3A_35 = tpu.memref_slice %arg7[%dma_start3A_28, %dma_start3A_34] : memref<40x256xi32, #tpu.memory_space<vmem>> -> memref<1x256xi32, #tpu.memory_space<vmem>>
    %dma_start3A_36 = tpu.memref_squeeze %dma_start3A_35 : memref<1x256xi32, #tpu.memory_space<vmem>> -> memref<256xi32, #tpu.memory_space<vmem>>
    %dma_start3A_37 = arith.constant 0 : i32
    %dma_start3A_38 = arith.constant 0 : i32
    %dma_start3A_39 = tpu.memref_slice %arg2[%dma_start3A_37, %dma_start3A_38] : memref<10240x16xf32, #tpu.memory_space<hbm>> -> memref<10240x16xf32, #tpu.memory_space<hbm>>
    tpu.enqueue_indirect_dma source(%dma_start3A_39 : memref<10240x16xf32, #tpu.memory_space<hbm>>) target(%dma_start3A_33 : memref<256x16xf32, #tpu.memory_space<vmem>>) offsets(%dma_start3A_36 : memref<256xi32, #tpu.memory_space<vmem>>) semaphore(%arg11 : memref<!tpu.dma_semaphore, #tpu.memory_space<semaphore_mem>>)
    %dma_start3A_40 = arith.constant 3 : i32
    %dma_start3A_41 = arith.constant 3 : i32
    %dma_start3A_42 = arith.constant 0 : i32
    %dma_start3A_43 = arith.constant 0 : i32
    %dma_start3A_44 = tpu.memref_slice %arg9[%dma_start3A_41, %dma_start3A_42, %dma_start3A_43] : memref<20x256x16xf32, #tpu.memory_space<vmem>> -> memref<1x256x16xf32, #tpu.memory_space<vmem>>
    %dma_start3A_45 = tpu.memref_squeeze %dma_start3A_44 : memref<1x256x16xf32, #tpu.memory_space<vmem>> -> memref<256x16xf32, #tpu.memory_space<vmem>>
    %dma_start3A_46 = arith.constant 0 : i32
    %dma_start3A_47 = tpu.memref_slice %arg7[%dma_start3A_40, %dma_start3A_46] : memref<40x256xi32, #tpu.memory_space<vmem>> -> memref<1x256xi32, #tpu.memory_space<vmem>>
    %dma_start3A_48 = tpu.memref_squeeze %dma_start3A_47 : memref<1x256xi32, #tpu.memory_space<vmem>> -> memref<256xi32, #tpu.memory_space<vmem>>
    %dma_start3A_49 = arith.constant 0 : i32
    %dma_start3A_50 = arith.constant 0 : i32
    %dma_start3A_51 = tpu.memref_slice %arg2[%dma_start3A_49, %dma_start3A_50] : memref<10240x16xf32, #tpu.memory_space<hbm>> -> memref<10240x16xf32, #tpu.memory_space<hbm>>
    tpu.enqueue_indirect_dma source(%dma_start3A_51 : memref<10240x16xf32, #tpu.memory_space<hbm>>) target(%dma_start3A_45 : memref<256x16xf32, #tpu.memory_space<vmem>>) offsets(%dma_start3A_48 : memref<256xi32, #tpu.memory_space<vmem>>) semaphore(%arg11 : memref<!tpu.dma_semaphore, #tpu.memory_space<semaphore_mem>>)
    %dma_start3A_52 = arith.constant 4 : i32
    %dma_start3A_53 = arith.constant 4 : i32
    %dma_start3A_54 = arith.constant 0 : i32
    %dma_start3A_55 = arith.constant 0 : i32
    %dma_start3A_56 = tpu.memref_slice %arg9[%dma_start3A_53, %dma_start3A_54, %dma_start3A_55] : memref<20x256x16xf32, #tpu.memory_space<vmem>> -> memref<1x256x16xf32, #tpu.memory_space<vmem>>
    %dma_start3A_57 = tpu.memref_squeeze %dma_start3A_56 : memref<1x256x16xf32, #tpu.memory_space<vmem>> -> memref<256x16xf32, #tpu.memory_space<vmem>>
    %dma_start3A_58 = arith.constant 0 : i32
    %dma_start3A_59 = tpu.memref_slice %arg7[%dma_start3A_52, %dma_start3A_58] : memref<40x256xi32, #tpu.memory_space<vmem>> -> memref<1x256xi32, #tpu.memory_space<vmem>>
    %dma_start3A_60 = tpu.memref_squeeze %dma_start3A_59 : memref<1x256xi32, #tpu.memory_space<vmem>> -> memref<256xi32, #tpu.memory_space<vmem>>
    %dma_start3A_61 = arith.constant 0 : i32
    %dma_start3A_62 = arith.constant 0 : i32
    %dma_start3A_63 = tpu.memref_slice %arg2[%dma_start3A_61, %dma_start3A_62] : memref<10240x16xf32, #tpu.memory_space<hbm>> -> memref<10240x16xf32, #tpu.memory_space<hbm>>
    tpu.enqueue_indirect_dma source(%dma_start3A_63 : memref<10240x16xf32, #tpu.memory_space<hbm>>) target(%dma_start3A_57 : memref<256x16xf32, #tpu.memory_space<vmem>>) offsets(%dma_start3A_60 : memref<256xi32, #tpu.memory_space<vmem>>) semaphore(%arg11 : memref<!tpu.dma_semaphore, #tpu.memory_space<semaphore_mem>>)
    %dma_start3A_64 = arith.constant 5 : i32
    %dma_start3A_65 = arith.constant 5 : i32
    %dma_start3A_66 = arith.constant 0 : i32
    %dma_start3A_67 = arith.constant 0 : i32
    %dma_start3A_68 = tpu.memref_slice %arg9[%dma_start3A_65, %dma_start3A_66, %dma_start3A_67] : memref<20x256x16xf32, #tpu.memory_space<vmem>> -> memref<1x256x16xf32, #tpu.memory_space<vmem>>
    %dma_start3A_69 = tpu.memref_squeeze %dma_start3A_68 : memref<1x256x16xf32, #tpu.memory_space<vmem>> -> memref<256x16xf32, #tpu.memory_space<vmem>>
    %dma_start3A_70 = arith.constant 0 : i32
    %dma_start3A_71 = tpu.memref_slice %arg7[%dma_start3A_64, %dma_start3A_70] : memref<40x256xi32, #tpu.memory_space<vmem>> -> memref<1x256xi32, #tpu.memory_space<vmem>>
    %dma_start3A_72 = tpu.memref_squeeze %dma_start3A_71 : memref<1x256xi32, #tpu.memory_space<vmem>> -> memref<256xi32, #tpu.memory_space<vmem>>
    %dma_start3A_73 = arith.constant 0 : i32
    %dma_start3A_74 = arith.constant 0 : i32
    %dma_start3A_75 = tpu.memref_slice %arg2[%dma_start3A_73, %dma_start3A_74] : memref<10240x16xf32, #tpu.memory_space<hbm>> -> memref<10240x16xf32, #tpu.memory_space<hbm>>
    tpu.enqueue_indirect_dma source(%dma_start3A_75 : memref<10240x16xf32, #tpu.memory_space<hbm>>) target(%dma_start3A_69 : memref<256x16xf32, #tpu.memory_space<vmem>>) offsets(%dma_start3A_72 : memref<256xi32, #tpu.memory_space<vmem>>) semaphore(%arg11 : memref<!tpu.dma_semaphore, #tpu.memory_space<semaphore_mem>>)
    %dma_start3A_76 = arith.constant 6 : i32
    %dma_start3A_77 = arith.constant 6 : i32
    %dma_start3A_78 = arith.constant 0 : i32
    %dma_start3A_79 = arith.constant 0 : i32
    %dma_start3A_80 = tpu.memref_slice %arg9[%dma_start3A_77, %dma_start3A_78, %dma_start3A_79] : memref<20x256x16xf32, #tpu.memory_space<vmem>> -> memref<1x256x16xf32, #tpu.memory_space<vmem>>
    %dma_start3A_81 = tpu.memref_squeeze %dma_start3A_80 : memref<1x256x16xf32, #tpu.memory_space<vmem>> -> memref<256x16xf32, #tpu.memory_space<vmem>>
    %dma_start3A_82 = arith.constant 0 : i32
    %dma_start3A_83 = tpu.memref_slice %arg7[%dma_start3A_76, %dma_start3A_82] : memref<40x256xi32, #tpu.memory_space<vmem>> -> memref<1x256xi32, #tpu.memory_space<vmem>>
    %dma_start3A_84 = tpu.memref_squeeze %dma_start3A_83 : memref<1x256xi32, #tpu.memory_space<vmem>> -> memref<256xi32, #tpu.memory_space<vmem>>
    %dma_start3A_85 = arith.constant 0 : i32
    %dma_start3A_86 = arith.constant 0 : i32
    %dma_start3A_87 = tpu.memref_slice %arg2[%dma_start3A_85, %dma_start3A_86] : memref<10240x16xf32, #tpu.memory_space<hbm>> -> memref<10240x16xf32, #tpu.memory_space<hbm>>
    tpu.enqueue_indirect_dma source(%dma_start3A_87 : memref<10240x16xf32, #tpu.memory_space<hbm>>) target(%dma_start3A_81 : memref<256x16xf32, #tpu.memory_space<vmem>>) offsets(%dma_start3A_84 : memref<256xi32, #tpu.memory_space<vmem>>) semaphore(%arg11 : memref<!tpu.dma_semaphore, #tpu.memory_space<semaphore_mem>>)
    %dma_start3A_88 = arith.constant 7 : i32
    %dma_start3A_89 = arith.constant 7 : i32
    %dma_start3A_90 = arith.constant 0 : i32
    %dma_start3A_91 = arith.constant 0 : i32
    %dma_start3A_92 = tpu.memref_slice %arg9[%dma_start3A_89, %dma_start3A_90, %dma_start3A_91] : memref<20x256x16xf32, #tpu.memory_space<vmem>> -> memref<1x256x16xf32, #tpu.memory_space<vmem>>
    %dma_start3A_93 = tpu.memref_squeeze %dma_start3A_92 : memref<1x256x16xf32, #tpu.memory_space<vmem>> -> memref<256x16xf32, #tpu.memory_space<vmem>>
    %dma_start3A_94 = arith.constant 0 : i32
    %dma_start3A_95 = tpu.memref_slice %arg7[%dma_start3A_88, %dma_start3A_94] : memref<40x256xi32, #tpu.memory_space<vmem>> -> memref<1x256xi32, #tpu.memory_space<vmem>>
    %dma_start3A_96 = tpu.memref_squeeze %dma_start3A_95 : memref<1x256xi32, #tpu.memory_space<vmem>> -> memref<256xi32, #tpu.memory_space<vmem>>
    %dma_start3A_97 = arith.constant 0 : i32
    %dma_start3A_98 = arith.constant 0 : i32
    %dma_start3A_99 = tpu.memref_slice %arg2[%dma_start3A_97, %dma_start3A_98] : memref<10240x16xf32, #tpu.memory_space<hbm>> -> memref<10240x16xf32, #tpu.memory_space<hbm>>
    tpu.enqueue_indirect_dma source(%dma_start3A_99 : memref<10240x16xf32, #tpu.memory_space<hbm>>) target(%dma_start3A_93 : memref<256x16xf32, #tpu.memory_space<vmem>>) offsets(%dma_start3A_96 : memref<256xi32, #tpu.memory_space<vmem>>) semaphore(%arg11 : memref<!tpu.dma_semaphore, #tpu.memory_space<semaphore_mem>>)
    %dma_start3A_100 = arith.constant 8 : i32
    %dma_start3A_101 = arith.constant 8 : i32
    %dma_start3A_102 = arith.constant 0 : i32
    %dma_start3A_103 = arith.constant 0 : i32
    %dma_start3A_104 = tpu.memref_slice %arg9[%dma_start3A_101, %dma_start3A_102, %dma_start3A_103] : memref<20x256x16xf32, #tpu.memory_space<vmem>> -> memref<1x256x16xf32, #tpu.memory_space<vmem>>
    %dma_start3A_105 = tpu.memref_squeeze %dma_start3A_104 : memref<1x256x16xf32, #tpu.memory_space<vmem>> -> memref<256x16xf32, #tpu.memory_space<vmem>>
    %dma_start3A_106 = arith.constant 0 : i32
    %dma_start3A_107 = tpu.memref_slice %arg7[%dma_start3A_100, %dma_start3A_106] : memref<40x256xi32, #tpu.memory_space<vmem>> -> memref<1x256xi32, #tpu.memory_space<vmem>>
    %dma_start3A_108 = tpu.memref_squeeze %dma_start3A_107 : memref<1x256xi32, #tpu.memory_space<vmem>> -> memref<256xi32, #tpu.memory_space<vmem>>
    %dma_start3A_109 = arith.constant 0 : i32
    %dma_start3A_110 = arith.constant 0 : i32
    %dma_start3A_111 = tpu.memref_slice %arg2[%dma_start3A_109, %dma_start3A_110] : memref<10240x16xf32, #tpu.memory_space<hbm>> -> memref<10240x16xf32, #tpu.memory_space<hbm>>
    tpu.enqueue_indirect_dma source(%dma_start3A_111 : memref<10240x16xf32, #tpu.memory_space<hbm>>) target(%dma_start3A_105 : memref<256x16xf32, #tpu.memory_space<vmem>>) offsets(%dma_start3A_108 : memref<256xi32, #tpu.memory_space<vmem>>) semaphore(%arg11 : memref<!tpu.dma_semaphore, #tpu.memory_space<semaphore_mem>>)
    %dma_start3A_112 = arith.constant 9 : i32
    %dma_start3A_113 = arith.constant 9 : i32
    %dma_start3A_114 = arith.constant 0 : i32
    %dma_start3A_115 = arith.constant 0 : i32
    %dma_start3A_116 = tpu.memref_slice %arg9[%dma_start3A_113, %dma_start3A_114, %dma_start3A_115] : memref<20x256x16xf32, #tpu.memory_space<vmem>> -> memref<1x256x16xf32, #tpu.memory_space<vmem>>
    %dma_start3A_117 = tpu.memref_squeeze %dma_start3A_116 : memref<1x256x16xf32, #tpu.memory_space<vmem>> -> memref<256x16xf32, #tpu.memory_space<vmem>>
    %dma_start3A_118 = arith.constant 0 : i32
    %dma_start3A_119 = tpu.memref_slice %arg7[%dma_start3A_112, %dma_start3A_118] : memref<40x256xi32, #tpu.memory_space<vmem>> -> memref<1x256xi32, #tpu.memory_space<vmem>>
    %dma_start3A_120 = tpu.memref_squeeze %dma_start3A_119 : memref<1x256xi32, #tpu.memory_space<vmem>> -> memref<256xi32, #tpu.memory_space<vmem>>
    %dma_start3A_121 = arith.constant 0 : i32
    %dma_start3A_122 = arith.constant 0 : i32
    %dma_start3A_123 = tpu.memref_slice %arg2[%dma_start3A_121, %dma_start3A_122] : memref<10240x16xf32, #tpu.memory_space<hbm>> -> memref<10240x16xf32, #tpu.memory_space<hbm>>
    tpu.enqueue_indirect_dma source(%dma_start3A_123 : memref<10240x16xf32, #tpu.memory_space<hbm>>) target(%dma_start3A_117 : memref<256x16xf32, #tpu.memory_space<vmem>>) offsets(%dma_start3A_120 : memref<256xi32, #tpu.memory_space<vmem>>) semaphore(%arg11 : memref<!tpu.dma_semaphore, #tpu.memory_space<semaphore_mem>>)
    %scan3A = arith.constant 0 : i32
    %scan3A_124 = arith.constant 4 : i32
    %scan3A_125 = arith.addi %scan3A, %scan3A_124 : i32
    %scan3A_126 = arith.constant 1 : i32
    scf.for %scan3A_252 = %scan3A to %scan3A_125 step %scan3A_126  : i32 {
      %mul3A_253 = arith.constant 1 : i32
      %mul3A_254 = arith.muli %scan3A_252, %mul3A_253 : i32
      %add3A_255 = arith.constant 0 : i32
      %add3A_256 = arith.addi %add3A_255, %mul3A_254 : i32
      %rem3A = arith.constant 2 : i32
      %rem3A_257 = arith.remsi %add3A_256, %rem3A : i32
      %mul3A_258 = arith.constant 10 : i32
      %mul3A_259 = arith.muli %rem3A_257, %mul3A_258 : i32
      %sub3A = arith.constant 1 : i32
      %sub3A_260 = arith.subi %sub3A, %rem3A_257 : i32
      %mul3A_261 = arith.constant 10 : i32
      %mul3A_262 = arith.muli %sub3A_260, %mul3A_261 : i32
      %mul3A_263 = arith.constant 10 : i32
      %mul3A_264 = arith.muli %add3A_256, %mul3A_263 : i32
      %add3A_265 = arith.constant 0 : i32
      %add3A_266 = arith.addi %mul3A_264, %add3A_265 : i32
      %add3A_267 = arith.constant 0 : i32
      %add3A_268 = arith.addi %mul3A_259, %add3A_267 : i32
      %dma_wait3A_269 = arith.constant 0 : i32
      %dma_wait3A_270 = arith.constant 0 : i32
      %dma_wait3A_271 = tpu.memref_slice %arg9[%add3A_268, %dma_wait3A_269, %dma_wait3A_270] : memref<20x256x16xf32, #tpu.memory_space<vmem>> -> memref<1x256x16xf32, #tpu.memory_space<vmem>>
      %dma_wait3A_272 = tpu.memref_squeeze %dma_wait3A_271 : memref<1x256x16xf32, #tpu.memory_space<vmem>> -> memref<256x16xf32, #tpu.memory_space<vmem>>
      %dma_wait3A_273 = arith.constant 0 : i32
      %dma_wait3A_274 = tpu.memref_slice %arg7[%add3A_266, %dma_wait3A_273] : memref<40x256xi32, #tpu.memory_space<vmem>> -> memref<1x256xi32, #tpu.memory_space<vmem>>
      %dma_wait3A_275 = tpu.memref_squeeze %dma_wait3A_274 : memref<1x256xi32, #tpu.memory_space<vmem>> -> memref<256xi32, #tpu.memory_space<vmem>>
      %dma_wait3A_276 = arith.constant 0 : i32
      %dma_wait3A_277 = arith.constant 0 : i32
      %dma_wait3A_278 = tpu.memref_slice %arg2[%dma_wait3A_276, %dma_wait3A_277] : memref<10240x16xf32, #tpu.memory_space<hbm>> -> memref<10240x16xf32, #tpu.memory_space<hbm>>
      tpu.wait_indirect_dma semaphore(%arg11 : memref<!tpu.dma_semaphore, #tpu.memory_space<semaphore_mem>>) src(%dma_wait3A_278 : memref<10240x16xf32, #tpu.memory_space<hbm>>) dst(%dma_wait3A_272 : memref<256x16xf32, #tpu.memory_space<vmem>>)
      %mul3A_279 = arith.constant 10 : i32
      %mul3A_280 = arith.muli %add3A_256, %mul3A_279 : i32
      %add3A_281 = arith.constant 1 : i32
      %add3A_282 = arith.addi %mul3A_280, %add3A_281 : i32
      %add3A_283 = arith.constant 1 : i32
      %add3A_284 = arith.addi %mul3A_259, %add3A_283 : i32
      %dma_wait3A_285 = arith.constant 0 : i32
      %dma_wait3A_286 = arith.constant 0 : i32
      %dma_wait3A_287 = tpu.memref_slice %arg9[%add3A_284, %dma_wait3A_285, %dma_wait3A_286] : memref<20x256x16xf32, #tpu.memory_space<vmem>> -> memref<1x256x16xf32, #tpu.memory_space<vmem>>
      %dma_wait3A_288 = tpu.memref_squeeze %dma_wait3A_287 : memref<1x256x16xf32, #tpu.memory_space<vmem>> -> memref<256x16xf32, #tpu.memory_space<vmem>>
      %dma_wait3A_289 = arith.constant 0 : i32
      %dma_wait3A_290 = tpu.memref_slice %arg7[%add3A_282, %dma_wait3A_289] : memref<40x256xi32, #tpu.memory_space<vmem>> -> memref<1x256xi32, #tpu.memory_space<vmem>>
      %dma_wait3A_291 = tpu.memref_squeeze %dma_wait3A_290 : memref<1x256xi32, #tpu.memory_space<vmem>> -> memref<256xi32, #tpu.memory_space<vmem>>
      %dma_wait3A_292 = arith.constant 0 : i32
      %dma_wait3A_293 = arith.constant 0 : i32
      %dma_wait3A_294 = tpu.memref_slice %arg2[%dma_wait3A_292, %dma_wait3A_293] : memref<10240x16xf32, #tpu.memory_space<hbm>> -> memref<10240x16xf32, #tpu.memory_space<hbm>>
      tpu.wait_indirect_dma semaphore(%arg11 : memref<!tpu.dma_semaphore, #tpu.memory_space<semaphore_mem>>) src(%dma_wait3A_294 : memref<10240x16xf32, #tpu.memory_space<hbm>>) dst(%dma_wait3A_288 : memref<256x16xf32, #tpu.memory_space<vmem>>)
      %mul3A_295 = arith.constant 10 : i32
      %mul3A_296 = arith.muli %add3A_256, %mul3A_295 : i32
      %add3A_297 = arith.constant 2 : i32
      %add3A_298 = arith.addi %mul3A_296, %add3A_297 : i32
      %add3A_299 = arith.constant 2 : i32
      %add3A_300 = arith.addi %mul3A_259, %add3A_299 : i32
      %dma_wait3A_301 = arith.constant 0 : i32
      %dma_wait3A_302 = arith.constant 0 : i32
      %dma_wait3A_303 = tpu.memref_slice %arg9[%add3A_300, %dma_wait3A_301, %dma_wait3A_302] : memref<20x256x16xf32, #tpu.memory_space<vmem>> -> memref<1x256x16xf32, #tpu.memory_space<vmem>>
      %dma_wait3A_304 = tpu.memref_squeeze %dma_wait3A_303 : memref<1x256x16xf32, #tpu.memory_space<vmem>> -> memref<256x16xf32, #tpu.memory_space<vmem>>
      %dma_wait3A_305 = arith.constant 0 : i32
      %dma_wait3A_306 = tpu.memref_slice %arg7[%add3A_298, %dma_wait3A_305] : memref<40x256xi32, #tpu.memory_space<vmem>> -> memref<1x256xi32, #tpu.memory_space<vmem>>
      %dma_wait3A_307 = tpu.memref_squeeze %dma_wait3A_306 : memref<1x256xi32, #tpu.memory_space<vmem>> -> memref<256xi32, #tpu.memory_space<vmem>>
      %dma_wait3A_308 = arith.constant 0 : i32
      %dma_wait3A_309 = arith.constant 0 : i32
      %dma_wait3A_310 = tpu.memref_slice %arg2[%dma_wait3A_308, %dma_wait3A_309] : memref<10240x16xf32, #tpu.memory_space<hbm>> -> memref<10240x16xf32, #tpu.memory_space<hbm>>
      tpu.wait_indirect_dma semaphore(%arg11 : memref<!tpu.dma_semaphore, #tpu.memory_space<semaphore_mem>>) src(%dma_wait3A_310 : memref<10240x16xf32, #tpu.memory_space<hbm>>) dst(%dma_wait3A_304 : memref<256x16xf32, #tpu.memory_space<vmem>>)
      %mul3A_311 = arith.constant 10 : i32
      %mul3A_312 = arith.muli %add3A_256, %mul3A_311 : i32
      %add3A_313 = arith.constant 3 : i32
      %add3A_314 = arith.addi %mul3A_312, %add3A_313 : i32
      %add3A_315 = arith.constant 3 : i32
      %add3A_316 = arith.addi %mul3A_259, %add3A_315 : i32
      %dma_wait3A_317 = arith.constant 0 : i32
      %dma_wait3A_318 = arith.constant 0 : i32
      %dma_wait3A_319 = tpu.memref_slice %arg9[%add3A_316, %dma_wait3A_317, %dma_wait3A_318] : memref<20x256x16xf32, #tpu.memory_space<vmem>> -> memref<1x256x16xf32, #tpu.memory_space<vmem>>
      %dma_wait3A_320 = tpu.memref_squeeze %dma_wait3A_319 : memref<1x256x16xf32, #tpu.memory_space<vmem>> -> memref<256x16xf32, #tpu.memory_space<vmem>>
      %dma_wait3A_321 = arith.constant 0 : i32
      %dma_wait3A_322 = tpu.memref_slice %arg7[%add3A_314, %dma_wait3A_321] : memref<40x256xi32, #tpu.memory_space<vmem>> -> memref<1x256xi32, #tpu.memory_space<vmem>>
      %dma_wait3A_323 = tpu.memref_squeeze %dma_wait3A_322 : memref<1x256xi32, #tpu.memory_space<vmem>> -> memref<256xi32, #tpu.memory_space<vmem>>
      %dma_wait3A_324 = arith.constant 0 : i32
      %dma_wait3A_325 = arith.constant 0 : i32
      %dma_wait3A_326 = tpu.memref_slice %arg2[%dma_wait3A_324, %dma_wait3A_325] : memref<10240x16xf32, #tpu.memory_space<hbm>> -> memref<10240x16xf32, #tpu.memory_space<hbm>>
      tpu.wait_indirect_dma semaphore(%arg11 : memref<!tpu.dma_semaphore, #tpu.memory_space<semaphore_mem>>) src(%dma_wait3A_326 : memref<10240x16xf32, #tpu.memory_space<hbm>>) dst(%dma_wait3A_320 : memref<256x16xf32, #tpu.memory_space<vmem>>)
      %mul3A_327 = arith.constant 10 : i32
      %mul3A_328 = arith.muli %add3A_256, %mul3A_327 : i32
      %add3A_329 = arith.constant 4 : i32
      %add3A_330 = arith.addi %mul3A_328, %add3A_329 : i32
      %add3A_331 = arith.constant 4 : i32
      %add3A_332 = arith.addi %mul3A_259, %add3A_331 : i32
      %dma_wait3A_333 = arith.constant 0 : i32
      %dma_wait3A_334 = arith.constant 0 : i32
      %dma_wait3A_335 = tpu.memref_slice %arg9[%add3A_332, %dma_wait3A_333, %dma_wait3A_334] : memref<20x256x16xf32, #tpu.memory_space<vmem>> -> memref<1x256x16xf32, #tpu.memory_space<vmem>>
      %dma_wait3A_336 = tpu.memref_squeeze %dma_wait3A_335 : memref<1x256x16xf32, #tpu.memory_space<vmem>> -> memref<256x16xf32, #tpu.memory_space<vmem>>
      %dma_wait3A_337 = arith.constant 0 : i32
      %dma_wait3A_338 = tpu.memref_slice %arg7[%add3A_330, %dma_wait3A_337] : memref<40x256xi32, #tpu.memory_space<vmem>> -> memref<1x256xi32, #tpu.memory_space<vmem>>
      %dma_wait3A_339 = tpu.memref_squeeze %dma_wait3A_338 : memref<1x256xi32, #tpu.memory_space<vmem>> -> memref<256xi32, #tpu.memory_space<vmem>>
      %dma_wait3A_340 = arith.constant 0 : i32
      %dma_wait3A_341 = arith.constant 0 : i32
      %dma_wait3A_342 = tpu.memref_slice %arg2[%dma_wait3A_340, %dma_wait3A_341] : memref<10240x16xf32, #tpu.memory_space<hbm>> -> memref<10240x16xf32, #tpu.memory_space<hbm>>
      tpu.wait_indirect_dma semaphore(%arg11 : memref<!tpu.dma_semaphore, #tpu.memory_space<semaphore_mem>>) src(%dma_wait3A_342 : memref<10240x16xf32, #tpu.memory_space<hbm>>) dst(%dma_wait3A_336 : memref<256x16xf32, #tpu.memory_space<vmem>>)
      %mul3A_343 = arith.constant 10 : i32
      %mul3A_344 = arith.muli %add3A_256, %mul3A_343 : i32
      %add3A_345 = arith.constant 5 : i32
      %add3A_346 = arith.addi %mul3A_344, %add3A_345 : i32
      %add3A_347 = arith.constant 5 : i32
      %add3A_348 = arith.addi %mul3A_259, %add3A_347 : i32
      %dma_wait3A_349 = arith.constant 0 : i32
      %dma_wait3A_350 = arith.constant 0 : i32
      %dma_wait3A_351 = tpu.memref_slice %arg9[%add3A_348, %dma_wait3A_349, %dma_wait3A_350] : memref<20x256x16xf32, #tpu.memory_space<vmem>> -> memref<1x256x16xf32, #tpu.memory_space<vmem>>
      %dma_wait3A_352 = tpu.memref_squeeze %dma_wait3A_351 : memref<1x256x16xf32, #tpu.memory_space<vmem>> -> memref<256x16xf32, #tpu.memory_space<vmem>>
      %dma_wait3A_353 = arith.constant 0 : i32
      %dma_wait3A_354 = tpu.memref_slice %arg7[%add3A_346, %dma_wait3A_353] : memref<40x256xi32, #tpu.memory_space<vmem>> -> memref<1x256xi32, #tpu.memory_space<vmem>>
      %dma_wait3A_355 = tpu.memref_squeeze %dma_wait3A_354 : memref<1x256xi32, #tpu.memory_space<vmem>> -> memref<256xi32, #tpu.memory_space<vmem>>
      %dma_wait3A_356 = arith.constant 0 : i32
      %dma_wait3A_357 = arith.constant 0 : i32
      %dma_wait3A_358 = tpu.memref_slice %arg2[%dma_wait3A_356, %dma_wait3A_357] : memref<10240x16xf32, #tpu.memory_space<hbm>> -> memref<10240x16xf32, #tpu.memory_space<hbm>>
      tpu.wait_indirect_dma semaphore(%arg11 : memref<!tpu.dma_semaphore, #tpu.memory_space<semaphore_mem>>) src(%dma_wait3A_358 : memref<10240x16xf32, #tpu.memory_space<hbm>>) dst(%dma_wait3A_352 : memref<256x16xf32, #tpu.memory_space<vmem>>)
      %mul3A_359 = arith.constant 10 : i32
      %mul3A_360 = arith.muli %add3A_256, %mul3A_359 : i32
      %add3A_361 = arith.constant 6 : i32
      %add3A_362 = arith.addi %mul3A_360, %add3A_361 : i32
      %add3A_363 = arith.constant 6 : i32
      %add3A_364 = arith.addi %mul3A_259, %add3A_363 : i32
      %dma_wait3A_365 = arith.constant 0 : i32
      %dma_wait3A_366 = arith.constant 0 : i32
      %dma_wait3A_367 = tpu.memref_slice %arg9[%add3A_364, %dma_wait3A_365, %dma_wait3A_366] : memref<20x256x16xf32, #tpu.memory_space<vmem>> -> memref<1x256x16xf32, #tpu.memory_space<vmem>>
      %dma_wait3A_368 = tpu.memref_squeeze %dma_wait3A_367 : memref<1x256x16xf32, #tpu.memory_space<vmem>> -> memref<256x16xf32, #tpu.memory_space<vmem>>
      %dma_wait3A_369 = arith.constant 0 : i32
      %dma_wait3A_370 = tpu.memref_slice %arg7[%add3A_362, %dma_wait3A_369] : memref<40x256xi32, #tpu.memory_space<vmem>> -> memref<1x256xi32, #tpu.memory_space<vmem>>
      %dma_wait3A_371 = tpu.memref_squeeze %dma_wait3A_370 : memref<1x256xi32, #tpu.memory_space<vmem>> -> memref<256xi32, #tpu.memory_space<vmem>>
      %dma_wait3A_372 = arith.constant 0 : i32
      %dma_wait3A_373 = arith.constant 0 : i32
      %dma_wait3A_374 = tpu.memref_slice %arg2[%dma_wait3A_372, %dma_wait3A_373] : memref<10240x16xf32, #tpu.memory_space<hbm>> -> memref<10240x16xf32, #tpu.memory_space<hbm>>
      tpu.wait_indirect_dma semaphore(%arg11 : memref<!tpu.dma_semaphore, #tpu.memory_space<semaphore_mem>>) src(%dma_wait3A_374 : memref<10240x16xf32, #tpu.memory_space<hbm>>) dst(%dma_wait3A_368 : memref<256x16xf32, #tpu.memory_space<vmem>>)
      %mul3A_375 = arith.constant 10 : i32
      %mul3A_376 = arith.muli %add3A_256, %mul3A_375 : i32
      %add3A_377 = arith.constant 7 : i32
      %add3A_378 = arith.addi %mul3A_376, %add3A_377 : i32
      %add3A_379 = arith.constant 7 : i32
      %add3A_380 = arith.addi %mul3A_259, %add3A_379 : i32
      %dma_wait3A_381 = arith.constant 0 : i32
      %dma_wait3A_382 = arith.constant 0 : i32
      %dma_wait3A_383 = tpu.memref_slice %arg9[%add3A_380, %dma_wait3A_381, %dma_wait3A_382] : memref<20x256x16xf32, #tpu.memory_space<vmem>> -> memref<1x256x16xf32, #tpu.memory_space<vmem>>
      %dma_wait3A_384 = tpu.memref_squeeze %dma_wait3A_383 : memref<1x256x16xf32, #tpu.memory_space<vmem>> -> memref<256x16xf32, #tpu.memory_space<vmem>>
      %dma_wait3A_385 = arith.constant 0 : i32
      %dma_wait3A_386 = tpu.memref_slice %arg7[%add3A_378, %dma_wait3A_385] : memref<40x256xi32, #tpu.memory_space<vmem>> -> memref<1x256xi32, #tpu.memory_space<vmem>>
      %dma_wait3A_387 = tpu.memref_squeeze %dma_wait3A_386 : memref<1x256xi32, #tpu.memory_space<vmem>> -> memref<256xi32, #tpu.memory_space<vmem>>
      %dma_wait3A_388 = arith.constant 0 : i32
      %dma_wait3A_389 = arith.constant 0 : i32
      %dma_wait3A_390 = tpu.memref_slice %arg2[%dma_wait3A_388, %dma_wait3A_389] : memref<10240x16xf32, #tpu.memory_space<hbm>> -> memref<10240x16xf32, #tpu.memory_space<hbm>>
      tpu.wait_indirect_dma semaphore(%arg11 : memref<!tpu.dma_semaphore, #tpu.memory_space<semaphore_mem>>) src(%dma_wait3A_390 : memref<10240x16xf32, #tpu.memory_space<hbm>>) dst(%dma_wait3A_384 : memref<256x16xf32, #tpu.memory_space<vmem>>)
      %mul3A_391 = arith.constant 10 : i32
      %mul3A_392 = arith.muli %add3A_256, %mul3A_391 : i32
      %add3A_393 = arith.constant 8 : i32
      %add3A_394 = arith.addi %mul3A_392, %add3A_393 : i32
      %add3A_395 = arith.constant 8 : i32
      %add3A_396 = arith.addi %mul3A_259, %add3A_395 : i32
      %dma_wait3A_397 = arith.constant 0 : i32
      %dma_wait3A_398 = arith.constant 0 : i32
      %dma_wait3A_399 = tpu.memref_slice %arg9[%add3A_396, %dma_wait3A_397, %dma_wait3A_398] : memref<20x256x16xf32, #tpu.memory_space<vmem>> -> memref<1x256x16xf32, #tpu.memory_space<vmem>>
      %dma_wait3A_400 = tpu.memref_squeeze %dma_wait3A_399 : memref<1x256x16xf32, #tpu.memory_space<vmem>> -> memref<256x16xf32, #tpu.memory_space<vmem>>
      %dma_wait3A_401 = arith.constant 0 : i32
      %dma_wait3A_402 = tpu.memref_slice %arg7[%add3A_394, %dma_wait3A_401] : memref<40x256xi32, #tpu.memory_space<vmem>> -> memref<1x256xi32, #tpu.memory_space<vmem>>
      %dma_wait3A_403 = tpu.memref_squeeze %dma_wait3A_402 : memref<1x256xi32, #tpu.memory_space<vmem>> -> memref<256xi32, #tpu.memory_space<vmem>>
      %dma_wait3A_404 = arith.constant 0 : i32
      %dma_wait3A_405 = arith.constant 0 : i32
      %dma_wait3A_406 = tpu.memref_slice %arg2[%dma_wait3A_404, %dma_wait3A_405] : memref<10240x16xf32, #tpu.memory_space<hbm>> -> memref<10240x16xf32, #tpu.memory_space<hbm>>
      tpu.wait_indirect_dma semaphore(%arg11 : memref<!tpu.dma_semaphore, #tpu.memory_space<semaphore_mem>>) src(%dma_wait3A_406 : memref<10240x16xf32, #tpu.memory_space<hbm>>) dst(%dma_wait3A_400 : memref<256x16xf32, #tpu.memory_space<vmem>>)
      %mul3A_407 = arith.constant 10 : i32
      %mul3A_408 = arith.muli %add3A_256, %mul3A_407 : i32
      %add3A_409 = arith.constant 9 : i32
      %add3A_410 = arith.addi %mul3A_408, %add3A_409 : i32
      %add3A_411 = arith.constant 9 : i32
      %add3A_412 = arith.addi %mul3A_259, %add3A_411 : i32
      %dma_wait3A_413 = arith.constant 0 : i32
      %dma_wait3A_414 = arith.constant 0 : i32
      %dma_wait3A_415 = tpu.memref_slice %arg9[%add3A_412, %dma_wait3A_413, %dma_wait3A_414] : memref<20x256x16xf32, #tpu.memory_space<vmem>> -> memref<1x256x16xf32, #tpu.memory_space<vmem>>
      %dma_wait3A_416 = tpu.memref_squeeze %dma_wait3A_415 : memref<1x256x16xf32, #tpu.memory_space<vmem>> -> memref<256x16xf32, #tpu.memory_space<vmem>>
      %dma_wait3A_417 = arith.constant 0 : i32
      %dma_wait3A_418 = tpu.memref_slice %arg7[%add3A_410, %dma_wait3A_417] : memref<40x256xi32, #tpu.memory_space<vmem>> -> memref<1x256xi32, #tpu.memory_space<vmem>>
      %dma_wait3A_419 = tpu.memref_squeeze %dma_wait3A_418 : memref<1x256xi32, #tpu.memory_space<vmem>> -> memref<256xi32, #tpu.memory_space<vmem>>
      %dma_wait3A_420 = arith.constant 0 : i32
      %dma_wait3A_421 = arith.constant 0 : i32
      %dma_wait3A_422 = tpu.memref_slice %arg2[%dma_wait3A_420, %dma_wait3A_421] : memref<10240x16xf32, #tpu.memory_space<hbm>> -> memref<10240x16xf32, #tpu.memory_space<hbm>>
      tpu.wait_indirect_dma semaphore(%arg11 : memref<!tpu.dma_semaphore, #tpu.memory_space<semaphore_mem>>) src(%dma_wait3A_422 : memref<10240x16xf32, #tpu.memory_space<hbm>>) dst(%dma_wait3A_416 : memref<256x16xf32, #tpu.memory_space<vmem>>)
      %ge3A = arith.constant 1 : i32
      %ge3A_423 = arith.cmpi sge, %add3A_256, %ge3A : i32
      %convert_element_type3A = arith.extui %ge3A_423 : i1 to i32
      %cond3A = arith.constant 0 : i32
      %cond3A_424 = arith.cmpi ne, %convert_element_type3A, %cond3A : i32
      scf.if %cond3A_424 {
        %add3A_589 = arith.constant 0 : i32
        %add3A_590 = arith.addi %mul3A_262, %add3A_589 : i32
        %sub3A_591 = arith.constant 1 : i32
        %sub3A_592 = arith.subi %add3A_256, %sub3A_591 : i32
        %mul3A_593 = arith.constant 10 : i32
        %mul3A_594 = arith.muli %sub3A_592, %mul3A_593 : i32
        %add3A_595 = arith.constant 0 : i32
        %add3A_596 = arith.addi %mul3A_594, %add3A_595 : i32
        %dma_wait3A_597 = arith.constant 0 : i32
        %dma_wait3A_598 = arith.constant 0 : i32
        %dma_wait3A_599 = tpu.memref_slice %arg9[%add3A_590, %dma_wait3A_597, %dma_wait3A_598] : memref<20x256x16xf32, #tpu.memory_space<vmem>> -> memref<1x256x16xf32, #tpu.memory_space<vmem>>
        %dma_wait3A_600 = tpu.memref_squeeze %dma_wait3A_599 : memref<1x256x16xf32, #tpu.memory_space<vmem>> -> memref<256x16xf32, #tpu.memory_space<vmem>>
        %dma_wait3A_601 = arith.constant 0 : i32
        %dma_wait3A_602 = tpu.memref_slice %arg8[%add3A_596, %dma_wait3A_601] : memref<40x256xi32, #tpu.memory_space<vmem>> -> memref<1x256xi32, #tpu.memory_space<vmem>>
        %dma_wait3A_603 = tpu.memref_squeeze %dma_wait3A_602 : memref<1x256xi32, #tpu.memory_space<vmem>> -> memref<256xi32, #tpu.memory_space<vmem>>
        %dma_wait3A_604 = arith.constant 0 : i32
        %dma_wait3A_605 = arith.constant 0 : i32
        %dma_wait3A_606 = tpu.memref_slice %arg10[%dma_wait3A_604, %dma_wait3A_605] : memref<10240x16xf32, #tpu.memory_space<vmem_shared>> -> memref<10240x16xf32, #tpu.memory_space<vmem_shared>>
        tpu.wait_indirect_dma semaphore(%arg12 : memref<!tpu.dma_semaphore, #tpu.memory_space<semaphore_mem>>) src(%dma_wait3A_600 : memref<256x16xf32, #tpu.memory_space<vmem>>) dst(%dma_wait3A_606 : memref<10240x16xf32, #tpu.memory_space<vmem_shared>>)
        %add3A_607 = arith.constant 1 : i32
        %add3A_608 = arith.addi %mul3A_262, %add3A_607 : i32
        %sub3A_609 = arith.constant 1 : i32
        %sub3A_610 = arith.subi %add3A_256, %sub3A_609 : i32
        %mul3A_611 = arith.constant 10 : i32
        %mul3A_612 = arith.muli %sub3A_610, %mul3A_611 : i32
        %add3A_613 = arith.constant 1 : i32
        %add3A_614 = arith.addi %mul3A_612, %add3A_613 : i32
        %dma_wait3A_615 = arith.constant 0 : i32
        %dma_wait3A_616 = arith.constant 0 : i32
        %dma_wait3A_617 = tpu.memref_slice %arg9[%add3A_608, %dma_wait3A_615, %dma_wait3A_616] : memref<20x256x16xf32, #tpu.memory_space<vmem>> -> memref<1x256x16xf32, #tpu.memory_space<vmem>>
        %dma_wait3A_618 = tpu.memref_squeeze %dma_wait3A_617 : memref<1x256x16xf32, #tpu.memory_space<vmem>> -> memref<256x16xf32, #tpu.memory_space<vmem>>
        %dma_wait3A_619 = arith.constant 0 : i32
        %dma_wait3A_620 = tpu.memref_slice %arg8[%add3A_614, %dma_wait3A_619] : memref<40x256xi32, #tpu.memory_space<vmem>> -> memref<1x256xi32, #tpu.memory_space<vmem>>
        %dma_wait3A_621 = tpu.memref_squeeze %dma_wait3A_620 : memref<1x256xi32, #tpu.memory_space<vmem>> -> memref<256xi32, #tpu.memory_space<vmem>>
        %dma_wait3A_622 = arith.constant 0 : i32
        %dma_wait3A_623 = arith.constant 0 : i32
        %dma_wait3A_624 = tpu.memref_slice %arg10[%dma_wait3A_622, %dma_wait3A_623] : memref<10240x16xf32, #tpu.memory_space<vmem_shared>> -> memref<10240x16xf32, #tpu.memory_space<vmem_shared>>
        tpu.wait_indirect_dma semaphore(%arg12 : memref<!tpu.dma_semaphore, #tpu.memory_space<semaphore_mem>>) src(%dma_wait3A_618 : memref<256x16xf32, #tpu.memory_space<vmem>>) dst(%dma_wait3A_624 : memref<10240x16xf32, #tpu.memory_space<vmem_shared>>)
        %add3A_625 = arith.constant 2 : i32
        %add3A_626 = arith.addi %mul3A_262, %add3A_625 : i32
        %sub3A_627 = arith.constant 1 : i32
        %sub3A_628 = arith.subi %add3A_256, %sub3A_627 : i32
        %mul3A_629 = arith.constant 10 : i32
        %mul3A_630 = arith.muli %sub3A_628, %mul3A_629 : i32
        %add3A_631 = arith.constant 2 : i32
        %add3A_632 = arith.addi %mul3A_630, %add3A_631 : i32
        %dma_wait3A_633 = arith.constant 0 : i32
        %dma_wait3A_634 = arith.constant 0 : i32
        %dma_wait3A_635 = tpu.memref_slice %arg9[%add3A_626, %dma_wait3A_633, %dma_wait3A_634] : memref<20x256x16xf32, #tpu.memory_space<vmem>> -> memref<1x256x16xf32, #tpu.memory_space<vmem>>
        %dma_wait3A_636 = tpu.memref_squeeze %dma_wait3A_635 : memref<1x256x16xf32, #tpu.memory_space<vmem>> -> memref<256x16xf32, #tpu.memory_space<vmem>>
        %dma_wait3A_637 = arith.constant 0 : i32
        %dma_wait3A_638 = tpu.memref_slice %arg8[%add3A_632, %dma_wait3A_637] : memref<40x256xi32, #tpu.memory_space<vmem>> -> memref<1x256xi32, #tpu.memory_space<vmem>>
        %dma_wait3A_639 = tpu.memref_squeeze %dma_wait3A_638 : memref<1x256xi32, #tpu.memory_space<vmem>> -> memref<256xi32, #tpu.memory_space<vmem>>
        %dma_wait3A_640 = arith.constant 0 : i32
        %dma_wait3A_641 = arith.constant 0 : i32
        %dma_wait3A_642 = tpu.memref_slice %arg10[%dma_wait3A_640, %dma_wait3A_641] : memref<10240x16xf32, #tpu.memory_space<vmem_shared>> -> memref<10240x16xf32, #tpu.memory_space<vmem_shared>>
        tpu.wait_indirect_dma semaphore(%arg12 : memref<!tpu.dma_semaphore, #tpu.memory_space<semaphore_mem>>) src(%dma_wait3A_636 : memref<256x16xf32, #tpu.memory_space<vmem>>) dst(%dma_wait3A_642 : memref<10240x16xf32, #tpu.memory_space<vmem_shared>>)
        %add3A_643 = arith.constant 3 : i32
        %add3A_644 = arith.addi %mul3A_262, %add3A_643 : i32
        %sub3A_645 = arith.constant 1 : i32
        %sub3A_646 = arith.subi %add3A_256, %sub3A_645 : i32
        %mul3A_647 = arith.constant 10 : i32
        %mul3A_648 = arith.muli %sub3A_646, %mul3A_647 : i32
        %add3A_649 = arith.constant 3 : i32
        %add3A_650 = arith.addi %mul3A_648, %add3A_649 : i32
        %dma_wait3A_651 = arith.constant 0 : i32
        %dma_wait3A_652 = arith.constant 0 : i32
        %dma_wait3A_653 = tpu.memref_slice %arg9[%add3A_644, %dma_wait3A_651, %dma_wait3A_652] : memref<20x256x16xf32, #tpu.memory_space<vmem>> -> memref<1x256x16xf32, #tpu.memory_space<vmem>>
        %dma_wait3A_654 = tpu.memref_squeeze %dma_wait3A_653 : memref<1x256x16xf32, #tpu.memory_space<vmem>> -> memref<256x16xf32, #tpu.memory_space<vmem>>
        %dma_wait3A_655 = arith.constant 0 : i32
        %dma_wait3A_656 = tpu.memref_slice %arg8[%add3A_650, %dma_wait3A_655] : memref<40x256xi32, #tpu.memory_space<vmem>> -> memref<1x256xi32, #tpu.memory_space<vmem>>
        %dma_wait3A_657 = tpu.memref_squeeze %dma_wait3A_656 : memref<1x256xi32, #tpu.memory_space<vmem>> -> memref<256xi32, #tpu.memory_space<vmem>>
        %dma_wait3A_658 = arith.constant 0 : i32
        %dma_wait3A_659 = arith.constant 0 : i32
        %dma_wait3A_660 = tpu.memref_slice %arg10[%dma_wait3A_658, %dma_wait3A_659] : memref<10240x16xf32, #tpu.memory_space<vmem_shared>> -> memref<10240x16xf32, #tpu.memory_space<vmem_shared>>
        tpu.wait_indirect_dma semaphore(%arg12 : memref<!tpu.dma_semaphore, #tpu.memory_space<semaphore_mem>>) src(%dma_wait3A_654 : memref<256x16xf32, #tpu.memory_space<vmem>>) dst(%dma_wait3A_660 : memref<10240x16xf32, #tpu.memory_space<vmem_shared>>)
        %add3A_661 = arith.constant 4 : i32
        %add3A_662 = arith.addi %mul3A_262, %add3A_661 : i32
        %sub3A_663 = arith.constant 1 : i32
        %sub3A_664 = arith.subi %add3A_256, %sub3A_663 : i32
        %mul3A_665 = arith.constant 10 : i32
        %mul3A_666 = arith.muli %sub3A_664, %mul3A_665 : i32
        %add3A_667 = arith.constant 4 : i32
        %add3A_668 = arith.addi %mul3A_666, %add3A_667 : i32
        %dma_wait3A_669 = arith.constant 0 : i32
        %dma_wait3A_670 = arith.constant 0 : i32
        %dma_wait3A_671 = tpu.memref_slice %arg9[%add3A_662, %dma_wait3A_669, %dma_wait3A_670] : memref<20x256x16xf32, #tpu.memory_space<vmem>> -> memref<1x256x16xf32, #tpu.memory_space<vmem>>
        %dma_wait3A_672 = tpu.memref_squeeze %dma_wait3A_671 : memref<1x256x16xf32, #tpu.memory_space<vmem>> -> memref<256x16xf32, #tpu.memory_space<vmem>>
        %dma_wait3A_673 = arith.constant 0 : i32
        %dma_wait3A_674 = tpu.memref_slice %arg8[%add3A_668, %dma_wait3A_673] : memref<40x256xi32, #tpu.memory_space<vmem>> -> memref<1x256xi32, #tpu.memory_space<vmem>>
        %dma_wait3A_675 = tpu.memref_squeeze %dma_wait3A_674 : memref<1x256xi32, #tpu.memory_space<vmem>> -> memref<256xi32, #tpu.memory_space<vmem>>
        %dma_wait3A_676 = arith.constant 0 : i32
        %dma_wait3A_677 = arith.constant 0 : i32
        %dma_wait3A_678 = tpu.memref_slice %arg10[%dma_wait3A_676, %dma_wait3A_677] : memref<10240x16xf32, #tpu.memory_space<vmem_shared>> -> memref<10240x16xf32, #tpu.memory_space<vmem_shared>>
        tpu.wait_indirect_dma semaphore(%arg12 : memref<!tpu.dma_semaphore, #tpu.memory_space<semaphore_mem>>) src(%dma_wait3A_672 : memref<256x16xf32, #tpu.memory_space<vmem>>) dst(%dma_wait3A_678 : memref<10240x16xf32, #tpu.memory_space<vmem_shared>>)
        %add3A_679 = arith.constant 5 : i32
        %add3A_680 = arith.addi %mul3A_262, %add3A_679 : i32
        %sub3A_681 = arith.constant 1 : i32
        %sub3A_682 = arith.subi %add3A_256, %sub3A_681 : i32
        %mul3A_683 = arith.constant 10 : i32
        %mul3A_684 = arith.muli %sub3A_682, %mul3A_683 : i32
        %add3A_685 = arith.constant 5 : i32
        %add3A_686 = arith.addi %mul3A_684, %add3A_685 : i32
        %dma_wait3A_687 = arith.constant 0 : i32
        %dma_wait3A_688 = arith.constant 0 : i32
        %dma_wait3A_689 = tpu.memref_slice %arg9[%add3A_680, %dma_wait3A_687, %dma_wait3A_688] : memref<20x256x16xf32, #tpu.memory_space<vmem>> -> memref<1x256x16xf32, #tpu.memory_space<vmem>>
        %dma_wait3A_690 = tpu.memref_squeeze %dma_wait3A_689 : memref<1x256x16xf32, #tpu.memory_space<vmem>> -> memref<256x16xf32, #tpu.memory_space<vmem>>
        %dma_wait3A_691 = arith.constant 0 : i32
        %dma_wait3A_692 = tpu.memref_slice %arg8[%add3A_686, %dma_wait3A_691] : memref<40x256xi32, #tpu.memory_space<vmem>> -> memref<1x256xi32, #tpu.memory_space<vmem>>
        %dma_wait3A_693 = tpu.memref_squeeze %dma_wait3A_692 : memref<1x256xi32, #tpu.memory_space<vmem>> -> memref<256xi32, #tpu.memory_space<vmem>>
        %dma_wait3A_694 = arith.constant 0 : i32
        %dma_wait3A_695 = arith.constant 0 : i32
        %dma_wait3A_696 = tpu.memref_slice %arg10[%dma_wait3A_694, %dma_wait3A_695] : memref<10240x16xf32, #tpu.memory_space<vmem_shared>> -> memref<10240x16xf32, #tpu.memory_space<vmem_shared>>
        tpu.wait_indirect_dma semaphore(%arg12 : memref<!tpu.dma_semaphore, #tpu.memory_space<semaphore_mem>>) src(%dma_wait3A_690 : memref<256x16xf32, #tpu.memory_space<vmem>>) dst(%dma_wait3A_696 : memref<10240x16xf32, #tpu.memory_space<vmem_shared>>)
        %add3A_697 = arith.constant 6 : i32
        %add3A_698 = arith.addi %mul3A_262, %add3A_697 : i32
        %sub3A_699 = arith.constant 1 : i32
        %sub3A_700 = arith.subi %add3A_256, %sub3A_699 : i32
        %mul3A_701 = arith.constant 10 : i32
        %mul3A_702 = arith.muli %sub3A_700, %mul3A_701 : i32
        %add3A_703 = arith.constant 6 : i32
        %add3A_704 = arith.addi %mul3A_702, %add3A_703 : i32
        %dma_wait3A_705 = arith.constant 0 : i32
        %dma_wait3A_706 = arith.constant 0 : i32
        %dma_wait3A_707 = tpu.memref_slice %arg9[%add3A_698, %dma_wait3A_705, %dma_wait3A_706] : memref<20x256x16xf32, #tpu.memory_space<vmem>> -> memref<1x256x16xf32, #tpu.memory_space<vmem>>
        %dma_wait3A_708 = tpu.memref_squeeze %dma_wait3A_707 : memref<1x256x16xf32, #tpu.memory_space<vmem>> -> memref<256x16xf32, #tpu.memory_space<vmem>>
        %dma_wait3A_709 = arith.constant 0 : i32
        %dma_wait3A_710 = tpu.memref_slice %arg8[%add3A_704, %dma_wait3A_709] : memref<40x256xi32, #tpu.memory_space<vmem>> -> memref<1x256xi32, #tpu.memory_space<vmem>>
        %dma_wait3A_711 = tpu.memref_squeeze %dma_wait3A_710 : memref<1x256xi32, #tpu.memory_space<vmem>> -> memref<256xi32, #tpu.memory_space<vmem>>
        %dma_wait3A_712 = arith.constant 0 : i32
        %dma_wait3A_713 = arith.constant 0 : i32
        %dma_wait3A_714 = tpu.memref_slice %arg10[%dma_wait3A_712, %dma_wait3A_713] : memref<10240x16xf32, #tpu.memory_space<vmem_shared>> -> memref<10240x16xf32, #tpu.memory_space<vmem_shared>>
        tpu.wait_indirect_dma semaphore(%arg12 : memref<!tpu.dma_semaphore, #tpu.memory_space<semaphore_mem>>) src(%dma_wait3A_708 : memref<256x16xf32, #tpu.memory_space<vmem>>) dst(%dma_wait3A_714 : memref<10240x16xf32, #tpu.memory_space<vmem_shared>>)
        %add3A_715 = arith.constant 7 : i32
        %add3A_716 = arith.addi %mul3A_262, %add3A_715 : i32
        %sub3A_717 = arith.constant 1 : i32
        %sub3A_718 = arith.subi %add3A_256, %sub3A_717 : i32
        %mul3A_719 = arith.constant 10 : i32
        %mul3A_720 = arith.muli %sub3A_718, %mul3A_719 : i32
        %add3A_721 = arith.constant 7 : i32
        %add3A_722 = arith.addi %mul3A_720, %add3A_721 : i32
        %dma_wait3A_723 = arith.constant 0 : i32
        %dma_wait3A_724 = arith.constant 0 : i32
        %dma_wait3A_725 = tpu.memref_slice %arg9[%add3A_716, %dma_wait3A_723, %dma_wait3A_724] : memref<20x256x16xf32, #tpu.memory_space<vmem>> -> memref<1x256x16xf32, #tpu.memory_space<vmem>>
        %dma_wait3A_726 = tpu.memref_squeeze %dma_wait3A_725 : memref<1x256x16xf32, #tpu.memory_space<vmem>> -> memref<256x16xf32, #tpu.memory_space<vmem>>
        %dma_wait3A_727 = arith.constant 0 : i32
        %dma_wait3A_728 = tpu.memref_slice %arg8[%add3A_722, %dma_wait3A_727] : memref<40x256xi32, #tpu.memory_space<vmem>> -> memref<1x256xi32, #tpu.memory_space<vmem>>
        %dma_wait3A_729 = tpu.memref_squeeze %dma_wait3A_728 : memref<1x256xi32, #tpu.memory_space<vmem>> -> memref<256xi32, #tpu.memory_space<vmem>>
        %dma_wait3A_730 = arith.constant 0 : i32
        %dma_wait3A_731 = arith.constant 0 : i32
        %dma_wait3A_732 = tpu.memref_slice %arg10[%dma_wait3A_730, %dma_wait3A_731] : memref<10240x16xf32, #tpu.memory_space<vmem_shared>> -> memref<10240x16xf32, #tpu.memory_space<vmem_shared>>
        tpu.wait_indirect_dma semaphore(%arg12 : memref<!tpu.dma_semaphore, #tpu.memory_space<semaphore_mem>>) src(%dma_wait3A_726 : memref<256x16xf32, #tpu.memory_space<vmem>>) dst(%dma_wait3A_732 : memref<10240x16xf32, #tpu.memory_space<vmem_shared>>)
        %add3A_733 = arith.constant 8 : i32
        %add3A_734 = arith.addi %mul3A_262, %add3A_733 : i32
        %sub3A_735 = arith.constant 1 : i32
        %sub3A_736 = arith.subi %add3A_256, %sub3A_735 : i32
        %mul3A_737 = arith.constant 10 : i32
        %mul3A_738 = arith.muli %sub3A_736, %mul3A_737 : i32
        %add3A_739 = arith.constant 8 : i32
        %add3A_740 = arith.addi %mul3A_738, %add3A_739 : i32
        %dma_wait3A_741 = arith.constant 0 : i32
        %dma_wait3A_742 = arith.constant 0 : i32
        %dma_wait3A_743 = tpu.memref_slice %arg9[%add3A_734, %dma_wait3A_741, %dma_wait3A_742] : memref<20x256x16xf32, #tpu.memory_space<vmem>> -> memref<1x256x16xf32, #tpu.memory_space<vmem>>
        %dma_wait3A_744 = tpu.memref_squeeze %dma_wait3A_743 : memref<1x256x16xf32, #tpu.memory_space<vmem>> -> memref<256x16xf32, #tpu.memory_space<vmem>>
        %dma_wait3A_745 = arith.constant 0 : i32
        %dma_wait3A_746 = tpu.memref_slice %arg8[%add3A_740, %dma_wait3A_745] : memref<40x256xi32, #tpu.memory_space<vmem>> -> memref<1x256xi32, #tpu.memory_space<vmem>>
        %dma_wait3A_747 = tpu.memref_squeeze %dma_wait3A_746 : memref<1x256xi32, #tpu.memory_space<vmem>> -> memref<256xi32, #tpu.memory_space<vmem>>
        %dma_wait3A_748 = arith.constant 0 : i32
        %dma_wait3A_749 = arith.constant 0 : i32
        %dma_wait3A_750 = tpu.memref_slice %arg10[%dma_wait3A_748, %dma_wait3A_749] : memref<10240x16xf32, #tpu.memory_space<vmem_shared>> -> memref<10240x16xf32, #tpu.memory_space<vmem_shared>>
        tpu.wait_indirect_dma semaphore(%arg12 : memref<!tpu.dma_semaphore, #tpu.memory_space<semaphore_mem>>) src(%dma_wait3A_744 : memref<256x16xf32, #tpu.memory_space<vmem>>) dst(%dma_wait3A_750 : memref<10240x16xf32, #tpu.memory_space<vmem_shared>>)
        %add3A_751 = arith.constant 9 : i32
        %add3A_752 = arith.addi %mul3A_262, %add3A_751 : i32
        %sub3A_753 = arith.constant 1 : i32
        %sub3A_754 = arith.subi %add3A_256, %sub3A_753 : i32
        %mul3A_755 = arith.constant 10 : i32
        %mul3A_756 = arith.muli %sub3A_754, %mul3A_755 : i32
        %add3A_757 = arith.constant 9 : i32
        %add3A_758 = arith.addi %mul3A_756, %add3A_757 : i32
        %dma_wait3A_759 = arith.constant 0 : i32
        %dma_wait3A_760 = arith.constant 0 : i32
        %dma_wait3A_761 = tpu.memref_slice %arg9[%add3A_752, %dma_wait3A_759, %dma_wait3A_760] : memref<20x256x16xf32, #tpu.memory_space<vmem>> -> memref<1x256x16xf32, #tpu.memory_space<vmem>>
        %dma_wait3A_762 = tpu.memref_squeeze %dma_wait3A_761 : memref<1x256x16xf32, #tpu.memory_space<vmem>> -> memref<256x16xf32, #tpu.memory_space<vmem>>
        %dma_wait3A_763 = arith.constant 0 : i32
        %dma_wait3A_764 = tpu.memref_slice %arg8[%add3A_758, %dma_wait3A_763] : memref<40x256xi32, #tpu.memory_space<vmem>> -> memref<1x256xi32, #tpu.memory_space<vmem>>
        %dma_wait3A_765 = tpu.memref_squeeze %dma_wait3A_764 : memref<1x256xi32, #tpu.memory_space<vmem>> -> memref<256xi32, #tpu.memory_space<vmem>>
        %dma_wait3A_766 = arith.constant 0 : i32
        %dma_wait3A_767 = arith.constant 0 : i32
        %dma_wait3A_768 = tpu.memref_slice %arg10[%dma_wait3A_766, %dma_wait3A_767] : memref<10240x16xf32, #tpu.memory_space<vmem_shared>> -> memref<10240x16xf32, #tpu.memory_space<vmem_shared>>
        tpu.wait_indirect_dma semaphore(%arg12 : memref<!tpu.dma_semaphore, #tpu.memory_space<semaphore_mem>>) src(%dma_wait3A_762 : memref<256x16xf32, #tpu.memory_space<vmem>>) dst(%dma_wait3A_768 : memref<10240x16xf32, #tpu.memory_space<vmem_shared>>)
      } else {
      }
      %lt3A = arith.constant 3 : i32
      %lt3A_425 = arith.cmpi slt, %add3A_256, %lt3A : i32
      %convert_element_type3A_426 = arith.extui %lt3A_425 : i1 to i32
      %cond3A_427 = arith.constant 0 : i32
      %cond3A_428 = arith.cmpi ne, %convert_element_type3A_426, %cond3A_427 : i32
      scf.if %cond3A_428 {
        %add3A_589 = arith.constant 1 : i32
        %add3A_590 = arith.addi %add3A_256, %add3A_589 : i32
        %mul3A_591 = arith.constant 10 : i32
        %mul3A_592 = arith.muli %add3A_590, %mul3A_591 : i32
        %add3A_593 = arith.constant 0 : i32
        %add3A_594 = arith.addi %mul3A_592, %add3A_593 : i32
        %add3A_595 = arith.constant 0 : i32
        %add3A_596 = arith.addi %mul3A_262, %add3A_595 : i32
        %dma_start3A_597 = arith.constant 0 : i32
        %dma_start3A_598 = arith.constant 0 : i32
        %dma_start3A_599 = tpu.memref_slice %arg9[%add3A_596, %dma_start3A_597, %dma_start3A_598] : memref<20x256x16xf32, #tpu.memory_space<vmem>> -> memref<1x256x16xf32, #tpu.memory_space<vmem>>
        %dma_start3A_600 = tpu.memref_squeeze %dma_start3A_599 : memref<1x256x16xf32, #tpu.memory_space<vmem>> -> memref<256x16xf32, #tpu.memory_space<vmem>>
        %dma_start3A_601 = arith.constant 0 : i32
        %dma_start3A_602 = tpu.memref_slice %arg7[%add3A_594, %dma_start3A_601] : memref<40x256xi32, #tpu.memory_space<vmem>> -> memref<1x256xi32, #tpu.memory_space<vmem>>
        %dma_start3A_603 = tpu.memref_squeeze %dma_start3A_602 : memref<1x256xi32, #tpu.memory_space<vmem>> -> memref<256xi32, #tpu.memory_space<vmem>>
        %dma_start3A_604 = arith.constant 0 : i32
        %dma_start3A_605 = arith.constant 0 : i32
        %dma_start3A_606 = tpu.memref_slice %arg2[%dma_start3A_604, %dma_start3A_605] : memref<10240x16xf32, #tpu.memory_space<hbm>> -> memref<10240x16xf32, #tpu.memory_space<hbm>>
        tpu.enqueue_indirect_dma source(%dma_start3A_606 : memref<10240x16xf32, #tpu.memory_space<hbm>>) target(%dma_start3A_600 : memref<256x16xf32, #tpu.memory_space<vmem>>) offsets(%dma_start3A_603 : memref<256xi32, #tpu.memory_space<vmem>>) semaphore(%arg11 : memref<!tpu.dma_semaphore, #tpu.memory_space<semaphore_mem>>)
        %add3A_607 = arith.constant 1 : i32
        %add3A_608 = arith.addi %add3A_256, %add3A_607 : i32
        %mul3A_609 = arith.constant 10 : i32
        %mul3A_610 = arith.muli %add3A_608, %mul3A_609 : i32
        %add3A_611 = arith.constant 1 : i32
        %add3A_612 = arith.addi %mul3A_610, %add3A_611 : i32
        %add3A_613 = arith.constant 1 : i32
        %add3A_614 = arith.addi %mul3A_262, %add3A_613 : i32
        %dma_start3A_615 = arith.constant 0 : i32
        %dma_start3A_616 = arith.constant 0 : i32
        %dma_start3A_617 = tpu.memref_slice %arg9[%add3A_614, %dma_start3A_615, %dma_start3A_616] : memref<20x256x16xf32, #tpu.memory_space<vmem>> -> memref<1x256x16xf32, #tpu.memory_space<vmem>>
        %dma_start3A_618 = tpu.memref_squeeze %dma_start3A_617 : memref<1x256x16xf32, #tpu.memory_space<vmem>> -> memref<256x16xf32, #tpu.memory_space<vmem>>
        %dma_start3A_619 = arith.constant 0 : i32
        %dma_start3A_620 = tpu.memref_slice %arg7[%add3A_612, %dma_start3A_619] : memref<40x256xi32, #tpu.memory_space<vmem>> -> memref<1x256xi32, #tpu.memory_space<vmem>>
        %dma_start3A_621 = tpu.memref_squeeze %dma_start3A_620 : memref<1x256xi32, #tpu.memory_space<vmem>> -> memref<256xi32, #tpu.memory_space<vmem>>
        %dma_start3A_622 = arith.constant 0 : i32
        %dma_start3A_623 = arith.constant 0 : i32
        %dma_start3A_624 = tpu.memref_slice %arg2[%dma_start3A_622, %dma_start3A_623] : memref<10240x16xf32, #tpu.memory_space<hbm>> -> memref<10240x16xf32, #tpu.memory_space<hbm>>
        tpu.enqueue_indirect_dma source(%dma_start3A_624 : memref<10240x16xf32, #tpu.memory_space<hbm>>) target(%dma_start3A_618 : memref<256x16xf32, #tpu.memory_space<vmem>>) offsets(%dma_start3A_621 : memref<256xi32, #tpu.memory_space<vmem>>) semaphore(%arg11 : memref<!tpu.dma_semaphore, #tpu.memory_space<semaphore_mem>>)
        %add3A_625 = arith.constant 1 : i32
        %add3A_626 = arith.addi %add3A_256, %add3A_625 : i32
        %mul3A_627 = arith.constant 10 : i32
        %mul3A_628 = arith.muli %add3A_626, %mul3A_627 : i32
        %add3A_629 = arith.constant 2 : i32
        %add3A_630 = arith.addi %mul3A_628, %add3A_629 : i32
        %add3A_631 = arith.constant 2 : i32
        %add3A_632 = arith.addi %mul3A_262, %add3A_631 : i32
        %dma_start3A_633 = arith.constant 0 : i32
        %dma_start3A_634 = arith.constant 0 : i32
        %dma_start3A_635 = tpu.memref_slice %arg9[%add3A_632, %dma_start3A_633, %dma_start3A_634] : memref<20x256x16xf32, #tpu.memory_space<vmem>> -> memref<1x256x16xf32, #tpu.memory_space<vmem>>
        %dma_start3A_636 = tpu.memref_squeeze %dma_start3A_635 : memref<1x256x16xf32, #tpu.memory_space<vmem>> -> memref<256x16xf32, #tpu.memory_space<vmem>>
        %dma_start3A_637 = arith.constant 0 : i32
        %dma_start3A_638 = tpu.memref_slice %arg7[%add3A_630, %dma_start3A_637] : memref<40x256xi32, #tpu.memory_space<vmem>> -> memref<1x256xi32, #tpu.memory_space<vmem>>
        %dma_start3A_639 = tpu.memref_squeeze %dma_start3A_638 : memref<1x256xi32, #tpu.memory_space<vmem>> -> memref<256xi32, #tpu.memory_space<vmem>>
        %dma_start3A_640 = arith.constant 0 : i32
        %dma_start3A_641 = arith.constant 0 : i32
        %dma_start3A_642 = tpu.memref_slice %arg2[%dma_start3A_640, %dma_start3A_641] : memref<10240x16xf32, #tpu.memory_space<hbm>> -> memref<10240x16xf32, #tpu.memory_space<hbm>>
        tpu.enqueue_indirect_dma source(%dma_start3A_642 : memref<10240x16xf32, #tpu.memory_space<hbm>>) target(%dma_start3A_636 : memref<256x16xf32, #tpu.memory_space<vmem>>) offsets(%dma_start3A_639 : memref<256xi32, #tpu.memory_space<vmem>>) semaphore(%arg11 : memref<!tpu.dma_semaphore, #tpu.memory_space<semaphore_mem>>)
        %add3A_643 = arith.constant 1 : i32
        %add3A_644 = arith.addi %add3A_256, %add3A_643 : i32
        %mul3A_645 = arith.constant 10 : i32
        %mul3A_646 = arith.muli %add3A_644, %mul3A_645 : i32
        %add3A_647 = arith.constant 3 : i32
        %add3A_648 = arith.addi %mul3A_646, %add3A_647 : i32
        %add3A_649 = arith.constant 3 : i32
        %add3A_650 = arith.addi %mul3A_262, %add3A_649 : i32
        %dma_start3A_651 = arith.constant 0 : i32
        %dma_start3A_652 = arith.constant 0 : i32
        %dma_start3A_653 = tpu.memref_slice %arg9[%add3A_650, %dma_start3A_651, %dma_start3A_652] : memref<20x256x16xf32, #tpu.memory_space<vmem>> -> memref<1x256x16xf32, #tpu.memory_space<vmem>>
        %dma_start3A_654 = tpu.memref_squeeze %dma_start3A_653 : memref<1x256x16xf32, #tpu.memory_space<vmem>> -> memref<256x16xf32, #tpu.memory_space<vmem>>
        %dma_start3A_655 = arith.constant 0 : i32
        %dma_start3A_656 = tpu.memref_slice %arg7[%add3A_648, %dma_start3A_655] : memref<40x256xi32, #tpu.memory_space<vmem>> -> memref<1x256xi32, #tpu.memory_space<vmem>>
        %dma_start3A_657 = tpu.memref_squeeze %dma_start3A_656 : memref<1x256xi32, #tpu.memory_space<vmem>> -> memref<256xi32, #tpu.memory_space<vmem>>
        %dma_start3A_658 = arith.constant 0 : i32
        %dma_start3A_659 = arith.constant 0 : i32
        %dma_start3A_660 = tpu.memref_slice %arg2[%dma_start3A_658, %dma_start3A_659] : memref<10240x16xf32, #tpu.memory_space<hbm>> -> memref<10240x16xf32, #tpu.memory_space<hbm>>
        tpu.enqueue_indirect_dma source(%dma_start3A_660 : memref<10240x16xf32, #tpu.memory_space<hbm>>) target(%dma_start3A_654 : memref<256x16xf32, #tpu.memory_space<vmem>>) offsets(%dma_start3A_657 : memref<256xi32, #tpu.memory_space<vmem>>) semaphore(%arg11 : memref<!tpu.dma_semaphore, #tpu.memory_space<semaphore_mem>>)
        %add3A_661 = arith.constant 1 : i32
        %add3A_662 = arith.addi %add3A_256, %add3A_661 : i32
        %mul3A_663 = arith.constant 10 : i32
        %mul3A_664 = arith.muli %add3A_662, %mul3A_663 : i32
        %add3A_665 = arith.constant 4 : i32
        %add3A_666 = arith.addi %mul3A_664, %add3A_665 : i32
        %add3A_667 = arith.constant 4 : i32
        %add3A_668 = arith.addi %mul3A_262, %add3A_667 : i32
        %dma_start3A_669 = arith.constant 0 : i32
        %dma_start3A_670 = arith.constant 0 : i32
        %dma_start3A_671 = tpu.memref_slice %arg9[%add3A_668, %dma_start3A_669, %dma_start3A_670] : memref<20x256x16xf32, #tpu.memory_space<vmem>> -> memref<1x256x16xf32, #tpu.memory_space<vmem>>
        %dma_start3A_672 = tpu.memref_squeeze %dma_start3A_671 : memref<1x256x16xf32, #tpu.memory_space<vmem>> -> memref<256x16xf32, #tpu.memory_space<vmem>>
        %dma_start3A_673 = arith.constant 0 : i32
        %dma_start3A_674 = tpu.memref_slice %arg7[%add3A_666, %dma_start3A_673] : memref<40x256xi32, #tpu.memory_space<vmem>> -> memref<1x256xi32, #tpu.memory_space<vmem>>
        %dma_start3A_675 = tpu.memref_squeeze %dma_start3A_674 : memref<1x256xi32, #tpu.memory_space<vmem>> -> memref<256xi32, #tpu.memory_space<vmem>>
        %dma_start3A_676 = arith.constant 0 : i32
        %dma_start3A_677 = arith.constant 0 : i32
        %dma_start3A_678 = tpu.memref_slice %arg2[%dma_start3A_676, %dma_start3A_677] : memref<10240x16xf32, #tpu.memory_space<hbm>> -> memref<10240x16xf32, #tpu.memory_space<hbm>>
        tpu.enqueue_indirect_dma source(%dma_start3A_678 : memref<10240x16xf32, #tpu.memory_space<hbm>>) target(%dma_start3A_672 : memref<256x16xf32, #tpu.memory_space<vmem>>) offsets(%dma_start3A_675 : memref<256xi32, #tpu.memory_space<vmem>>) semaphore(%arg11 : memref<!tpu.dma_semaphore, #tpu.memory_space<semaphore_mem>>)
        %add3A_679 = arith.constant 1 : i32
        %add3A_680 = arith.addi %add3A_256, %add3A_679 : i32
        %mul3A_681 = arith.constant 10 : i32
        %mul3A_682 = arith.muli %add3A_680, %mul3A_681 : i32
        %add3A_683 = arith.constant 5 : i32
        %add3A_684 = arith.addi %mul3A_682, %add3A_683 : i32
        %add3A_685 = arith.constant 5 : i32
        %add3A_686 = arith.addi %mul3A_262, %add3A_685 : i32
        %dma_start3A_687 = arith.constant 0 : i32
        %dma_start3A_688 = arith.constant 0 : i32
        %dma_start3A_689 = tpu.memref_slice %arg9[%add3A_686, %dma_start3A_687, %dma_start3A_688] : memref<20x256x16xf32, #tpu.memory_space<vmem>> -> memref<1x256x16xf32, #tpu.memory_space<vmem>>
        %dma_start3A_690 = tpu.memref_squeeze %dma_start3A_689 : memref<1x256x16xf32, #tpu.memory_space<vmem>> -> memref<256x16xf32, #tpu.memory_space<vmem>>
        %dma_start3A_691 = arith.constant 0 : i32
        %dma_start3A_692 = tpu.memref_slice %arg7[%add3A_684, %dma_start3A_691] : memref<40x256xi32, #tpu.memory_space<vmem>> -> memref<1x256xi32, #tpu.memory_space<vmem>>
        %dma_start3A_693 = tpu.memref_squeeze %dma_start3A_692 : memref<1x256xi32, #tpu.memory_space<vmem>> -> memref<256xi32, #tpu.memory_space<vmem>>
        %dma_start3A_694 = arith.constant 0 : i32
        %dma_start3A_695 = arith.constant 0 : i32
        %dma_start3A_696 = tpu.memref_slice %arg2[%dma_start3A_694, %dma_start3A_695] : memref<10240x16xf32, #tpu.memory_space<hbm>> -> memref<10240x16xf32, #tpu.memory_space<hbm>>
        tpu.enqueue_indirect_dma source(%dma_start3A_696 : memref<10240x16xf32, #tpu.memory_space<hbm>>) target(%dma_start3A_690 : memref<256x16xf32, #tpu.memory_space<vmem>>) offsets(%dma_start3A_693 : memref<256xi32, #tpu.memory_space<vmem>>) semaphore(%arg11 : memref<!tpu.dma_semaphore, #tpu.memory_space<semaphore_mem>>)
        %add3A_697 = arith.constant 1 : i32
        %add3A_698 = arith.addi %add3A_256, %add3A_697 : i32
        %mul3A_699 = arith.constant 10 : i32
        %mul3A_700 = arith.muli %add3A_698, %mul3A_699 : i32
        %add3A_701 = arith.constant 6 : i32
        %add3A_702 = arith.addi %mul3A_700, %add3A_701 : i32
        %add3A_703 = arith.constant 6 : i32
        %add3A_704 = arith.addi %mul3A_262, %add3A_703 : i32
        %dma_start3A_705 = arith.constant 0 : i32
        %dma_start3A_706 = arith.constant 0 : i32
        %dma_start3A_707 = tpu.memref_slice %arg9[%add3A_704, %dma_start3A_705, %dma_start3A_706] : memref<20x256x16xf32, #tpu.memory_space<vmem>> -> memref<1x256x16xf32, #tpu.memory_space<vmem>>
        %dma_start3A_708 = tpu.memref_squeeze %dma_start3A_707 : memref<1x256x16xf32, #tpu.memory_space<vmem>> -> memref<256x16xf32, #tpu.memory_space<vmem>>
        %dma_start3A_709 = arith.constant 0 : i32
        %dma_start3A_710 = tpu.memref_slice %arg7[%add3A_702, %dma_start3A_709] : memref<40x256xi32, #tpu.memory_space<vmem>> -> memref<1x256xi32, #tpu.memory_space<vmem>>
        %dma_start3A_711 = tpu.memref_squeeze %dma_start3A_710 : memref<1x256xi32, #tpu.memory_space<vmem>> -> memref<256xi32, #tpu.memory_space<vmem>>
        %dma_start3A_712 = arith.constant 0 : i32
        %dma_start3A_713 = arith.constant 0 : i32
        %dma_start3A_714 = tpu.memref_slice %arg2[%dma_start3A_712, %dma_start3A_713] : memref<10240x16xf32, #tpu.memory_space<hbm>> -> memref<10240x16xf32, #tpu.memory_space<hbm>>
        tpu.enqueue_indirect_dma source(%dma_start3A_714 : memref<10240x16xf32, #tpu.memory_space<hbm>>) target(%dma_start3A_708 : memref<256x16xf32, #tpu.memory_space<vmem>>) offsets(%dma_start3A_711 : memref<256xi32, #tpu.memory_space<vmem>>) semaphore(%arg11 : memref<!tpu.dma_semaphore, #tpu.memory_space<semaphore_mem>>)
        %add3A_715 = arith.constant 1 : i32
        %add3A_716 = arith.addi %add3A_256, %add3A_715 : i32
        %mul3A_717 = arith.constant 10 : i32
        %mul3A_718 = arith.muli %add3A_716, %mul3A_717 : i32
        %add3A_719 = arith.constant 7 : i32
        %add3A_720 = arith.addi %mul3A_718, %add3A_719 : i32
        %add3A_721 = arith.constant 7 : i32
        %add3A_722 = arith.addi %mul3A_262, %add3A_721 : i32
        %dma_start3A_723 = arith.constant 0 : i32
        %dma_start3A_724 = arith.constant 0 : i32
        %dma_start3A_725 = tpu.memref_slice %arg9[%add3A_722, %dma_start3A_723, %dma_start3A_724] : memref<20x256x16xf32, #tpu.memory_space<vmem>> -> memref<1x256x16xf32, #tpu.memory_space<vmem>>
        %dma_start3A_726 = tpu.memref_squeeze %dma_start3A_725 : memref<1x256x16xf32, #tpu.memory_space<vmem>> -> memref<256x16xf32, #tpu.memory_space<vmem>>
        %dma_start3A_727 = arith.constant 0 : i32
        %dma_start3A_728 = tpu.memref_slice %arg7[%add3A_720, %dma_start3A_727] : memref<40x256xi32, #tpu.memory_space<vmem>> -> memref<1x256xi32, #tpu.memory_space<vmem>>
        %dma_start3A_729 = tpu.memref_squeeze %dma_start3A_728 : memref<1x256xi32, #tpu.memory_space<vmem>> -> memref<256xi32, #tpu.memory_space<vmem>>
        %dma_start3A_730 = arith.constant 0 : i32
        %dma_start3A_731 = arith.constant 0 : i32
        %dma_start3A_732 = tpu.memref_slice %arg2[%dma_start3A_730, %dma_start3A_731] : memref<10240x16xf32, #tpu.memory_space<hbm>> -> memref<10240x16xf32, #tpu.memory_space<hbm>>
        tpu.enqueue_indirect_dma source(%dma_start3A_732 : memref<10240x16xf32, #tpu.memory_space<hbm>>) target(%dma_start3A_726 : memref<256x16xf32, #tpu.memory_space<vmem>>) offsets(%dma_start3A_729 : memref<256xi32, #tpu.memory_space<vmem>>) semaphore(%arg11 : memref<!tpu.dma_semaphore, #tpu.memory_space<semaphore_mem>>)
        %add3A_733 = arith.constant 1 : i32
        %add3A_734 = arith.addi %add3A_256, %add3A_733 : i32
        %mul3A_735 = arith.constant 10 : i32
        %mul3A_736 = arith.muli %add3A_734, %mul3A_735 : i32
        %add3A_737 = arith.constant 8 : i32
        %add3A_738 = arith.addi %mul3A_736, %add3A_737 : i32
        %add3A_739 = arith.constant 8 : i32
        %add3A_740 = arith.addi %mul3A_262, %add3A_739 : i32
        %dma_start3A_741 = arith.constant 0 : i32
        %dma_start3A_742 = arith.constant 0 : i32
        %dma_start3A_743 = tpu.memref_slice %arg9[%add3A_740, %dma_start3A_741, %dma_start3A_742] : memref<20x256x16xf32, #tpu.memory_space<vmem>> -> memref<1x256x16xf32, #tpu.memory_space<vmem>>
        %dma_start3A_744 = tpu.memref_squeeze %dma_start3A_743 : memref<1x256x16xf32, #tpu.memory_space<vmem>> -> memref<256x16xf32, #tpu.memory_space<vmem>>
        %dma_start3A_745 = arith.constant 0 : i32
        %dma_start3A_746 = tpu.memref_slice %arg7[%add3A_738, %dma_start3A_745] : memref<40x256xi32, #tpu.memory_space<vmem>> -> memref<1x256xi32, #tpu.memory_space<vmem>>
        %dma_start3A_747 = tpu.memref_squeeze %dma_start3A_746 : memref<1x256xi32, #tpu.memory_space<vmem>> -> memref<256xi32, #tpu.memory_space<vmem>>
        %dma_start3A_748 = arith.constant 0 : i32
        %dma_start3A_749 = arith.constant 0 : i32
        %dma_start3A_750 = tpu.memref_slice %arg2[%dma_start3A_748, %dma_start3A_749] : memref<10240x16xf32, #tpu.memory_space<hbm>> -> memref<10240x16xf32, #tpu.memory_space<hbm>>
        tpu.enqueue_indirect_dma source(%dma_start3A_750 : memref<10240x16xf32, #tpu.memory_space<hbm>>) target(%dma_start3A_744 : memref<256x16xf32, #tpu.memory_space<vmem>>) offsets(%dma_start3A_747 : memref<256xi32, #tpu.memory_space<vmem>>) semaphore(%arg11 : memref<!tpu.dma_semaphore, #tpu.memory_space<semaphore_mem>>)
        %add3A_751 = arith.constant 1 : i32
        %add3A_752 = arith.addi %add3A_256, %add3A_751 : i32
        %mul3A_753 = arith.constant 10 : i32
        %mul3A_754 = arith.muli %add3A_752, %mul3A_753 : i32
        %add3A_755 = arith.constant 9 : i32
        %add3A_756 = arith.addi %mul3A_754, %add3A_755 : i32
        %add3A_757 = arith.constant 9 : i32
        %add3A_758 = arith.addi %mul3A_262, %add3A_757 : i32
        %dma_start3A_759 = arith.constant 0 : i32
        %dma_start3A_760 = arith.constant 0 : i32
        %dma_start3A_761 = tpu.memref_slice %arg9[%add3A_758, %dma_start3A_759, %dma_start3A_760] : memref<20x256x16xf32, #tpu.memory_space<vmem>> -> memref<1x256x16xf32, #tpu.memory_space<vmem>>
        %dma_start3A_762 = tpu.memref_squeeze %dma_start3A_761 : memref<1x256x16xf32, #tpu.memory_space<vmem>> -> memref<256x16xf32, #tpu.memory_space<vmem>>
        %dma_start3A_763 = arith.constant 0 : i32
        %dma_start3A_764 = tpu.memref_slice %arg7[%add3A_756, %dma_start3A_763] : memref<40x256xi32, #tpu.memory_space<vmem>> -> memref<1x256xi32, #tpu.memory_space<vmem>>
        %dma_start3A_765 = tpu.memref_squeeze %dma_start3A_764 : memref<1x256xi32, #tpu.memory_space<vmem>> -> memref<256xi32, #tpu.memory_space<vmem>>
        %dma_start3A_766 = arith.constant 0 : i32
        %dma_start3A_767 = arith.constant 0 : i32
        %dma_start3A_768 = tpu.memref_slice %arg2[%dma_start3A_766, %dma_start3A_767] : memref<10240x16xf32, #tpu.memory_space<hbm>> -> memref<10240x16xf32, #tpu.memory_space<hbm>>
        tpu.enqueue_indirect_dma source(%dma_start3A_768 : memref<10240x16xf32, #tpu.memory_space<hbm>>) target(%dma_start3A_762 : memref<256x16xf32, #tpu.memory_space<vmem>>) offsets(%dma_start3A_765 : memref<256xi32, #tpu.memory_space<vmem>>) semaphore(%arg11 : memref<!tpu.dma_semaphore, #tpu.memory_space<semaphore_mem>>)
      } else {
      }
      %add3A_429 = arith.constant 0 : i32
      %add3A_430 = arith.addi %mul3A_259, %add3A_429 : i32
      %mul3A_431 = arith.constant 10 : i32
      %mul3A_432 = arith.muli %add3A_256, %mul3A_431 : i32
      %add3A_433 = arith.constant 0 : i32
      %add3A_434 = arith.addi %mul3A_432, %add3A_433 : i32
      %dma_start3A_435 = arith.constant 0 : i32
      %dma_start3A_436 = arith.constant 0 : i32
      %dma_start3A_437 = tpu.memref_slice %arg9[%add3A_430, %dma_start3A_435, %dma_start3A_436] : memref<20x256x16xf32, #tpu.memory_space<vmem>> -> memref<1x256x16xf32, #tpu.memory_space<vmem>>
      %dma_start3A_438 = tpu.memref_squeeze %dma_start3A_437 : memref<1x256x16xf32, #tpu.memory_space<vmem>> -> memref<256x16xf32, #tpu.memory_space<vmem>>
      %dma_start3A_439 = arith.constant 0 : i32
      %dma_start3A_440 = tpu.memref_slice %arg8[%add3A_434, %dma_start3A_439] : memref<40x256xi32, #tpu.memory_space<vmem>> -> memref<1x256xi32, #tpu.memory_space<vmem>>
      %dma_start3A_441 = tpu.memref_squeeze %dma_start3A_440 : memref<1x256xi32, #tpu.memory_space<vmem>> -> memref<256xi32, #tpu.memory_space<vmem>>
      %dma_start3A_442 = arith.constant 0 : i32
      %dma_start3A_443 = arith.constant 0 : i32
      %dma_start3A_444 = tpu.memref_slice %arg10[%dma_start3A_442, %dma_start3A_443] : memref<10240x16xf32, #tpu.memory_space<vmem_shared>> -> memref<10240x16xf32, #tpu.memory_space<vmem_shared>>
      tpu.enqueue_indirect_dma source(%dma_start3A_438 : memref<256x16xf32, #tpu.memory_space<vmem>>) target(%dma_start3A_444 : memref<10240x16xf32, #tpu.memory_space<vmem_shared>>) offsets(%dma_start3A_441 : memref<256xi32, #tpu.memory_space<vmem>>) semaphore(%arg12 : memref<!tpu.dma_semaphore, #tpu.memory_space<semaphore_mem>>) {add = true}
      %add3A_445 = arith.constant 1 : i32
      %add3A_446 = arith.addi %mul3A_259, %add3A_445 : i32
      %mul3A_447 = arith.constant 10 : i32
      %mul3A_448 = arith.muli %add3A_256, %mul3A_447 : i32
      %add3A_449 = arith.constant 1 : i32
      %add3A_450 = arith.addi %mul3A_448, %add3A_449 : i32
      %dma_start3A_451 = arith.constant 0 : i32
      %dma_start3A_452 = arith.constant 0 : i32
      %dma_start3A_453 = tpu.memref_slice %arg9[%add3A_446, %dma_start3A_451, %dma_start3A_452] : memref<20x256x16xf32, #tpu.memory_space<vmem>> -> memref<1x256x16xf32, #tpu.memory_space<vmem>>
      %dma_start3A_454 = tpu.memref_squeeze %dma_start3A_453 : memref<1x256x16xf32, #tpu.memory_space<vmem>> -> memref<256x16xf32, #tpu.memory_space<vmem>>
      %dma_start3A_455 = arith.constant 0 : i32
      %dma_start3A_456 = tpu.memref_slice %arg8[%add3A_450, %dma_start3A_455] : memref<40x256xi32, #tpu.memory_space<vmem>> -> memref<1x256xi32, #tpu.memory_space<vmem>>
      %dma_start3A_457 = tpu.memref_squeeze %dma_start3A_456 : memref<1x256xi32, #tpu.memory_space<vmem>> -> memref<256xi32, #tpu.memory_space<vmem>>
      %dma_start3A_458 = arith.constant 0 : i32
      %dma_start3A_459 = arith.constant 0 : i32
      %dma_start3A_460 = tpu.memref_slice %arg10[%dma_start3A_458, %dma_start3A_459] : memref<10240x16xf32, #tpu.memory_space<vmem_shared>> -> memref<10240x16xf32, #tpu.memory_space<vmem_shared>>
      tpu.enqueue_indirect_dma source(%dma_start3A_454 : memref<256x16xf32, #tpu.memory_space<vmem>>) target(%dma_start3A_460 : memref<10240x16xf32, #tpu.memory_space<vmem_shared>>) offsets(%dma_start3A_457 : memref<256xi32, #tpu.memory_space<vmem>>) semaphore(%arg12 : memref<!tpu.dma_semaphore, #tpu.memory_space<semaphore_mem>>) {add = true}
      %add3A_461 = arith.constant 2 : i32
      %add3A_462 = arith.addi %mul3A_259, %add3A_461 : i32
      %mul3A_463 = arith.constant 10 : i32
      %mul3A_464 = arith.muli %add3A_256, %mul3A_463 : i32
      %add3A_465 = arith.constant 2 : i32
      %add3A_466 = arith.addi %mul3A_464, %add3A_465 : i32
      %dma_start3A_467 = arith.constant 0 : i32
      %dma_start3A_468 = arith.constant 0 : i32
      %dma_start3A_469 = tpu.memref_slice %arg9[%add3A_462, %dma_start3A_467, %dma_start3A_468] : memref<20x256x16xf32, #tpu.memory_space<vmem>> -> memref<1x256x16xf32, #tpu.memory_space<vmem>>
      %dma_start3A_470 = tpu.memref_squeeze %dma_start3A_469 : memref<1x256x16xf32, #tpu.memory_space<vmem>> -> memref<256x16xf32, #tpu.memory_space<vmem>>
      %dma_start3A_471 = arith.constant 0 : i32
      %dma_start3A_472 = tpu.memref_slice %arg8[%add3A_466, %dma_start3A_471] : memref<40x256xi32, #tpu.memory_space<vmem>> -> memref<1x256xi32, #tpu.memory_space<vmem>>
      %dma_start3A_473 = tpu.memref_squeeze %dma_start3A_472 : memref<1x256xi32, #tpu.memory_space<vmem>> -> memref<256xi32, #tpu.memory_space<vmem>>
      %dma_start3A_474 = arith.constant 0 : i32
      %dma_start3A_475 = arith.constant 0 : i32
      %dma_start3A_476 = tpu.memref_slice %arg10[%dma_start3A_474, %dma_start3A_475] : memref<10240x16xf32, #tpu.memory_space<vmem_shared>> -> memref<10240x16xf32, #tpu.memory_space<vmem_shared>>
      tpu.enqueue_indirect_dma source(%dma_start3A_470 : memref<256x16xf32, #tpu.memory_space<vmem>>) target(%dma_start3A_476 : memref<10240x16xf32, #tpu.memory_space<vmem_shared>>) offsets(%dma_start3A_473 : memref<256xi32, #tpu.memory_space<vmem>>) semaphore(%arg12 : memref<!tpu.dma_semaphore, #tpu.memory_space<semaphore_mem>>) {add = true}
      %add3A_477 = arith.constant 3 : i32
      %add3A_478 = arith.addi %mul3A_259, %add3A_477 : i32
      %mul3A_479 = arith.constant 10 : i32
      %mul3A_480 = arith.muli %add3A_256, %mul3A_479 : i32
      %add3A_481 = arith.constant 3 : i32
      %add3A_482 = arith.addi %mul3A_480, %add3A_481 : i32
      %dma_start3A_483 = arith.constant 0 : i32
      %dma_start3A_484 = arith.constant 0 : i32
      %dma_start3A_485 = tpu.memref_slice %arg9[%add3A_478, %dma_start3A_483, %dma_start3A_484] : memref<20x256x16xf32, #tpu.memory_space<vmem>> -> memref<1x256x16xf32, #tpu.memory_space<vmem>>
      %dma_start3A_486 = tpu.memref_squeeze %dma_start3A_485 : memref<1x256x16xf32, #tpu.memory_space<vmem>> -> memref<256x16xf32, #tpu.memory_space<vmem>>
      %dma_start3A_487 = arith.constant 0 : i32
      %dma_start3A_488 = tpu.memref_slice %arg8[%add3A_482, %dma_start3A_487] : memref<40x256xi32, #tpu.memory_space<vmem>> -> memref<1x256xi32, #tpu.memory_space<vmem>>
      %dma_start3A_489 = tpu.memref_squeeze %dma_start3A_488 : memref<1x256xi32, #tpu.memory_space<vmem>> -> memref<256xi32, #tpu.memory_space<vmem>>
      %dma_start3A_490 = arith.constant 0 : i32
      %dma_start3A_491 = arith.constant 0 : i32
      %dma_start3A_492 = tpu.memref_slice %arg10[%dma_start3A_490, %dma_start3A_491] : memref<10240x16xf32, #tpu.memory_space<vmem_shared>> -> memref<10240x16xf32, #tpu.memory_space<vmem_shared>>
      tpu.enqueue_indirect_dma source(%dma_start3A_486 : memref<256x16xf32, #tpu.memory_space<vmem>>) target(%dma_start3A_492 : memref<10240x16xf32, #tpu.memory_space<vmem_shared>>) offsets(%dma_start3A_489 : memref<256xi32, #tpu.memory_space<vmem>>) semaphore(%arg12 : memref<!tpu.dma_semaphore, #tpu.memory_space<semaphore_mem>>) {add = true}
      %add3A_493 = arith.constant 4 : i32
      %add3A_494 = arith.addi %mul3A_259, %add3A_493 : i32
      %mul3A_495 = arith.constant 10 : i32
      %mul3A_496 = arith.muli %add3A_256, %mul3A_495 : i32
      %add3A_497 = arith.constant 4 : i32
      %add3A_498 = arith.addi %mul3A_496, %add3A_497 : i32
      %dma_start3A_499 = arith.constant 0 : i32
      %dma_start3A_500 = arith.constant 0 : i32
      %dma_start3A_501 = tpu.memref_slice %arg9[%add3A_494, %dma_start3A_499, %dma_start3A_500] : memref<20x256x16xf32, #tpu.memory_space<vmem>> -> memref<1x256x16xf32, #tpu.memory_space<vmem>>
      %dma_start3A_502 = tpu.memref_squeeze %dma_start3A_501 : memref<1x256x16xf32, #tpu.memory_space<vmem>> -> memref<256x16xf32, #tpu.memory_space<vmem>>
      %dma_start3A_503 = arith.constant 0 : i32
      %dma_start3A_504 = tpu.memref_slice %arg8[%add3A_498, %dma_start3A_503] : memref<40x256xi32, #tpu.memory_space<vmem>> -> memref<1x256xi32, #tpu.memory_space<vmem>>
      %dma_start3A_505 = tpu.memref_squeeze %dma_start3A_504 : memref<1x256xi32, #tpu.memory_space<vmem>> -> memref<256xi32, #tpu.memory_space<vmem>>
      %dma_start3A_506 = arith.constant 0 : i32
      %dma_start3A_507 = arith.constant 0 : i32
      %dma_start3A_508 = tpu.memref_slice %arg10[%dma_start3A_506, %dma_start3A_507] : memref<10240x16xf32, #tpu.memory_space<vmem_shared>> -> memref<10240x16xf32, #tpu.memory_space<vmem_shared>>
      tpu.enqueue_indirect_dma source(%dma_start3A_502 : memref<256x16xf32, #tpu.memory_space<vmem>>) target(%dma_start3A_508 : memref<10240x16xf32, #tpu.memory_space<vmem_shared>>) offsets(%dma_start3A_505 : memref<256xi32, #tpu.memory_space<vmem>>) semaphore(%arg12 : memref<!tpu.dma_semaphore, #tpu.memory_space<semaphore_mem>>) {add = true}
      %add3A_509 = arith.constant 5 : i32
      %add3A_510 = arith.addi %mul3A_259, %add3A_509 : i32
      %mul3A_511 = arith.constant 10 : i32
      %mul3A_512 = arith.muli %add3A_256, %mul3A_511 : i32
      %add3A_513 = arith.constant 5 : i32
      %add3A_514 = arith.addi %mul3A_512, %add3A_513 : i32
      %dma_start3A_515 = arith.constant 0 : i32
      %dma_start3A_516 = arith.constant 0 : i32
      %dma_start3A_517 = tpu.memref_slice %arg9[%add3A_510, %dma_start3A_515, %dma_start3A_516] : memref<20x256x16xf32, #tpu.memory_space<vmem>> -> memref<1x256x16xf32, #tpu.memory_space<vmem>>
      %dma_start3A_518 = tpu.memref_squeeze %dma_start3A_517 : memref<1x256x16xf32, #tpu.memory_space<vmem>> -> memref<256x16xf32, #tpu.memory_space<vmem>>
      %dma_start3A_519 = arith.constant 0 : i32
      %dma_start3A_520 = tpu.memref_slice %arg8[%add3A_514, %dma_start3A_519] : memref<40x256xi32, #tpu.memory_space<vmem>> -> memref<1x256xi32, #tpu.memory_space<vmem>>
      %dma_start3A_521 = tpu.memref_squeeze %dma_start3A_520 : memref<1x256xi32, #tpu.memory_space<vmem>> -> memref<256xi32, #tpu.memory_space<vmem>>
      %dma_start3A_522 = arith.constant 0 : i32
      %dma_start3A_523 = arith.constant 0 : i32
      %dma_start3A_524 = tpu.memref_slice %arg10[%dma_start3A_522, %dma_start3A_523] : memref<10240x16xf32, #tpu.memory_space<vmem_shared>> -> memref<10240x16xf32, #tpu.memory_space<vmem_shared>>
      tpu.enqueue_indirect_dma source(%dma_start3A_518 : memref<256x16xf32, #tpu.memory_space<vmem>>) target(%dma_start3A_524 : memref<10240x16xf32, #tpu.memory_space<vmem_shared>>) offsets(%dma_start3A_521 : memref<256xi32, #tpu.memory_space<vmem>>) semaphore(%arg12 : memref<!tpu.dma_semaphore, #tpu.memory_space<semaphore_mem>>) {add = true}
      %add3A_525 = arith.constant 6 : i32
      %add3A_526 = arith.addi %mul3A_259, %add3A_525 : i32
      %mul3A_527 = arith.constant 10 : i32
      %mul3A_528 = arith.muli %add3A_256, %mul3A_527 : i32
      %add3A_529 = arith.constant 6 : i32
      %add3A_530 = arith.addi %mul3A_528, %add3A_529 : i32
      %dma_start3A_531 = arith.constant 0 : i32
      %dma_start3A_532 = arith.constant 0 : i32
      %dma_start3A_533 = tpu.memref_slice %arg9[%add3A_526, %dma_start3A_531, %dma_start3A_532] : memref<20x256x16xf32, #tpu.memory_space<vmem>> -> memref<1x256x16xf32, #tpu.memory_space<vmem>>
      %dma_start3A_534 = tpu.memref_squeeze %dma_start3A_533 : memref<1x256x16xf32, #tpu.memory_space<vmem>> -> memref<256x16xf32, #tpu.memory_space<vmem>>
      %dma_start3A_535 = arith.constant 0 : i32
      %dma_start3A_536 = tpu.memref_slice %arg8[%add3A_530, %dma_start3A_535] : memref<40x256xi32, #tpu.memory_space<vmem>> -> memref<1x256xi32, #tpu.memory_space<vmem>>
      %dma_start3A_537 = tpu.memref_squeeze %dma_start3A_536 : memref<1x256xi32, #tpu.memory_space<vmem>> -> memref<256xi32, #tpu.memory_space<vmem>>
      %dma_start3A_538 = arith.constant 0 : i32
      %dma_start3A_539 = arith.constant 0 : i32
      %dma_start3A_540 = tpu.memref_slice %arg10[%dma_start3A_538, %dma_start3A_539] : memref<10240x16xf32, #tpu.memory_space<vmem_shared>> -> memref<10240x16xf32, #tpu.memory_space<vmem_shared>>
      tpu.enqueue_indirect_dma source(%dma_start3A_534 : memref<256x16xf32, #tpu.memory_space<vmem>>) target(%dma_start3A_540 : memref<10240x16xf32, #tpu.memory_space<vmem_shared>>) offsets(%dma_start3A_537 : memref<256xi32, #tpu.memory_space<vmem>>) semaphore(%arg12 : memref<!tpu.dma_semaphore, #tpu.memory_space<semaphore_mem>>) {add = true}
      %add3A_541 = arith.constant 7 : i32
      %add3A_542 = arith.addi %mul3A_259, %add3A_541 : i32
      %mul3A_543 = arith.constant 10 : i32
      %mul3A_544 = arith.muli %add3A_256, %mul3A_543 : i32
      %add3A_545 = arith.constant 7 : i32
      %add3A_546 = arith.addi %mul3A_544, %add3A_545 : i32
      %dma_start3A_547 = arith.constant 0 : i32
      %dma_start3A_548 = arith.constant 0 : i32
      %dma_start3A_549 = tpu.memref_slice %arg9[%add3A_542, %dma_start3A_547, %dma_start3A_548] : memref<20x256x16xf32, #tpu.memory_space<vmem>> -> memref<1x256x16xf32, #tpu.memory_space<vmem>>
      %dma_start3A_550 = tpu.memref_squeeze %dma_start3A_549 : memref<1x256x16xf32, #tpu.memory_space<vmem>> -> memref<256x16xf32, #tpu.memory_space<vmem>>
      %dma_start3A_551 = arith.constant 0 : i32
      %dma_start3A_552 = tpu.memref_slice %arg8[%add3A_546, %dma_start3A_551] : memref<40x256xi32, #tpu.memory_space<vmem>> -> memref<1x256xi32, #tpu.memory_space<vmem>>
      %dma_start3A_553 = tpu.memref_squeeze %dma_start3A_552 : memref<1x256xi32, #tpu.memory_space<vmem>> -> memref<256xi32, #tpu.memory_space<vmem>>
      %dma_start3A_554 = arith.constant 0 : i32
      %dma_start3A_555 = arith.constant 0 : i32
      %dma_start3A_556 = tpu.memref_slice %arg10[%dma_start3A_554, %dma_start3A_555] : memref<10240x16xf32, #tpu.memory_space<vmem_shared>> -> memref<10240x16xf32, #tpu.memory_space<vmem_shared>>
      tpu.enqueue_indirect_dma source(%dma_start3A_550 : memref<256x16xf32, #tpu.memory_space<vmem>>) target(%dma_start3A_556 : memref<10240x16xf32, #tpu.memory_space<vmem_shared>>) offsets(%dma_start3A_553 : memref<256xi32, #tpu.memory_space<vmem>>) semaphore(%arg12 : memref<!tpu.dma_semaphore, #tpu.memory_space<semaphore_mem>>) {add = true}
      %add3A_557 = arith.constant 8 : i32
      %add3A_558 = arith.addi %mul3A_259, %add3A_557 : i32
      %mul3A_559 = arith.constant 10 : i32
      %mul3A_560 = arith.muli %add3A_256, %mul3A_559 : i32
      %add3A_561 = arith.constant 8 : i32
      %add3A_562 = arith.addi %mul3A_560, %add3A_561 : i32
      %dma_start3A_563 = arith.constant 0 : i32
      %dma_start3A_564 = arith.constant 0 : i32
      %dma_start3A_565 = tpu.memref_slice %arg9[%add3A_558, %dma_start3A_563, %dma_start3A_564] : memref<20x256x16xf32, #tpu.memory_space<vmem>> -> memref<1x256x16xf32, #tpu.memory_space<vmem>>
      %dma_start3A_566 = tpu.memref_squeeze %dma_start3A_565 : memref<1x256x16xf32, #tpu.memory_space<vmem>> -> memref<256x16xf32, #tpu.memory_space<vmem>>
      %dma_start3A_567 = arith.constant 0 : i32
      %dma_start3A_568 = tpu.memref_slice %arg8[%add3A_562, %dma_start3A_567] : memref<40x256xi32, #tpu.memory_space<vmem>> -> memref<1x256xi32, #tpu.memory_space<vmem>>
      %dma_start3A_569 = tpu.memref_squeeze %dma_start3A_568 : memref<1x256xi32, #tpu.memory_space<vmem>> -> memref<256xi32, #tpu.memory_space<vmem>>
      %dma_start3A_570 = arith.constant 0 : i32
      %dma_start3A_571 = arith.constant 0 : i32
      %dma_start3A_572 = tpu.memref_slice %arg10[%dma_start3A_570, %dma_start3A_571] : memref<10240x16xf32, #tpu.memory_space<vmem_shared>> -> memref<10240x16xf32, #tpu.memory_space<vmem_shared>>
      tpu.enqueue_indirect_dma source(%dma_start3A_566 : memref<256x16xf32, #tpu.memory_space<vmem>>) target(%dma_start3A_572 : memref<10240x16xf32, #tpu.memory_space<vmem_shared>>) offsets(%dma_start3A_569 : memref<256xi32, #tpu.memory_space<vmem>>) semaphore(%arg12 : memref<!tpu.dma_semaphore, #tpu.memory_space<semaphore_mem>>) {add = true}
      %add3A_573 = arith.constant 9 : i32
      %add3A_574 = arith.addi %mul3A_259, %add3A_573 : i32
      %mul3A_575 = arith.constant 10 : i32
      %mul3A_576 = arith.muli %add3A_256, %mul3A_575 : i32
      %add3A_577 = arith.constant 9 : i32
      %add3A_578 = arith.addi %mul3A_576, %add3A_577 : i32
      %dma_start3A_579 = arith.constant 0 : i32
      %dma_start3A_580 = arith.constant 0 : i32
      %dma_start3A_581 = tpu.memref_slice %arg9[%add3A_574, %dma_start3A_579, %dma_start3A_580] : memref<20x256x16xf32, #tpu.memory_space<vmem>> -> memref<1x256x16xf32, #tpu.memory_space<vmem>>
      %dma_start3A_582 = tpu.memref_squeeze %dma_start3A_581 : memref<1x256x16xf32, #tpu.memory_space<vmem>> -> memref<256x16xf32, #tpu.memory_space<vmem>>
      %dma_start3A_583 = arith.constant 0 : i32
      %dma_start3A_584 = tpu.memref_slice %arg8[%add3A_578, %dma_start3A_583] : memref<40x256xi32, #tpu.memory_space<vmem>> -> memref<1x256xi32, #tpu.memory_space<vmem>>
      %dma_start3A_585 = tpu.memref_squeeze %dma_start3A_584 : memref<1x256xi32, #tpu.memory_space<vmem>> -> memref<256xi32, #tpu.memory_space<vmem>>
      %dma_start3A_586 = arith.constant 0 : i32
      %dma_start3A_587 = arith.constant 0 : i32
      %dma_start3A_588 = tpu.memref_slice %arg10[%dma_start3A_586, %dma_start3A_587] : memref<10240x16xf32, #tpu.memory_space<vmem_shared>> -> memref<10240x16xf32, #tpu.memory_space<vmem_shared>>
      tpu.enqueue_indirect_dma source(%dma_start3A_582 : memref<256x16xf32, #tpu.memory_space<vmem>>) target(%dma_start3A_588 : memref<10240x16xf32, #tpu.memory_space<vmem_shared>>) offsets(%dma_start3A_585 : memref<256xi32, #tpu.memory_space<vmem>>) semaphore(%arg12 : memref<!tpu.dma_semaphore, #tpu.memory_space<semaphore_mem>>) {add = true}
    }
    %scan3A_127 = arith.constant 4 : i32
    %dma_wait3A = arith.constant 10 : i32
    %dma_wait3A_128 = arith.constant 30 : i32
    %dma_wait3A_129 = arith.constant 0 : i32
    %dma_wait3A_130 = arith.constant 0 : i32
    %dma_wait3A_131 = tpu.memref_slice %arg9[%dma_wait3A, %dma_wait3A_129, %dma_wait3A_130] : memref<20x256x16xf32, #tpu.memory_space<vmem>> -> memref<1x256x16xf32, #tpu.memory_space<vmem>>
    %dma_wait3A_132 = tpu.memref_squeeze %dma_wait3A_131 : memref<1x256x16xf32, #tpu.memory_space<vmem>> -> memref<256x16xf32, #tpu.memory_space<vmem>>
    %dma_wait3A_133 = arith.constant 0 : i32
    %dma_wait3A_134 = tpu.memref_slice %arg8[%dma_wait3A_128, %dma_wait3A_133] : memref<40x256xi32, #tpu.memory_space<vmem>> -> memref<1x256xi32, #tpu.memory_space<vmem>>
    %dma_wait3A_135 = tpu.memref_squeeze %dma_wait3A_134 : memref<1x256xi32, #tpu.memory_space<vmem>> -> memref<256xi32, #tpu.memory_space<vmem>>
    %dma_wait3A_136 = arith.constant 0 : i32
    %dma_wait3A_137 = arith.constant 0 : i32
    %dma_wait3A_138 = tpu.memref_slice %arg10[%dma_wait3A_136, %dma_wait3A_137] : memref<10240x16xf32, #tpu.memory_space<vmem_shared>> -> memref<10240x16xf32, #tpu.memory_space<vmem_shared>>
    tpu.wait_indirect_dma semaphore(%arg12 : memref<!tpu.dma_semaphore, #tpu.memory_space<semaphore_mem>>) src(%dma_wait3A_132 : memref<256x16xf32, #tpu.memory_space<vmem>>) dst(%dma_wait3A_138 : memref<10240x16xf32, #tpu.memory_space<vmem_shared>>)
    %dma_wait3A_139 = arith.constant 11 : i32
    %dma_wait3A_140 = arith.constant 31 : i32
    %dma_wait3A_141 = arith.constant 0 : i32
    %dma_wait3A_142 = arith.constant 0 : i32
    %dma_wait3A_143 = tpu.memref_slice %arg9[%dma_wait3A_139, %dma_wait3A_141, %dma_wait3A_142] : memref<20x256x16xf32, #tpu.memory_space<vmem>> -> memref<1x256x16xf32, #tpu.memory_space<vmem>>
    %dma_wait3A_144 = tpu.memref_squeeze %dma_wait3A_143 : memref<1x256x16xf32, #tpu.memory_space<vmem>> -> memref<256x16xf32, #tpu.memory_space<vmem>>
    %dma_wait3A_145 = arith.constant 0 : i32
    %dma_wait3A_146 = tpu.memref_slice %arg8[%dma_wait3A_140, %dma_wait3A_145] : memref<40x256xi32, #tpu.memory_space<vmem>> -> memref<1x256xi32, #tpu.memory_space<vmem>>
    %dma_wait3A_147 = tpu.memref_squeeze %dma_wait3A_146 : memref<1x256xi32, #tpu.memory_space<vmem>> -> memref<256xi32, #tpu.memory_space<vmem>>
    %dma_wait3A_148 = arith.constant 0 : i32
    %dma_wait3A_149 = arith.constant 0 : i32
    %dma_wait3A_150 = tpu.memref_slice %arg10[%dma_wait3A_148, %dma_wait3A_149] : memref<10240x16xf32, #tpu.memory_space<vmem_shared>> -> memref<10240x16xf32, #tpu.memory_space<vmem_shared>>
    tpu.wait_indirect_dma semaphore(%arg12 : memref<!tpu.dma_semaphore, #tpu.memory_space<semaphore_mem>>) src(%dma_wait3A_144 : memref<256x16xf32, #tpu.memory_space<vmem>>) dst(%dma_wait3A_150 : memref<10240x16xf32, #tpu.memory_space<vmem_shared>>)
    %dma_wait3A_151 = arith.constant 12 : i32
    %dma_wait3A_152 = arith.constant 32 : i32
    %dma_wait3A_153 = arith.constant 0 : i32
    %dma_wait3A_154 = arith.constant 0 : i32
    %dma_wait3A_155 = tpu.memref_slice %arg9[%dma_wait3A_151, %dma_wait3A_153, %dma_wait3A_154] : memref<20x256x16xf32, #tpu.memory_space<vmem>> -> memref<1x256x16xf32, #tpu.memory_space<vmem>>
    %dma_wait3A_156 = tpu.memref_squeeze %dma_wait3A_155 : memref<1x256x16xf32, #tpu.memory_space<vmem>> -> memref<256x16xf32, #tpu.memory_space<vmem>>
    %dma_wait3A_157 = arith.constant 0 : i32
    %dma_wait3A_158 = tpu.memref_slice %arg8[%dma_wait3A_152, %dma_wait3A_157] : memref<40x256xi32, #tpu.memory_space<vmem>> -> memref<1x256xi32, #tpu.memory_space<vmem>>
    %dma_wait3A_159 = tpu.memref_squeeze %dma_wait3A_158 : memref<1x256xi32, #tpu.memory_space<vmem>> -> memref<256xi32, #tpu.memory_space<vmem>>
    %dma_wait3A_160 = arith.constant 0 : i32
    %dma_wait3A_161 = arith.constant 0 : i32
    %dma_wait3A_162 = tpu.memref_slice %arg10[%dma_wait3A_160, %dma_wait3A_161] : memref<10240x16xf32, #tpu.memory_space<vmem_shared>> -> memref<10240x16xf32, #tpu.memory_space<vmem_shared>>
    tpu.wait_indirect_dma semaphore(%arg12 : memref<!tpu.dma_semaphore, #tpu.memory_space<semaphore_mem>>) src(%dma_wait3A_156 : memref<256x16xf32, #tpu.memory_space<vmem>>) dst(%dma_wait3A_162 : memref<10240x16xf32, #tpu.memory_space<vmem_shared>>)
    %dma_wait3A_163 = arith.constant 13 : i32
    %dma_wait3A_164 = arith.constant 33 : i32
    %dma_wait3A_165 = arith.constant 0 : i32
    %dma_wait3A_166 = arith.constant 0 : i32
    %dma_wait3A_167 = tpu.memref_slice %arg9[%dma_wait3A_163, %dma_wait3A_165, %dma_wait3A_166] : memref<20x256x16xf32, #tpu.memory_space<vmem>> -> memref<1x256x16xf32, #tpu.memory_space<vmem>>
    %dma_wait3A_168 = tpu.memref_squeeze %dma_wait3A_167 : memref<1x256x16xf32, #tpu.memory_space<vmem>> -> memref<256x16xf32, #tpu.memory_space<vmem>>
    %dma_wait3A_169 = arith.constant 0 : i32
    %dma_wait3A_170 = tpu.memref_slice %arg8[%dma_wait3A_164, %dma_wait3A_169] : memref<40x256xi32, #tpu.memory_space<vmem>> -> memref<1x256xi32, #tpu.memory_space<vmem>>
    %dma_wait3A_171 = tpu.memref_squeeze %dma_wait3A_170 : memref<1x256xi32, #tpu.memory_space<vmem>> -> memref<256xi32, #tpu.memory_space<vmem>>
    %dma_wait3A_172 = arith.constant 0 : i32
    %dma_wait3A_173 = arith.constant 0 : i32
    %dma_wait3A_174 = tpu.memref_slice %arg10[%dma_wait3A_172, %dma_wait3A_173] : memref<10240x16xf32, #tpu.memory_space<vmem_shared>> -> memref<10240x16xf32, #tpu.memory_space<vmem_shared>>
    tpu.wait_indirect_dma semaphore(%arg12 : memref<!tpu.dma_semaphore, #tpu.memory_space<semaphore_mem>>) src(%dma_wait3A_168 : memref<256x16xf32, #tpu.memory_space<vmem>>) dst(%dma_wait3A_174 : memref<10240x16xf32, #tpu.memory_space<vmem_shared>>)
    %dma_wait3A_175 = arith.constant 14 : i32
    %dma_wait3A_176 = arith.constant 34 : i32
    %dma_wait3A_177 = arith.constant 0 : i32
    %dma_wait3A_178 = arith.constant 0 : i32
    %dma_wait3A_179 = tpu.memref_slice %arg9[%dma_wait3A_175, %dma_wait3A_177, %dma_wait3A_178] : memref<20x256x16xf32, #tpu.memory_space<vmem>> -> memref<1x256x16xf32, #tpu.memory_space<vmem>>
    %dma_wait3A_180 = tpu.memref_squeeze %dma_wait3A_179 : memref<1x256x16xf32, #tpu.memory_space<vmem>> -> memref<256x16xf32, #tpu.memory_space<vmem>>
    %dma_wait3A_181 = arith.constant 0 : i32
    %dma_wait3A_182 = tpu.memref_slice %arg8[%dma_wait3A_176, %dma_wait3A_181] : memref<40x256xi32, #tpu.memory_space<vmem>> -> memref<1x256xi32, #tpu.memory_space<vmem>>
    %dma_wait3A_183 = tpu.memref_squeeze %dma_wait3A_182 : memref<1x256xi32, #tpu.memory_space<vmem>> -> memref<256xi32, #tpu.memory_space<vmem>>
    %dma_wait3A_184 = arith.constant 0 : i32
    %dma_wait3A_185 = arith.constant 0 : i32
    %dma_wait3A_186 = tpu.memref_slice %arg10[%dma_wait3A_184, %dma_wait3A_185] : memref<10240x16xf32, #tpu.memory_space<vmem_shared>> -> memref<10240x16xf32, #tpu.memory_space<vmem_shared>>
    tpu.wait_indirect_dma semaphore(%arg12 : memref<!tpu.dma_semaphore, #tpu.memory_space<semaphore_mem>>) src(%dma_wait3A_180 : memref<256x16xf32, #tpu.memory_space<vmem>>) dst(%dma_wait3A_186 : memref<10240x16xf32, #tpu.memory_space<vmem_shared>>)
    %dma_wait3A_187 = arith.constant 15 : i32
    %dma_wait3A_188 = arith.constant 35 : i32
    %dma_wait3A_189 = arith.constant 0 : i32
    %dma_wait3A_190 = arith.constant 0 : i32
    %dma_wait3A_191 = tpu.memref_slice %arg9[%dma_wait3A_187, %dma_wait3A_189, %dma_wait3A_190] : memref<20x256x16xf32, #tpu.memory_space<vmem>> -> memref<1x256x16xf32, #tpu.memory_space<vmem>>
    %dma_wait3A_192 = tpu.memref_squeeze %dma_wait3A_191 : memref<1x256x16xf32, #tpu.memory_space<vmem>> -> memref<256x16xf32, #tpu.memory_space<vmem>>
    %dma_wait3A_193 = arith.constant 0 : i32
    %dma_wait3A_194 = tpu.memref_slice %arg8[%dma_wait3A_188, %dma_wait3A_193] : memref<40x256xi32, #tpu.memory_space<vmem>> -> memref<1x256xi32, #tpu.memory_space<vmem>>
    %dma_wait3A_195 = tpu.memref_squeeze %dma_wait3A_194 : memref<1x256xi32, #tpu.memory_space<vmem>> -> memref<256xi32, #tpu.memory_space<vmem>>
    %dma_wait3A_196 = arith.constant 0 : i32
    %dma_wait3A_197 = arith.constant 0 : i32
    %dma_wait3A_198 = tpu.memref_slice %arg10[%dma_wait3A_196, %dma_wait3A_197] : memref<10240x16xf32, #tpu.memory_space<vmem_shared>> -> memref<10240x16xf32, #tpu.memory_space<vmem_shared>>
    tpu.wait_indirect_dma semaphore(%arg12 : memref<!tpu.dma_semaphore, #tpu.memory_space<semaphore_mem>>) src(%dma_wait3A_192 : memref<256x16xf32, #tpu.memory_space<vmem>>) dst(%dma_wait3A_198 : memref<10240x16xf32, #tpu.memory_space<vmem_shared>>)
    %dma_wait3A_199 = arith.constant 16 : i32
    %dma_wait3A_200 = arith.constant 36 : i32
    %dma_wait3A_201 = arith.constant 0 : i32
    %dma_wait3A_202 = arith.constant 0 : i32
    %dma_wait3A_203 = tpu.memref_slice %arg9[%dma_wait3A_199, %dma_wait3A_201, %dma_wait3A_202] : memref<20x256x16xf32, #tpu.memory_space<vmem>> -> memref<1x256x16xf32, #tpu.memory_space<vmem>>
    %dma_wait3A_204 = tpu.memref_squeeze %dma_wait3A_203 : memref<1x256x16xf32, #tpu.memory_space<vmem>> -> memref<256x16xf32, #tpu.memory_space<vmem>>
    %dma_wait3A_205 = arith.constant 0 : i32
    %dma_wait3A_206 = tpu.memref_slice %arg8[%dma_wait3A_200, %dma_wait3A_205] : memref<40x256xi32, #tpu.memory_space<vmem>> -> memref<1x256xi32, #tpu.memory_space<vmem>>
    %dma_wait3A_207 = tpu.memref_squeeze %dma_wait3A_206 : memref<1x256xi32, #tpu.memory_space<vmem>> -> memref<256xi32, #tpu.memory_space<vmem>>
    %dma_wait3A_208 = arith.constant 0 : i32
    %dma_wait3A_209 = arith.constant 0 : i32
    %dma_wait3A_210 = tpu.memref_slice %arg10[%dma_wait3A_208, %dma_wait3A_209] : memref<10240x16xf32, #tpu.memory_space<vmem_shared>> -> memref<10240x16xf32, #tpu.memory_space<vmem_shared>>
    tpu.wait_indirect_dma semaphore(%arg12 : memref<!tpu.dma_semaphore, #tpu.memory_space<semaphore_mem>>) src(%dma_wait3A_204 : memref<256x16xf32, #tpu.memory_space<vmem>>) dst(%dma_wait3A_210 : memref<10240x16xf32, #tpu.memory_space<vmem_shared>>)
    %dma_wait3A_211 = arith.constant 17 : i32
    %dma_wait3A_212 = arith.constant 37 : i32
    %dma_wait3A_213 = arith.constant 0 : i32
    %dma_wait3A_214 = arith.constant 0 : i32
    %dma_wait3A_215 = tpu.memref_slice %arg9[%dma_wait3A_211, %dma_wait3A_213, %dma_wait3A_214] : memref<20x256x16xf32, #tpu.memory_space<vmem>> -> memref<1x256x16xf32, #tpu.memory_space<vmem>>
    %dma_wait3A_216 = tpu.memref_squeeze %dma_wait3A_215 : memref<1x256x16xf32, #tpu.memory_space<vmem>> -> memref<256x16xf32, #tpu.memory_space<vmem>>
    %dma_wait3A_217 = arith.constant 0 : i32
    %dma_wait3A_218 = tpu.memref_slice %arg8[%dma_wait3A_212, %dma_wait3A_217] : memref<40x256xi32, #tpu.memory_space<vmem>> -> memref<1x256xi32, #tpu.memory_space<vmem>>
    %dma_wait3A_219 = tpu.memref_squeeze %dma_wait3A_218 : memref<1x256xi32, #tpu.memory_space<vmem>> -> memref<256xi32, #tpu.memory_space<vmem>>
    %dma_wait3A_220 = arith.constant 0 : i32
    %dma_wait3A_221 = arith.constant 0 : i32
    %dma_wait3A_222 = tpu.memref_slice %arg10[%dma_wait3A_220, %dma_wait3A_221] : memref<10240x16xf32, #tpu.memory_space<vmem_shared>> -> memref<10240x16xf32, #tpu.memory_space<vmem_shared>>
    tpu.wait_indirect_dma semaphore(%arg12 : memref<!tpu.dma_semaphore, #tpu.memory_space<semaphore_mem>>) src(%dma_wait3A_216 : memref<256x16xf32, #tpu.memory_space<vmem>>) dst(%dma_wait3A_222 : memref<10240x16xf32, #tpu.memory_space<vmem_shared>>)
    %dma_wait3A_223 = arith.constant 18 : i32
    %dma_wait3A_224 = arith.constant 38 : i32
    %dma_wait3A_225 = arith.constant 0 : i32
    %dma_wait3A_226 = arith.constant 0 : i32
    %dma_wait3A_227 = tpu.memref_slice %arg9[%dma_wait3A_223, %dma_wait3A_225, %dma_wait3A_226] : memref<20x256x16xf32, #tpu.memory_space<vmem>> -> memref<1x256x16xf32, #tpu.memory_space<vmem>>
    %dma_wait3A_228 = tpu.memref_squeeze %dma_wait3A_227 : memref<1x256x16xf32, #tpu.memory_space<vmem>> -> memref<256x16xf32, #tpu.memory_space<vmem>>
    %dma_wait3A_229 = arith.constant 0 : i32
    %dma_wait3A_230 = tpu.memref_slice %arg8[%dma_wait3A_224, %dma_wait3A_229] : memref<40x256xi32, #tpu.memory_space<vmem>> -> memref<1x256xi32, #tpu.memory_space<vmem>>
    %dma_wait3A_231 = tpu.memref_squeeze %dma_wait3A_230 : memref<1x256xi32, #tpu.memory_space<vmem>> -> memref<256xi32, #tpu.memory_space<vmem>>
    %dma_wait3A_232 = arith.constant 0 : i32
    %dma_wait3A_233 = arith.constant 0 : i32
    %dma_wait3A_234 = tpu.memref_slice %arg10[%dma_wait3A_232, %dma_wait3A_233] : memref<10240x16xf32, #tpu.memory_space<vmem_shared>> -> memref<10240x16xf32, #tpu.memory_space<vmem_shared>>
    tpu.wait_indirect_dma semaphore(%arg12 : memref<!tpu.dma_semaphore, #tpu.memory_space<semaphore_mem>>) src(%dma_wait3A_228 : memref<256x16xf32, #tpu.memory_space<vmem>>) dst(%dma_wait3A_234 : memref<10240x16xf32, #tpu.memory_space<vmem_shared>>)
    %dma_wait3A_235 = arith.constant 19 : i32
    %dma_wait3A_236 = arith.constant 39 : i32
    %dma_wait3A_237 = arith.constant 0 : i32
    %dma_wait3A_238 = arith.constant 0 : i32
    %dma_wait3A_239 = tpu.memref_slice %arg9[%dma_wait3A_235, %dma_wait3A_237, %dma_wait3A_238] : memref<20x256x16xf32, #tpu.memory_space<vmem>> -> memref<1x256x16xf32, #tpu.memory_space<vmem>>
    %dma_wait3A_240 = tpu.memref_squeeze %dma_wait3A_239 : memref<1x256x16xf32, #tpu.memory_space<vmem>> -> memref<256x16xf32, #tpu.memory_space<vmem>>
    %dma_wait3A_241 = arith.constant 0 : i32
    %dma_wait3A_242 = tpu.memref_slice %arg8[%dma_wait3A_236, %dma_wait3A_241] : memref<40x256xi32, #tpu.memory_space<vmem>> -> memref<1x256xi32, #tpu.memory_space<vmem>>
    %dma_wait3A_243 = tpu.memref_squeeze %dma_wait3A_242 : memref<1x256xi32, #tpu.memory_space<vmem>> -> memref<256xi32, #tpu.memory_space<vmem>>
    %dma_wait3A_244 = arith.constant 0 : i32
    %dma_wait3A_245 = arith.constant 0 : i32
    %dma_wait3A_246 = tpu.memref_slice %arg10[%dma_wait3A_244, %dma_wait3A_245] : memref<10240x16xf32, #tpu.memory_space<vmem_shared>> -> memref<10240x16xf32, #tpu.memory_space<vmem_shared>>
    tpu.wait_indirect_dma semaphore(%arg12 : memref<!tpu.dma_semaphore, #tpu.memory_space<semaphore_mem>>) src(%dma_wait3A_240 : memref<256x16xf32, #tpu.memory_space<vmem>>) dst(%dma_wait3A_246 : memref<10240x16xf32, #tpu.memory_space<vmem_shared>>)
    %barrier3A_247 = arith.constant 0 : index
    tpu.barrier barrier_id(%barrier3A_247)
    %mul3A_248 = arith.constant 640 : i32
    %mul3A_249 = arith.muli %arg1, %mul3A_248 : i32
    %mul3A_250 = arith.constant 640 : i32
    %mul3A_251 = arith.muli %arg1, %mul3A_250 : i32
    "tpu.region"() ({
      %run_scoped3A = tpu.sem_alloc : memref<!tpu.dma_semaphore, #tpu.memory_space<semaphore_mem>>
      %dma_start3A_252 = arith.constant 0 : i32
      %dma_start3A_253 = tpu.memref_slice %arg6[%arg0, %mul3A_251, %dma_start3A_252] : memref<2x10240x16xf32, #tpu.memory_space<hbm>> -> memref<1x640x16xf32, #tpu.memory_space<hbm>>
      %dma_start3A_254 = tpu.memref_squeeze %dma_start3A_253 : memref<1x640x16xf32, #tpu.memory_space<hbm>> -> memref<640x16xf32, #tpu.memory_space<hbm>>
      %dma_start3A_255 = arith.constant 0 : i32
      %dma_start3A_256 = tpu.memref_slice %arg10[%mul3A_249, %dma_start3A_255] : memref<10240x16xf32, #tpu.memory_space<vmem_shared>> -> memref<640x16xf32, #tpu.memory_space<vmem_shared>>
      tpu.enqueue_dma source(%dma_start3A_256 : memref<640x16xf32, #tpu.memory_space<vmem_shared>>) target(%dma_start3A_254 : memref<640x16xf32, #tpu.memory_space<hbm>>) target_semaphore(%run_scoped3A : memref<!tpu.dma_semaphore, #tpu.memory_space<semaphore_mem>>)
      %dma_wait3A_257 = arith.constant 0 : i32
      %dma_wait3A_258 = tpu.memref_slice %arg6[%arg0, %mul3A_251, %dma_wait3A_257] : memref<2x10240x16xf32, #tpu.memory_space<hbm>> -> memref<1x640x16xf32, #tpu.memory_space<hbm>>
      %dma_wait3A_259 = tpu.memref_squeeze %dma_wait3A_258 : memref<1x640x16xf32, #tpu.memory_space<hbm>> -> memref<640x16xf32, #tpu.memory_space<hbm>>
      %dma_wait3A_260 = arith.constant 0 : i32
      %dma_wait3A_261 = tpu.memref_slice %arg10[%mul3A_249, %dma_wait3A_260] : memref<10240x16xf32, #tpu.memory_space<vmem_shared>> -> memref<640x16xf32, #tpu.memory_space<vmem_shared>>
      tpu.wait_dma2 semaphore(%run_scoped3A : memref<!tpu.dma_semaphore, #tpu.memory_space<semaphore_mem>>) src(%dma_wait3A_261 : memref<640x16xf32, #tpu.memory_space<vmem_shared>>) dst(%dma_wait3A_259 : memref<640x16xf32, #tpu.memory_space<hbm>>)
      tpu.yield
    }) : () -> ()
    return
  }
}

#map = affine_map<(d0, d1) -> (0, 0)>
#map1 = affine_map<(d0, d1) -> (0, 0, 0)>
module attributes {stable_mosaic.version = 14 : i64} {
  func.func @body(%arg0: i32, %arg1: i32, %arg2: memref<256x16xf32, #tpu.memory_space<hbm>>, %arg3: memref<32x40x256xi32, #tpu.memory_space<hbm>>, %arg4: memref<10240x16xf32, #tpu.memory_space<hbm>>, %arg5: memref<2x10240x16xf32, #tpu.memory_space<hbm>>, %arg6: memref<40x256xi32, #tpu.memory_space<vmem>>, %arg7: memref<256x16xf32, #tpu.memory_space<vmem>>, %arg8: memref<10240x16xf32, #tpu.memory_space<vmem_shared>>, %arg9: memref<!tpu.dma_semaphore, #tpu.memory_space<semaphore_mem>>) attributes {dimension_semantics = [#tpu.dimension_semantics<core_parallel>, #tpu.dimension_semantics<subcore_parallel>], iteration_bounds = array<i64: 2, 16>, scalar_prefetch = 0 : i64, scratch_operands = 4 : i64, tpu.core_type = #tpu.core_type<sc_vector_subcore>, window_params = [{transform_indices = #map}, {transform_indices = #map1}, {transform_indices = #map}, {transform_indices = #map1}]} {
    %mul3A = arith.constant 2 : i32
    %mul3A_0 = arith.muli %arg1, %mul3A : i32
    %add3A = arith.addi %mul3A_0, %arg0 : i32
    "tpu.region"() ({
      %run_scoped3A = tpu.sem_alloc : memref<!tpu.dma_semaphore, #tpu.memory_space<semaphore_mem>>
      %dma_start3A = arith.constant 0 : i32
      %dma_start3A_14 = arith.constant 0 : i32
      %dma_start3A_15 = tpu.memref_slice %arg3[%add3A, %dma_start3A, %dma_start3A_14] : memref<32x40x256xi32, #tpu.memory_space<hbm>> -> memref<1x40x256xi32, #tpu.memory_space<hbm>>
      %dma_start3A_16 = tpu.memref_squeeze %dma_start3A_15 : memref<1x40x256xi32, #tpu.memory_space<hbm>> -> memref<40x256xi32, #tpu.memory_space<hbm>>
      %dma_start3A_17 = arith.constant 0 : i32
      %dma_start3A_18 = arith.constant 0 : i32
      %dma_start3A_19 = tpu.memref_slice %arg3[%add3A, %dma_start3A_17, %dma_start3A_18] : memref<32x40x256xi32, #tpu.memory_space<hbm>> -> memref<1x40x256xi32, #tpu.memory_space<hbm>>
      %dma_start3A_20 = tpu.memref_squeeze %dma_start3A_19 : memref<1x40x256xi32, #tpu.memory_space<hbm>> -> memref<40x256xi32, #tpu.memory_space<hbm>>
      tpu.enqueue_dma source(%dma_start3A_20 : memref<40x256xi32, #tpu.memory_space<hbm>>) target(%arg6 : memref<40x256xi32, #tpu.memory_space<vmem>>) target_semaphore(%run_scoped3A : memref<!tpu.dma_semaphore, #tpu.memory_space<semaphore_mem>>)
      %dma_wait3A = arith.constant 0 : i32
      %dma_wait3A_21 = arith.constant 0 : i32
      %dma_wait3A_22 = tpu.memref_slice %arg3[%add3A, %dma_wait3A, %dma_wait3A_21] : memref<32x40x256xi32, #tpu.memory_space<hbm>> -> memref<1x40x256xi32, #tpu.memory_space<hbm>>
      %dma_wait3A_23 = tpu.memref_squeeze %dma_wait3A_22 : memref<1x40x256xi32, #tpu.memory_space<hbm>> -> memref<40x256xi32, #tpu.memory_space<hbm>>
      %dma_wait3A_24 = arith.constant 0 : i32
      %dma_wait3A_25 = arith.constant 0 : i32
      %dma_wait3A_26 = tpu.memref_slice %arg3[%add3A, %dma_wait3A_24, %dma_wait3A_25] : memref<32x40x256xi32, #tpu.memory_space<hbm>> -> memref<1x40x256xi32, #tpu.memory_space<hbm>>
      %dma_wait3A_27 = tpu.memref_squeeze %dma_wait3A_26 : memref<1x40x256xi32, #tpu.memory_space<hbm>> -> memref<40x256xi32, #tpu.memory_space<hbm>>
      tpu.wait_dma2 semaphore(%run_scoped3A : memref<!tpu.dma_semaphore, #tpu.memory_space<semaphore_mem>>) src(%dma_wait3A_27 : memref<40x256xi32, #tpu.memory_space<hbm>>) dst(%arg6 : memref<40x256xi32, #tpu.memory_space<vmem>>)
      tpu.yield
    }) : () -> ()
    %mul3A_1 = arith.constant 640 : i32
    %mul3A_2 = arith.muli %arg1, %mul3A_1 : i32
    %mul3A_3 = arith.constant 640 : i32
    %mul3A_4 = arith.muli %arg1, %mul3A_3 : i32
    "tpu.region"() ({
      %run_scoped3A = tpu.sem_alloc : memref<!tpu.dma_semaphore, #tpu.memory_space<semaphore_mem>>
      %dma_start3A = arith.constant 0 : i32
      %dma_start3A_14 = tpu.memref_slice %arg8[%mul3A_4, %dma_start3A] : memref<10240x16xf32, #tpu.memory_space<vmem_shared>> -> memref<640x16xf32, #tpu.memory_space<vmem_shared>>
      %dma_start3A_15 = arith.constant 0 : i32
      %dma_start3A_16 = tpu.memref_slice %arg4[%mul3A_2, %dma_start3A_15] : memref<10240x16xf32, #tpu.memory_space<hbm>> -> memref<640x16xf32, #tpu.memory_space<hbm>>
      tpu.enqueue_dma source(%dma_start3A_16 : memref<640x16xf32, #tpu.memory_space<hbm>>) target(%dma_start3A_14 : memref<640x16xf32, #tpu.memory_space<vmem_shared>>) target_semaphore(%run_scoped3A : memref<!tpu.dma_semaphore, #tpu.memory_space<semaphore_mem>>)
      %dma_wait3A = arith.constant 0 : i32
      %dma_wait3A_17 = tpu.memref_slice %arg8[%mul3A_4, %dma_wait3A] : memref<10240x16xf32, #tpu.memory_space<vmem_shared>> -> memref<640x16xf32, #tpu.memory_space<vmem_shared>>
      %dma_wait3A_18 = arith.constant 0 : i32
      %dma_wait3A_19 = tpu.memref_slice %arg4[%mul3A_2, %dma_wait3A_18] : memref<10240x16xf32, #tpu.memory_space<hbm>> -> memref<640x16xf32, #tpu.memory_space<hbm>>
      tpu.wait_dma2 semaphore(%run_scoped3A : memref<!tpu.dma_semaphore, #tpu.memory_space<semaphore_mem>>) src(%dma_wait3A_19 : memref<640x16xf32, #tpu.memory_space<hbm>>) dst(%dma_wait3A_17 : memref<640x16xf32, #tpu.memory_space<vmem_shared>>)
      tpu.yield
    }) : () -> ()
    %barrier3A = arith.constant 0 : index
    tpu.barrier barrier_id(%barrier3A)
    "tpu.region"() ({
      %run_scoped3A = tpu.sem_alloc : memref<!tpu.dma_semaphore, #tpu.memory_space<semaphore_mem>>
      tpu.enqueue_dma source(%arg2 : memref<256x16xf32, #tpu.memory_space<hbm>>) target(%arg7 : memref<256x16xf32, #tpu.memory_space<vmem>>) target_semaphore(%run_scoped3A : memref<!tpu.dma_semaphore, #tpu.memory_space<semaphore_mem>>)
      tpu.wait_dma2 semaphore(%run_scoped3A : memref<!tpu.dma_semaphore, #tpu.memory_space<semaphore_mem>>) src(%arg2 : memref<256x16xf32, #tpu.memory_space<hbm>>) dst(%arg7 : memref<256x16xf32, #tpu.memory_space<vmem>>)
      tpu.yield
    }) : () -> ()
    %scan3A = arith.constant 0 : i32
    %scan3A_5 = arith.constant 4 : i32
    %scan3A_6 = arith.addi %scan3A, %scan3A_5 : i32
    %scan3A_7 = arith.constant 1 : i32
    scf.for %scan3A_14 = %scan3A to %scan3A_6 step %scan3A_7  : i32 {
      %mul3A_15 = arith.constant 1 : i32
      %mul3A_16 = arith.muli %scan3A_14, %mul3A_15 : i32
      %add3A_17 = arith.constant 0 : i32
      %add3A_18 = arith.addi %add3A_17, %mul3A_16 : i32
      %mul3A_19 = arith.constant 10 : i32
      %mul3A_20 = arith.muli %add3A_18, %mul3A_19 : i32
      %add3A_21 = arith.constant 0 : i32
      %add3A_22 = arith.addi %mul3A_20, %add3A_21 : i32
      %dma_start3A = arith.constant 0 : i32
      %dma_start3A_23 = tpu.memref_slice %arg6[%add3A_22, %dma_start3A] : memref<40x256xi32, #tpu.memory_space<vmem>> -> memref<1x256xi32, #tpu.memory_space<vmem>>
      %dma_start3A_24 = tpu.memref_squeeze %dma_start3A_23 : memref<1x256xi32, #tpu.memory_space<vmem>> -> memref<256xi32, #tpu.memory_space<vmem>>
      %dma_start3A_25 = arith.constant 0 : i32
      %dma_start3A_26 = arith.constant 0 : i32
      %dma_start3A_27 = tpu.memref_slice %arg8[%dma_start3A_25, %dma_start3A_26] : memref<10240x16xf32, #tpu.memory_space<vmem_shared>> -> memref<10240x16xf32, #tpu.memory_space<vmem_shared>>
      tpu.enqueue_indirect_dma source(%arg7 : memref<256x16xf32, #tpu.memory_space<vmem>>) target(%dma_start3A_27 : memref<10240x16xf32, #tpu.memory_space<vmem_shared>>) offsets(%dma_start3A_24 : memref<256xi32, #tpu.memory_space<vmem>>) semaphore(%arg9 : memref<!tpu.dma_semaphore, #tpu.memory_space<semaphore_mem>>) {add = true}
      %mul3A_28 = arith.constant 10 : i32
      %mul3A_29 = arith.muli %add3A_18, %mul3A_28 : i32
      %add3A_30 = arith.constant 1 : i32
      %add3A_31 = arith.addi %mul3A_29, %add3A_30 : i32
      %dma_start3A_32 = arith.constant 0 : i32
      %dma_start3A_33 = tpu.memref_slice %arg6[%add3A_31, %dma_start3A_32] : memref<40x256xi32, #tpu.memory_space<vmem>> -> memref<1x256xi32, #tpu.memory_space<vmem>>
      %dma_start3A_34 = tpu.memref_squeeze %dma_start3A_33 : memref<1x256xi32, #tpu.memory_space<vmem>> -> memref<256xi32, #tpu.memory_space<vmem>>
      %dma_start3A_35 = arith.constant 0 : i32
      %dma_start3A_36 = arith.constant 0 : i32
      %dma_start3A_37 = tpu.memref_slice %arg8[%dma_start3A_35, %dma_start3A_36] : memref<10240x16xf32, #tpu.memory_space<vmem_shared>> -> memref<10240x16xf32, #tpu.memory_space<vmem_shared>>
      tpu.enqueue_indirect_dma source(%arg7 : memref<256x16xf32, #tpu.memory_space<vmem>>) target(%dma_start3A_37 : memref<10240x16xf32, #tpu.memory_space<vmem_shared>>) offsets(%dma_start3A_34 : memref<256xi32, #tpu.memory_space<vmem>>) semaphore(%arg9 : memref<!tpu.dma_semaphore, #tpu.memory_space<semaphore_mem>>) {add = true}
      %mul3A_38 = arith.constant 10 : i32
      %mul3A_39 = arith.muli %add3A_18, %mul3A_38 : i32
      %add3A_40 = arith.constant 2 : i32
      %add3A_41 = arith.addi %mul3A_39, %add3A_40 : i32
      %dma_start3A_42 = arith.constant 0 : i32
      %dma_start3A_43 = tpu.memref_slice %arg6[%add3A_41, %dma_start3A_42] : memref<40x256xi32, #tpu.memory_space<vmem>> -> memref<1x256xi32, #tpu.memory_space<vmem>>
      %dma_start3A_44 = tpu.memref_squeeze %dma_start3A_43 : memref<1x256xi32, #tpu.memory_space<vmem>> -> memref<256xi32, #tpu.memory_space<vmem>>
      %dma_start3A_45 = arith.constant 0 : i32
      %dma_start3A_46 = arith.constant 0 : i32
      %dma_start3A_47 = tpu.memref_slice %arg8[%dma_start3A_45, %dma_start3A_46] : memref<10240x16xf32, #tpu.memory_space<vmem_shared>> -> memref<10240x16xf32, #tpu.memory_space<vmem_shared>>
      tpu.enqueue_indirect_dma source(%arg7 : memref<256x16xf32, #tpu.memory_space<vmem>>) target(%dma_start3A_47 : memref<10240x16xf32, #tpu.memory_space<vmem_shared>>) offsets(%dma_start3A_44 : memref<256xi32, #tpu.memory_space<vmem>>) semaphore(%arg9 : memref<!tpu.dma_semaphore, #tpu.memory_space<semaphore_mem>>) {add = true}
      %mul3A_48 = arith.constant 10 : i32
      %mul3A_49 = arith.muli %add3A_18, %mul3A_48 : i32
      %add3A_50 = arith.constant 3 : i32
      %add3A_51 = arith.addi %mul3A_49, %add3A_50 : i32
      %dma_start3A_52 = arith.constant 0 : i32
      %dma_start3A_53 = tpu.memref_slice %arg6[%add3A_51, %dma_start3A_52] : memref<40x256xi32, #tpu.memory_space<vmem>> -> memref<1x256xi32, #tpu.memory_space<vmem>>
      %dma_start3A_54 = tpu.memref_squeeze %dma_start3A_53 : memref<1x256xi32, #tpu.memory_space<vmem>> -> memref<256xi32, #tpu.memory_space<vmem>>
      %dma_start3A_55 = arith.constant 0 : i32
      %dma_start3A_56 = arith.constant 0 : i32
      %dma_start3A_57 = tpu.memref_slice %arg8[%dma_start3A_55, %dma_start3A_56] : memref<10240x16xf32, #tpu.memory_space<vmem_shared>> -> memref<10240x16xf32, #tpu.memory_space<vmem_shared>>
      tpu.enqueue_indirect_dma source(%arg7 : memref<256x16xf32, #tpu.memory_space<vmem>>) target(%dma_start3A_57 : memref<10240x16xf32, #tpu.memory_space<vmem_shared>>) offsets(%dma_start3A_54 : memref<256xi32, #tpu.memory_space<vmem>>) semaphore(%arg9 : memref<!tpu.dma_semaphore, #tpu.memory_space<semaphore_mem>>) {add = true}
      %mul3A_58 = arith.constant 10 : i32
      %mul3A_59 = arith.muli %add3A_18, %mul3A_58 : i32
      %add3A_60 = arith.constant 4 : i32
      %add3A_61 = arith.addi %mul3A_59, %add3A_60 : i32
      %dma_start3A_62 = arith.constant 0 : i32
      %dma_start3A_63 = tpu.memref_slice %arg6[%add3A_61, %dma_start3A_62] : memref<40x256xi32, #tpu.memory_space<vmem>> -> memref<1x256xi32, #tpu.memory_space<vmem>>
      %dma_start3A_64 = tpu.memref_squeeze %dma_start3A_63 : memref<1x256xi32, #tpu.memory_space<vmem>> -> memref<256xi32, #tpu.memory_space<vmem>>
      %dma_start3A_65 = arith.constant 0 : i32
      %dma_start3A_66 = arith.constant 0 : i32
      %dma_start3A_67 = tpu.memref_slice %arg8[%dma_start3A_65, %dma_start3A_66] : memref<10240x16xf32, #tpu.memory_space<vmem_shared>> -> memref<10240x16xf32, #tpu.memory_space<vmem_shared>>
      tpu.enqueue_indirect_dma source(%arg7 : memref<256x16xf32, #tpu.memory_space<vmem>>) target(%dma_start3A_67 : memref<10240x16xf32, #tpu.memory_space<vmem_shared>>) offsets(%dma_start3A_64 : memref<256xi32, #tpu.memory_space<vmem>>) semaphore(%arg9 : memref<!tpu.dma_semaphore, #tpu.memory_space<semaphore_mem>>) {add = true}
      %mul3A_68 = arith.constant 10 : i32
      %mul3A_69 = arith.muli %add3A_18, %mul3A_68 : i32
      %add3A_70 = arith.constant 5 : i32
      %add3A_71 = arith.addi %mul3A_69, %add3A_70 : i32
      %dma_start3A_72 = arith.constant 0 : i32
      %dma_start3A_73 = tpu.memref_slice %arg6[%add3A_71, %dma_start3A_72] : memref<40x256xi32, #tpu.memory_space<vmem>> -> memref<1x256xi32, #tpu.memory_space<vmem>>
      %dma_start3A_74 = tpu.memref_squeeze %dma_start3A_73 : memref<1x256xi32, #tpu.memory_space<vmem>> -> memref<256xi32, #tpu.memory_space<vmem>>
      %dma_start3A_75 = arith.constant 0 : i32
      %dma_start3A_76 = arith.constant 0 : i32
      %dma_start3A_77 = tpu.memref_slice %arg8[%dma_start3A_75, %dma_start3A_76] : memref<10240x16xf32, #tpu.memory_space<vmem_shared>> -> memref<10240x16xf32, #tpu.memory_space<vmem_shared>>
      tpu.enqueue_indirect_dma source(%arg7 : memref<256x16xf32, #tpu.memory_space<vmem>>) target(%dma_start3A_77 : memref<10240x16xf32, #tpu.memory_space<vmem_shared>>) offsets(%dma_start3A_74 : memref<256xi32, #tpu.memory_space<vmem>>) semaphore(%arg9 : memref<!tpu.dma_semaphore, #tpu.memory_space<semaphore_mem>>) {add = true}
      %mul3A_78 = arith.constant 10 : i32
      %mul3A_79 = arith.muli %add3A_18, %mul3A_78 : i32
      %add3A_80 = arith.constant 6 : i32
      %add3A_81 = arith.addi %mul3A_79, %add3A_80 : i32
      %dma_start3A_82 = arith.constant 0 : i32
      %dma_start3A_83 = tpu.memref_slice %arg6[%add3A_81, %dma_start3A_82] : memref<40x256xi32, #tpu.memory_space<vmem>> -> memref<1x256xi32, #tpu.memory_space<vmem>>
      %dma_start3A_84 = tpu.memref_squeeze %dma_start3A_83 : memref<1x256xi32, #tpu.memory_space<vmem>> -> memref<256xi32, #tpu.memory_space<vmem>>
      %dma_start3A_85 = arith.constant 0 : i32
      %dma_start3A_86 = arith.constant 0 : i32
      %dma_start3A_87 = tpu.memref_slice %arg8[%dma_start3A_85, %dma_start3A_86] : memref<10240x16xf32, #tpu.memory_space<vmem_shared>> -> memref<10240x16xf32, #tpu.memory_space<vmem_shared>>
      tpu.enqueue_indirect_dma source(%arg7 : memref<256x16xf32, #tpu.memory_space<vmem>>) target(%dma_start3A_87 : memref<10240x16xf32, #tpu.memory_space<vmem_shared>>) offsets(%dma_start3A_84 : memref<256xi32, #tpu.memory_space<vmem>>) semaphore(%arg9 : memref<!tpu.dma_semaphore, #tpu.memory_space<semaphore_mem>>) {add = true}
      %mul3A_88 = arith.constant 10 : i32
      %mul3A_89 = arith.muli %add3A_18, %mul3A_88 : i32
      %add3A_90 = arith.constant 7 : i32
      %add3A_91 = arith.addi %mul3A_89, %add3A_90 : i32
      %dma_start3A_92 = arith.constant 0 : i32
      %dma_start3A_93 = tpu.memref_slice %arg6[%add3A_91, %dma_start3A_92] : memref<40x256xi32, #tpu.memory_space<vmem>> -> memref<1x256xi32, #tpu.memory_space<vmem>>
      %dma_start3A_94 = tpu.memref_squeeze %dma_start3A_93 : memref<1x256xi32, #tpu.memory_space<vmem>> -> memref<256xi32, #tpu.memory_space<vmem>>
      %dma_start3A_95 = arith.constant 0 : i32
      %dma_start3A_96 = arith.constant 0 : i32
      %dma_start3A_97 = tpu.memref_slice %arg8[%dma_start3A_95, %dma_start3A_96] : memref<10240x16xf32, #tpu.memory_space<vmem_shared>> -> memref<10240x16xf32, #tpu.memory_space<vmem_shared>>
      tpu.enqueue_indirect_dma source(%arg7 : memref<256x16xf32, #tpu.memory_space<vmem>>) target(%dma_start3A_97 : memref<10240x16xf32, #tpu.memory_space<vmem_shared>>) offsets(%dma_start3A_94 : memref<256xi32, #tpu.memory_space<vmem>>) semaphore(%arg9 : memref<!tpu.dma_semaphore, #tpu.memory_space<semaphore_mem>>) {add = true}
      %mul3A_98 = arith.constant 10 : i32
      %mul3A_99 = arith.muli %add3A_18, %mul3A_98 : i32
      %add3A_100 = arith.constant 8 : i32
      %add3A_101 = arith.addi %mul3A_99, %add3A_100 : i32
      %dma_start3A_102 = arith.constant 0 : i32
      %dma_start3A_103 = tpu.memref_slice %arg6[%add3A_101, %dma_start3A_102] : memref<40x256xi32, #tpu.memory_space<vmem>> -> memref<1x256xi32, #tpu.memory_space<vmem>>
      %dma_start3A_104 = tpu.memref_squeeze %dma_start3A_103 : memref<1x256xi32, #tpu.memory_space<vmem>> -> memref<256xi32, #tpu.memory_space<vmem>>
      %dma_start3A_105 = arith.constant 0 : i32
      %dma_start3A_106 = arith.constant 0 : i32
      %dma_start3A_107 = tpu.memref_slice %arg8[%dma_start3A_105, %dma_start3A_106] : memref<10240x16xf32, #tpu.memory_space<vmem_shared>> -> memref<10240x16xf32, #tpu.memory_space<vmem_shared>>
      tpu.enqueue_indirect_dma source(%arg7 : memref<256x16xf32, #tpu.memory_space<vmem>>) target(%dma_start3A_107 : memref<10240x16xf32, #tpu.memory_space<vmem_shared>>) offsets(%dma_start3A_104 : memref<256xi32, #tpu.memory_space<vmem>>) semaphore(%arg9 : memref<!tpu.dma_semaphore, #tpu.memory_space<semaphore_mem>>) {add = true}
      %mul3A_108 = arith.constant 10 : i32
      %mul3A_109 = arith.muli %add3A_18, %mul3A_108 : i32
      %add3A_110 = arith.constant 9 : i32
      %add3A_111 = arith.addi %mul3A_109, %add3A_110 : i32
      %dma_start3A_112 = arith.constant 0 : i32
      %dma_start3A_113 = tpu.memref_slice %arg6[%add3A_111, %dma_start3A_112] : memref<40x256xi32, #tpu.memory_space<vmem>> -> memref<1x256xi32, #tpu.memory_space<vmem>>
      %dma_start3A_114 = tpu.memref_squeeze %dma_start3A_113 : memref<1x256xi32, #tpu.memory_space<vmem>> -> memref<256xi32, #tpu.memory_space<vmem>>
      %dma_start3A_115 = arith.constant 0 : i32
      %dma_start3A_116 = arith.constant 0 : i32
      %dma_start3A_117 = tpu.memref_slice %arg8[%dma_start3A_115, %dma_start3A_116] : memref<10240x16xf32, #tpu.memory_space<vmem_shared>> -> memref<10240x16xf32, #tpu.memory_space<vmem_shared>>
      tpu.enqueue_indirect_dma source(%arg7 : memref<256x16xf32, #tpu.memory_space<vmem>>) target(%dma_start3A_117 : memref<10240x16xf32, #tpu.memory_space<vmem_shared>>) offsets(%dma_start3A_114 : memref<256xi32, #tpu.memory_space<vmem>>) semaphore(%arg9 : memref<!tpu.dma_semaphore, #tpu.memory_space<semaphore_mem>>) {add = true}
      %dma_wait3A = arith.constant 0 : i32
      %dma_wait3A_118 = tpu.memref_slice %arg6[%add3A_22, %dma_wait3A] : memref<40x256xi32, #tpu.memory_space<vmem>> -> memref<1x256xi32, #tpu.memory_space<vmem>>
      %dma_wait3A_119 = tpu.memref_squeeze %dma_wait3A_118 : memref<1x256xi32, #tpu.memory_space<vmem>> -> memref<256xi32, #tpu.memory_space<vmem>>
      %dma_wait3A_120 = arith.constant 0 : i32
      %dma_wait3A_121 = arith.constant 0 : i32
      %dma_wait3A_122 = tpu.memref_slice %arg8[%dma_wait3A_120, %dma_wait3A_121] : memref<10240x16xf32, #tpu.memory_space<vmem_shared>> -> memref<10240x16xf32, #tpu.memory_space<vmem_shared>>
      tpu.wait_indirect_dma semaphore(%arg9 : memref<!tpu.dma_semaphore, #tpu.memory_space<semaphore_mem>>) src(%arg7 : memref<256x16xf32, #tpu.memory_space<vmem>>) dst(%dma_wait3A_122 : memref<10240x16xf32, #tpu.memory_space<vmem_shared>>)
      %dma_wait3A_123 = arith.constant 0 : i32
      %dma_wait3A_124 = tpu.memref_slice %arg6[%add3A_31, %dma_wait3A_123] : memref<40x256xi32, #tpu.memory_space<vmem>> -> memref<1x256xi32, #tpu.memory_space<vmem>>
      %dma_wait3A_125 = tpu.memref_squeeze %dma_wait3A_124 : memref<1x256xi32, #tpu.memory_space<vmem>> -> memref<256xi32, #tpu.memory_space<vmem>>
      %dma_wait3A_126 = arith.constant 0 : i32
      %dma_wait3A_127 = arith.constant 0 : i32
      %dma_wait3A_128 = tpu.memref_slice %arg8[%dma_wait3A_126, %dma_wait3A_127] : memref<10240x16xf32, #tpu.memory_space<vmem_shared>> -> memref<10240x16xf32, #tpu.memory_space<vmem_shared>>
      tpu.wait_indirect_dma semaphore(%arg9 : memref<!tpu.dma_semaphore, #tpu.memory_space<semaphore_mem>>) src(%arg7 : memref<256x16xf32, #tpu.memory_space<vmem>>) dst(%dma_wait3A_128 : memref<10240x16xf32, #tpu.memory_space<vmem_shared>>)
      %dma_wait3A_129 = arith.constant 0 : i32
      %dma_wait3A_130 = tpu.memref_slice %arg6[%add3A_41, %dma_wait3A_129] : memref<40x256xi32, #tpu.memory_space<vmem>> -> memref<1x256xi32, #tpu.memory_space<vmem>>
      %dma_wait3A_131 = tpu.memref_squeeze %dma_wait3A_130 : memref<1x256xi32, #tpu.memory_space<vmem>> -> memref<256xi32, #tpu.memory_space<vmem>>
      %dma_wait3A_132 = arith.constant 0 : i32
      %dma_wait3A_133 = arith.constant 0 : i32
      %dma_wait3A_134 = tpu.memref_slice %arg8[%dma_wait3A_132, %dma_wait3A_133] : memref<10240x16xf32, #tpu.memory_space<vmem_shared>> -> memref<10240x16xf32, #tpu.memory_space<vmem_shared>>
      tpu.wait_indirect_dma semaphore(%arg9 : memref<!tpu.dma_semaphore, #tpu.memory_space<semaphore_mem>>) src(%arg7 : memref<256x16xf32, #tpu.memory_space<vmem>>) dst(%dma_wait3A_134 : memref<10240x16xf32, #tpu.memory_space<vmem_shared>>)
      %dma_wait3A_135 = arith.constant 0 : i32
      %dma_wait3A_136 = tpu.memref_slice %arg6[%add3A_51, %dma_wait3A_135] : memref<40x256xi32, #tpu.memory_space<vmem>> -> memref<1x256xi32, #tpu.memory_space<vmem>>
      %dma_wait3A_137 = tpu.memref_squeeze %dma_wait3A_136 : memref<1x256xi32, #tpu.memory_space<vmem>> -> memref<256xi32, #tpu.memory_space<vmem>>
      %dma_wait3A_138 = arith.constant 0 : i32
      %dma_wait3A_139 = arith.constant 0 : i32
      %dma_wait3A_140 = tpu.memref_slice %arg8[%dma_wait3A_138, %dma_wait3A_139] : memref<10240x16xf32, #tpu.memory_space<vmem_shared>> -> memref<10240x16xf32, #tpu.memory_space<vmem_shared>>
      tpu.wait_indirect_dma semaphore(%arg9 : memref<!tpu.dma_semaphore, #tpu.memory_space<semaphore_mem>>) src(%arg7 : memref<256x16xf32, #tpu.memory_space<vmem>>) dst(%dma_wait3A_140 : memref<10240x16xf32, #tpu.memory_space<vmem_shared>>)
      %dma_wait3A_141 = arith.constant 0 : i32
      %dma_wait3A_142 = tpu.memref_slice %arg6[%add3A_61, %dma_wait3A_141] : memref<40x256xi32, #tpu.memory_space<vmem>> -> memref<1x256xi32, #tpu.memory_space<vmem>>
      %dma_wait3A_143 = tpu.memref_squeeze %dma_wait3A_142 : memref<1x256xi32, #tpu.memory_space<vmem>> -> memref<256xi32, #tpu.memory_space<vmem>>
      %dma_wait3A_144 = arith.constant 0 : i32
      %dma_wait3A_145 = arith.constant 0 : i32
      %dma_wait3A_146 = tpu.memref_slice %arg8[%dma_wait3A_144, %dma_wait3A_145] : memref<10240x16xf32, #tpu.memory_space<vmem_shared>> -> memref<10240x16xf32, #tpu.memory_space<vmem_shared>>
      tpu.wait_indirect_dma semaphore(%arg9 : memref<!tpu.dma_semaphore, #tpu.memory_space<semaphore_mem>>) src(%arg7 : memref<256x16xf32, #tpu.memory_space<vmem>>) dst(%dma_wait3A_146 : memref<10240x16xf32, #tpu.memory_space<vmem_shared>>)
      %dma_wait3A_147 = arith.constant 0 : i32
      %dma_wait3A_148 = tpu.memref_slice %arg6[%add3A_71, %dma_wait3A_147] : memref<40x256xi32, #tpu.memory_space<vmem>> -> memref<1x256xi32, #tpu.memory_space<vmem>>
      %dma_wait3A_149 = tpu.memref_squeeze %dma_wait3A_148 : memref<1x256xi32, #tpu.memory_space<vmem>> -> memref<256xi32, #tpu.memory_space<vmem>>
      %dma_wait3A_150 = arith.constant 0 : i32
      %dma_wait3A_151 = arith.constant 0 : i32
      %dma_wait3A_152 = tpu.memref_slice %arg8[%dma_wait3A_150, %dma_wait3A_151] : memref<10240x16xf32, #tpu.memory_space<vmem_shared>> -> memref<10240x16xf32, #tpu.memory_space<vmem_shared>>
      tpu.wait_indirect_dma semaphore(%arg9 : memref<!tpu.dma_semaphore, #tpu.memory_space<semaphore_mem>>) src(%arg7 : memref<256x16xf32, #tpu.memory_space<vmem>>) dst(%dma_wait3A_152 : memref<10240x16xf32, #tpu.memory_space<vmem_shared>>)
      %dma_wait3A_153 = arith.constant 0 : i32
      %dma_wait3A_154 = tpu.memref_slice %arg6[%add3A_81, %dma_wait3A_153] : memref<40x256xi32, #tpu.memory_space<vmem>> -> memref<1x256xi32, #tpu.memory_space<vmem>>
      %dma_wait3A_155 = tpu.memref_squeeze %dma_wait3A_154 : memref<1x256xi32, #tpu.memory_space<vmem>> -> memref<256xi32, #tpu.memory_space<vmem>>
      %dma_wait3A_156 = arith.constant 0 : i32
      %dma_wait3A_157 = arith.constant 0 : i32
      %dma_wait3A_158 = tpu.memref_slice %arg8[%dma_wait3A_156, %dma_wait3A_157] : memref<10240x16xf32, #tpu.memory_space<vmem_shared>> -> memref<10240x16xf32, #tpu.memory_space<vmem_shared>>
      tpu.wait_indirect_dma semaphore(%arg9 : memref<!tpu.dma_semaphore, #tpu.memory_space<semaphore_mem>>) src(%arg7 : memref<256x16xf32, #tpu.memory_space<vmem>>) dst(%dma_wait3A_158 : memref<10240x16xf32, #tpu.memory_space<vmem_shared>>)
      %dma_wait3A_159 = arith.constant 0 : i32
      %dma_wait3A_160 = tpu.memref_slice %arg6[%add3A_91, %dma_wait3A_159] : memref<40x256xi32, #tpu.memory_space<vmem>> -> memref<1x256xi32, #tpu.memory_space<vmem>>
      %dma_wait3A_161 = tpu.memref_squeeze %dma_wait3A_160 : memref<1x256xi32, #tpu.memory_space<vmem>> -> memref<256xi32, #tpu.memory_space<vmem>>
      %dma_wait3A_162 = arith.constant 0 : i32
      %dma_wait3A_163 = arith.constant 0 : i32
      %dma_wait3A_164 = tpu.memref_slice %arg8[%dma_wait3A_162, %dma_wait3A_163] : memref<10240x16xf32, #tpu.memory_space<vmem_shared>> -> memref<10240x16xf32, #tpu.memory_space<vmem_shared>>
      tpu.wait_indirect_dma semaphore(%arg9 : memref<!tpu.dma_semaphore, #tpu.memory_space<semaphore_mem>>) src(%arg7 : memref<256x16xf32, #tpu.memory_space<vmem>>) dst(%dma_wait3A_164 : memref<10240x16xf32, #tpu.memory_space<vmem_shared>>)
      %dma_wait3A_165 = arith.constant 0 : i32
      %dma_wait3A_166 = tpu.memref_slice %arg6[%add3A_101, %dma_wait3A_165] : memref<40x256xi32, #tpu.memory_space<vmem>> -> memref<1x256xi32, #tpu.memory_space<vmem>>
      %dma_wait3A_167 = tpu.memref_squeeze %dma_wait3A_166 : memref<1x256xi32, #tpu.memory_space<vmem>> -> memref<256xi32, #tpu.memory_space<vmem>>
      %dma_wait3A_168 = arith.constant 0 : i32
      %dma_wait3A_169 = arith.constant 0 : i32
      %dma_wait3A_170 = tpu.memref_slice %arg8[%dma_wait3A_168, %dma_wait3A_169] : memref<10240x16xf32, #tpu.memory_space<vmem_shared>> -> memref<10240x16xf32, #tpu.memory_space<vmem_shared>>
      tpu.wait_indirect_dma semaphore(%arg9 : memref<!tpu.dma_semaphore, #tpu.memory_space<semaphore_mem>>) src(%arg7 : memref<256x16xf32, #tpu.memory_space<vmem>>) dst(%dma_wait3A_170 : memref<10240x16xf32, #tpu.memory_space<vmem_shared>>)
      %dma_wait3A_171 = arith.constant 0 : i32
      %dma_wait3A_172 = tpu.memref_slice %arg6[%add3A_111, %dma_wait3A_171] : memref<40x256xi32, #tpu.memory_space<vmem>> -> memref<1x256xi32, #tpu.memory_space<vmem>>
      %dma_wait3A_173 = tpu.memref_squeeze %dma_wait3A_172 : memref<1x256xi32, #tpu.memory_space<vmem>> -> memref<256xi32, #tpu.memory_space<vmem>>
      %dma_wait3A_174 = arith.constant 0 : i32
      %dma_wait3A_175 = arith.constant 0 : i32
      %dma_wait3A_176 = tpu.memref_slice %arg8[%dma_wait3A_174, %dma_wait3A_175] : memref<10240x16xf32, #tpu.memory_space<vmem_shared>> -> memref<10240x16xf32, #tpu.memory_space<vmem_shared>>
      tpu.wait_indirect_dma semaphore(%arg9 : memref<!tpu.dma_semaphore, #tpu.memory_space<semaphore_mem>>) src(%arg7 : memref<256x16xf32, #tpu.memory_space<vmem>>) dst(%dma_wait3A_176 : memref<10240x16xf32, #tpu.memory_space<vmem_shared>>)
    }
    %scan3A_8 = arith.constant 4 : i32
    %barrier3A_9 = arith.constant 0 : index
    tpu.barrier barrier_id(%barrier3A_9)
    %mul3A_10 = arith.constant 640 : i32
    %mul3A_11 = arith.muli %arg1, %mul3A_10 : i32
    %mul3A_12 = arith.constant 640 : i32
    %mul3A_13 = arith.muli %arg1, %mul3A_12 : i32
    "tpu.region"() ({
      %run_scoped3A = tpu.sem_alloc : memref<!tpu.dma_semaphore, #tpu.memory_space<semaphore_mem>>
      %dma_start3A = arith.constant 0 : i32
      %dma_start3A_14 = tpu.memref_slice %arg5[%arg0, %mul3A_13, %dma_start3A] : memref<2x10240x16xf32, #tpu.memory_space<hbm>> -> memref<1x640x16xf32, #tpu.memory_space<hbm>>
      %dma_start3A_15 = tpu.memref_squeeze %dma_start3A_14 : memref<1x640x16xf32, #tpu.memory_space<hbm>> -> memref<640x16xf32, #tpu.memory_space<hbm>>
      %dma_start3A_16 = arith.constant 0 : i32
      %dma_start3A_17 = tpu.memref_slice %arg8[%mul3A_11, %dma_start3A_16] : memref<10240x16xf32, #tpu.memory_space<vmem_shared>> -> memref<640x16xf32, #tpu.memory_space<vmem_shared>>
      tpu.enqueue_dma source(%dma_start3A_17 : memref<640x16xf32, #tpu.memory_space<vmem_shared>>) target(%dma_start3A_15 : memref<640x16xf32, #tpu.memory_space<hbm>>) target_semaphore(%run_scoped3A : memref<!tpu.dma_semaphore, #tpu.memory_space<semaphore_mem>>)
      %dma_wait3A = arith.constant 0 : i32
      %dma_wait3A_18 = tpu.memref_slice %arg5[%arg0, %mul3A_13, %dma_wait3A] : memref<2x10240x16xf32, #tpu.memory_space<hbm>> -> memref<1x640x16xf32, #tpu.memory_space<hbm>>
      %dma_wait3A_19 = tpu.memref_squeeze %dma_wait3A_18 : memref<1x640x16xf32, #tpu.memory_space<hbm>> -> memref<640x16xf32, #tpu.memory_space<hbm>>
      %dma_wait3A_20 = arith.constant 0 : i32
      %dma_wait3A_21 = tpu.memref_slice %arg8[%mul3A_11, %dma_wait3A_20] : memref<10240x16xf32, #tpu.memory_space<vmem_shared>> -> memref<640x16xf32, #tpu.memory_space<vmem_shared>>
      tpu.wait_dma2 semaphore(%run_scoped3A : memref<!tpu.dma_semaphore, #tpu.memory_space<semaphore_mem>>) src(%dma_wait3A_21 : memref<640x16xf32, #tpu.memory_space<vmem_shared>>) dst(%dma_wait3A_19 : memref<640x16xf32, #tpu.memory_space<hbm>>)
      tpu.yield
    }) : () -> ()
    return
  }
}

#map = affine_map<(d0, d1) -> (0, 0)>
#map1 = affine_map<(d0, d1) -> (0, 0, 0)>
module attributes {stable_mosaic.version = 14 : i64} {
  func.func @body(%arg0: i32, %arg1: i32, %arg2: memref<10240x16xf32, #tpu.memory_space<hbm>>, %arg3: memref<32x40x256xi32, #tpu.memory_space<hbm>>, %arg4: memref<32x40x256xi32, #tpu.memory_space<hbm>>, %arg5: memref<10240x16xf32, #tpu.memory_space<hbm>>, %arg6: memref<2x10240x16xf32, #tpu.memory_space<hbm>>, %arg7: memref<40x256xi32, #tpu.memory_space<vmem>>, %arg8: memref<40x256xi32, #tpu.memory_space<vmem>>, %arg9: memref<20x256x16xf32, #tpu.memory_space<vmem>>, %arg10: memref<10240x16xf32, #tpu.memory_space<vmem_shared>>, %arg11: memref<!tpu.dma_semaphore, #tpu.memory_space<semaphore_mem>>, %arg12: memref<!tpu.dma_semaphore, #tpu.memory_space<semaphore_mem>>) attributes {dimension_semantics = [#tpu.dimension_semantics<core_parallel>, #tpu.dimension_semantics<subcore_parallel>], iteration_bounds = array<i64: 2, 16>, scalar_prefetch = 0 : i64, scratch_operands = 6 : i64, tpu.core_type = #tpu.core_type<sc_vector_subcore>, window_params = [{transform_indices = #map}, {transform_indices = #map1}, {transform_indices = #map1}, {transform_indices = #map}, {transform_indices = #map1}]} {
    %mul3A = arith.constant 2 : i32
    %mul3A_0 = arith.muli %arg1, %mul3A : i32
    %add3A = arith.addi %mul3A_0, %arg0 : i32
    "tpu.region"() ({
      %run_scoped3A = tpu.sem_alloc : memref<!tpu.dma_semaphore, #tpu.memory_space<semaphore_mem>>
      %dma_start3A_252 = arith.constant 0 : i32
      %dma_start3A_253 = arith.constant 0 : i32
      %dma_start3A_254 = tpu.memref_slice %arg3[%add3A, %dma_start3A_252, %dma_start3A_253] : memref<32x40x256xi32, #tpu.memory_space<hbm>> -> memref<1x40x256xi32, #tpu.memory_space<hbm>>
      %dma_start3A_255 = tpu.memref_squeeze %dma_start3A_254 : memref<1x40x256xi32, #tpu.memory_space<hbm>> -> memref<40x256xi32, #tpu.memory_space<hbm>>
      %dma_start3A_256 = arith.constant 0 : i32
      %dma_start3A_257 = arith.constant 0 : i32
      %dma_start3A_258 = tpu.memref_slice %arg3[%add3A, %dma_start3A_256, %dma_start3A_257] : memref<32x40x256xi32, #tpu.memory_space<hbm>> -> memref<1x40x256xi32, #tpu.memory_space<hbm>>
      %dma_start3A_259 = tpu.memref_squeeze %dma_start3A_258 : memref<1x40x256xi32, #tpu.memory_space<hbm>> -> memref<40x256xi32, #tpu.memory_space<hbm>>
      tpu.enqueue_dma source(%dma_start3A_259 : memref<40x256xi32, #tpu.memory_space<hbm>>) target(%arg7 : memref<40x256xi32, #tpu.memory_space<vmem>>) target_semaphore(%run_scoped3A : memref<!tpu.dma_semaphore, #tpu.memory_space<semaphore_mem>>)
      %dma_wait3A_260 = arith.constant 0 : i32
      %dma_wait3A_261 = arith.constant 0 : i32
      %dma_wait3A_262 = tpu.memref_slice %arg3[%add3A, %dma_wait3A_260, %dma_wait3A_261] : memref<32x40x256xi32, #tpu.memory_space<hbm>> -> memref<1x40x256xi32, #tpu.memory_space<hbm>>
      %dma_wait3A_263 = tpu.memref_squeeze %dma_wait3A_262 : memref<1x40x256xi32, #tpu.memory_space<hbm>> -> memref<40x256xi32, #tpu.memory_space<hbm>>
      %dma_wait3A_264 = arith.constant 0 : i32
      %dma_wait3A_265 = arith.constant 0 : i32
      %dma_wait3A_266 = tpu.memref_slice %arg3[%add3A, %dma_wait3A_264, %dma_wait3A_265] : memref<32x40x256xi32, #tpu.memory_space<hbm>> -> memref<1x40x256xi32, #tpu.memory_space<hbm>>
      %dma_wait3A_267 = tpu.memref_squeeze %dma_wait3A_266 : memref<1x40x256xi32, #tpu.memory_space<hbm>> -> memref<40x256xi32, #tpu.memory_space<hbm>>
      tpu.wait_dma2 semaphore(%run_scoped3A : memref<!tpu.dma_semaphore, #tpu.memory_space<semaphore_mem>>) src(%dma_wait3A_267 : memref<40x256xi32, #tpu.memory_space<hbm>>) dst(%arg7 : memref<40x256xi32, #tpu.memory_space<vmem>>)
      tpu.yield
    }) : () -> ()
    "tpu.region"() ({
      %run_scoped3A = tpu.sem_alloc : memref<!tpu.dma_semaphore, #tpu.memory_space<semaphore_mem>>
      %dma_start3A_252 = arith.constant 0 : i32
      %dma_start3A_253 = arith.constant 0 : i32
      %dma_start3A_254 = tpu.memref_slice %arg4[%add3A, %dma_start3A_252, %dma_start3A_253] : memref<32x40x256xi32, #tpu.memory_space<hbm>> -> memref<1x40x256xi32, #tpu.memory_space<hbm>>
      %dma_start3A_255 = tpu.memref_squeeze %dma_start3A_254 : memref<1x40x256xi32, #tpu.memory_space<hbm>> -> memref<40x256xi32, #tpu.memory_space<hbm>>
      %dma_start3A_256 = arith.constant 0 : i32
      %dma_start3A_257 = arith.constant 0 : i32
      %dma_start3A_258 = tpu.memref_slice %arg4[%add3A, %dma_start3A_256, %dma_start3A_257] : memref<32x40x256xi32, #tpu.memory_space<hbm>> -> memref<1x40x256xi32, #tpu.memory_space<hbm>>
      %dma_start3A_259 = tpu.memref_squeeze %dma_start3A_258 : memref<1x40x256xi32, #tpu.memory_space<hbm>> -> memref<40x256xi32, #tpu.memory_space<hbm>>
      tpu.enqueue_dma source(%dma_start3A_259 : memref<40x256xi32, #tpu.memory_space<hbm>>) target(%arg8 : memref<40x256xi32, #tpu.memory_space<vmem>>) target_semaphore(%run_scoped3A : memref<!tpu.dma_semaphore, #tpu.memory_space<semaphore_mem>>)
      %dma_wait3A_260 = arith.constant 0 : i32
      %dma_wait3A_261 = arith.constant 0 : i32
      %dma_wait3A_262 = tpu.memref_slice %arg4[%add3A, %dma_wait3A_260, %dma_wait3A_261] : memref<32x40x256xi32, #tpu.memory_space<hbm>> -> memref<1x40x256xi32, #tpu.memory_space<hbm>>
      %dma_wait3A_263 = tpu.memref_squeeze %dma_wait3A_262 : memref<1x40x256xi32, #tpu.memory_space<hbm>> -> memref<40x256xi32, #tpu.memory_space<hbm>>
      %dma_wait3A_264 = arith.constant 0 : i32
      %dma_wait3A_265 = arith.constant 0 : i32
      %dma_wait3A_266 = tpu.memref_slice %arg4[%add3A, %dma_wait3A_264, %dma_wait3A_265] : memref<32x40x256xi32, #tpu.memory_space<hbm>> -> memref<1x40x256xi32, #tpu.memory_space<hbm>>
      %dma_wait3A_267 = tpu.memref_squeeze %dma_wait3A_266 : memref<1x40x256xi32, #tpu.memory_space<hbm>> -> memref<40x256xi32, #tpu.memory_space<hbm>>
      tpu.wait_dma2 semaphore(%run_scoped3A : memref<!tpu.dma_semaphore, #tpu.memory_space<semaphore_mem>>) src(%dma_wait3A_267 : memref<40x256xi32, #tpu.memory_space<hbm>>) dst(%arg8 : memref<40x256xi32, #tpu.memory_space<vmem>>)
      tpu.yield
    }) : () -> ()
    %mul3A_1 = arith.constant 640 : i32
    %mul3A_2 = arith.muli %arg1, %mul3A_1 : i32
    %mul3A_3 = arith.constant 640 : i32
    %mul3A_4 = arith.muli %arg1, %mul3A_3 : i32
    "tpu.region"() ({
      %run_scoped3A = tpu.sem_alloc : memref<!tpu.dma_semaphore, #tpu.memory_space<semaphore_mem>>
      %dma_start3A_252 = arith.constant 0 : i32
      %dma_start3A_253 = tpu.memref_slice %arg10[%mul3A_4, %dma_start3A_252] : memref<10240x16xf32, #tpu.memory_space<vmem_shared>> -> memref<640x16xf32, #tpu.memory_space<vmem_shared>>
      %dma_start3A_254 = arith.constant 0 : i32
      %dma_start3A_255 = tpu.memref_slice %arg5[%mul3A_2, %dma_start3A_254] : memref<10240x16xf32, #tpu.memory_space<hbm>> -> memref<640x16xf32, #tpu.memory_space<hbm>>
      tpu.enqueue_dma source(%dma_start3A_255 : memref<640x16xf32, #tpu.memory_space<hbm>>) target(%dma_start3A_253 : memref<640x16xf32, #tpu.memory_space<vmem_shared>>) target_semaphore(%run_scoped3A : memref<!tpu.dma_semaphore, #tpu.memory_space<semaphore_mem>>)
      %dma_wait3A_256 = arith.constant 0 : i32
      %dma_wait3A_257 = tpu.memref_slice %arg10[%mul3A_4, %dma_wait3A_256] : memref<10240x16xf32, #tpu.memory_space<vmem_shared>> -> memref<640x16xf32, #tpu.memory_space<vmem_shared>>
      %dma_wait3A_258 = arith.constant 0 : i32
      %dma_wait3A_259 = tpu.memref_slice %arg5[%mul3A_2, %dma_wait3A_258] : memref<10240x16xf32, #tpu.memory_space<hbm>> -> memref<640x16xf32, #tpu.memory_space<hbm>>
      tpu.wait_dma2 semaphore(%run_scoped3A : memref<!tpu.dma_semaphore, #tpu.memory_space<semaphore_mem>>) src(%dma_wait3A_259 : memref<640x16xf32, #tpu.memory_space<hbm>>) dst(%dma_wait3A_257 : memref<640x16xf32, #tpu.memory_space<vmem_shared>>)
      tpu.yield
    }) : () -> ()
    %barrier3A = arith.constant 0 : index
    tpu.barrier barrier_id(%barrier3A)
    %dma_start3A = arith.constant 0 : i32
    %dma_start3A_5 = arith.constant 0 : i32
    %dma_start3A_6 = arith.constant 0 : i32
    %dma_start3A_7 = arith.constant 0 : i32
    %dma_start3A_8 = tpu.memref_slice %arg9[%dma_start3A_5, %dma_start3A_6, %dma_start3A_7] : memref<20x256x16xf32, #tpu.memory_space<vmem>> -> memref<1x256x16xf32, #tpu.memory_space<vmem>>
    %dma_start3A_9 = tpu.memref_squeeze %dma_start3A_8 : memref<1x256x16xf32, #tpu.memory_space<vmem>> -> memref<256x16xf32, #tpu.memory_space<vmem>>
    %dma_start3A_10 = arith.constant 0 : i32
    %dma_start3A_11 = tpu.memref_slice %arg7[%dma_start3A, %dma_start3A_10] : memref<40x256xi32, #tpu.memory_space<vmem>> -> memref<1x256xi32, #tpu.memory_space<vmem>>
    %dma_start3A_12 = tpu.memref_squeeze %dma_start3A_11 : memref<1x256xi32, #tpu.memory_space<vmem>> -> memref<256xi32, #tpu.memory_space<vmem>>
    %dma_start3A_13 = arith.constant 0 : i32
    %dma_start3A_14 = arith.constant 0 : i32
    %dma_start3A_15 = tpu.memref_slice %arg2[%dma_start3A_13, %dma_start3A_14] : memref<10240x16xf32, #tpu.memory_space<hbm>> -> memref<10240x16xf32, #tpu.memory_space<hbm>>
    tpu.enqueue_indirect_dma source(%dma_start3A_15 : memref<10240x16xf32, #tpu.memory_space<hbm>>) target(%dma_start3A_9 : memref<256x16xf32, #tpu.memory_space<vmem>>) offsets(%dma_start3A_12 : memref<256xi32, #tpu.memory_space<vmem>>) semaphore(%arg11 : memref<!tpu.dma_semaphore, #tpu.memory_space<semaphore_mem>>)
    %dma_start3A_16 = arith.constant 1 : i32
    %dma_start3A_17 = arith.constant 1 : i32
    %dma_start3A_18 = arith.constant 0 : i32
    %dma_start3A_19 = arith.constant 0 : i32
    %dma_start3A_20 = tpu.memref_slice %arg9[%dma_start3A_17, %dma_start3A_18, %dma_start3A_19] : memref<20x256x16xf32, #tpu.memory_space<vmem>> -> memref<1x256x16xf32, #tpu.memory_space<vmem>>
    %dma_start3A_21 = tpu.memref_squeeze %dma_start3A_20 : memref<1x256x16xf32, #tpu.memory_space<vmem>> -> memref<256x16xf32, #tpu.memory_space<vmem>>
    %dma_start3A_22 = arith.constant 0 : i32
    %dma_start3A_23 = tpu.memref_slice %arg7[%dma_start3A_16, %dma_start3A_22] : memref<40x256xi32, #tpu.memory_space<vmem>> -> memref<1x256xi32, #tpu.memory_space<vmem>>
    %dma_start3A_24 = tpu.memref_squeeze %dma_start3A_23 : memref<1x256xi32, #tpu.memory_space<vmem>> -> memref<256xi32, #tpu.memory_space<vmem>>
    %dma_start3A_25 = arith.constant 0 : i32
    %dma_start3A_26 = arith.constant 0 : i32
    %dma_start3A_27 = tpu.memref_slice %arg2[%dma_start3A_25, %dma_start3A_26] : memref<10240x16xf32, #tpu.memory_space<hbm>> -> memref<10240x16xf32, #tpu.memory_space<hbm>>
    tpu.enqueue_indirect_dma source(%dma_start3A_27 : memref<10240x16xf32, #tpu.memory_space<hbm>>) target(%dma_start3A_21 : memref<256x16xf32, #tpu.memory_space<vmem>>) offsets(%dma_start3A_24 : memref<256xi32, #tpu.memory_space<vmem>>) semaphore(%arg11 : memref<!tpu.dma_semaphore, #tpu.memory_space<semaphore_mem>>)
    %dma_start3A_28 = arith.constant 2 : i32
    %dma_start3A_29 = arith.constant 2 : i32
    %dma_start3A_30 = arith.constant 0 : i32
    %dma_start3A_31 = arith.constant 0 : i32
    %dma_start3A_32 = tpu.memref_slice %arg9[%dma_start3A_29, %dma_start3A_30, %dma_start3A_31] : memref<20x256x16xf32, #tpu.memory_space<vmem>> -> memref<1x256x16xf32, #tpu.memory_space<vmem>>
    %dma_start3A_33 = tpu.memref_squeeze %dma_start3A_32 : memref<1x256x16xf32, #tpu.memory_space<vmem>> -> memref<256x16xf32, #tpu.memory_space<vmem>>
    %dma_start3A_34 = arith.constant 0 : i32
    %dma_start3A_35 = tpu.memref_slice %arg7[%dma_start3A_28, %dma_start3A_34] : memref<40x256xi32, #tpu.memory_space<vmem>> -> memref<1x256xi32, #tpu.memory_space<vmem>>
    %dma_start3A_36 = tpu.memref_squeeze %dma_start3A_35 : memref<1x256xi32, #tpu.memory_space<vmem>> -> memref<256xi32, #tpu.memory_space<vmem>>
    %dma_start3A_37 = arith.constant 0 : i32
    %dma_start3A_38 = arith.constant 0 : i32
    %dma_start3A_39 = tpu.memref_slice %arg2[%dma_start3A_37, %dma_start3A_38] : memref<10240x16xf32, #tpu.memory_space<hbm>> -> memref<10240x16xf32, #tpu.memory_space<hbm>>
    tpu.enqueue_indirect_dma source(%dma_start3A_39 : memref<10240x16xf32, #tpu.memory_space<hbm>>) target(%dma_start3A_33 : memref<256x16xf32, #tpu.memory_space<vmem>>) offsets(%dma_start3A_36 : memref<256xi32, #tpu.memory_space<vmem>>) semaphore(%arg11 : memref<!tpu.dma_semaphore, #tpu.memory_space<semaphore_mem>>)
    %dma_start3A_40 = arith.constant 3 : i32
    %dma_start3A_41 = arith.constant 3 : i32
    %dma_start3A_42 = arith.constant 0 : i32
    %dma_start3A_43 = arith.constant 0 : i32
    %dma_start3A_44 = tpu.memref_slice %arg9[%dma_start3A_41, %dma_start3A_42, %dma_start3A_43] : memref<20x256x16xf32, #tpu.memory_space<vmem>> -> memref<1x256x16xf32, #tpu.memory_space<vmem>>
    %dma_start3A_45 = tpu.memref_squeeze %dma_start3A_44 : memref<1x256x16xf32, #tpu.memory_space<vmem>> -> memref<256x16xf32, #tpu.memory_space<vmem>>
    %dma_start3A_46 = arith.constant 0 : i32
    %dma_start3A_47 = tpu.memref_slice %arg7[%dma_start3A_40, %dma_start3A_46] : memref<40x256xi32, #tpu.memory_space<vmem>> -> memref<1x256xi32, #tpu.memory_space<vmem>>
    %dma_start3A_48 = tpu.memref_squeeze %dma_start3A_47 : memref<1x256xi32, #tpu.memory_space<vmem>> -> memref<256xi32, #tpu.memory_space<vmem>>
    %dma_start3A_49 = arith.constant 0 : i32
    %dma_start3A_50 = arith.constant 0 : i32
    %dma_start3A_51 = tpu.memref_slice %arg2[%dma_start3A_49, %dma_start3A_50] : memref<10240x16xf32, #tpu.memory_space<hbm>> -> memref<10240x16xf32, #tpu.memory_space<hbm>>
    tpu.enqueue_indirect_dma source(%dma_start3A_51 : memref<10240x16xf32, #tpu.memory_space<hbm>>) target(%dma_start3A_45 : memref<256x16xf32, #tpu.memory_space<vmem>>) offsets(%dma_start3A_48 : memref<256xi32, #tpu.memory_space<vmem>>) semaphore(%arg11 : memref<!tpu.dma_semaphore, #tpu.memory_space<semaphore_mem>>)
    %dma_start3A_52 = arith.constant 4 : i32
    %dma_start3A_53 = arith.constant 4 : i32
    %dma_start3A_54 = arith.constant 0 : i32
    %dma_start3A_55 = arith.constant 0 : i32
    %dma_start3A_56 = tpu.memref_slice %arg9[%dma_start3A_53, %dma_start3A_54, %dma_start3A_55] : memref<20x256x16xf32, #tpu.memory_space<vmem>> -> memref<1x256x16xf32, #tpu.memory_space<vmem>>
    %dma_start3A_57 = tpu.memref_squeeze %dma_start3A_56 : memref<1x256x16xf32, #tpu.memory_space<vmem>> -> memref<256x16xf32, #tpu.memory_space<vmem>>
    %dma_start3A_58 = arith.constant 0 : i32
    %dma_start3A_59 = tpu.memref_slice %arg7[%dma_start3A_52, %dma_start3A_58] : memref<40x256xi32, #tpu.memory_space<vmem>> -> memref<1x256xi32, #tpu.memory_space<vmem>>
    %dma_start3A_60 = tpu.memref_squeeze %dma_start3A_59 : memref<1x256xi32, #tpu.memory_space<vmem>> -> memref<256xi32, #tpu.memory_space<vmem>>
    %dma_start3A_61 = arith.constant 0 : i32
    %dma_start3A_62 = arith.constant 0 : i32
    %dma_start3A_63 = tpu.memref_slice %arg2[%dma_start3A_61, %dma_start3A_62] : memref<10240x16xf32, #tpu.memory_space<hbm>> -> memref<10240x16xf32, #tpu.memory_space<hbm>>
    tpu.enqueue_indirect_dma source(%dma_start3A_63 : memref<10240x16xf32, #tpu.memory_space<hbm>>) target(%dma_start3A_57 : memref<256x16xf32, #tpu.memory_space<vmem>>) offsets(%dma_start3A_60 : memref<256xi32, #tpu.memory_space<vmem>>) semaphore(%arg11 : memref<!tpu.dma_semaphore, #tpu.memory_space<semaphore_mem>>)
    %dma_start3A_64 = arith.constant 5 : i32
    %dma_start3A_65 = arith.constant 5 : i32
    %dma_start3A_66 = arith.constant 0 : i32
    %dma_start3A_67 = arith.constant 0 : i32
    %dma_start3A_68 = tpu.memref_slice %arg9[%dma_start3A_65, %dma_start3A_66, %dma_start3A_67] : memref<20x256x16xf32, #tpu.memory_space<vmem>> -> memref<1x256x16xf32, #tpu.memory_space<vmem>>
    %dma_start3A_69 = tpu.memref_squeeze %dma_start3A_68 : memref<1x256x16xf32, #tpu.memory_space<vmem>> -> memref<256x16xf32, #tpu.memory_space<vmem>>
    %dma_start3A_70 = arith.constant 0 : i32
    %dma_start3A_71 = tpu.memref_slice %arg7[%dma_start3A_64, %dma_start3A_70] : memref<40x256xi32, #tpu.memory_space<vmem>> -> memref<1x256xi32, #tpu.memory_space<vmem>>
    %dma_start3A_72 = tpu.memref_squeeze %dma_start3A_71 : memref<1x256xi32, #tpu.memory_space<vmem>> -> memref<256xi32, #tpu.memory_space<vmem>>
    %dma_start3A_73 = arith.constant 0 : i32
    %dma_start3A_74 = arith.constant 0 : i32
    %dma_start3A_75 = tpu.memref_slice %arg2[%dma_start3A_73, %dma_start3A_74] : memref<10240x16xf32, #tpu.memory_space<hbm>> -> memref<10240x16xf32, #tpu.memory_space<hbm>>
    tpu.enqueue_indirect_dma source(%dma_start3A_75 : memref<10240x16xf32, #tpu.memory_space<hbm>>) target(%dma_start3A_69 : memref<256x16xf32, #tpu.memory_space<vmem>>) offsets(%dma_start3A_72 : memref<256xi32, #tpu.memory_space<vmem>>) semaphore(%arg11 : memref<!tpu.dma_semaphore, #tpu.memory_space<semaphore_mem>>)
    %dma_start3A_76 = arith.constant 6 : i32
    %dma_start3A_77 = arith.constant 6 : i32
    %dma_start3A_78 = arith.constant 0 : i32
    %dma_start3A_79 = arith.constant 0 : i32
    %dma_start3A_80 = tpu.memref_slice %arg9[%dma_start3A_77, %dma_start3A_78, %dma_start3A_79] : memref<20x256x16xf32, #tpu.memory_space<vmem>> -> memref<1x256x16xf32, #tpu.memory_space<vmem>>
    %dma_start3A_81 = tpu.memref_squeeze %dma_start3A_80 : memref<1x256x16xf32, #tpu.memory_space<vmem>> -> memref<256x16xf32, #tpu.memory_space<vmem>>
    %dma_start3A_82 = arith.constant 0 : i32
    %dma_start3A_83 = tpu.memref_slice %arg7[%dma_start3A_76, %dma_start3A_82] : memref<40x256xi32, #tpu.memory_space<vmem>> -> memref<1x256xi32, #tpu.memory_space<vmem>>
    %dma_start3A_84 = tpu.memref_squeeze %dma_start3A_83 : memref<1x256xi32, #tpu.memory_space<vmem>> -> memref<256xi32, #tpu.memory_space<vmem>>
    %dma_start3A_85 = arith.constant 0 : i32
    %dma_start3A_86 = arith.constant 0 : i32
    %dma_start3A_87 = tpu.memref_slice %arg2[%dma_start3A_85, %dma_start3A_86] : memref<10240x16xf32, #tpu.memory_space<hbm>> -> memref<10240x16xf32, #tpu.memory_space<hbm>>
    tpu.enqueue_indirect_dma source(%dma_start3A_87 : memref<10240x16xf32, #tpu.memory_space<hbm>>) target(%dma_start3A_81 : memref<256x16xf32, #tpu.memory_space<vmem>>) offsets(%dma_start3A_84 : memref<256xi32, #tpu.memory_space<vmem>>) semaphore(%arg11 : memref<!tpu.dma_semaphore, #tpu.memory_space<semaphore_mem>>)
    %dma_start3A_88 = arith.constant 7 : i32
    %dma_start3A_89 = arith.constant 7 : i32
    %dma_start3A_90 = arith.constant 0 : i32
    %dma_start3A_91 = arith.constant 0 : i32
    %dma_start3A_92 = tpu.memref_slice %arg9[%dma_start3A_89, %dma_start3A_90, %dma_start3A_91] : memref<20x256x16xf32, #tpu.memory_space<vmem>> -> memref<1x256x16xf32, #tpu.memory_space<vmem>>
    %dma_start3A_93 = tpu.memref_squeeze %dma_start3A_92 : memref<1x256x16xf32, #tpu.memory_space<vmem>> -> memref<256x16xf32, #tpu.memory_space<vmem>>
    %dma_start3A_94 = arith.constant 0 : i32
    %dma_start3A_95 = tpu.memref_slice %arg7[%dma_start3A_88, %dma_start3A_94] : memref<40x256xi32, #tpu.memory_space<vmem>> -> memref<1x256xi32, #tpu.memory_space<vmem>>
    %dma_start3A_96 = tpu.memref_squeeze %dma_start3A_95 : memref<1x256xi32, #tpu.memory_space<vmem>> -> memref<256xi32, #tpu.memory_space<vmem>>
    %dma_start3A_97 = arith.constant 0 : i32
    %dma_start3A_98 = arith.constant 0 : i32
    %dma_start3A_99 = tpu.memref_slice %arg2[%dma_start3A_97, %dma_start3A_98] : memref<10240x16xf32, #tpu.memory_space<hbm>> -> memref<10240x16xf32, #tpu.memory_space<hbm>>
    tpu.enqueue_indirect_dma source(%dma_start3A_99 : memref<10240x16xf32, #tpu.memory_space<hbm>>) target(%dma_start3A_93 : memref<256x16xf32, #tpu.memory_space<vmem>>) offsets(%dma_start3A_96 : memref<256xi32, #tpu.memory_space<vmem>>) semaphore(%arg11 : memref<!tpu.dma_semaphore, #tpu.memory_space<semaphore_mem>>)
    %dma_start3A_100 = arith.constant 8 : i32
    %dma_start3A_101 = arith.constant 8 : i32
    %dma_start3A_102 = arith.constant 0 : i32
    %dma_start3A_103 = arith.constant 0 : i32
    %dma_start3A_104 = tpu.memref_slice %arg9[%dma_start3A_101, %dma_start3A_102, %dma_start3A_103] : memref<20x256x16xf32, #tpu.memory_space<vmem>> -> memref<1x256x16xf32, #tpu.memory_space<vmem>>
    %dma_start3A_105 = tpu.memref_squeeze %dma_start3A_104 : memref<1x256x16xf32, #tpu.memory_space<vmem>> -> memref<256x16xf32, #tpu.memory_space<vmem>>
    %dma_start3A_106 = arith.constant 0 : i32
    %dma_start3A_107 = tpu.memref_slice %arg7[%dma_start3A_100, %dma_start3A_106] : memref<40x256xi32, #tpu.memory_space<vmem>> -> memref<1x256xi32, #tpu.memory_space<vmem>>
    %dma_start3A_108 = tpu.memref_squeeze %dma_start3A_107 : memref<1x256xi32, #tpu.memory_space<vmem>> -> memref<256xi32, #tpu.memory_space<vmem>>
    %dma_start3A_109 = arith.constant 0 : i32
    %dma_start3A_110 = arith.constant 0 : i32
    %dma_start3A_111 = tpu.memref_slice %arg2[%dma_start3A_109, %dma_start3A_110] : memref<10240x16xf32, #tpu.memory_space<hbm>> -> memref<10240x16xf32, #tpu.memory_space<hbm>>
    tpu.enqueue_indirect_dma source(%dma_start3A_111 : memref<10240x16xf32, #tpu.memory_space<hbm>>) target(%dma_start3A_105 : memref<256x16xf32, #tpu.memory_space<vmem>>) offsets(%dma_start3A_108 : memref<256xi32, #tpu.memory_space<vmem>>) semaphore(%arg11 : memref<!tpu.dma_semaphore, #tpu.memory_space<semaphore_mem>>)
    %dma_start3A_112 = arith.constant 9 : i32
    %dma_start3A_113 = arith.constant 9 : i32
    %dma_start3A_114 = arith.constant 0 : i32
    %dma_start3A_115 = arith.constant 0 : i32
    %dma_start3A_116 = tpu.memref_slice %arg9[%dma_start3A_113, %dma_start3A_114, %dma_start3A_115] : memref<20x256x16xf32, #tpu.memory_space<vmem>> -> memref<1x256x16xf32, #tpu.memory_space<vmem>>
    %dma_start3A_117 = tpu.memref_squeeze %dma_start3A_116 : memref<1x256x16xf32, #tpu.memory_space<vmem>> -> memref<256x16xf32, #tpu.memory_space<vmem>>
    %dma_start3A_118 = arith.constant 0 : i32
    %dma_start3A_119 = tpu.memref_slice %arg7[%dma_start3A_112, %dma_start3A_118] : memref<40x256xi32, #tpu.memory_space<vmem>> -> memref<1x256xi32, #tpu.memory_space<vmem>>
    %dma_start3A_120 = tpu.memref_squeeze %dma_start3A_119 : memref<1x256xi32, #tpu.memory_space<vmem>> -> memref<256xi32, #tpu.memory_space<vmem>>
    %dma_start3A_121 = arith.constant 0 : i32
    %dma_start3A_122 = arith.constant 0 : i32
    %dma_start3A_123 = tpu.memref_slice %arg2[%dma_start3A_121, %dma_start3A_122] : memref<10240x16xf32, #tpu.memory_space<hbm>> -> memref<10240x16xf32, #tpu.memory_space<hbm>>
    tpu.enqueue_indirect_dma source(%dma_start3A_123 : memref<10240x16xf32, #tpu.memory_space<hbm>>) target(%dma_start3A_117 : memref<256x16xf32, #tpu.memory_space<vmem>>) offsets(%dma_start3A_120 : memref<256xi32, #tpu.memory_space<vmem>>) semaphore(%arg11 : memref<!tpu.dma_semaphore, #tpu.memory_space<semaphore_mem>>)
    %scan3A = arith.constant 0 : i32
    %scan3A_124 = arith.constant 4 : i32
    %scan3A_125 = arith.addi %scan3A, %scan3A_124 : i32
    %scan3A_126 = arith.constant 1 : i32
    scf.for %scan3A_252 = %scan3A to %scan3A_125 step %scan3A_126  : i32 {
      %mul3A_253 = arith.constant 1 : i32
      %mul3A_254 = arith.muli %scan3A_252, %mul3A_253 : i32
      %add3A_255 = arith.constant 0 : i32
      %add3A_256 = arith.addi %add3A_255, %mul3A_254 : i32
      %rem3A = arith.constant 2 : i32
      %rem3A_257 = arith.remsi %add3A_256, %rem3A : i32
      %mul3A_258 = arith.constant 10 : i32
      %mul3A_259 = arith.muli %rem3A_257, %mul3A_258 : i32
      %sub3A = arith.constant 1 : i32
      %sub3A_260 = arith.subi %sub3A, %rem3A_257 : i32
      %mul3A_261 = arith.constant 10 : i32
      %mul3A_262 = arith.muli %sub3A_260, %mul3A_261 : i32
      %mul3A_263 = arith.constant 10 : i32
      %mul3A_264 = arith.muli %add3A_256, %mul3A_263 : i32
      %add3A_265 = arith.constant 0 : i32
      %add3A_266 = arith.addi %mul3A_264, %add3A_265 : i32
      %add3A_267 = arith.constant 0 : i32
      %add3A_268 = arith.addi %mul3A_259, %add3A_267 : i32
      %dma_wait3A_269 = arith.constant 0 : i32
      %dma_wait3A_270 = arith.constant 0 : i32
      %dma_wait3A_271 = tpu.memref_slice %arg9[%add3A_268, %dma_wait3A_269, %dma_wait3A_270] : memref<20x256x16xf32, #tpu.memory_space<vmem>> -> memref<1x256x16xf32, #tpu.memory_space<vmem>>
      %dma_wait3A_272 = tpu.memref_squeeze %dma_wait3A_271 : memref<1x256x16xf32, #tpu.memory_space<vmem>> -> memref<256x16xf32, #tpu.memory_space<vmem>>
      %dma_wait3A_273 = arith.constant 0 : i32
      %dma_wait3A_274 = tpu.memref_slice %arg7[%add3A_266, %dma_wait3A_273] : memref<40x256xi32, #tpu.memory_space<vmem>> -> memref<1x256xi32, #tpu.memory_space<vmem>>
      %dma_wait3A_275 = tpu.memref_squeeze %dma_wait3A_274 : memref<1x256xi32, #tpu.memory_space<vmem>> -> memref<256xi32, #tpu.memory_space<vmem>>
      %dma_wait3A_276 = arith.constant 0 : i32
      %dma_wait3A_277 = arith.constant 0 : i32
      %dma_wait3A_278 = tpu.memref_slice %arg2[%dma_wait3A_276, %dma_wait3A_277] : memref<10240x16xf32, #tpu.memory_space<hbm>> -> memref<10240x16xf32, #tpu.memory_space<hbm>>
      tpu.wait_indirect_dma semaphore(%arg11 : memref<!tpu.dma_semaphore, #tpu.memory_space<semaphore_mem>>) src(%dma_wait3A_278 : memref<10240x16xf32, #tpu.memory_space<hbm>>) dst(%dma_wait3A_272 : memref<256x16xf32, #tpu.memory_space<vmem>>)
      %mul3A_279 = arith.constant 10 : i32
      %mul3A_280 = arith.muli %add3A_256, %mul3A_279 : i32
      %add3A_281 = arith.constant 1 : i32
      %add3A_282 = arith.addi %mul3A_280, %add3A_281 : i32
      %add3A_283 = arith.constant 1 : i32
      %add3A_284 = arith.addi %mul3A_259, %add3A_283 : i32
      %dma_wait3A_285 = arith.constant 0 : i32
      %dma_wait3A_286 = arith.constant 0 : i32
      %dma_wait3A_287 = tpu.memref_slice %arg9[%add3A_284, %dma_wait3A_285, %dma_wait3A_286] : memref<20x256x16xf32, #tpu.memory_space<vmem>> -> memref<1x256x16xf32, #tpu.memory_space<vmem>>
      %dma_wait3A_288 = tpu.memref_squeeze %dma_wait3A_287 : memref<1x256x16xf32, #tpu.memory_space<vmem>> -> memref<256x16xf32, #tpu.memory_space<vmem>>
      %dma_wait3A_289 = arith.constant 0 : i32
      %dma_wait3A_290 = tpu.memref_slice %arg7[%add3A_282, %dma_wait3A_289] : memref<40x256xi32, #tpu.memory_space<vmem>> -> memref<1x256xi32, #tpu.memory_space<vmem>>
      %dma_wait3A_291 = tpu.memref_squeeze %dma_wait3A_290 : memref<1x256xi32, #tpu.memory_space<vmem>> -> memref<256xi32, #tpu.memory_space<vmem>>
      %dma_wait3A_292 = arith.constant 0 : i32
      %dma_wait3A_293 = arith.constant 0 : i32
      %dma_wait3A_294 = tpu.memref_slice %arg2[%dma_wait3A_292, %dma_wait3A_293] : memref<10240x16xf32, #tpu.memory_space<hbm>> -> memref<10240x16xf32, #tpu.memory_space<hbm>>
      tpu.wait_indirect_dma semaphore(%arg11 : memref<!tpu.dma_semaphore, #tpu.memory_space<semaphore_mem>>) src(%dma_wait3A_294 : memref<10240x16xf32, #tpu.memory_space<hbm>>) dst(%dma_wait3A_288 : memref<256x16xf32, #tpu.memory_space<vmem>>)
      %mul3A_295 = arith.constant 10 : i32
      %mul3A_296 = arith.muli %add3A_256, %mul3A_295 : i32
      %add3A_297 = arith.constant 2 : i32
      %add3A_298 = arith.addi %mul3A_296, %add3A_297 : i32
      %add3A_299 = arith.constant 2 : i32
      %add3A_300 = arith.addi %mul3A_259, %add3A_299 : i32
      %dma_wait3A_301 = arith.constant 0 : i32
      %dma_wait3A_302 = arith.constant 0 : i32
      %dma_wait3A_303 = tpu.memref_slice %arg9[%add3A_300, %dma_wait3A_301, %dma_wait3A_302] : memref<20x256x16xf32, #tpu.memory_space<vmem>> -> memref<1x256x16xf32, #tpu.memory_space<vmem>>
      %dma_wait3A_304 = tpu.memref_squeeze %dma_wait3A_303 : memref<1x256x16xf32, #tpu.memory_space<vmem>> -> memref<256x16xf32, #tpu.memory_space<vmem>>
      %dma_wait3A_305 = arith.constant 0 : i32
      %dma_wait3A_306 = tpu.memref_slice %arg7[%add3A_298, %dma_wait3A_305] : memref<40x256xi32, #tpu.memory_space<vmem>> -> memref<1x256xi32, #tpu.memory_space<vmem>>
      %dma_wait3A_307 = tpu.memref_squeeze %dma_wait3A_306 : memref<1x256xi32, #tpu.memory_space<vmem>> -> memref<256xi32, #tpu.memory_space<vmem>>
      %dma_wait3A_308 = arith.constant 0 : i32
      %dma_wait3A_309 = arith.constant 0 : i32
      %dma_wait3A_310 = tpu.memref_slice %arg2[%dma_wait3A_308, %dma_wait3A_309] : memref<10240x16xf32, #tpu.memory_space<hbm>> -> memref<10240x16xf32, #tpu.memory_space<hbm>>
      tpu.wait_indirect_dma semaphore(%arg11 : memref<!tpu.dma_semaphore, #tpu.memory_space<semaphore_mem>>) src(%dma_wait3A_310 : memref<10240x16xf32, #tpu.memory_space<hbm>>) dst(%dma_wait3A_304 : memref<256x16xf32, #tpu.memory_space<vmem>>)
      %mul3A_311 = arith.constant 10 : i32
      %mul3A_312 = arith.muli %add3A_256, %mul3A_311 : i32
      %add3A_313 = arith.constant 3 : i32
      %add3A_314 = arith.addi %mul3A_312, %add3A_313 : i32
      %add3A_315 = arith.constant 3 : i32
      %add3A_316 = arith.addi %mul3A_259, %add3A_315 : i32
      %dma_wait3A_317 = arith.constant 0 : i32
      %dma_wait3A_318 = arith.constant 0 : i32
      %dma_wait3A_319 = tpu.memref_slice %arg9[%add3A_316, %dma_wait3A_317, %dma_wait3A_318] : memref<20x256x16xf32, #tpu.memory_space<vmem>> -> memref<1x256x16xf32, #tpu.memory_space<vmem>>
      %dma_wait3A_320 = tpu.memref_squeeze %dma_wait3A_319 : memref<1x256x16xf32, #tpu.memory_space<vmem>> -> memref<256x16xf32, #tpu.memory_space<vmem>>
      %dma_wait3A_321 = arith.constant 0 : i32
      %dma_wait3A_322 = tpu.memref_slice %arg7[%add3A_314, %dma_wait3A_321] : memref<40x256xi32, #tpu.memory_space<vmem>> -> memref<1x256xi32, #tpu.memory_space<vmem>>
      %dma_wait3A_323 = tpu.memref_squeeze %dma_wait3A_322 : memref<1x256xi32, #tpu.memory_space<vmem>> -> memref<256xi32, #tpu.memory_space<vmem>>
      %dma_wait3A_324 = arith.constant 0 : i32
      %dma_wait3A_325 = arith.constant 0 : i32
      %dma_wait3A_326 = tpu.memref_slice %arg2[%dma_wait3A_324, %dma_wait3A_325] : memref<10240x16xf32, #tpu.memory_space<hbm>> -> memref<10240x16xf32, #tpu.memory_space<hbm>>
      tpu.wait_indirect_dma semaphore(%arg11 : memref<!tpu.dma_semaphore, #tpu.memory_space<semaphore_mem>>) src(%dma_wait3A_326 : memref<10240x16xf32, #tpu.memory_space<hbm>>) dst(%dma_wait3A_320 : memref<256x16xf32, #tpu.memory_space<vmem>>)
      %mul3A_327 = arith.constant 10 : i32
      %mul3A_328 = arith.muli %add3A_256, %mul3A_327 : i32
      %add3A_329 = arith.constant 4 : i32
      %add3A_330 = arith.addi %mul3A_328, %add3A_329 : i32
      %add3A_331 = arith.constant 4 : i32
      %add3A_332 = arith.addi %mul3A_259, %add3A_331 : i32
      %dma_wait3A_333 = arith.constant 0 : i32
      %dma_wait3A_334 = arith.constant 0 : i32
      %dma_wait3A_335 = tpu.memref_slice %arg9[%add3A_332, %dma_wait3A_333, %dma_wait3A_334] : memref<20x256x16xf32, #tpu.memory_space<vmem>> -> memref<1x256x16xf32, #tpu.memory_space<vmem>>
      %dma_wait3A_336 = tpu.memref_squeeze %dma_wait3A_335 : memref<1x256x16xf32, #tpu.memory_space<vmem>> -> memref<256x16xf32, #tpu.memory_space<vmem>>
      %dma_wait3A_337 = arith.constant 0 : i32
      %dma_wait3A_338 = tpu.memref_slice %arg7[%add3A_330, %dma_wait3A_337] : memref<40x256xi32, #tpu.memory_space<vmem>> -> memref<1x256xi32, #tpu.memory_space<vmem>>
      %dma_wait3A_339 = tpu.memref_squeeze %dma_wait3A_338 : memref<1x256xi32, #tpu.memory_space<vmem>> -> memref<256xi32, #tpu.memory_space<vmem>>
      %dma_wait3A_340 = arith.constant 0 : i32
      %dma_wait3A_341 = arith.constant 0 : i32
      %dma_wait3A_342 = tpu.memref_slice %arg2[%dma_wait3A_340, %dma_wait3A_341] : memref<10240x16xf32, #tpu.memory_space<hbm>> -> memref<10240x16xf32, #tpu.memory_space<hbm>>
      tpu.wait_indirect_dma semaphore(%arg11 : memref<!tpu.dma_semaphore, #tpu.memory_space<semaphore_mem>>) src(%dma_wait3A_342 : memref<10240x16xf32, #tpu.memory_space<hbm>>) dst(%dma_wait3A_336 : memref<256x16xf32, #tpu.memory_space<vmem>>)
      %mul3A_343 = arith.constant 10 : i32
      %mul3A_344 = arith.muli %add3A_256, %mul3A_343 : i32
      %add3A_345 = arith.constant 5 : i32
      %add3A_346 = arith.addi %mul3A_344, %add3A_345 : i32
      %add3A_347 = arith.constant 5 : i32
      %add3A_348 = arith.addi %mul3A_259, %add3A_347 : i32
      %dma_wait3A_349 = arith.constant 0 : i32
      %dma_wait3A_350 = arith.constant 0 : i32
      %dma_wait3A_351 = tpu.memref_slice %arg9[%add3A_348, %dma_wait3A_349, %dma_wait3A_350] : memref<20x256x16xf32, #tpu.memory_space<vmem>> -> memref<1x256x16xf32, #tpu.memory_space<vmem>>
      %dma_wait3A_352 = tpu.memref_squeeze %dma_wait3A_351 : memref<1x256x16xf32, #tpu.memory_space<vmem>> -> memref<256x16xf32, #tpu.memory_space<vmem>>
      %dma_wait3A_353 = arith.constant 0 : i32
      %dma_wait3A_354 = tpu.memref_slice %arg7[%add3A_346, %dma_wait3A_353] : memref<40x256xi32, #tpu.memory_space<vmem>> -> memref<1x256xi32, #tpu.memory_space<vmem>>
      %dma_wait3A_355 = tpu.memref_squeeze %dma_wait3A_354 : memref<1x256xi32, #tpu.memory_space<vmem>> -> memref<256xi32, #tpu.memory_space<vmem>>
      %dma_wait3A_356 = arith.constant 0 : i32
      %dma_wait3A_357 = arith.constant 0 : i32
      %dma_wait3A_358 = tpu.memref_slice %arg2[%dma_wait3A_356, %dma_wait3A_357] : memref<10240x16xf32, #tpu.memory_space<hbm>> -> memref<10240x16xf32, #tpu.memory_space<hbm>>
      tpu.wait_indirect_dma semaphore(%arg11 : memref<!tpu.dma_semaphore, #tpu.memory_space<semaphore_mem>>) src(%dma_wait3A_358 : memref<10240x16xf32, #tpu.memory_space<hbm>>) dst(%dma_wait3A_352 : memref<256x16xf32, #tpu.memory_space<vmem>>)
      %mul3A_359 = arith.constant 10 : i32
      %mul3A_360 = arith.muli %add3A_256, %mul3A_359 : i32
      %add3A_361 = arith.constant 6 : i32
      %add3A_362 = arith.addi %mul3A_360, %add3A_361 : i32
      %add3A_363 = arith.constant 6 : i32
      %add3A_364 = arith.addi %mul3A_259, %add3A_363 : i32
      %dma_wait3A_365 = arith.constant 0 : i32
      %dma_wait3A_366 = arith.constant 0 : i32
      %dma_wait3A_367 = tpu.memref_slice %arg9[%add3A_364, %dma_wait3A_365, %dma_wait3A_366] : memref<20x256x16xf32, #tpu.memory_space<vmem>> -> memref<1x256x16xf32, #tpu.memory_space<vmem>>
      %dma_wait3A_368 = tpu.memref_squeeze %dma_wait3A_367 : memref<1x256x16xf32, #tpu.memory_space<vmem>> -> memref<256x16xf32, #tpu.memory_space<vmem>>
      %dma_wait3A_369 = arith.constant 0 : i32
      %dma_wait3A_370 = tpu.memref_slice %arg7[%add3A_362, %dma_wait3A_369] : memref<40x256xi32, #tpu.memory_space<vmem>> -> memref<1x256xi32, #tpu.memory_space<vmem>>
      %dma_wait3A_371 = tpu.memref_squeeze %dma_wait3A_370 : memref<1x256xi32, #tpu.memory_space<vmem>> -> memref<256xi32, #tpu.memory_space<vmem>>
      %dma_wait3A_372 = arith.constant 0 : i32
      %dma_wait3A_373 = arith.constant 0 : i32
      %dma_wait3A_374 = tpu.memref_slice %arg2[%dma_wait3A_372, %dma_wait3A_373] : memref<10240x16xf32, #tpu.memory_space<hbm>> -> memref<10240x16xf32, #tpu.memory_space<hbm>>
      tpu.wait_indirect_dma semaphore(%arg11 : memref<!tpu.dma_semaphore, #tpu.memory_space<semaphore_mem>>) src(%dma_wait3A_374 : memref<10240x16xf32, #tpu.memory_space<hbm>>) dst(%dma_wait3A_368 : memref<256x16xf32, #tpu.memory_space<vmem>>)
      %mul3A_375 = arith.constant 10 : i32
      %mul3A_376 = arith.muli %add3A_256, %mul3A_375 : i32
      %add3A_377 = arith.constant 7 : i32
      %add3A_378 = arith.addi %mul3A_376, %add3A_377 : i32
      %add3A_379 = arith.constant 7 : i32
      %add3A_380 = arith.addi %mul3A_259, %add3A_379 : i32
      %dma_wait3A_381 = arith.constant 0 : i32
      %dma_wait3A_382 = arith.constant 0 : i32
      %dma_wait3A_383 = tpu.memref_slice %arg9[%add3A_380, %dma_wait3A_381, %dma_wait3A_382] : memref<20x256x16xf32, #tpu.memory_space<vmem>> -> memref<1x256x16xf32, #tpu.memory_space<vmem>>
      %dma_wait3A_384 = tpu.memref_squeeze %dma_wait3A_383 : memref<1x256x16xf32, #tpu.memory_space<vmem>> -> memref<256x16xf32, #tpu.memory_space<vmem>>
      %dma_wait3A_385 = arith.constant 0 : i32
      %dma_wait3A_386 = tpu.memref_slice %arg7[%add3A_378, %dma_wait3A_385] : memref<40x256xi32, #tpu.memory_space<vmem>> -> memref<1x256xi32, #tpu.memory_space<vmem>>
      %dma_wait3A_387 = tpu.memref_squeeze %dma_wait3A_386 : memref<1x256xi32, #tpu.memory_space<vmem>> -> memref<256xi32, #tpu.memory_space<vmem>>
      %dma_wait3A_388 = arith.constant 0 : i32
      %dma_wait3A_389 = arith.constant 0 : i32
      %dma_wait3A_390 = tpu.memref_slice %arg2[%dma_wait3A_388, %dma_wait3A_389] : memref<10240x16xf32, #tpu.memory_space<hbm>> -> memref<10240x16xf32, #tpu.memory_space<hbm>>
      tpu.wait_indirect_dma semaphore(%arg11 : memref<!tpu.dma_semaphore, #tpu.memory_space<semaphore_mem>>) src(%dma_wait3A_390 : memref<10240x16xf32, #tpu.memory_space<hbm>>) dst(%dma_wait3A_384 : memref<256x16xf32, #tpu.memory_space<vmem>>)
      %mul3A_391 = arith.constant 10 : i32
      %mul3A_392 = arith.muli %add3A_256, %mul3A_391 : i32
      %add3A_393 = arith.constant 8 : i32
      %add3A_394 = arith.addi %mul3A_392, %add3A_393 : i32
      %add3A_395 = arith.constant 8 : i32
      %add3A_396 = arith.addi %mul3A_259, %add3A_395 : i32
      %dma_wait3A_397 = arith.constant 0 : i32
      %dma_wait3A_398 = arith.constant 0 : i32
      %dma_wait3A_399 = tpu.memref_slice %arg9[%add3A_396, %dma_wait3A_397, %dma_wait3A_398] : memref<20x256x16xf32, #tpu.memory_space<vmem>> -> memref<1x256x16xf32, #tpu.memory_space<vmem>>
      %dma_wait3A_400 = tpu.memref_squeeze %dma_wait3A_399 : memref<1x256x16xf32, #tpu.memory_space<vmem>> -> memref<256x16xf32, #tpu.memory_space<vmem>>
      %dma_wait3A_401 = arith.constant 0 : i32
      %dma_wait3A_402 = tpu.memref_slice %arg7[%add3A_394, %dma_wait3A_401] : memref<40x256xi32, #tpu.memory_space<vmem>> -> memref<1x256xi32, #tpu.memory_space<vmem>>
      %dma_wait3A_403 = tpu.memref_squeeze %dma_wait3A_402 : memref<1x256xi32, #tpu.memory_space<vmem>> -> memref<256xi32, #tpu.memory_space<vmem>>
      %dma_wait3A_404 = arith.constant 0 : i32
      %dma_wait3A_405 = arith.constant 0 : i32
      %dma_wait3A_406 = tpu.memref_slice %arg2[%dma_wait3A_404, %dma_wait3A_405] : memref<10240x16xf32, #tpu.memory_space<hbm>> -> memref<10240x16xf32, #tpu.memory_space<hbm>>
      tpu.wait_indirect_dma semaphore(%arg11 : memref<!tpu.dma_semaphore, #tpu.memory_space<semaphore_mem>>) src(%dma_wait3A_406 : memref<10240x16xf32, #tpu.memory_space<hbm>>) dst(%dma_wait3A_400 : memref<256x16xf32, #tpu.memory_space<vmem>>)
      %mul3A_407 = arith.constant 10 : i32
      %mul3A_408 = arith.muli %add3A_256, %mul3A_407 : i32
      %add3A_409 = arith.constant 9 : i32
      %add3A_410 = arith.addi %mul3A_408, %add3A_409 : i32
      %add3A_411 = arith.constant 9 : i32
      %add3A_412 = arith.addi %mul3A_259, %add3A_411 : i32
      %dma_wait3A_413 = arith.constant 0 : i32
      %dma_wait3A_414 = arith.constant 0 : i32
      %dma_wait3A_415 = tpu.memref_slice %arg9[%add3A_412, %dma_wait3A_413, %dma_wait3A_414] : memref<20x256x16xf32, #tpu.memory_space<vmem>> -> memref<1x256x16xf32, #tpu.memory_space<vmem>>
      %dma_wait3A_416 = tpu.memref_squeeze %dma_wait3A_415 : memref<1x256x16xf32, #tpu.memory_space<vmem>> -> memref<256x16xf32, #tpu.memory_space<vmem>>
      %dma_wait3A_417 = arith.constant 0 : i32
      %dma_wait3A_418 = tpu.memref_slice %arg7[%add3A_410, %dma_wait3A_417] : memref<40x256xi32, #tpu.memory_space<vmem>> -> memref<1x256xi32, #tpu.memory_space<vmem>>
      %dma_wait3A_419 = tpu.memref_squeeze %dma_wait3A_418 : memref<1x256xi32, #tpu.memory_space<vmem>> -> memref<256xi32, #tpu.memory_space<vmem>>
      %dma_wait3A_420 = arith.constant 0 : i32
      %dma_wait3A_421 = arith.constant 0 : i32
      %dma_wait3A_422 = tpu.memref_slice %arg2[%dma_wait3A_420, %dma_wait3A_421] : memref<10240x16xf32, #tpu.memory_space<hbm>> -> memref<10240x16xf32, #tpu.memory_space<hbm>>
      tpu.wait_indirect_dma semaphore(%arg11 : memref<!tpu.dma_semaphore, #tpu.memory_space<semaphore_mem>>) src(%dma_wait3A_422 : memref<10240x16xf32, #tpu.memory_space<hbm>>) dst(%dma_wait3A_416 : memref<256x16xf32, #tpu.memory_space<vmem>>)
      %ge3A = arith.constant 1 : i32
      %ge3A_423 = arith.cmpi sge, %add3A_256, %ge3A : i32
      %convert_element_type3A = arith.extui %ge3A_423 : i1 to i32
      %cond3A = arith.constant 0 : i32
      %cond3A_424 = arith.cmpi ne, %convert_element_type3A, %cond3A : i32
      scf.if %cond3A_424 {
        %add3A_589 = arith.constant 0 : i32
        %add3A_590 = arith.addi %mul3A_262, %add3A_589 : i32
        %sub3A_591 = arith.constant 1 : i32
        %sub3A_592 = arith.subi %add3A_256, %sub3A_591 : i32
        %mul3A_593 = arith.constant 10 : i32
        %mul3A_594 = arith.muli %sub3A_592, %mul3A_593 : i32
        %add3A_595 = arith.constant 0 : i32
        %add3A_596 = arith.addi %mul3A_594, %add3A_595 : i32
        %dma_wait3A_597 = arith.constant 0 : i32
        %dma_wait3A_598 = arith.constant 0 : i32
        %dma_wait3A_599 = tpu.memref_slice %arg9[%add3A_590, %dma_wait3A_597, %dma_wait3A_598] : memref<20x256x16xf32, #tpu.memory_space<vmem>> -> memref<1x256x16xf32, #tpu.memory_space<vmem>>
        %dma_wait3A_600 = tpu.memref_squeeze %dma_wait3A_599 : memref<1x256x16xf32, #tpu.memory_space<vmem>> -> memref<256x16xf32, #tpu.memory_space<vmem>>
        %dma_wait3A_601 = arith.constant 0 : i32
        %dma_wait3A_602 = tpu.memref_slice %arg8[%add3A_596, %dma_wait3A_601] : memref<40x256xi32, #tpu.memory_space<vmem>> -> memref<1x256xi32, #tpu.memory_space<vmem>>
        %dma_wait3A_603 = tpu.memref_squeeze %dma_wait3A_602 : memref<1x256xi32, #tpu.memory_space<vmem>> -> memref<256xi32, #tpu.memory_space<vmem>>
        %dma_wait3A_604 = arith.constant 0 : i32
        %dma_wait3A_605 = arith.constant 0 : i32
        %dma_wait3A_606 = tpu.memref_slice %arg10[%dma_wait3A_604, %dma_wait3A_605] : memref<10240x16xf32, #tpu.memory_space<vmem_shared>> -> memref<10240x16xf32, #tpu.memory_space<vmem_shared>>
        tpu.wait_indirect_dma semaphore(%arg12 : memref<!tpu.dma_semaphore, #tpu.memory_space<semaphore_mem>>) src(%dma_wait3A_600 : memref<256x16xf32, #tpu.memory_space<vmem>>) dst(%dma_wait3A_606 : memref<10240x16xf32, #tpu.memory_space<vmem_shared>>)
        %add3A_607 = arith.constant 1 : i32
        %add3A_608 = arith.addi %mul3A_262, %add3A_607 : i32
        %sub3A_609 = arith.constant 1 : i32
        %sub3A_610 = arith.subi %add3A_256, %sub3A_609 : i32
        %mul3A_611 = arith.constant 10 : i32
        %mul3A_612 = arith.muli %sub3A_610, %mul3A_611 : i32
        %add3A_613 = arith.constant 1 : i32
        %add3A_614 = arith.addi %mul3A_612, %add3A_613 : i32
        %dma_wait3A_615 = arith.constant 0 : i32
        %dma_wait3A_616 = arith.constant 0 : i32
        %dma_wait3A_617 = tpu.memref_slice %arg9[%add3A_608, %dma_wait3A_615, %dma_wait3A_616] : memref<20x256x16xf32, #tpu.memory_space<vmem>> -> memref<1x256x16xf32, #tpu.memory_space<vmem>>
        %dma_wait3A_618 = tpu.memref_squeeze %dma_wait3A_617 : memref<1x256x16xf32, #tpu.memory_space<vmem>> -> memref<256x16xf32, #tpu.memory_space<vmem>>
        %dma_wait3A_619 = arith.constant 0 : i32
        %dma_wait3A_620 = tpu.memref_slice %arg8[%add3A_614, %dma_wait3A_619] : memref<40x256xi32, #tpu.memory_space<vmem>> -> memref<1x256xi32, #tpu.memory_space<vmem>>
        %dma_wait3A_621 = tpu.memref_squeeze %dma_wait3A_620 : memref<1x256xi32, #tpu.memory_space<vmem>> -> memref<256xi32, #tpu.memory_space<vmem>>
        %dma_wait3A_622 = arith.constant 0 : i32
        %dma_wait3A_623 = arith.constant 0 : i32
        %dma_wait3A_624 = tpu.memref_slice %arg10[%dma_wait3A_622, %dma_wait3A_623] : memref<10240x16xf32, #tpu.memory_space<vmem_shared>> -> memref<10240x16xf32, #tpu.memory_space<vmem_shared>>
        tpu.wait_indirect_dma semaphore(%arg12 : memref<!tpu.dma_semaphore, #tpu.memory_space<semaphore_mem>>) src(%dma_wait3A_618 : memref<256x16xf32, #tpu.memory_space<vmem>>) dst(%dma_wait3A_624 : memref<10240x16xf32, #tpu.memory_space<vmem_shared>>)
        %add3A_625 = arith.constant 2 : i32
        %add3A_626 = arith.addi %mul3A_262, %add3A_625 : i32
        %sub3A_627 = arith.constant 1 : i32
        %sub3A_628 = arith.subi %add3A_256, %sub3A_627 : i32
        %mul3A_629 = arith.constant 10 : i32
        %mul3A_630 = arith.muli %sub3A_628, %mul3A_629 : i32
        %add3A_631 = arith.constant 2 : i32
        %add3A_632 = arith.addi %mul3A_630, %add3A_631 : i32
        %dma_wait3A_633 = arith.constant 0 : i32
        %dma_wait3A_634 = arith.constant 0 : i32
        %dma_wait3A_635 = tpu.memref_slice %arg9[%add3A_626, %dma_wait3A_633, %dma_wait3A_634] : memref<20x256x16xf32, #tpu.memory_space<vmem>> -> memref<1x256x16xf32, #tpu.memory_space<vmem>>
        %dma_wait3A_636 = tpu.memref_squeeze %dma_wait3A_635 : memref<1x256x16xf32, #tpu.memory_space<vmem>> -> memref<256x16xf32, #tpu.memory_space<vmem>>
        %dma_wait3A_637 = arith.constant 0 : i32
        %dma_wait3A_638 = tpu.memref_slice %arg8[%add3A_632, %dma_wait3A_637] : memref<40x256xi32, #tpu.memory_space<vmem>> -> memref<1x256xi32, #tpu.memory_space<vmem>>
        %dma_wait3A_639 = tpu.memref_squeeze %dma_wait3A_638 : memref<1x256xi32, #tpu.memory_space<vmem>> -> memref<256xi32, #tpu.memory_space<vmem>>
        %dma_wait3A_640 = arith.constant 0 : i32
        %dma_wait3A_641 = arith.constant 0 : i32
        %dma_wait3A_642 = tpu.memref_slice %arg10[%dma_wait3A_640, %dma_wait3A_641] : memref<10240x16xf32, #tpu.memory_space<vmem_shared>> -> memref<10240x16xf32, #tpu.memory_space<vmem_shared>>
        tpu.wait_indirect_dma semaphore(%arg12 : memref<!tpu.dma_semaphore, #tpu.memory_space<semaphore_mem>>) src(%dma_wait3A_636 : memref<256x16xf32, #tpu.memory_space<vmem>>) dst(%dma_wait3A_642 : memref<10240x16xf32, #tpu.memory_space<vmem_shared>>)
        %add3A_643 = arith.constant 3 : i32
        %add3A_644 = arith.addi %mul3A_262, %add3A_643 : i32
        %sub3A_645 = arith.constant 1 : i32
        %sub3A_646 = arith.subi %add3A_256, %sub3A_645 : i32
        %mul3A_647 = arith.constant 10 : i32
        %mul3A_648 = arith.muli %sub3A_646, %mul3A_647 : i32
        %add3A_649 = arith.constant 3 : i32
        %add3A_650 = arith.addi %mul3A_648, %add3A_649 : i32
        %dma_wait3A_651 = arith.constant 0 : i32
        %dma_wait3A_652 = arith.constant 0 : i32
        %dma_wait3A_653 = tpu.memref_slice %arg9[%add3A_644, %dma_wait3A_651, %dma_wait3A_652] : memref<20x256x16xf32, #tpu.memory_space<vmem>> -> memref<1x256x16xf32, #tpu.memory_space<vmem>>
        %dma_wait3A_654 = tpu.memref_squeeze %dma_wait3A_653 : memref<1x256x16xf32, #tpu.memory_space<vmem>> -> memref<256x16xf32, #tpu.memory_space<vmem>>
        %dma_wait3A_655 = arith.constant 0 : i32
        %dma_wait3A_656 = tpu.memref_slice %arg8[%add3A_650, %dma_wait3A_655] : memref<40x256xi32, #tpu.memory_space<vmem>> -> memref<1x256xi32, #tpu.memory_space<vmem>>
        %dma_wait3A_657 = tpu.memref_squeeze %dma_wait3A_656 : memref<1x256xi32, #tpu.memory_space<vmem>> -> memref<256xi32, #tpu.memory_space<vmem>>
        %dma_wait3A_658 = arith.constant 0 : i32
        %dma_wait3A_659 = arith.constant 0 : i32
        %dma_wait3A_660 = tpu.memref_slice %arg10[%dma_wait3A_658, %dma_wait3A_659] : memref<10240x16xf32, #tpu.memory_space<vmem_shared>> -> memref<10240x16xf32, #tpu.memory_space<vmem_shared>>
        tpu.wait_indirect_dma semaphore(%arg12 : memref<!tpu.dma_semaphore, #tpu.memory_space<semaphore_mem>>) src(%dma_wait3A_654 : memref<256x16xf32, #tpu.memory_space<vmem>>) dst(%dma_wait3A_660 : memref<10240x16xf32, #tpu.memory_space<vmem_shared>>)
        %add3A_661 = arith.constant 4 : i32
        %add3A_662 = arith.addi %mul3A_262, %add3A_661 : i32
        %sub3A_663 = arith.constant 1 : i32
        %sub3A_664 = arith.subi %add3A_256, %sub3A_663 : i32
        %mul3A_665 = arith.constant 10 : i32
        %mul3A_666 = arith.muli %sub3A_664, %mul3A_665 : i32
        %add3A_667 = arith.constant 4 : i32
        %add3A_668 = arith.addi %mul3A_666, %add3A_667 : i32
        %dma_wait3A_669 = arith.constant 0 : i32
        %dma_wait3A_670 = arith.constant 0 : i32
        %dma_wait3A_671 = tpu.memref_slice %arg9[%add3A_662, %dma_wait3A_669, %dma_wait3A_670] : memref<20x256x16xf32, #tpu.memory_space<vmem>> -> memref<1x256x16xf32, #tpu.memory_space<vmem>>
        %dma_wait3A_672 = tpu.memref_squeeze %dma_wait3A_671 : memref<1x256x16xf32, #tpu.memory_space<vmem>> -> memref<256x16xf32, #tpu.memory_space<vmem>>
        %dma_wait3A_673 = arith.constant 0 : i32
        %dma_wait3A_674 = tpu.memref_slice %arg8[%add3A_668, %dma_wait3A_673] : memref<40x256xi32, #tpu.memory_space<vmem>> -> memref<1x256xi32, #tpu.memory_space<vmem>>
        %dma_wait3A_675 = tpu.memref_squeeze %dma_wait3A_674 : memref<1x256xi32, #tpu.memory_space<vmem>> -> memref<256xi32, #tpu.memory_space<vmem>>
        %dma_wait3A_676 = arith.constant 0 : i32
        %dma_wait3A_677 = arith.constant 0 : i32
        %dma_wait3A_678 = tpu.memref_slice %arg10[%dma_wait3A_676, %dma_wait3A_677] : memref<10240x16xf32, #tpu.memory_space<vmem_shared>> -> memref<10240x16xf32, #tpu.memory_space<vmem_shared>>
        tpu.wait_indirect_dma semaphore(%arg12 : memref<!tpu.dma_semaphore, #tpu.memory_space<semaphore_mem>>) src(%dma_wait3A_672 : memref<256x16xf32, #tpu.memory_space<vmem>>) dst(%dma_wait3A_678 : memref<10240x16xf32, #tpu.memory_space<vmem_shared>>)
        %add3A_679 = arith.constant 5 : i32
        %add3A_680 = arith.addi %mul3A_262, %add3A_679 : i32
        %sub3A_681 = arith.constant 1 : i32
        %sub3A_682 = arith.subi %add3A_256, %sub3A_681 : i32
        %mul3A_683 = arith.constant 10 : i32
        %mul3A_684 = arith.muli %sub3A_682, %mul3A_683 : i32
        %add3A_685 = arith.constant 5 : i32
        %add3A_686 = arith.addi %mul3A_684, %add3A_685 : i32
        %dma_wait3A_687 = arith.constant 0 : i32
        %dma_wait3A_688 = arith.constant 0 : i32
        %dma_wait3A_689 = tpu.memref_slice %arg9[%add3A_680, %dma_wait3A_687, %dma_wait3A_688] : memref<20x256x16xf32, #tpu.memory_space<vmem>> -> memref<1x256x16xf32, #tpu.memory_space<vmem>>
        %dma_wait3A_690 = tpu.memref_squeeze %dma_wait3A_689 : memref<1x256x16xf32, #tpu.memory_space<vmem>> -> memref<256x16xf32, #tpu.memory_space<vmem>>
        %dma_wait3A_691 = arith.constant 0 : i32
        %dma_wait3A_692 = tpu.memref_slice %arg8[%add3A_686, %dma_wait3A_691] : memref<40x256xi32, #tpu.memory_space<vmem>> -> memref<1x256xi32, #tpu.memory_space<vmem>>
        %dma_wait3A_693 = tpu.memref_squeeze %dma_wait3A_692 : memref<1x256xi32, #tpu.memory_space<vmem>> -> memref<256xi32, #tpu.memory_space<vmem>>
        %dma_wait3A_694 = arith.constant 0 : i32
        %dma_wait3A_695 = arith.constant 0 : i32
        %dma_wait3A_696 = tpu.memref_slice %arg10[%dma_wait3A_694, %dma_wait3A_695] : memref<10240x16xf32, #tpu.memory_space<vmem_shared>> -> memref<10240x16xf32, #tpu.memory_space<vmem_shared>>
        tpu.wait_indirect_dma semaphore(%arg12 : memref<!tpu.dma_semaphore, #tpu.memory_space<semaphore_mem>>) src(%dma_wait3A_690 : memref<256x16xf32, #tpu.memory_space<vmem>>) dst(%dma_wait3A_696 : memref<10240x16xf32, #tpu.memory_space<vmem_shared>>)
        %add3A_697 = arith.constant 6 : i32
        %add3A_698 = arith.addi %mul3A_262, %add3A_697 : i32
        %sub3A_699 = arith.constant 1 : i32
        %sub3A_700 = arith.subi %add3A_256, %sub3A_699 : i32
        %mul3A_701 = arith.constant 10 : i32
        %mul3A_702 = arith.muli %sub3A_700, %mul3A_701 : i32
        %add3A_703 = arith.constant 6 : i32
        %add3A_704 = arith.addi %mul3A_702, %add3A_703 : i32
        %dma_wait3A_705 = arith.constant 0 : i32
        %dma_wait3A_706 = arith.constant 0 : i32
        %dma_wait3A_707 = tpu.memref_slice %arg9[%add3A_698, %dma_wait3A_705, %dma_wait3A_706] : memref<20x256x16xf32, #tpu.memory_space<vmem>> -> memref<1x256x16xf32, #tpu.memory_space<vmem>>
        %dma_wait3A_708 = tpu.memref_squeeze %dma_wait3A_707 : memref<1x256x16xf32, #tpu.memory_space<vmem>> -> memref<256x16xf32, #tpu.memory_space<vmem>>
        %dma_wait3A_709 = arith.constant 0 : i32
        %dma_wait3A_710 = tpu.memref_slice %arg8[%add3A_704, %dma_wait3A_709] : memref<40x256xi32, #tpu.memory_space<vmem>> -> memref<1x256xi32, #tpu.memory_space<vmem>>
        %dma_wait3A_711 = tpu.memref_squeeze %dma_wait3A_710 : memref<1x256xi32, #tpu.memory_space<vmem>> -> memref<256xi32, #tpu.memory_space<vmem>>
        %dma_wait3A_712 = arith.constant 0 : i32
        %dma_wait3A_713 = arith.constant 0 : i32
        %dma_wait3A_714 = tpu.memref_slice %arg10[%dma_wait3A_712, %dma_wait3A_713] : memref<10240x16xf32, #tpu.memory_space<vmem_shared>> -> memref<10240x16xf32, #tpu.memory_space<vmem_shared>>
        tpu.wait_indirect_dma semaphore(%arg12 : memref<!tpu.dma_semaphore, #tpu.memory_space<semaphore_mem>>) src(%dma_wait3A_708 : memref<256x16xf32, #tpu.memory_space<vmem>>) dst(%dma_wait3A_714 : memref<10240x16xf32, #tpu.memory_space<vmem_shared>>)
        %add3A_715 = arith.constant 7 : i32
        %add3A_716 = arith.addi %mul3A_262, %add3A_715 : i32
        %sub3A_717 = arith.constant 1 : i32
        %sub3A_718 = arith.subi %add3A_256, %sub3A_717 : i32
        %mul3A_719 = arith.constant 10 : i32
        %mul3A_720 = arith.muli %sub3A_718, %mul3A_719 : i32
        %add3A_721 = arith.constant 7 : i32
        %add3A_722 = arith.addi %mul3A_720, %add3A_721 : i32
        %dma_wait3A_723 = arith.constant 0 : i32
        %dma_wait3A_724 = arith.constant 0 : i32
        %dma_wait3A_725 = tpu.memref_slice %arg9[%add3A_716, %dma_wait3A_723, %dma_wait3A_724] : memref<20x256x16xf32, #tpu.memory_space<vmem>> -> memref<1x256x16xf32, #tpu.memory_space<vmem>>
        %dma_wait3A_726 = tpu.memref_squeeze %dma_wait3A_725 : memref<1x256x16xf32, #tpu.memory_space<vmem>> -> memref<256x16xf32, #tpu.memory_space<vmem>>
        %dma_wait3A_727 = arith.constant 0 : i32
        %dma_wait3A_728 = tpu.memref_slice %arg8[%add3A_722, %dma_wait3A_727] : memref<40x256xi32, #tpu.memory_space<vmem>> -> memref<1x256xi32, #tpu.memory_space<vmem>>
        %dma_wait3A_729 = tpu.memref_squeeze %dma_wait3A_728 : memref<1x256xi32, #tpu.memory_space<vmem>> -> memref<256xi32, #tpu.memory_space<vmem>>
        %dma_wait3A_730 = arith.constant 0 : i32
        %dma_wait3A_731 = arith.constant 0 : i32
        %dma_wait3A_732 = tpu.memref_slice %arg10[%dma_wait3A_730, %dma_wait3A_731] : memref<10240x16xf32, #tpu.memory_space<vmem_shared>> -> memref<10240x16xf32, #tpu.memory_space<vmem_shared>>
        tpu.wait_indirect_dma semaphore(%arg12 : memref<!tpu.dma_semaphore, #tpu.memory_space<semaphore_mem>>) src(%dma_wait3A_726 : memref<256x16xf32, #tpu.memory_space<vmem>>) dst(%dma_wait3A_732 : memref<10240x16xf32, #tpu.memory_space<vmem_shared>>)
        %add3A_733 = arith.constant 8 : i32
        %add3A_734 = arith.addi %mul3A_262, %add3A_733 : i32
        %sub3A_735 = arith.constant 1 : i32
        %sub3A_736 = arith.subi %add3A_256, %sub3A_735 : i32
        %mul3A_737 = arith.constant 10 : i32
        %mul3A_738 = arith.muli %sub3A_736, %mul3A_737 : i32
        %add3A_739 = arith.constant 8 : i32
        %add3A_740 = arith.addi %mul3A_738, %add3A_739 : i32
        %dma_wait3A_741 = arith.constant 0 : i32
        %dma_wait3A_742 = arith.constant 0 : i32
        %dma_wait3A_743 = tpu.memref_slice %arg9[%add3A_734, %dma_wait3A_741, %dma_wait3A_742] : memref<20x256x16xf32, #tpu.memory_space<vmem>> -> memref<1x256x16xf32, #tpu.memory_space<vmem>>
        %dma_wait3A_744 = tpu.memref_squeeze %dma_wait3A_743 : memref<1x256x16xf32, #tpu.memory_space<vmem>> -> memref<256x16xf32, #tpu.memory_space<vmem>>
        %dma_wait3A_745 = arith.constant 0 : i32
        %dma_wait3A_746 = tpu.memref_slice %arg8[%add3A_740, %dma_wait3A_745] : memref<40x256xi32, #tpu.memory_space<vmem>> -> memref<1x256xi32, #tpu.memory_space<vmem>>
        %dma_wait3A_747 = tpu.memref_squeeze %dma_wait3A_746 : memref<1x256xi32, #tpu.memory_space<vmem>> -> memref<256xi32, #tpu.memory_space<vmem>>
        %dma_wait3A_748 = arith.constant 0 : i32
        %dma_wait3A_749 = arith.constant 0 : i32
        %dma_wait3A_750 = tpu.memref_slice %arg10[%dma_wait3A_748, %dma_wait3A_749] : memref<10240x16xf32, #tpu.memory_space<vmem_shared>> -> memref<10240x16xf32, #tpu.memory_space<vmem_shared>>
        tpu.wait_indirect_dma semaphore(%arg12 : memref<!tpu.dma_semaphore, #tpu.memory_space<semaphore_mem>>) src(%dma_wait3A_744 : memref<256x16xf32, #tpu.memory_space<vmem>>) dst(%dma_wait3A_750 : memref<10240x16xf32, #tpu.memory_space<vmem_shared>>)
        %add3A_751 = arith.constant 9 : i32
        %add3A_752 = arith.addi %mul3A_262, %add3A_751 : i32
        %sub3A_753 = arith.constant 1 : i32
        %sub3A_754 = arith.subi %add3A_256, %sub3A_753 : i32
        %mul3A_755 = arith.constant 10 : i32
        %mul3A_756 = arith.muli %sub3A_754, %mul3A_755 : i32
        %add3A_757 = arith.constant 9 : i32
        %add3A_758 = arith.addi %mul3A_756, %add3A_757 : i32
        %dma_wait3A_759 = arith.constant 0 : i32
        %dma_wait3A_760 = arith.constant 0 : i32
        %dma_wait3A_761 = tpu.memref_slice %arg9[%add3A_752, %dma_wait3A_759, %dma_wait3A_760] : memref<20x256x16xf32, #tpu.memory_space<vmem>> -> memref<1x256x16xf32, #tpu.memory_space<vmem>>
        %dma_wait3A_762 = tpu.memref_squeeze %dma_wait3A_761 : memref<1x256x16xf32, #tpu.memory_space<vmem>> -> memref<256x16xf32, #tpu.memory_space<vmem>>
        %dma_wait3A_763 = arith.constant 0 : i32
        %dma_wait3A_764 = tpu.memref_slice %arg8[%add3A_758, %dma_wait3A_763] : memref<40x256xi32, #tpu.memory_space<vmem>> -> memref<1x256xi32, #tpu.memory_space<vmem>>
        %dma_wait3A_765 = tpu.memref_squeeze %dma_wait3A_764 : memref<1x256xi32, #tpu.memory_space<vmem>> -> memref<256xi32, #tpu.memory_space<vmem>>
        %dma_wait3A_766 = arith.constant 0 : i32
        %dma_wait3A_767 = arith.constant 0 : i32
        %dma_wait3A_768 = tpu.memref_slice %arg10[%dma_wait3A_766, %dma_wait3A_767] : memref<10240x16xf32, #tpu.memory_space<vmem_shared>> -> memref<10240x16xf32, #tpu.memory_space<vmem_shared>>
        tpu.wait_indirect_dma semaphore(%arg12 : memref<!tpu.dma_semaphore, #tpu.memory_space<semaphore_mem>>) src(%dma_wait3A_762 : memref<256x16xf32, #tpu.memory_space<vmem>>) dst(%dma_wait3A_768 : memref<10240x16xf32, #tpu.memory_space<vmem_shared>>)
      } else {
      }
      %lt3A = arith.constant 3 : i32
      %lt3A_425 = arith.cmpi slt, %add3A_256, %lt3A : i32
      %convert_element_type3A_426 = arith.extui %lt3A_425 : i1 to i32
      %cond3A_427 = arith.constant 0 : i32
      %cond3A_428 = arith.cmpi ne, %convert_element_type3A_426, %cond3A_427 : i32
      scf.if %cond3A_428 {
        %add3A_589 = arith.constant 1 : i32
        %add3A_590 = arith.addi %add3A_256, %add3A_589 : i32
        %mul3A_591 = arith.constant 10 : i32
        %mul3A_592 = arith.muli %add3A_590, %mul3A_591 : i32
        %add3A_593 = arith.constant 0 : i32
        %add3A_594 = arith.addi %mul3A_592, %add3A_593 : i32
        %add3A_595 = arith.constant 0 : i32
        %add3A_596 = arith.addi %mul3A_262, %add3A_595 : i32
        %dma_start3A_597 = arith.constant 0 : i32
        %dma_start3A_598 = arith.constant 0 : i32
        %dma_start3A_599 = tpu.memref_slice %arg9[%add3A_596, %dma_start3A_597, %dma_start3A_598] : memref<20x256x16xf32, #tpu.memory_space<vmem>> -> memref<1x256x16xf32, #tpu.memory_space<vmem>>
        %dma_start3A_600 = tpu.memref_squeeze %dma_start3A_599 : memref<1x256x16xf32, #tpu.memory_space<vmem>> -> memref<256x16xf32, #tpu.memory_space<vmem>>
        %dma_start3A_601 = arith.constant 0 : i32
        %dma_start3A_602 = tpu.memref_slice %arg7[%add3A_594, %dma_start3A_601] : memref<40x256xi32, #tpu.memory_space<vmem>> -> memref<1x256xi32, #tpu.memory_space<vmem>>
        %dma_start3A_603 = tpu.memref_squeeze %dma_start3A_602 : memref<1x256xi32, #tpu.memory_space<vmem>> -> memref<256xi32, #tpu.memory_space<vmem>>
        %dma_start3A_604 = arith.constant 0 : i32
        %dma_start3A_605 = arith.constant 0 : i32
        %dma_start3A_606 = tpu.memref_slice %arg2[%dma_start3A_604, %dma_start3A_605] : memref<10240x16xf32, #tpu.memory_space<hbm>> -> memref<10240x16xf32, #tpu.memory_space<hbm>>
        tpu.enqueue_indirect_dma source(%dma_start3A_606 : memref<10240x16xf32, #tpu.memory_space<hbm>>) target(%dma_start3A_600 : memref<256x16xf32, #tpu.memory_space<vmem>>) offsets(%dma_start3A_603 : memref<256xi32, #tpu.memory_space<vmem>>) semaphore(%arg11 : memref<!tpu.dma_semaphore, #tpu.memory_space<semaphore_mem>>)
        %add3A_607 = arith.constant 1 : i32
        %add3A_608 = arith.addi %add3A_256, %add3A_607 : i32
        %mul3A_609 = arith.constant 10 : i32
        %mul3A_610 = arith.muli %add3A_608, %mul3A_609 : i32
        %add3A_611 = arith.constant 1 : i32
        %add3A_612 = arith.addi %mul3A_610, %add3A_611 : i32
        %add3A_613 = arith.constant 1 : i32
        %add3A_614 = arith.addi %mul3A_262, %add3A_613 : i32
        %dma_start3A_615 = arith.constant 0 : i32
        %dma_start3A_616 = arith.constant 0 : i32
        %dma_start3A_617 = tpu.memref_slice %arg9[%add3A_614, %dma_start3A_615, %dma_start3A_616] : memref<20x256x16xf32, #tpu.memory_space<vmem>> -> memref<1x256x16xf32, #tpu.memory_space<vmem>>
        %dma_start3A_618 = tpu.memref_squeeze %dma_start3A_617 : memref<1x256x16xf32, #tpu.memory_space<vmem>> -> memref<256x16xf32, #tpu.memory_space<vmem>>
        %dma_start3A_619 = arith.constant 0 : i32
        %dma_start3A_620 = tpu.memref_slice %arg7[%add3A_612, %dma_start3A_619] : memref<40x256xi32, #tpu.memory_space<vmem>> -> memref<1x256xi32, #tpu.memory_space<vmem>>
        %dma_start3A_621 = tpu.memref_squeeze %dma_start3A_620 : memref<1x256xi32, #tpu.memory_space<vmem>> -> memref<256xi32, #tpu.memory_space<vmem>>
        %dma_start3A_622 = arith.constant 0 : i32
        %dma_start3A_623 = arith.constant 0 : i32
        %dma_start3A_624 = tpu.memref_slice %arg2[%dma_start3A_622, %dma_start3A_623] : memref<10240x16xf32, #tpu.memory_space<hbm>> -> memref<10240x16xf32, #tpu.memory_space<hbm>>
        tpu.enqueue_indirect_dma source(%dma_start3A_624 : memref<10240x16xf32, #tpu.memory_space<hbm>>) target(%dma_start3A_618 : memref<256x16xf32, #tpu.memory_space<vmem>>) offsets(%dma_start3A_621 : memref<256xi32, #tpu.memory_space<vmem>>) semaphore(%arg11 : memref<!tpu.dma_semaphore, #tpu.memory_space<semaphore_mem>>)
        %add3A_625 = arith.constant 1 : i32
        %add3A_626 = arith.addi %add3A_256, %add3A_625 : i32
        %mul3A_627 = arith.constant 10 : i32
        %mul3A_628 = arith.muli %add3A_626, %mul3A_627 : i32
        %add3A_629 = arith.constant 2 : i32
        %add3A_630 = arith.addi %mul3A_628, %add3A_629 : i32
        %add3A_631 = arith.constant 2 : i32
        %add3A_632 = arith.addi %mul3A_262, %add3A_631 : i32
        %dma_start3A_633 = arith.constant 0 : i32
        %dma_start3A_634 = arith.constant 0 : i32
        %dma_start3A_635 = tpu.memref_slice %arg9[%add3A_632, %dma_start3A_633, %dma_start3A_634] : memref<20x256x16xf32, #tpu.memory_space<vmem>> -> memref<1x256x16xf32, #tpu.memory_space<vmem>>
        %dma_start3A_636 = tpu.memref_squeeze %dma_start3A_635 : memref<1x256x16xf32, #tpu.memory_space<vmem>> -> memref<256x16xf32, #tpu.memory_space<vmem>>
        %dma_start3A_637 = arith.constant 0 : i32
        %dma_start3A_638 = tpu.memref_slice %arg7[%add3A_630, %dma_start3A_637] : memref<40x256xi32, #tpu.memory_space<vmem>> -> memref<1x256xi32, #tpu.memory_space<vmem>>
        %dma_start3A_639 = tpu.memref_squeeze %dma_start3A_638 : memref<1x256xi32, #tpu.memory_space<vmem>> -> memref<256xi32, #tpu.memory_space<vmem>>
        %dma_start3A_640 = arith.constant 0 : i32
        %dma_start3A_641 = arith.constant 0 : i32
        %dma_start3A_642 = tpu.memref_slice %arg2[%dma_start3A_640, %dma_start3A_641] : memref<10240x16xf32, #tpu.memory_space<hbm>> -> memref<10240x16xf32, #tpu.memory_space<hbm>>
        tpu.enqueue_indirect_dma source(%dma_start3A_642 : memref<10240x16xf32, #tpu.memory_space<hbm>>) target(%dma_start3A_636 : memref<256x16xf32, #tpu.memory_space<vmem>>) offsets(%dma_start3A_639 : memref<256xi32, #tpu.memory_space<vmem>>) semaphore(%arg11 : memref<!tpu.dma_semaphore, #tpu.memory_space<semaphore_mem>>)
        %add3A_643 = arith.constant 1 : i32
        %add3A_644 = arith.addi %add3A_256, %add3A_643 : i32
        %mul3A_645 = arith.constant 10 : i32
        %mul3A_646 = arith.muli %add3A_644, %mul3A_645 : i32
        %add3A_647 = arith.constant 3 : i32
        %add3A_648 = arith.addi %mul3A_646, %add3A_647 : i32
        %add3A_649 = arith.constant 3 : i32
        %add3A_650 = arith.addi %mul3A_262, %add3A_649 : i32
        %dma_start3A_651 = arith.constant 0 : i32
        %dma_start3A_652 = arith.constant 0 : i32
        %dma_start3A_653 = tpu.memref_slice %arg9[%add3A_650, %dma_start3A_651, %dma_start3A_652] : memref<20x256x16xf32, #tpu.memory_space<vmem>> -> memref<1x256x16xf32, #tpu.memory_space<vmem>>
        %dma_start3A_654 = tpu.memref_squeeze %dma_start3A_653 : memref<1x256x16xf32, #tpu.memory_space<vmem>> -> memref<256x16xf32, #tpu.memory_space<vmem>>
        %dma_start3A_655 = arith.constant 0 : i32
        %dma_start3A_656 = tpu.memref_slice %arg7[%add3A_648, %dma_start3A_655] : memref<40x256xi32, #tpu.memory_space<vmem>> -> memref<1x256xi32, #tpu.memory_space<vmem>>
        %dma_start3A_657 = tpu.memref_squeeze %dma_start3A_656 : memref<1x256xi32, #tpu.memory_space<vmem>> -> memref<256xi32, #tpu.memory_space<vmem>>
        %dma_start3A_658 = arith.constant 0 : i32
        %dma_start3A_659 = arith.constant 0 : i32
        %dma_start3A_660 = tpu.memref_slice %arg2[%dma_start3A_658, %dma_start3A_659] : memref<10240x16xf32, #tpu.memory_space<hbm>> -> memref<10240x16xf32, #tpu.memory_space<hbm>>
        tpu.enqueue_indirect_dma source(%dma_start3A_660 : memref<10240x16xf32, #tpu.memory_space<hbm>>) target(%dma_start3A_654 : memref<256x16xf32, #tpu.memory_space<vmem>>) offsets(%dma_start3A_657 : memref<256xi32, #tpu.memory_space<vmem>>) semaphore(%arg11 : memref<!tpu.dma_semaphore, #tpu.memory_space<semaphore_mem>>)
        %add3A_661 = arith.constant 1 : i32
        %add3A_662 = arith.addi %add3A_256, %add3A_661 : i32
        %mul3A_663 = arith.constant 10 : i32
        %mul3A_664 = arith.muli %add3A_662, %mul3A_663 : i32
        %add3A_665 = arith.constant 4 : i32
        %add3A_666 = arith.addi %mul3A_664, %add3A_665 : i32
        %add3A_667 = arith.constant 4 : i32
        %add3A_668 = arith.addi %mul3A_262, %add3A_667 : i32
        %dma_start3A_669 = arith.constant 0 : i32
        %dma_start3A_670 = arith.constant 0 : i32
        %dma_start3A_671 = tpu.memref_slice %arg9[%add3A_668, %dma_start3A_669, %dma_start3A_670] : memref<20x256x16xf32, #tpu.memory_space<vmem>> -> memref<1x256x16xf32, #tpu.memory_space<vmem>>
        %dma_start3A_672 = tpu.memref_squeeze %dma_start3A_671 : memref<1x256x16xf32, #tpu.memory_space<vmem>> -> memref<256x16xf32, #tpu.memory_space<vmem>>
        %dma_start3A_673 = arith.constant 0 : i32
        %dma_start3A_674 = tpu.memref_slice %arg7[%add3A_666, %dma_start3A_673] : memref<40x256xi32, #tpu.memory_space<vmem>> -> memref<1x256xi32, #tpu.memory_space<vmem>>
        %dma_start3A_675 = tpu.memref_squeeze %dma_start3A_674 : memref<1x256xi32, #tpu.memory_space<vmem>> -> memref<256xi32, #tpu.memory_space<vmem>>
        %dma_start3A_676 = arith.constant 0 : i32
        %dma_start3A_677 = arith.constant 0 : i32
        %dma_start3A_678 = tpu.memref_slice %arg2[%dma_start3A_676, %dma_start3A_677] : memref<10240x16xf32, #tpu.memory_space<hbm>> -> memref<10240x16xf32, #tpu.memory_space<hbm>>
        tpu.enqueue_indirect_dma source(%dma_start3A_678 : memref<10240x16xf32, #tpu.memory_space<hbm>>) target(%dma_start3A_672 : memref<256x16xf32, #tpu.memory_space<vmem>>) offsets(%dma_start3A_675 : memref<256xi32, #tpu.memory_space<vmem>>) semaphore(%arg11 : memref<!tpu.dma_semaphore, #tpu.memory_space<semaphore_mem>>)
        %add3A_679 = arith.constant 1 : i32
        %add3A_680 = arith.addi %add3A_256, %add3A_679 : i32
        %mul3A_681 = arith.constant 10 : i32
        %mul3A_682 = arith.muli %add3A_680, %mul3A_681 : i32
        %add3A_683 = arith.constant 5 : i32
        %add3A_684 = arith.addi %mul3A_682, %add3A_683 : i32
        %add3A_685 = arith.constant 5 : i32
        %add3A_686 = arith.addi %mul3A_262, %add3A_685 : i32
        %dma_start3A_687 = arith.constant 0 : i32
        %dma_start3A_688 = arith.constant 0 : i32
        %dma_start3A_689 = tpu.memref_slice %arg9[%add3A_686, %dma_start3A_687, %dma_start3A_688] : memref<20x256x16xf32, #tpu.memory_space<vmem>> -> memref<1x256x16xf32, #tpu.memory_space<vmem>>
        %dma_start3A_690 = tpu.memref_squeeze %dma_start3A_689 : memref<1x256x16xf32, #tpu.memory_space<vmem>> -> memref<256x16xf32, #tpu.memory_space<vmem>>
        %dma_start3A_691 = arith.constant 0 : i32
        %dma_start3A_692 = tpu.memref_slice %arg7[%add3A_684, %dma_start3A_691] : memref<40x256xi32, #tpu.memory_space<vmem>> -> memref<1x256xi32, #tpu.memory_space<vmem>>
        %dma_start3A_693 = tpu.memref_squeeze %dma_start3A_692 : memref<1x256xi32, #tpu.memory_space<vmem>> -> memref<256xi32, #tpu.memory_space<vmem>>
        %dma_start3A_694 = arith.constant 0 : i32
        %dma_start3A_695 = arith.constant 0 : i32
        %dma_start3A_696 = tpu.memref_slice %arg2[%dma_start3A_694, %dma_start3A_695] : memref<10240x16xf32, #tpu.memory_space<hbm>> -> memref<10240x16xf32, #tpu.memory_space<hbm>>
        tpu.enqueue_indirect_dma source(%dma_start3A_696 : memref<10240x16xf32, #tpu.memory_space<hbm>>) target(%dma_start3A_690 : memref<256x16xf32, #tpu.memory_space<vmem>>) offsets(%dma_start3A_693 : memref<256xi32, #tpu.memory_space<vmem>>) semaphore(%arg11 : memref<!tpu.dma_semaphore, #tpu.memory_space<semaphore_mem>>)
        %add3A_697 = arith.constant 1 : i32
        %add3A_698 = arith.addi %add3A_256, %add3A_697 : i32
        %mul3A_699 = arith.constant 10 : i32
        %mul3A_700 = arith.muli %add3A_698, %mul3A_699 : i32
        %add3A_701 = arith.constant 6 : i32
        %add3A_702 = arith.addi %mul3A_700, %add3A_701 : i32
        %add3A_703 = arith.constant 6 : i32
        %add3A_704 = arith.addi %mul3A_262, %add3A_703 : i32
        %dma_start3A_705 = arith.constant 0 : i32
        %dma_start3A_706 = arith.constant 0 : i32
        %dma_start3A_707 = tpu.memref_slice %arg9[%add3A_704, %dma_start3A_705, %dma_start3A_706] : memref<20x256x16xf32, #tpu.memory_space<vmem>> -> memref<1x256x16xf32, #tpu.memory_space<vmem>>
        %dma_start3A_708 = tpu.memref_squeeze %dma_start3A_707 : memref<1x256x16xf32, #tpu.memory_space<vmem>> -> memref<256x16xf32, #tpu.memory_space<vmem>>
        %dma_start3A_709 = arith.constant 0 : i32
        %dma_start3A_710 = tpu.memref_slice %arg7[%add3A_702, %dma_start3A_709] : memref<40x256xi32, #tpu.memory_space<vmem>> -> memref<1x256xi32, #tpu.memory_space<vmem>>
        %dma_start3A_711 = tpu.memref_squeeze %dma_start3A_710 : memref<1x256xi32, #tpu.memory_space<vmem>> -> memref<256xi32, #tpu.memory_space<vmem>>
        %dma_start3A_712 = arith.constant 0 : i32
        %dma_start3A_713 = arith.constant 0 : i32
        %dma_start3A_714 = tpu.memref_slice %arg2[%dma_start3A_712, %dma_start3A_713] : memref<10240x16xf32, #tpu.memory_space<hbm>> -> memref<10240x16xf32, #tpu.memory_space<hbm>>
        tpu.enqueue_indirect_dma source(%dma_start3A_714 : memref<10240x16xf32, #tpu.memory_space<hbm>>) target(%dma_start3A_708 : memref<256x16xf32, #tpu.memory_space<vmem>>) offsets(%dma_start3A_711 : memref<256xi32, #tpu.memory_space<vmem>>) semaphore(%arg11 : memref<!tpu.dma_semaphore, #tpu.memory_space<semaphore_mem>>)
        %add3A_715 = arith.constant 1 : i32
        %add3A_716 = arith.addi %add3A_256, %add3A_715 : i32
        %mul3A_717 = arith.constant 10 : i32
        %mul3A_718 = arith.muli %add3A_716, %mul3A_717 : i32
        %add3A_719 = arith.constant 7 : i32
        %add3A_720 = arith.addi %mul3A_718, %add3A_719 : i32
        %add3A_721 = arith.constant 7 : i32
        %add3A_722 = arith.addi %mul3A_262, %add3A_721 : i32
        %dma_start3A_723 = arith.constant 0 : i32
        %dma_start3A_724 = arith.constant 0 : i32
        %dma_start3A_725 = tpu.memref_slice %arg9[%add3A_722, %dma_start3A_723, %dma_start3A_724] : memref<20x256x16xf32, #tpu.memory_space<vmem>> -> memref<1x256x16xf32, #tpu.memory_space<vmem>>
        %dma_start3A_726 = tpu.memref_squeeze %dma_start3A_725 : memref<1x256x16xf32, #tpu.memory_space<vmem>> -> memref<256x16xf32, #tpu.memory_space<vmem>>
        %dma_start3A_727 = arith.constant 0 : i32
        %dma_start3A_728 = tpu.memref_slice %arg7[%add3A_720, %dma_start3A_727] : memref<40x256xi32, #tpu.memory_space<vmem>> -> memref<1x256xi32, #tpu.memory_space<vmem>>
        %dma_start3A_729 = tpu.memref_squeeze %dma_start3A_728 : memref<1x256xi32, #tpu.memory_space<vmem>> -> memref<256xi32, #tpu.memory_space<vmem>>
        %dma_start3A_730 = arith.constant 0 : i32
        %dma_start3A_731 = arith.constant 0 : i32
        %dma_start3A_732 = tpu.memref_slice %arg2[%dma_start3A_730, %dma_start3A_731] : memref<10240x16xf32, #tpu.memory_space<hbm>> -> memref<10240x16xf32, #tpu.memory_space<hbm>>
        tpu.enqueue_indirect_dma source(%dma_start3A_732 : memref<10240x16xf32, #tpu.memory_space<hbm>>) target(%dma_start3A_726 : memref<256x16xf32, #tpu.memory_space<vmem>>) offsets(%dma_start3A_729 : memref<256xi32, #tpu.memory_space<vmem>>) semaphore(%arg11 : memref<!tpu.dma_semaphore, #tpu.memory_space<semaphore_mem>>)
        %add3A_733 = arith.constant 1 : i32
        %add3A_734 = arith.addi %add3A_256, %add3A_733 : i32
        %mul3A_735 = arith.constant 10 : i32
        %mul3A_736 = arith.muli %add3A_734, %mul3A_735 : i32
        %add3A_737 = arith.constant 8 : i32
        %add3A_738 = arith.addi %mul3A_736, %add3A_737 : i32
        %add3A_739 = arith.constant 8 : i32
        %add3A_740 = arith.addi %mul3A_262, %add3A_739 : i32
        %dma_start3A_741 = arith.constant 0 : i32
        %dma_start3A_742 = arith.constant 0 : i32
        %dma_start3A_743 = tpu.memref_slice %arg9[%add3A_740, %dma_start3A_741, %dma_start3A_742] : memref<20x256x16xf32, #tpu.memory_space<vmem>> -> memref<1x256x16xf32, #tpu.memory_space<vmem>>
        %dma_start3A_744 = tpu.memref_squeeze %dma_start3A_743 : memref<1x256x16xf32, #tpu.memory_space<vmem>> -> memref<256x16xf32, #tpu.memory_space<vmem>>
        %dma_start3A_745 = arith.constant 0 : i32
        %dma_start3A_746 = tpu.memref_slice %arg7[%add3A_738, %dma_start3A_745] : memref<40x256xi32, #tpu.memory_space<vmem>> -> memref<1x256xi32, #tpu.memory_space<vmem>>
        %dma_start3A_747 = tpu.memref_squeeze %dma_start3A_746 : memref<1x256xi32, #tpu.memory_space<vmem>> -> memref<256xi32, #tpu.memory_space<vmem>>
        %dma_start3A_748 = arith.constant 0 : i32
        %dma_start3A_749 = arith.constant 0 : i32
        %dma_start3A_750 = tpu.memref_slice %arg2[%dma_start3A_748, %dma_start3A_749] : memref<10240x16xf32, #tpu.memory_space<hbm>> -> memref<10240x16xf32, #tpu.memory_space<hbm>>
        tpu.enqueue_indirect_dma source(%dma_start3A_750 : memref<10240x16xf32, #tpu.memory_space<hbm>>) target(%dma_start3A_744 : memref<256x16xf32, #tpu.memory_space<vmem>>) offsets(%dma_start3A_747 : memref<256xi32, #tpu.memory_space<vmem>>) semaphore(%arg11 : memref<!tpu.dma_semaphore, #tpu.memory_space<semaphore_mem>>)
        %add3A_751 = arith.constant 1 : i32
        %add3A_752 = arith.addi %add3A_256, %add3A_751 : i32
        %mul3A_753 = arith.constant 10 : i32
        %mul3A_754 = arith.muli %add3A_752, %mul3A_753 : i32
        %add3A_755 = arith.constant 9 : i32
        %add3A_756 = arith.addi %mul3A_754, %add3A_755 : i32
        %add3A_757 = arith.constant 9 : i32
        %add3A_758 = arith.addi %mul3A_262, %add3A_757 : i32
        %dma_start3A_759 = arith.constant 0 : i32
        %dma_start3A_760 = arith.constant 0 : i32
        %dma_start3A_761 = tpu.memref_slice %arg9[%add3A_758, %dma_start3A_759, %dma_start3A_760] : memref<20x256x16xf32, #tpu.memory_space<vmem>> -> memref<1x256x16xf32, #tpu.memory_space<vmem>>
        %dma_start3A_762 = tpu.memref_squeeze %dma_start3A_761 : memref<1x256x16xf32, #tpu.memory_space<vmem>> -> memref<256x16xf32, #tpu.memory_space<vmem>>
        %dma_start3A_763 = arith.constant 0 : i32
        %dma_start3A_764 = tpu.memref_slice %arg7[%add3A_756, %dma_start3A_763] : memref<40x256xi32, #tpu.memory_space<vmem>> -> memref<1x256xi32, #tpu.memory_space<vmem>>
        %dma_start3A_765 = tpu.memref_squeeze %dma_start3A_764 : memref<1x256xi32, #tpu.memory_space<vmem>> -> memref<256xi32, #tpu.memory_space<vmem>>
        %dma_start3A_766 = arith.constant 0 : i32
        %dma_start3A_767 = arith.constant 0 : i32
        %dma_start3A_768 = tpu.memref_slice %arg2[%dma_start3A_766, %dma_start3A_767] : memref<10240x16xf32, #tpu.memory_space<hbm>> -> memref<10240x16xf32, #tpu.memory_space<hbm>>
        tpu.enqueue_indirect_dma source(%dma_start3A_768 : memref<10240x16xf32, #tpu.memory_space<hbm>>) target(%dma_start3A_762 : memref<256x16xf32, #tpu.memory_space<vmem>>) offsets(%dma_start3A_765 : memref<256xi32, #tpu.memory_space<vmem>>) semaphore(%arg11 : memref<!tpu.dma_semaphore, #tpu.memory_space<semaphore_mem>>)
      } else {
      }
      %add3A_429 = arith.constant 0 : i32
      %add3A_430 = arith.addi %mul3A_259, %add3A_429 : i32
      %mul3A_431 = arith.constant 10 : i32
      %mul3A_432 = arith.muli %add3A_256, %mul3A_431 : i32
      %add3A_433 = arith.constant 0 : i32
      %add3A_434 = arith.addi %mul3A_432, %add3A_433 : i32
      %dma_start3A_435 = arith.constant 0 : i32
      %dma_start3A_436 = arith.constant 0 : i32
      %dma_start3A_437 = tpu.memref_slice %arg9[%add3A_430, %dma_start3A_435, %dma_start3A_436] : memref<20x256x16xf32, #tpu.memory_space<vmem>> -> memref<1x256x16xf32, #tpu.memory_space<vmem>>
      %dma_start3A_438 = tpu.memref_squeeze %dma_start3A_437 : memref<1x256x16xf32, #tpu.memory_space<vmem>> -> memref<256x16xf32, #tpu.memory_space<vmem>>
      %dma_start3A_439 = arith.constant 0 : i32
      %dma_start3A_440 = tpu.memref_slice %arg8[%add3A_434, %dma_start3A_439] : memref<40x256xi32, #tpu.memory_space<vmem>> -> memref<1x256xi32, #tpu.memory_space<vmem>>
      %dma_start3A_441 = tpu.memref_squeeze %dma_start3A_440 : memref<1x256xi32, #tpu.memory_space<vmem>> -> memref<256xi32, #tpu.memory_space<vmem>>
      %dma_start3A_442 = arith.constant 0 : i32
      %dma_start3A_443 = arith.constant 0 : i32
      %dma_start3A_444 = tpu.memref_slice %arg10[%dma_start3A_442, %dma_start3A_443] : memref<10240x16xf32, #tpu.memory_space<vmem_shared>> -> memref<10240x16xf32, #tpu.memory_space<vmem_shared>>
      tpu.enqueue_indirect_dma source(%dma_start3A_438 : memref<256x16xf32, #tpu.memory_space<vmem>>) target(%dma_start3A_444 : memref<10240x16xf32, #tpu.memory_space<vmem_shared>>) offsets(%dma_start3A_441 : memref<256xi32, #tpu.memory_space<vmem>>) semaphore(%arg12 : memref<!tpu.dma_semaphore, #tpu.memory_space<semaphore_mem>>) {add = true}
      %add3A_445 = arith.constant 1 : i32
      %add3A_446 = arith.addi %mul3A_259, %add3A_445 : i32
      %mul3A_447 = arith.constant 10 : i32
      %mul3A_448 = arith.muli %add3A_256, %mul3A_447 : i32
      %add3A_449 = arith.constant 1 : i32
      %add3A_450 = arith.addi %mul3A_448, %add3A_449 : i32
      %dma_start3A_451 = arith.constant 0 : i32
      %dma_start3A_452 = arith.constant 0 : i32
      %dma_start3A_453 = tpu.memref_slice %arg9[%add3A_446, %dma_start3A_451, %dma_start3A_452] : memref<20x256x16xf32, #tpu.memory_space<vmem>> -> memref<1x256x16xf32, #tpu.memory_space<vmem>>
      %dma_start3A_454 = tpu.memref_squeeze %dma_start3A_453 : memref<1x256x16xf32, #tpu.memory_space<vmem>> -> memref<256x16xf32, #tpu.memory_space<vmem>>
      %dma_start3A_455 = arith.constant 0 : i32
      %dma_start3A_456 = tpu.memref_slice %arg8[%add3A_450, %dma_start3A_455] : memref<40x256xi32, #tpu.memory_space<vmem>> -> memref<1x256xi32, #tpu.memory_space<vmem>>
      %dma_start3A_457 = tpu.memref_squeeze %dma_start3A_456 : memref<1x256xi32, #tpu.memory_space<vmem>> -> memref<256xi32, #tpu.memory_space<vmem>>
      %dma_start3A_458 = arith.constant 0 : i32
      %dma_start3A_459 = arith.constant 0 : i32
      %dma_start3A_460 = tpu.memref_slice %arg10[%dma_start3A_458, %dma_start3A_459] : memref<10240x16xf32, #tpu.memory_space<vmem_shared>> -> memref<10240x16xf32, #tpu.memory_space<vmem_shared>>
      tpu.enqueue_indirect_dma source(%dma_start3A_454 : memref<256x16xf32, #tpu.memory_space<vmem>>) target(%dma_start3A_460 : memref<10240x16xf32, #tpu.memory_space<vmem_shared>>) offsets(%dma_start3A_457 : memref<256xi32, #tpu.memory_space<vmem>>) semaphore(%arg12 : memref<!tpu.dma_semaphore, #tpu.memory_space<semaphore_mem>>) {add = true}
      %add3A_461 = arith.constant 2 : i32
      %add3A_462 = arith.addi %mul3A_259, %add3A_461 : i32
      %mul3A_463 = arith.constant 10 : i32
      %mul3A_464 = arith.muli %add3A_256, %mul3A_463 : i32
      %add3A_465 = arith.constant 2 : i32
      %add3A_466 = arith.addi %mul3A_464, %add3A_465 : i32
      %dma_start3A_467 = arith.constant 0 : i32
      %dma_start3A_468 = arith.constant 0 : i32
      %dma_start3A_469 = tpu.memref_slice %arg9[%add3A_462, %dma_start3A_467, %dma_start3A_468] : memref<20x256x16xf32, #tpu.memory_space<vmem>> -> memref<1x256x16xf32, #tpu.memory_space<vmem>>
      %dma_start3A_470 = tpu.memref_squeeze %dma_start3A_469 : memref<1x256x16xf32, #tpu.memory_space<vmem>> -> memref<256x16xf32, #tpu.memory_space<vmem>>
      %dma_start3A_471 = arith.constant 0 : i32
      %dma_start3A_472 = tpu.memref_slice %arg8[%add3A_466, %dma_start3A_471] : memref<40x256xi32, #tpu.memory_space<vmem>> -> memref<1x256xi32, #tpu.memory_space<vmem>>
      %dma_start3A_473 = tpu.memref_squeeze %dma_start3A_472 : memref<1x256xi32, #tpu.memory_space<vmem>> -> memref<256xi32, #tpu.memory_space<vmem>>
      %dma_start3A_474 = arith.constant 0 : i32
      %dma_start3A_475 = arith.constant 0 : i32
      %dma_start3A_476 = tpu.memref_slice %arg10[%dma_start3A_474, %dma_start3A_475] : memref<10240x16xf32, #tpu.memory_space<vmem_shared>> -> memref<10240x16xf32, #tpu.memory_space<vmem_shared>>
      tpu.enqueue_indirect_dma source(%dma_start3A_470 : memref<256x16xf32, #tpu.memory_space<vmem>>) target(%dma_start3A_476 : memref<10240x16xf32, #tpu.memory_space<vmem_shared>>) offsets(%dma_start3A_473 : memref<256xi32, #tpu.memory_space<vmem>>) semaphore(%arg12 : memref<!tpu.dma_semaphore, #tpu.memory_space<semaphore_mem>>) {add = true}
      %add3A_477 = arith.constant 3 : i32
      %add3A_478 = arith.addi %mul3A_259, %add3A_477 : i32
      %mul3A_479 = arith.constant 10 : i32
      %mul3A_480 = arith.muli %add3A_256, %mul3A_479 : i32
      %add3A_481 = arith.constant 3 : i32
      %add3A_482 = arith.addi %mul3A_480, %add3A_481 : i32
      %dma_start3A_483 = arith.constant 0 : i32
      %dma_start3A_484 = arith.constant 0 : i32
      %dma_start3A_485 = tpu.memref_slice %arg9[%add3A_478, %dma_start3A_483, %dma_start3A_484] : memref<20x256x16xf32, #tpu.memory_space<vmem>> -> memref<1x256x16xf32, #tpu.memory_space<vmem>>
      %dma_start3A_486 = tpu.memref_squeeze %dma_start3A_485 : memref<1x256x16xf32, #tpu.memory_space<vmem>> -> memref<256x16xf32, #tpu.memory_space<vmem>>
      %dma_start3A_487 = arith.constant 0 : i32
      %dma_start3A_488 = tpu.memref_slice %arg8[%add3A_482, %dma_start3A_487] : memref<40x256xi32, #tpu.memory_space<vmem>> -> memref<1x256xi32, #tpu.memory_space<vmem>>
      %dma_start3A_489 = tpu.memref_squeeze %dma_start3A_488 : memref<1x256xi32, #tpu.memory_space<vmem>> -> memref<256xi32, #tpu.memory_space<vmem>>
      %dma_start3A_490 = arith.constant 0 : i32
      %dma_start3A_491 = arith.constant 0 : i32
      %dma_start3A_492 = tpu.memref_slice %arg10[%dma_start3A_490, %dma_start3A_491] : memref<10240x16xf32, #tpu.memory_space<vmem_shared>> -> memref<10240x16xf32, #tpu.memory_space<vmem_shared>>
      tpu.enqueue_indirect_dma source(%dma_start3A_486 : memref<256x16xf32, #tpu.memory_space<vmem>>) target(%dma_start3A_492 : memref<10240x16xf32, #tpu.memory_space<vmem_shared>>) offsets(%dma_start3A_489 : memref<256xi32, #tpu.memory_space<vmem>>) semaphore(%arg12 : memref<!tpu.dma_semaphore, #tpu.memory_space<semaphore_mem>>) {add = true}
      %add3A_493 = arith.constant 4 : i32
      %add3A_494 = arith.addi %mul3A_259, %add3A_493 : i32
      %mul3A_495 = arith.constant 10 : i32
      %mul3A_496 = arith.muli %add3A_256, %mul3A_495 : i32
      %add3A_497 = arith.constant 4 : i32
      %add3A_498 = arith.addi %mul3A_496, %add3A_497 : i32
      %dma_start3A_499 = arith.constant 0 : i32
      %dma_start3A_500 = arith.constant 0 : i32
      %dma_start3A_501 = tpu.memref_slice %arg9[%add3A_494, %dma_start3A_499, %dma_start3A_500] : memref<20x256x16xf32, #tpu.memory_space<vmem>> -> memref<1x256x16xf32, #tpu.memory_space<vmem>>
      %dma_start3A_502 = tpu.memref_squeeze %dma_start3A_501 : memref<1x256x16xf32, #tpu.memory_space<vmem>> -> memref<256x16xf32, #tpu.memory_space<vmem>>
      %dma_start3A_503 = arith.constant 0 : i32
      %dma_start3A_504 = tpu.memref_slice %arg8[%add3A_498, %dma_start3A_503] : memref<40x256xi32, #tpu.memory_space<vmem>> -> memref<1x256xi32, #tpu.memory_space<vmem>>
      %dma_start3A_505 = tpu.memref_squeeze %dma_start3A_504 : memref<1x256xi32, #tpu.memory_space<vmem>> -> memref<256xi32, #tpu.memory_space<vmem>>
      %dma_start3A_506 = arith.constant 0 : i32
      %dma_start3A_507 = arith.constant 0 : i32
      %dma_start3A_508 = tpu.memref_slice %arg10[%dma_start3A_506, %dma_start3A_507] : memref<10240x16xf32, #tpu.memory_space<vmem_shared>> -> memref<10240x16xf32, #tpu.memory_space<vmem_shared>>
      tpu.enqueue_indirect_dma source(%dma_start3A_502 : memref<256x16xf32, #tpu.memory_space<vmem>>) target(%dma_start3A_508 : memref<10240x16xf32, #tpu.memory_space<vmem_shared>>) offsets(%dma_start3A_505 : memref<256xi32, #tpu.memory_space<vmem>>) semaphore(%arg12 : memref<!tpu.dma_semaphore, #tpu.memory_space<semaphore_mem>>) {add = true}
      %add3A_509 = arith.constant 5 : i32
      %add3A_510 = arith.addi %mul3A_259, %add3A_509 : i32
      %mul3A_511 = arith.constant 10 : i32
      %mul3A_512 = arith.muli %add3A_256, %mul3A_511 : i32
      %add3A_513 = arith.constant 5 : i32
      %add3A_514 = arith.addi %mul3A_512, %add3A_513 : i32
      %dma_start3A_515 = arith.constant 0 : i32
      %dma_start3A_516 = arith.constant 0 : i32
      %dma_start3A_517 = tpu.memref_slice %arg9[%add3A_510, %dma_start3A_515, %dma_start3A_516] : memref<20x256x16xf32, #tpu.memory_space<vmem>> -> memref<1x256x16xf32, #tpu.memory_space<vmem>>
      %dma_start3A_518 = tpu.memref_squeeze %dma_start3A_517 : memref<1x256x16xf32, #tpu.memory_space<vmem>> -> memref<256x16xf32, #tpu.memory_space<vmem>>
      %dma_start3A_519 = arith.constant 0 : i32
      %dma_start3A_520 = tpu.memref_slice %arg8[%add3A_514, %dma_start3A_519] : memref<40x256xi32, #tpu.memory_space<vmem>> -> memref<1x256xi32, #tpu.memory_space<vmem>>
      %dma_start3A_521 = tpu.memref_squeeze %dma_start3A_520 : memref<1x256xi32, #tpu.memory_space<vmem>> -> memref<256xi32, #tpu.memory_space<vmem>>
      %dma_start3A_522 = arith.constant 0 : i32
      %dma_start3A_523 = arith.constant 0 : i32
      %dma_start3A_524 = tpu.memref_slice %arg10[%dma_start3A_522, %dma_start3A_523] : memref<10240x16xf32, #tpu.memory_space<vmem_shared>> -> memref<10240x16xf32, #tpu.memory_space<vmem_shared>>
      tpu.enqueue_indirect_dma source(%dma_start3A_518 : memref<256x16xf32, #tpu.memory_space<vmem>>) target(%dma_start3A_524 : memref<10240x16xf32, #tpu.memory_space<vmem_shared>>) offsets(%dma_start3A_521 : memref<256xi32, #tpu.memory_space<vmem>>) semaphore(%arg12 : memref<!tpu.dma_semaphore, #tpu.memory_space<semaphore_mem>>) {add = true}
      %add3A_525 = arith.constant 6 : i32
      %add3A_526 = arith.addi %mul3A_259, %add3A_525 : i32
      %mul3A_527 = arith.constant 10 : i32
      %mul3A_528 = arith.muli %add3A_256, %mul3A_527 : i32
      %add3A_529 = arith.constant 6 : i32
      %add3A_530 = arith.addi %mul3A_528, %add3A_529 : i32
      %dma_start3A_531 = arith.constant 0 : i32
      %dma_start3A_532 = arith.constant 0 : i32
      %dma_start3A_533 = tpu.memref_slice %arg9[%add3A_526, %dma_start3A_531, %dma_start3A_532] : memref<20x256x16xf32, #tpu.memory_space<vmem>> -> memref<1x256x16xf32, #tpu.memory_space<vmem>>
      %dma_start3A_534 = tpu.memref_squeeze %dma_start3A_533 : memref<1x256x16xf32, #tpu.memory_space<vmem>> -> memref<256x16xf32, #tpu.memory_space<vmem>>
      %dma_start3A_535 = arith.constant 0 : i32
      %dma_start3A_536 = tpu.memref_slice %arg8[%add3A_530, %dma_start3A_535] : memref<40x256xi32, #tpu.memory_space<vmem>> -> memref<1x256xi32, #tpu.memory_space<vmem>>
      %dma_start3A_537 = tpu.memref_squeeze %dma_start3A_536 : memref<1x256xi32, #tpu.memory_space<vmem>> -> memref<256xi32, #tpu.memory_space<vmem>>
      %dma_start3A_538 = arith.constant 0 : i32
      %dma_start3A_539 = arith.constant 0 : i32
      %dma_start3A_540 = tpu.memref_slice %arg10[%dma_start3A_538, %dma_start3A_539] : memref<10240x16xf32, #tpu.memory_space<vmem_shared>> -> memref<10240x16xf32, #tpu.memory_space<vmem_shared>>
      tpu.enqueue_indirect_dma source(%dma_start3A_534 : memref<256x16xf32, #tpu.memory_space<vmem>>) target(%dma_start3A_540 : memref<10240x16xf32, #tpu.memory_space<vmem_shared>>) offsets(%dma_start3A_537 : memref<256xi32, #tpu.memory_space<vmem>>) semaphore(%arg12 : memref<!tpu.dma_semaphore, #tpu.memory_space<semaphore_mem>>) {add = true}
      %add3A_541 = arith.constant 7 : i32
      %add3A_542 = arith.addi %mul3A_259, %add3A_541 : i32
      %mul3A_543 = arith.constant 10 : i32
      %mul3A_544 = arith.muli %add3A_256, %mul3A_543 : i32
      %add3A_545 = arith.constant 7 : i32
      %add3A_546 = arith.addi %mul3A_544, %add3A_545 : i32
      %dma_start3A_547 = arith.constant 0 : i32
      %dma_start3A_548 = arith.constant 0 : i32
      %dma_start3A_549 = tpu.memref_slice %arg9[%add3A_542, %dma_start3A_547, %dma_start3A_548] : memref<20x256x16xf32, #tpu.memory_space<vmem>> -> memref<1x256x16xf32, #tpu.memory_space<vmem>>
      %dma_start3A_550 = tpu.memref_squeeze %dma_start3A_549 : memref<1x256x16xf32, #tpu.memory_space<vmem>> -> memref<256x16xf32, #tpu.memory_space<vmem>>
      %dma_start3A_551 = arith.constant 0 : i32
      %dma_start3A_552 = tpu.memref_slice %arg8[%add3A_546, %dma_start3A_551] : memref<40x256xi32, #tpu.memory_space<vmem>> -> memref<1x256xi32, #tpu.memory_space<vmem>>
      %dma_start3A_553 = tpu.memref_squeeze %dma_start3A_552 : memref<1x256xi32, #tpu.memory_space<vmem>> -> memref<256xi32, #tpu.memory_space<vmem>>
      %dma_start3A_554 = arith.constant 0 : i32
      %dma_start3A_555 = arith.constant 0 : i32
      %dma_start3A_556 = tpu.memref_slice %arg10[%dma_start3A_554, %dma_start3A_555] : memref<10240x16xf32, #tpu.memory_space<vmem_shared>> -> memref<10240x16xf32, #tpu.memory_space<vmem_shared>>
      tpu.enqueue_indirect_dma source(%dma_start3A_550 : memref<256x16xf32, #tpu.memory_space<vmem>>) target(%dma_start3A_556 : memref<10240x16xf32, #tpu.memory_space<vmem_shared>>) offsets(%dma_start3A_553 : memref<256xi32, #tpu.memory_space<vmem>>) semaphore(%arg12 : memref<!tpu.dma_semaphore, #tpu.memory_space<semaphore_mem>>) {add = true}
      %add3A_557 = arith.constant 8 : i32
      %add3A_558 = arith.addi %mul3A_259, %add3A_557 : i32
      %mul3A_559 = arith.constant 10 : i32
      %mul3A_560 = arith.muli %add3A_256, %mul3A_559 : i32
      %add3A_561 = arith.constant 8 : i32
      %add3A_562 = arith.addi %mul3A_560, %add3A_561 : i32
      %dma_start3A_563 = arith.constant 0 : i32
      %dma_start3A_564 = arith.constant 0 : i32
      %dma_start3A_565 = tpu.memref_slice %arg9[%add3A_558, %dma_start3A_563, %dma_start3A_564] : memref<20x256x16xf32, #tpu.memory_space<vmem>> -> memref<1x256x16xf32, #tpu.memory_space<vmem>>
      %dma_start3A_566 = tpu.memref_squeeze %dma_start3A_565 : memref<1x256x16xf32, #tpu.memory_space<vmem>> -> memref<256x16xf32, #tpu.memory_space<vmem>>
      %dma_start3A_567 = arith.constant 0 : i32
      %dma_start3A_568 = tpu.memref_slice %arg8[%add3A_562, %dma_start3A_567] : memref<40x256xi32, #tpu.memory_space<vmem>> -> memref<1x256xi32, #tpu.memory_space<vmem>>
      %dma_start3A_569 = tpu.memref_squeeze %dma_start3A_568 : memref<1x256xi32, #tpu.memory_space<vmem>> -> memref<256xi32, #tpu.memory_space<vmem>>
      %dma_start3A_570 = arith.constant 0 : i32
      %dma_start3A_571 = arith.constant 0 : i32
      %dma_start3A_572 = tpu.memref_slice %arg10[%dma_start3A_570, %dma_start3A_571] : memref<10240x16xf32, #tpu.memory_space<vmem_shared>> -> memref<10240x16xf32, #tpu.memory_space<vmem_shared>>
      tpu.enqueue_indirect_dma source(%dma_start3A_566 : memref<256x16xf32, #tpu.memory_space<vmem>>) target(%dma_start3A_572 : memref<10240x16xf32, #tpu.memory_space<vmem_shared>>) offsets(%dma_start3A_569 : memref<256xi32, #tpu.memory_space<vmem>>) semaphore(%arg12 : memref<!tpu.dma_semaphore, #tpu.memory_space<semaphore_mem>>) {add = true}
      %add3A_573 = arith.constant 9 : i32
      %add3A_574 = arith.addi %mul3A_259, %add3A_573 : i32
      %mul3A_575 = arith.constant 10 : i32
      %mul3A_576 = arith.muli %add3A_256, %mul3A_575 : i32
      %add3A_577 = arith.constant 9 : i32
      %add3A_578 = arith.addi %mul3A_576, %add3A_577 : i32
      %dma_start3A_579 = arith.constant 0 : i32
      %dma_start3A_580 = arith.constant 0 : i32
      %dma_start3A_581 = tpu.memref_slice %arg9[%add3A_574, %dma_start3A_579, %dma_start3A_580] : memref<20x256x16xf32, #tpu.memory_space<vmem>> -> memref<1x256x16xf32, #tpu.memory_space<vmem>>
      %dma_start3A_582 = tpu.memref_squeeze %dma_start3A_581 : memref<1x256x16xf32, #tpu.memory_space<vmem>> -> memref<256x16xf32, #tpu.memory_space<vmem>>
      %dma_start3A_583 = arith.constant 0 : i32
      %dma_start3A_584 = tpu.memref_slice %arg8[%add3A_578, %dma_start3A_583] : memref<40x256xi32, #tpu.memory_space<vmem>> -> memref<1x256xi32, #tpu.memory_space<vmem>>
      %dma_start3A_585 = tpu.memref_squeeze %dma_start3A_584 : memref<1x256xi32, #tpu.memory_space<vmem>> -> memref<256xi32, #tpu.memory_space<vmem>>
      %dma_start3A_586 = arith.constant 0 : i32
      %dma_start3A_587 = arith.constant 0 : i32
      %dma_start3A_588 = tpu.memref_slice %arg10[%dma_start3A_586, %dma_start3A_587] : memref<10240x16xf32, #tpu.memory_space<vmem_shared>> -> memref<10240x16xf32, #tpu.memory_space<vmem_shared>>
      tpu.enqueue_indirect_dma source(%dma_start3A_582 : memref<256x16xf32, #tpu.memory_space<vmem>>) target(%dma_start3A_588 : memref<10240x16xf32, #tpu.memory_space<vmem_shared>>) offsets(%dma_start3A_585 : memref<256xi32, #tpu.memory_space<vmem>>) semaphore(%arg12 : memref<!tpu.dma_semaphore, #tpu.memory_space<semaphore_mem>>) {add = true}
    }
    %scan3A_127 = arith.constant 4 : i32
    %dma_wait3A = arith.constant 10 : i32
    %dma_wait3A_128 = arith.constant 30 : i32
    %dma_wait3A_129 = arith.constant 0 : i32
    %dma_wait3A_130 = arith.constant 0 : i32
    %dma_wait3A_131 = tpu.memref_slice %arg9[%dma_wait3A, %dma_wait3A_129, %dma_wait3A_130] : memref<20x256x16xf32, #tpu.memory_space<vmem>> -> memref<1x256x16xf32, #tpu.memory_space<vmem>>
    %dma_wait3A_132 = tpu.memref_squeeze %dma_wait3A_131 : memref<1x256x16xf32, #tpu.memory_space<vmem>> -> memref<256x16xf32, #tpu.memory_space<vmem>>
    %dma_wait3A_133 = arith.constant 0 : i32
    %dma_wait3A_134 = tpu.memref_slice %arg8[%dma_wait3A_128, %dma_wait3A_133] : memref<40x256xi32, #tpu.memory_space<vmem>> -> memref<1x256xi32, #tpu.memory_space<vmem>>
    %dma_wait3A_135 = tpu.memref_squeeze %dma_wait3A_134 : memref<1x256xi32, #tpu.memory_space<vmem>> -> memref<256xi32, #tpu.memory_space<vmem>>
    %dma_wait3A_136 = arith.constant 0 : i32
    %dma_wait3A_137 = arith.constant 0 : i32
    %dma_wait3A_138 = tpu.memref_slice %arg10[%dma_wait3A_136, %dma_wait3A_137] : memref<10240x16xf32, #tpu.memory_space<vmem_shared>> -> memref<10240x16xf32, #tpu.memory_space<vmem_shared>>
    tpu.wait_indirect_dma semaphore(%arg12 : memref<!tpu.dma_semaphore, #tpu.memory_space<semaphore_mem>>) src(%dma_wait3A_132 : memref<256x16xf32, #tpu.memory_space<vmem>>) dst(%dma_wait3A_138 : memref<10240x16xf32, #tpu.memory_space<vmem_shared>>)
    %dma_wait3A_139 = arith.constant 11 : i32
    %dma_wait3A_140 = arith.constant 31 : i32
    %dma_wait3A_141 = arith.constant 0 : i32
    %dma_wait3A_142 = arith.constant 0 : i32
    %dma_wait3A_143 = tpu.memref_slice %arg9[%dma_wait3A_139, %dma_wait3A_141, %dma_wait3A_142] : memref<20x256x16xf32, #tpu.memory_space<vmem>> -> memref<1x256x16xf32, #tpu.memory_space<vmem>>
    %dma_wait3A_144 = tpu.memref_squeeze %dma_wait3A_143 : memref<1x256x16xf32, #tpu.memory_space<vmem>> -> memref<256x16xf32, #tpu.memory_space<vmem>>
    %dma_wait3A_145 = arith.constant 0 : i32
    %dma_wait3A_146 = tpu.memref_slice %arg8[%dma_wait3A_140, %dma_wait3A_145] : memref<40x256xi32, #tpu.memory_space<vmem>> -> memref<1x256xi32, #tpu.memory_space<vmem>>
    %dma_wait3A_147 = tpu.memref_squeeze %dma_wait3A_146 : memref<1x256xi32, #tpu.memory_space<vmem>> -> memref<256xi32, #tpu.memory_space<vmem>>
    %dma_wait3A_148 = arith.constant 0 : i32
    %dma_wait3A_149 = arith.constant 0 : i32
    %dma_wait3A_150 = tpu.memref_slice %arg10[%dma_wait3A_148, %dma_wait3A_149] : memref<10240x16xf32, #tpu.memory_space<vmem_shared>> -> memref<10240x16xf32, #tpu.memory_space<vmem_shared>>
    tpu.wait_indirect_dma semaphore(%arg12 : memref<!tpu.dma_semaphore, #tpu.memory_space<semaphore_mem>>) src(%dma_wait3A_144 : memref<256x16xf32, #tpu.memory_space<vmem>>) dst(%dma_wait3A_150 : memref<10240x16xf32, #tpu.memory_space<vmem_shared>>)
    %dma_wait3A_151 = arith.constant 12 : i32
    %dma_wait3A_152 = arith.constant 32 : i32
    %dma_wait3A_153 = arith.constant 0 : i32
    %dma_wait3A_154 = arith.constant 0 : i32
    %dma_wait3A_155 = tpu.memref_slice %arg9[%dma_wait3A_151, %dma_wait3A_153, %dma_wait3A_154] : memref<20x256x16xf32, #tpu.memory_space<vmem>> -> memref<1x256x16xf32, #tpu.memory_space<vmem>>
    %dma_wait3A_156 = tpu.memref_squeeze %dma_wait3A_155 : memref<1x256x16xf32, #tpu.memory_space<vmem>> -> memref<256x16xf32, #tpu.memory_space<vmem>>
    %dma_wait3A_157 = arith.constant 0 : i32
    %dma_wait3A_158 = tpu.memref_slice %arg8[%dma_wait3A_152, %dma_wait3A_157] : memref<40x256xi32, #tpu.memory_space<vmem>> -> memref<1x256xi32, #tpu.memory_space<vmem>>
    %dma_wait3A_159 = tpu.memref_squeeze %dma_wait3A_158 : memref<1x256xi32, #tpu.memory_space<vmem>> -> memref<256xi32, #tpu.memory_space<vmem>>
    %dma_wait3A_160 = arith.constant 0 : i32
    %dma_wait3A_161 = arith.constant 0 : i32
    %dma_wait3A_162 = tpu.memref_slice %arg10[%dma_wait3A_160, %dma_wait3A_161] : memref<10240x16xf32, #tpu.memory_space<vmem_shared>> -> memref<10240x16xf32, #tpu.memory_space<vmem_shared>>
    tpu.wait_indirect_dma semaphore(%arg12 : memref<!tpu.dma_semaphore, #tpu.memory_space<semaphore_mem>>) src(%dma_wait3A_156 : memref<256x16xf32, #tpu.memory_space<vmem>>) dst(%dma_wait3A_162 : memref<10240x16xf32, #tpu.memory_space<vmem_shared>>)
    %dma_wait3A_163 = arith.constant 13 : i32
    %dma_wait3A_164 = arith.constant 33 : i32
    %dma_wait3A_165 = arith.constant 0 : i32
    %dma_wait3A_166 = arith.constant 0 : i32
    %dma_wait3A_167 = tpu.memref_slice %arg9[%dma_wait3A_163, %dma_wait3A_165, %dma_wait3A_166] : memref<20x256x16xf32, #tpu.memory_space<vmem>> -> memref<1x256x16xf32, #tpu.memory_space<vmem>>
    %dma_wait3A_168 = tpu.memref_squeeze %dma_wait3A_167 : memref<1x256x16xf32, #tpu.memory_space<vmem>> -> memref<256x16xf32, #tpu.memory_space<vmem>>
    %dma_wait3A_169 = arith.constant 0 : i32
    %dma_wait3A_170 = tpu.memref_slice %arg8[%dma_wait3A_164, %dma_wait3A_169] : memref<40x256xi32, #tpu.memory_space<vmem>> -> memref<1x256xi32, #tpu.memory_space<vmem>>
    %dma_wait3A_171 = tpu.memref_squeeze %dma_wait3A_170 : memref<1x256xi32, #tpu.memory_space<vmem>> -> memref<256xi32, #tpu.memory_space<vmem>>
    %dma_wait3A_172 = arith.constant 0 : i32
    %dma_wait3A_173 = arith.constant 0 : i32
    %dma_wait3A_174 = tpu.memref_slice %arg10[%dma_wait3A_172, %dma_wait3A_173] : memref<10240x16xf32, #tpu.memory_space<vmem_shared>> -> memref<10240x16xf32, #tpu.memory_space<vmem_shared>>
    tpu.wait_indirect_dma semaphore(%arg12 : memref<!tpu.dma_semaphore, #tpu.memory_space<semaphore_mem>>) src(%dma_wait3A_168 : memref<256x16xf32, #tpu.memory_space<vmem>>) dst(%dma_wait3A_174 : memref<10240x16xf32, #tpu.memory_space<vmem_shared>>)
    %dma_wait3A_175 = arith.constant 14 : i32
    %dma_wait3A_176 = arith.constant 34 : i32
    %dma_wait3A_177 = arith.constant 0 : i32
    %dma_wait3A_178 = arith.constant 0 : i32
    %dma_wait3A_179 = tpu.memref_slice %arg9[%dma_wait3A_175, %dma_wait3A_177, %dma_wait3A_178] : memref<20x256x16xf32, #tpu.memory_space<vmem>> -> memref<1x256x16xf32, #tpu.memory_space<vmem>>
    %dma_wait3A_180 = tpu.memref_squeeze %dma_wait3A_179 : memref<1x256x16xf32, #tpu.memory_space<vmem>> -> memref<256x16xf32, #tpu.memory_space<vmem>>
    %dma_wait3A_181 = arith.constant 0 : i32
    %dma_wait3A_182 = tpu.memref_slice %arg8[%dma_wait3A_176, %dma_wait3A_181] : memref<40x256xi32, #tpu.memory_space<vmem>> -> memref<1x256xi32, #tpu.memory_space<vmem>>
    %dma_wait3A_183 = tpu.memref_squeeze %dma_wait3A_182 : memref<1x256xi32, #tpu.memory_space<vmem>> -> memref<256xi32, #tpu.memory_space<vmem>>
    %dma_wait3A_184 = arith.constant 0 : i32
    %dma_wait3A_185 = arith.constant 0 : i32
    %dma_wait3A_186 = tpu.memref_slice %arg10[%dma_wait3A_184, %dma_wait3A_185] : memref<10240x16xf32, #tpu.memory_space<vmem_shared>> -> memref<10240x16xf32, #tpu.memory_space<vmem_shared>>
    tpu.wait_indirect_dma semaphore(%arg12 : memref<!tpu.dma_semaphore, #tpu.memory_space<semaphore_mem>>) src(%dma_wait3A_180 : memref<256x16xf32, #tpu.memory_space<vmem>>) dst(%dma_wait3A_186 : memref<10240x16xf32, #tpu.memory_space<vmem_shared>>)
    %dma_wait3A_187 = arith.constant 15 : i32
    %dma_wait3A_188 = arith.constant 35 : i32
    %dma_wait3A_189 = arith.constant 0 : i32
    %dma_wait3A_190 = arith.constant 0 : i32
    %dma_wait3A_191 = tpu.memref_slice %arg9[%dma_wait3A_187, %dma_wait3A_189, %dma_wait3A_190] : memref<20x256x16xf32, #tpu.memory_space<vmem>> -> memref<1x256x16xf32, #tpu.memory_space<vmem>>
    %dma_wait3A_192 = tpu.memref_squeeze %dma_wait3A_191 : memref<1x256x16xf32, #tpu.memory_space<vmem>> -> memref<256x16xf32, #tpu.memory_space<vmem>>
    %dma_wait3A_193 = arith.constant 0 : i32
    %dma_wait3A_194 = tpu.memref_slice %arg8[%dma_wait3A_188, %dma_wait3A_193] : memref<40x256xi32, #tpu.memory_space<vmem>> -> memref<1x256xi32, #tpu.memory_space<vmem>>
    %dma_wait3A_195 = tpu.memref_squeeze %dma_wait3A_194 : memref<1x256xi32, #tpu.memory_space<vmem>> -> memref<256xi32, #tpu.memory_space<vmem>>
    %dma_wait3A_196 = arith.constant 0 : i32
    %dma_wait3A_197 = arith.constant 0 : i32
    %dma_wait3A_198 = tpu.memref_slice %arg10[%dma_wait3A_196, %dma_wait3A_197] : memref<10240x16xf32, #tpu.memory_space<vmem_shared>> -> memref<10240x16xf32, #tpu.memory_space<vmem_shared>>
    tpu.wait_indirect_dma semaphore(%arg12 : memref<!tpu.dma_semaphore, #tpu.memory_space<semaphore_mem>>) src(%dma_wait3A_192 : memref<256x16xf32, #tpu.memory_space<vmem>>) dst(%dma_wait3A_198 : memref<10240x16xf32, #tpu.memory_space<vmem_shared>>)
    %dma_wait3A_199 = arith.constant 16 : i32
    %dma_wait3A_200 = arith.constant 36 : i32
    %dma_wait3A_201 = arith.constant 0 : i32
    %dma_wait3A_202 = arith.constant 0 : i32
    %dma_wait3A_203 = tpu.memref_slice %arg9[%dma_wait3A_199, %dma_wait3A_201, %dma_wait3A_202] : memref<20x256x16xf32, #tpu.memory_space<vmem>> -> memref<1x256x16xf32, #tpu.memory_space<vmem>>
    %dma_wait3A_204 = tpu.memref_squeeze %dma_wait3A_203 : memref<1x256x16xf32, #tpu.memory_space<vmem>> -> memref<256x16xf32, #tpu.memory_space<vmem>>
    %dma_wait3A_205 = arith.constant 0 : i32
    %dma_wait3A_206 = tpu.memref_slice %arg8[%dma_wait3A_200, %dma_wait3A_205] : memref<40x256xi32, #tpu.memory_space<vmem>> -> memref<1x256xi32, #tpu.memory_space<vmem>>
    %dma_wait3A_207 = tpu.memref_squeeze %dma_wait3A_206 : memref<1x256xi32, #tpu.memory_space<vmem>> -> memref<256xi32, #tpu.memory_space<vmem>>
    %dma_wait3A_208 = arith.constant 0 : i32
    %dma_wait3A_209 = arith.constant 0 : i32
    %dma_wait3A_210 = tpu.memref_slice %arg10[%dma_wait3A_208, %dma_wait3A_209] : memref<10240x16xf32, #tpu.memory_space<vmem_shared>> -> memref<10240x16xf32, #tpu.memory_space<vmem_shared>>
    tpu.wait_indirect_dma semaphore(%arg12 : memref<!tpu.dma_semaphore, #tpu.memory_space<semaphore_mem>>) src(%dma_wait3A_204 : memref<256x16xf32, #tpu.memory_space<vmem>>) dst(%dma_wait3A_210 : memref<10240x16xf32, #tpu.memory_space<vmem_shared>>)
    %dma_wait3A_211 = arith.constant 17 : i32
    %dma_wait3A_212 = arith.constant 37 : i32
    %dma_wait3A_213 = arith.constant 0 : i32
    %dma_wait3A_214 = arith.constant 0 : i32
    %dma_wait3A_215 = tpu.memref_slice %arg9[%dma_wait3A_211, %dma_wait3A_213, %dma_wait3A_214] : memref<20x256x16xf32, #tpu.memory_space<vmem>> -> memref<1x256x16xf32, #tpu.memory_space<vmem>>
    %dma_wait3A_216 = tpu.memref_squeeze %dma_wait3A_215 : memref<1x256x16xf32, #tpu.memory_space<vmem>> -> memref<256x16xf32, #tpu.memory_space<vmem>>
    %dma_wait3A_217 = arith.constant 0 : i32
    %dma_wait3A_218 = tpu.memref_slice %arg8[%dma_wait3A_212, %dma_wait3A_217] : memref<40x256xi32, #tpu.memory_space<vmem>> -> memref<1x256xi32, #tpu.memory_space<vmem>>
    %dma_wait3A_219 = tpu.memref_squeeze %dma_wait3A_218 : memref<1x256xi32, #tpu.memory_space<vmem>> -> memref<256xi32, #tpu.memory_space<vmem>>
    %dma_wait3A_220 = arith.constant 0 : i32
    %dma_wait3A_221 = arith.constant 0 : i32
    %dma_wait3A_222 = tpu.memref_slice %arg10[%dma_wait3A_220, %dma_wait3A_221] : memref<10240x16xf32, #tpu.memory_space<vmem_shared>> -> memref<10240x16xf32, #tpu.memory_space<vmem_shared>>
    tpu.wait_indirect_dma semaphore(%arg12 : memref<!tpu.dma_semaphore, #tpu.memory_space<semaphore_mem>>) src(%dma_wait3A_216 : memref<256x16xf32, #tpu.memory_space<vmem>>) dst(%dma_wait3A_222 : memref<10240x16xf32, #tpu.memory_space<vmem_shared>>)
    %dma_wait3A_223 = arith.constant 18 : i32
    %dma_wait3A_224 = arith.constant 38 : i32
    %dma_wait3A_225 = arith.constant 0 : i32
    %dma_wait3A_226 = arith.constant 0 : i32
    %dma_wait3A_227 = tpu.memref_slice %arg9[%dma_wait3A_223, %dma_wait3A_225, %dma_wait3A_226] : memref<20x256x16xf32, #tpu.memory_space<vmem>> -> memref<1x256x16xf32, #tpu.memory_space<vmem>>
    %dma_wait3A_228 = tpu.memref_squeeze %dma_wait3A_227 : memref<1x256x16xf32, #tpu.memory_space<vmem>> -> memref<256x16xf32, #tpu.memory_space<vmem>>
    %dma_wait3A_229 = arith.constant 0 : i32
    %dma_wait3A_230 = tpu.memref_slice %arg8[%dma_wait3A_224, %dma_wait3A_229] : memref<40x256xi32, #tpu.memory_space<vmem>> -> memref<1x256xi32, #tpu.memory_space<vmem>>
    %dma_wait3A_231 = tpu.memref_squeeze %dma_wait3A_230 : memref<1x256xi32, #tpu.memory_space<vmem>> -> memref<256xi32, #tpu.memory_space<vmem>>
    %dma_wait3A_232 = arith.constant 0 : i32
    %dma_wait3A_233 = arith.constant 0 : i32
    %dma_wait3A_234 = tpu.memref_slice %arg10[%dma_wait3A_232, %dma_wait3A_233] : memref<10240x16xf32, #tpu.memory_space<vmem_shared>> -> memref<10240x16xf32, #tpu.memory_space<vmem_shared>>
    tpu.wait_indirect_dma semaphore(%arg12 : memref<!tpu.dma_semaphore, #tpu.memory_space<semaphore_mem>>) src(%dma_wait3A_228 : memref<256x16xf32, #tpu.memory_space<vmem>>) dst(%dma_wait3A_234 : memref<10240x16xf32, #tpu.memory_space<vmem_shared>>)
    %dma_wait3A_235 = arith.constant 19 : i32
    %dma_wait3A_236 = arith.constant 39 : i32
    %dma_wait3A_237 = arith.constant 0 : i32
    %dma_wait3A_238 = arith.constant 0 : i32
    %dma_wait3A_239 = tpu.memref_slice %arg9[%dma_wait3A_235, %dma_wait3A_237, %dma_wait3A_238] : memref<20x256x16xf32, #tpu.memory_space<vmem>> -> memref<1x256x16xf32, #tpu.memory_space<vmem>>
    %dma_wait3A_240 = tpu.memref_squeeze %dma_wait3A_239 : memref<1x256x16xf32, #tpu.memory_space<vmem>> -> memref<256x16xf32, #tpu.memory_space<vmem>>
    %dma_wait3A_241 = arith.constant 0 : i32
    %dma_wait3A_242 = tpu.memref_slice %arg8[%dma_wait3A_236, %dma_wait3A_241] : memref<40x256xi32, #tpu.memory_space<vmem>> -> memref<1x256xi32, #tpu.memory_space<vmem>>
    %dma_wait3A_243 = tpu.memref_squeeze %dma_wait3A_242 : memref<1x256xi32, #tpu.memory_space<vmem>> -> memref<256xi32, #tpu.memory_space<vmem>>
    %dma_wait3A_244 = arith.constant 0 : i32
    %dma_wait3A_245 = arith.constant 0 : i32
    %dma_wait3A_246 = tpu.memref_slice %arg10[%dma_wait3A_244, %dma_wait3A_245] : memref<10240x16xf32, #tpu.memory_space<vmem_shared>> -> memref<10240x16xf32, #tpu.memory_space<vmem_shared>>
    tpu.wait_indirect_dma semaphore(%arg12 : memref<!tpu.dma_semaphore, #tpu.memory_space<semaphore_mem>>) src(%dma_wait3A_240 : memref<256x16xf32, #tpu.memory_space<vmem>>) dst(%dma_wait3A_246 : memref<10240x16xf32, #tpu.memory_space<vmem_shared>>)
    %barrier3A_247 = arith.constant 0 : index
    tpu.barrier barrier_id(%barrier3A_247)
    %mul3A_248 = arith.constant 640 : i32
    %mul3A_249 = arith.muli %arg1, %mul3A_248 : i32
    %mul3A_250 = arith.constant 640 : i32
    %mul3A_251 = arith.muli %arg1, %mul3A_250 : i32
    "tpu.region"() ({
      %run_scoped3A = tpu.sem_alloc : memref<!tpu.dma_semaphore, #tpu.memory_space<semaphore_mem>>
      %dma_start3A_252 = arith.constant 0 : i32
      %dma_start3A_253 = tpu.memref_slice %arg6[%arg0, %mul3A_251, %dma_start3A_252] : memref<2x10240x16xf32, #tpu.memory_space<hbm>> -> memref<1x640x16xf32, #tpu.memory_space<hbm>>
      %dma_start3A_254 = tpu.memref_squeeze %dma_start3A_253 : memref<1x640x16xf32, #tpu.memory_space<hbm>> -> memref<640x16xf32, #tpu.memory_space<hbm>>
      %dma_start3A_255 = arith.constant 0 : i32
      %dma_start3A_256 = tpu.memref_slice %arg10[%mul3A_249, %dma_start3A_255] : memref<10240x16xf32, #tpu.memory_space<vmem_shared>> -> memref<640x16xf32, #tpu.memory_space<vmem_shared>>
      tpu.enqueue_dma source(%dma_start3A_256 : memref<640x16xf32, #tpu.memory_space<vmem_shared>>) target(%dma_start3A_254 : memref<640x16xf32, #tpu.memory_space<hbm>>) target_semaphore(%run_scoped3A : memref<!tpu.dma_semaphore, #tpu.memory_space<semaphore_mem>>)
      %dma_wait3A_257 = arith.constant 0 : i32
      %dma_wait3A_258 = tpu.memref_slice %arg6[%arg0, %mul3A_251, %dma_wait3A_257] : memref<2x10240x16xf32, #tpu.memory_space<hbm>> -> memref<1x640x16xf32, #tpu.memory_space<hbm>>
      %dma_wait3A_259 = tpu.memref_squeeze %dma_wait3A_258 : memref<1x640x16xf32, #tpu.memory_space<hbm>> -> memref<640x16xf32, #tpu.memory_space<hbm>>
      %dma_wait3A_260 = arith.constant 0 : i32
      %dma_wait3A_261 = tpu.memref_slice %arg10[%mul3A_249, %dma_wait3A_260] : memref<10240x16xf32, #tpu.memory_space<vmem_shared>> -> memref<640x16xf32, #tpu.memory_space<vmem_shared>>
      tpu.wait_dma2 semaphore(%run_scoped3A : memref<!tpu.dma_semaphore, #tpu.memory_space<semaphore_mem>>) src(%dma_wait3A_261 : memref<640x16xf32, #tpu.memory_space<vmem_shared>>) dst(%dma_wait3A_259 : memref<640x16xf32, #tpu.memory_space<hbm>>)
      tpu.yield
    }) : () -> ()
    return
  }
}

module attributes {stable_mosaic.version = 14 : i64} {
  func.func @_tc1a_body(%arg0: memref<10000x128xf32, #tpu.memory_space<vmem>>, %arg1: memref<1x2048xf32, #tpu.memory_space<vmem>>, %arg2: memref<2048x16xf32, #tpu.memory_space<vmem>>, %arg3: memref<128x16xf32, #tpu.memory_space<vmem>>, %arg4: memref<10240x16xf32, #tpu.memory_space<vmem>>) attributes {dimension_semantics = [], scalar_prefetch = 0 : i64, scratch_operands = 0 : i64, tpu.core_type = #tpu.core_type<tc>} {
    %get3A = arith.constant 0 : index
    %get3A_0 = arith.constant 0 : index
    %get3A_1 = vector.load %arg0[%get3A, %get3A_0] : memref<10000x128xf32, #tpu.memory_space<vmem>>, vector<10000x128xf32>
    %reduce_sum3A = arith.constant dense<0.000000e+00> : vector<128xf32>
    %reduce_sum3A_2 = vector.multi_reduction <add>, %get3A_1, %reduce_sum3A [0] : vector<10000x128xf32> to vector<128xf32>
    %broadcast_in_dim3A = vector.shape_cast %reduce_sum3A_2 : vector<128xf32> to vector<1x128xf32>
    %div3A = arith.constant 1.000000e+04 : f32
    %div3A_3 = vector.broadcast %div3A : f32 to vector<1x128xf32>
    %div3A_4 = arith.divf %broadcast_in_dim3A, %div3A_3 : vector<1x128xf32>
    %mul3A = arith.mulf %get3A_1, %get3A_1 : vector<10000x128xf32>
    %reduce_sum3A_5 = arith.constant dense<0.000000e+00> : vector<128xf32>
    %reduce_sum3A_6 = vector.multi_reduction <add>, %mul3A, %reduce_sum3A_5 [0] : vector<10000x128xf32> to vector<128xf32>
    %broadcast_in_dim3A_7 = vector.shape_cast %reduce_sum3A_6 : vector<128xf32> to vector<1x128xf32>
    %div3A_8 = arith.constant 1.000000e+04 : f32
    %div3A_9 = vector.broadcast %div3A_8 : f32 to vector<1x128xf32>
    %div3A_10 = arith.divf %broadcast_in_dim3A_7, %div3A_9 : vector<1x128xf32>
    %mul3A_11 = arith.mulf %div3A_4, %div3A_4 : vector<1x128xf32>
    %sub3A = arith.subf %div3A_10, %mul3A_11 : vector<1x128xf32>
    %max3A = arith.constant 0.000000e+00 : f32
    %max3A_12 = vector.broadcast %max3A : f32 to vector<1x128xf32>
    %max3A_13 = arith.maximumf %sub3A, %max3A_12 : vector<1x128xf32>
    %sqrt3A = math.sqrt %max3A_13 : vector<1x128xf32>
    %eq3A = arith.constant 0.000000e+00 : f32
    %eq3A_14 = vector.broadcast %eq3A : f32 to vector<1x128xf32>
    %eq3A_15 = arith.cmpf oeq, %sqrt3A, %eq3A_14 : vector<1x128xf32>
    %jit3A = arith.constant 1.000000e+00 : f32
    %broadcast_in_dim3A_16 = vector.broadcast %jit3A : f32 to vector<1x128xf32>
    %select_n3A = arith.select %eq3A_15, %broadcast_in_dim3A_16, %sqrt3A : vector<1x128xi1>, vector<1x128xf32>
    %sub3A_17 = vector.broadcast %div3A_4 : vector<1x128xf32> to vector<10000x128xf32>
    %sub3A_18 = arith.subf %get3A_1, %sub3A_17 : vector<10000x128xf32>
    %div3A_19 = vector.broadcast %select_n3A : vector<1x128xf32> to vector<10000x128xf32>
    %div3A_20 = arith.divf %sub3A_18, %div3A_19 : vector<10000x128xf32>
    %get3A_21 = arith.constant 0 : index
    %get3A_22 = arith.constant 0 : index
    %get3A_23 = vector.load %arg1[%get3A_21, %get3A_22] : memref<1x2048xf32, #tpu.memory_space<vmem>>, vector<1x2048xf32>
    %get3A_24 = arith.constant 0 : index
    %get3A_25 = arith.constant 0 : index
    %get3A_26 = vector.load %arg2[%get3A_24, %get3A_25] : memref<2048x16xf32, #tpu.memory_space<vmem>>, vector<2048x16xf32>
    %dot_general3A = arith.constant dense<0.000000e+00> : vector<1x16xf32>
    %dot_general3A_27 = tpu.matmul %get3A_23, %get3A_26, %dot_general3A {dimension_numbers = #tpu.dot_dimension_numbers<[1], [0], [0], [1], [0, 0, 1, 1], [], []>, transpose_lhs_hint = false} : vector<1x2048xf32>, vector<2048x16xf32>, vector<1x16xf32> -> vector<1x16xf32>
    %get3A_28 = arith.constant 0 : index
    %get3A_29 = arith.constant 0 : index
    %get3A_30 = vector.load %arg3[%get3A_28, %get3A_29] : memref<128x16xf32, #tpu.memory_space<vmem>>, vector<128x16xf32>
    %dot_general3A_31 = arith.constant dense<0.000000e+00> : vector<10000x16xf32>
    %dot_general3A_32 = tpu.matmul %div3A_20, %get3A_30, %dot_general3A_31 {dimension_numbers = #tpu.dot_dimension_numbers<[1], [0], [0], [1], [0, 0, 1, 1], [], []>, transpose_lhs_hint = false} : vector<10000x128xf32>, vector<128x16xf32>, vector<10000x16xf32> -> vector<10000x16xf32>
    %add3A = vector.broadcast %dot_general3A_27 : vector<1x16xf32> to vector<10000x16xf32>
    %add3A_33 = arith.addf %dot_general3A_32, %add3A : vector<10000x16xf32>
    %swap3A = arith.constant 0 : index
    %swap3A_34 = arith.constant 0 : index
    %swap3A_35 = vector.load %arg4[%swap3A, %swap3A_34] : memref<10240x16xf32, #tpu.memory_space<vmem>>, vector<10000x16xf32>
    tpu.vector_store %arg4[%swap3A, %swap3A_34], %add3A_33 {strides = array<i32>} : memref<10240x16xf32, #tpu.memory_space<vmem>>, vector<10000x16xf32>,
    return
  }
}

module attributes {stable_mosaic.version = 14 : i64} {
  func.func @_tc1b_body(%arg0: memref<10240x16xf32, #tpu.memory_space<vmem>>, %arg1: memref<2x10240x16xf32, #tpu.memory_space<vmem>>, %arg2: memref<10240x16xf32, #tpu.memory_space<vmem>>, %arg3: memref<10240x1xf32, #tpu.memory_space<vmem>>) attributes {dimension_semantics = [], scalar_prefetch = 0 : i64, scratch_operands = 0 : i64, tpu.core_type = #tpu.core_type<tc>} {
    %get3A = arith.constant 0 : index
    %get3A_0 = arith.constant 0 : index
    %get3A_1 = arith.constant 0 : index
    %get3A_2 = vector.load %arg1[%get3A, %get3A_0, %get3A_1] : memref<2x10240x16xf32, #tpu.memory_space<vmem>>, vector<1x10240x16xf32>
    %get3A_3 = vector.shape_cast %get3A_2 : vector<1x10240x16xf32> to vector<10240x16xf32>
    %slice3A = vector.extract_strided_slice %get3A_3 {offsets = [0, 0], sizes = [10240, 1], strides = [1, 1]} : vector<10240x16xf32> to vector<10240x1xf32>
    %get3A_4 = arith.constant 1 : index
    %get3A_5 = arith.constant 0 : index
    %get3A_6 = arith.constant 0 : index
    %get3A_7 = vector.load %arg1[%get3A_4, %get3A_5, %get3A_6] : memref<2x10240x16xf32, #tpu.memory_space<vmem>>, vector<1x10240x16xf32>
    %get3A_8 = vector.shape_cast %get3A_7 : vector<1x10240x16xf32> to vector<10240x16xf32>
    %slice3A_9 = vector.extract_strided_slice %get3A_8 {offsets = [0, 0], sizes = [10240, 1], strides = [1, 1]} : vector<10240x16xf32> to vector<10240x1xf32>
    %add3A = arith.addf %slice3A, %slice3A_9 : vector<10240x1xf32>
    %add3A_10 = arith.constant 1.000000e+00 : f32
    %add3A_11 = vector.broadcast %add3A_10 : f32 to vector<10240x1xf32>
    %add3A_12 = arith.addf %add3A, %add3A_11 : vector<10240x1xf32>
    %rsqrt3A = math.rsqrt %add3A_12 : vector<10240x1xf32>
    %swap3A = arith.constant 0 : index
    %swap3A_13 = arith.constant 0 : index
    %swap3A_14 = vector.load %arg3[%swap3A, %swap3A_13] : memref<10240x1xf32, #tpu.memory_space<vmem>>, vector<10240x1xf32>
    tpu.vector_store %arg3[%swap3A, %swap3A_13], %rsqrt3A {strides = array<i32>} : memref<10240x1xf32, #tpu.memory_space<vmem>>, vector<10240x1xf32>,
    %get3A_15 = arith.constant 0 : index
    %get3A_16 = arith.constant 0 : index
    %get3A_17 = vector.load %arg0[%get3A_15, %get3A_16] : memref<10240x16xf32, #tpu.memory_space<vmem>>, vector<10240x16xf32>
    %mul3A = vector.broadcast %rsqrt3A : vector<10240x1xf32> to vector<10240x16xf32>
    %mul3A_18 = arith.mulf %mul3A, %get3A_17 : vector<10240x16xf32>
    %swap3A_19 = arith.constant 0 : index
    %swap3A_20 = arith.constant 0 : index
    %swap3A_21 = vector.load %arg2[%swap3A_19, %swap3A_20] : memref<10240x16xf32, #tpu.memory_space<vmem>>, vector<10240x16xf32>
    tpu.vector_store %arg2[%swap3A_19, %swap3A_20], %mul3A_18 {strides = array<i32>} : memref<10240x16xf32, #tpu.memory_space<vmem>>, vector<10240x16xf32>,
    return
  }
}

module attributes {stable_mosaic.version = 14 : i64} {
  func.func @_tc2_body(%arg0: memref<2x10240x16xf32, #tpu.memory_space<vmem>>, %arg1: memref<10240x16xf32, #tpu.memory_space<vmem>>, %arg2: memref<10240x1xf32, #tpu.memory_space<vmem>>, %arg3: memref<1x16xf32, #tpu.memory_space<vmem>>, %arg4: memref<16x16xf32, #tpu.memory_space<vmem>>, %arg5: memref<10240x16xf32, #tpu.memory_space<vmem>>) attributes {dimension_semantics = [], scalar_prefetch = 0 : i64, scratch_operands = 0 : i64, tpu.core_type = #tpu.core_type<tc>} {
    %get3A = arith.constant 0 : index
    %get3A_0 = arith.constant 0 : index
    %get3A_1 = vector.load %arg2[%get3A, %get3A_0] : memref<10240x1xf32, #tpu.memory_space<vmem>>, vector<10240x1xf32>
    %get3A_2 = arith.constant 0 : index
    %get3A_3 = arith.constant 0 : index
    %get3A_4 = arith.constant 0 : index
    %get3A_5 = vector.load %arg0[%get3A_2, %get3A_3, %get3A_4] : memref<2x10240x16xf32, #tpu.memory_space<vmem>>, vector<1x10240x16xf32>
    %get3A_6 = vector.shape_cast %get3A_5 : vector<1x10240x16xf32> to vector<10240x16xf32>
    %get3A_7 = arith.constant 1 : index
    %get3A_8 = arith.constant 0 : index
    %get3A_9 = arith.constant 0 : index
    %get3A_10 = vector.load %arg0[%get3A_7, %get3A_8, %get3A_9] : memref<2x10240x16xf32, #tpu.memory_space<vmem>>, vector<1x10240x16xf32>
    %get3A_11 = vector.shape_cast %get3A_10 : vector<1x10240x16xf32> to vector<10240x16xf32>
    %add3A = arith.addf %get3A_6, %get3A_11 : vector<10240x16xf32>
    %get3A_12 = arith.constant 0 : index
    %get3A_13 = arith.constant 0 : index
    %get3A_14 = vector.load %arg1[%get3A_12, %get3A_13] : memref<10240x16xf32, #tpu.memory_space<vmem>>, vector<10240x16xf32>
    %add3A_15 = arith.addf %add3A, %get3A_14 : vector<10240x16xf32>
    %mul3A = vector.broadcast %get3A_1 : vector<10240x1xf32> to vector<10240x16xf32>
    %mul3A_16 = arith.mulf %mul3A, %add3A_15 : vector<10240x16xf32>
    %get3A_17 = arith.constant 0 : index
    %get3A_18 = arith.constant 0 : index
    %get3A_19 = vector.load %arg3[%get3A_17, %get3A_18] : memref<1x16xf32, #tpu.memory_space<vmem>>, vector<1x16xf32>
    %add3A_20 = vector.broadcast %get3A_19 : vector<1x16xf32> to vector<10240x16xf32>
    %add3A_21 = arith.addf %mul3A_16, %add3A_20 : vector<10240x16xf32>
    %max3A = arith.constant 0.000000e+00 : f32
    %max3A_22 = vector.broadcast %max3A : f32 to vector<10240x16xf32>
    %max3A_23 = arith.maximumf %add3A_21, %max3A_22 : vector<10240x16xf32>
    %get3A_24 = arith.constant 0 : index
    %get3A_25 = arith.constant 0 : index
    %get3A_26 = vector.load %arg4[%get3A_24, %get3A_25] : memref<16x16xf32, #tpu.memory_space<vmem>>, vector<16x16xf32>
    %dot_general3A = arith.constant dense<0.000000e+00> : vector<10240x16xf32>
    %dot_general3A_27 = tpu.matmul %max3A_23, %get3A_26, %dot_general3A {dimension_numbers = #tpu.dot_dimension_numbers<[1], [0], [0], [1], [0, 0, 1, 1], [], []>, transpose_lhs_hint = false} : vector<10240x16xf32>, vector<16x16xf32>, vector<10240x16xf32> -> vector<10240x16xf32>
    %mul3A_28 = vector.broadcast %get3A_1 : vector<10240x1xf32> to vector<10240x16xf32>
    %mul3A_29 = arith.mulf %mul3A_28, %dot_general3A_27 : vector<10240x16xf32>
    %swap3A = arith.constant 0 : index
    %swap3A_30 = arith.constant 0 : index
    %swap3A_31 = vector.load %arg5[%swap3A, %swap3A_30] : memref<10240x16xf32, #tpu.memory_space<vmem>>, vector<10240x16xf32>
    tpu.vector_store %arg5[%swap3A, %swap3A_30], %mul3A_29 {strides = array<i32>} : memref<10240x16xf32, #tpu.memory_space<vmem>>, vector<10240x16xf32>,
    return
  }
}

module attributes {stable_mosaic.version = 14 : i64} {
  func.func @_tc3_body(%arg0: memref<2x10240x16xf32, #tpu.memory_space<vmem>>, %arg1: memref<10240x16xf32, #tpu.memory_space<vmem>>, %arg2: memref<10240x1xf32, #tpu.memory_space<vmem>>, %arg3: memref<1x16xf32, #tpu.memory_space<vmem>>, %arg4: memref<10240x16xf32, #tpu.memory_space<vmem>>) attributes {dimension_semantics = [], scalar_prefetch = 0 : i64, scratch_operands = 0 : i64, tpu.core_type = #tpu.core_type<tc>} {
    %get3A = arith.constant 0 : index
    %get3A_0 = arith.constant 0 : index
    %get3A_1 = vector.load %arg2[%get3A, %get3A_0] : memref<10240x1xf32, #tpu.memory_space<vmem>>, vector<10240x1xf32>
    %get3A_2 = arith.constant 0 : index
    %get3A_3 = arith.constant 0 : index
    %get3A_4 = arith.constant 0 : index
    %get3A_5 = vector.load %arg0[%get3A_2, %get3A_3, %get3A_4] : memref<2x10240x16xf32, #tpu.memory_space<vmem>>, vector<1x10240x16xf32>
    %get3A_6 = vector.shape_cast %get3A_5 : vector<1x10240x16xf32> to vector<10240x16xf32>
    %get3A_7 = arith.constant 1 : index
    %get3A_8 = arith.constant 0 : index
    %get3A_9 = arith.constant 0 : index
    %get3A_10 = vector.load %arg0[%get3A_7, %get3A_8, %get3A_9] : memref<2x10240x16xf32, #tpu.memory_space<vmem>>, vector<1x10240x16xf32>
    %get3A_11 = vector.shape_cast %get3A_10 : vector<1x10240x16xf32> to vector<10240x16xf32>
    %add3A = arith.addf %get3A_6, %get3A_11 : vector<10240x16xf32>
    %get3A_12 = arith.constant 0 : index
    %get3A_13 = arith.constant 0 : index
    %get3A_14 = vector.load %arg1[%get3A_12, %get3A_13] : memref<10240x16xf32, #tpu.memory_space<vmem>>, vector<10240x16xf32>
    %add3A_15 = arith.addf %add3A, %get3A_14 : vector<10240x16xf32>
    %mul3A = vector.broadcast %get3A_1 : vector<10240x1xf32> to vector<10240x16xf32>
    %mul3A_16 = arith.mulf %mul3A, %add3A_15 : vector<10240x16xf32>
    %get3A_17 = arith.constant 0 : index
    %get3A_18 = arith.constant 0 : index
    %get3A_19 = vector.load %arg3[%get3A_17, %get3A_18] : memref<1x16xf32, #tpu.memory_space<vmem>>, vector<1x16xf32>
    %add3A_20 = vector.broadcast %get3A_19 : vector<1x16xf32> to vector<10240x16xf32>
    %add3A_21 = arith.addf %mul3A_16, %add3A_20 : vector<10240x16xf32>
    %iota3A = tpu.iota {dimensions = array<i32: 1>} : vector<10240x16xi32>
    %lt3A = arith.constant 7 : i32
    %lt3A_22 = vector.broadcast %lt3A : i32 to vector<10240x16xi32>
    %lt3A_23 = arith.cmpi slt, %iota3A, %lt3A_22 : vector<10240x16xi32>
    %jit3A = arith.constant -1.000000e+30 : f32
    %broadcast_in_dim3A = vector.broadcast %jit3A : f32 to vector<10240x16xf32>
    %select_n3A = arith.select %lt3A_23, %add3A_21, %broadcast_in_dim3A : vector<10240x16xi1>, vector<10240x16xf32>
    %reduce_max3A = arith.constant dense<0xFF800000> : vector<10240xf32>
    %reduce_max3A_24 = vector.multi_reduction <maximumf>, %select_n3A, %reduce_max3A [1] : vector<10240x16xf32> to vector<10240xf32>
    %broadcast_in_dim3A_25 = vector.shape_cast %reduce_max3A_24 : vector<10240xf32> to vector<10240x1xf32>
    %sub3A = vector.broadcast %broadcast_in_dim3A_25 : vector<10240x1xf32> to vector<10240x16xf32>
    %sub3A_26 = arith.subf %select_n3A, %sub3A : vector<10240x16xf32>
    %exp3A = math.exp %sub3A_26 : vector<10240x16xf32>
    %reduce_sum3A = arith.constant dense<0.000000e+00> : vector<10240xf32>
    %reduce_sum3A_27 = vector.multi_reduction <add>, %exp3A, %reduce_sum3A [1] : vector<10240x16xf32> to vector<10240xf32>
    %broadcast_in_dim3A_28 = vector.shape_cast %reduce_sum3A_27 : vector<10240xf32> to vector<10240x1xf32>
    %log3A = math.log %broadcast_in_dim3A_28 : vector<10240x1xf32>
    %sub3A_29 = vector.broadcast %broadcast_in_dim3A_25 : vector<10240x1xf32> to vector<10240x16xf32>
    %sub3A_30 = arith.subf %select_n3A, %sub3A_29 : vector<10240x16xf32>
    %sub3A_31 = vector.broadcast %log3A : vector<10240x1xf32> to vector<10240x16xf32>
    %sub3A_32 = arith.subf %sub3A_30, %sub3A_31 : vector<10240x16xf32>
    %swap3A = arith.constant 0 : index
    %swap3A_33 = arith.constant 0 : index
    %swap3A_34 = vector.load %arg4[%swap3A, %swap3A_33] : memref<10240x16xf32, #tpu.memory_space<vmem>>, vector<10240x16xf32>
    tpu.vector_store %arg4[%swap3A, %swap3A_33], %sub3A_32 {strides = array<i32>} : memref<10240x16xf32, #tpu.memory_space<vmem>>, vector<10240x16xf32>,
    return
  }
}

</mosaic_0001>

<sc_bundles>
// kernel: kernel.12.cloned.1.call-start
scs
__scs_entry_jumppad:
0x0: {  	(pc) =	sbr.rel $0x88, $3  }
0x1: {  	(tag) =	ssettag $0x0;
	lr =	simm.s32 $0x1  }
0x2: {  	[smem:$0x3F9A] =	sst lr;
	_ =	strace $0xD0000000  }
0x3: {  	_ = 	snop  }
0x4: {  	_ = 	snop  }
0x5: {  	_ = 	snop  }
0x6: {  	_ = 	snop  }
0x7: {  	_ = 	snop  }
__scs_overlays_trampoline_lowered:
0x8: {  	[smem:$0x3FA9] =	sst s0  }
0x9: {  	[smem:$0x3FAA] =	sst s1  }
0xa: {  	[smem:$0x3FAB] =	sst s2  }
0xb: {  	[smem:$0x3FAC] =	sst s3  }
0xc: {  	[smem:$0x3FAD] =	sst s4  }
0xd: {  	[smem:$0x3FAE] =	sst s5  }
0xe: {  	[smem:$0x3FAF] =	sst s6  }
0xf: {  	[smem:$0x3FB0] =	sst s7  }
0x10: {  	[smem:$0x3FB1] =	sst s8  }
0x11: {  	[smem:$0x3FB2] =	sst s9;
	s0 =	simm.s32 @!p0 $0x0  }
0x12: {  	s1 =	sld [smem:$0x3F98];
	s0 =	simm.s32 @p0 $0x1  }
0x13: {  	[smem:$0x3FB3] =	sst s0;
	s0 =	simm.s32 @!p1 $0x0  }
0x14: {  	s2 =	sld [smem:$0x3F97];
	s0 =	simm.s32 @p1 $0x1  }
0x15: {  	[smem:$0x3FB4] =	sst s0;
	s0 =	simm.s32 @!p2 $0x0  }
0x16: {  	s3 =	sld [smem:$0x3FDB];
	s0 =	simm.s32 @p2 $0x1  }
0x17: {  	s4 =	simm.s32 $0x1BF5;
	[smem:$0x3FB6] =	sst s0  }
0x18: {  	s0 =	sld [smem:$0x3F99];
	_ =	swait.ge [sflag:s4], $0x0  }
0x19: {  	s7 =	sld [smem:$0x3F9A]  }
0x1a: {  	s8 =	sadd.s32 $0xFFFFE003, lr  }
0x1b: {  	s9 =	sadd.s32 $0xFFFFFEF7, lr;
	s5 =	simm.s32 $0xFFFFFFFF;
	p2 =	slt.u32 s8, $0xFFFFF086  }
0x1c: {  	p1 =	slt.u32 s9, $0xF7A;
	s5 =	simm.s32 @!p2 $0x0  }
0x1d: {  	s5 =	simm.s32 @p1 $0x1;
	p0 =	seq.s32 s7, s2  }
0x1e: {  	s7 =	smul.u32 @!p0 $0xF7A, s2;
	p2 =	seq.s32 @!p0 s5, $0x0  }
0x1f: {  	s9 =	smul.u32 $0xF7A, s1;
	s8 =	simm.s32 @!p0 $0x1BF5;
	p2 =	por !p2, p0  }
0x20: {  	[sflag:s8] =	ssyncset.s32 @!p0 $0xFFFFF086;
	s6 =	sadd.s32 @!p0 s3, s7;
	s7 =	simm.s32 @!p0 $0x108  }
0x21: {  	s3 =	sadd.s32 s3, s9;
	s6 =	sadd.s32 @!p0 $0x88, s6;
	s7 =	simm.s32 @p2 $0x1082  }
0x22: {  	[simem:s7], [sflag:s8] =	dma.local @!p0 [hbm:s6], $0xF7A  }
0x23: {  	s9 =	sor.u32 $0xD0000000, s2;
	s6 =	simm.s32 $0x108;
	_ =	swait.ge @!p0 [sflag:s8], $0x0  }
0x24: {  	s3 =	sadd.s32 $0x88, s3;
	s6 =	simm.s32 @!p1 $0x1082;
	[sflag:s4] =	ssyncset.s32 $0xFFFFF086  }
0x25: {  	[simem:s6], [sflag:s4] =	dma.local [hbm:s3], $0xF7A  }
0x26: {  	[smem:$0x3F9A] =	sst s1;
	(tag) =	ssettag s2;
	_ =	strace s9  }
0x27: {  	s1 =	sld [smem:$0x3FAA]  }
0x28: {  	s2 =	sld [smem:$0x3FAB]  }
0x29: {  	s4 =	sld [smem:$0x3FAD]  }
0x2a: {  	p0 =	seq.s32 s5, $0x0;
	s5 =	sld [smem:$0x3FAE]  }
0x2b: {  	s6 =	sld [smem:$0x3FAF]  }
0x2c: {  	s7 =	sld [smem:$0x3FB0]  }
0x2d: {  	s3 =	simm.s32 $0x108;
	s8 =	sld [smem:$0x3FB1]  }
0x2e: {  	s3 =	simm.s32 @!p0 $0x1082;
	s9 =	sld [smem:$0x3FB2]  }
0x2f: {  	lr =	sadd.s32 s0, s3;
	s0 =	sld [smem:$0x3FA9]  }
0x30: {  	s3 =	sld [smem:$0x3FAC]  }
0x31: {  	[smem:$0x3FB5] =	sst s10  }
0x32: {  	s10 =	sld [smem:$0x3FB3];
	_ =	sdelay $0x3  }
0x33: {  	p0 =	seq.s32 s10, $0x1;
	s10 =	sld [smem:$0x3FB5];
	_ =	sdelay $0x3  }
0x34: {  	[smem:$0x3FB5] =	sst s10  }
0x35: {  	s10 =	sld [smem:$0x3FB4];
	_ =	sdelay $0x3  }
0x36: {  	p1 =	seq.s32 s10, $0x1;
	s10 =	sld [smem:$0x3FB5];
	_ =	sdelay $0x3  }
0x37: {  	[smem:$0x3FB5] =	sst s10  }
0x38: {  	s10 =	sld [smem:$0x3FB6]  }
0x39: {  	_ = 	snop;
	(pc) =	sbr.ind lr, $3  }
0x3a: {  	_ = 	snop  }
0x3b: {  	_ = 	snop  }
0x3c: {  	p2 =	seq.s32 s10, $0x1;
	s10 =	sld [smem:$0x3FB5]  }
0x3d: {  	_ =	shalt  }
0x3e: {  	_ =	shalt  }
0x3f: {  	_ =	shalt  }
0x40: {  	_ =	shalt  }
0x41: {  	_ =	shalt  }
0x42: {  	_ =	shalt  }
0x43: {  	_ =	shalt  }
0x44: {  	_ =	shalt  }
0x45: {  	_ =	shalt  }
0x46: {  	_ =	shalt  }
0x47: {  	_ =	shalt  }
0x48: {  	_ =	shalt  }
0x49: {  	_ =	shalt  }
0x4a: {  	_ =	shalt  }
0x4b: {  	_ =	shalt  }
0x4c: {  	_ =	shalt  }
0x4d: {  	_ =	shalt  }
0x4e: {  	_ =	shalt  }
0x4f: {  	_ =	shalt  }
0x50: {  	_ =	shalt  }
0x51: {  	_ =	shalt  }
0x52: {  	_ =	shalt  }
0x53: {  	_ =	shalt  }
0x54: {  	_ =	shalt  }
0x55: {  	_ =	shalt  }
0x56: {  	_ =	shalt  }
0x57: {  	_ =	shalt  }
0x58: {  	_ =	shalt  }
0x59: {  	_ =	shalt  }
0x5a: {  	_ =	shalt  }
0x5b: {  	_ =	shalt  }
0x5c: {  	_ =	shalt  }
0x5d: {  	_ =	shalt  }
0x5e: {  	_ =	shalt  }
0x5f: {  	_ =	shalt  }
0x60: {  	_ =	shalt  }
0x61: {  	_ =	shalt  }
0x62: {  	_ =	shalt  }
0x63: {  	_ =	shalt  }
0x64: {  	_ =	shalt  }
0x65: {  	_ =	shalt  }
0x66: {  	_ =	shalt  }
0x67: {  	_ =	shalt  }
0x68: {  	_ =	shalt  }
0x69: {  	_ =	shalt  }
0x6a: {  	_ =	shalt  }
0x6b: {  	_ =	shalt  }
0x6c: {  	_ =	shalt  }
0x6d: {  	_ =	shalt  }
0x6e: {  	_ =	shalt  }
0x6f: {  	_ =	shalt  }
0x70: {  	_ =	shalt  }
0x71: {  	_ =	shalt  }
0x72: {  	_ =	shalt  }
0x73: {  	_ =	shalt  }
0x74: {  	_ =	shalt  }
0x75: {  	_ =	shalt  }
0x76: {  	_ =	shalt  }
0x77: {  	_ =	shalt  }
0x78: {  	_ =	shalt  }
0x79: {  	_ =	shalt  }
0x7a: {  	_ =	shalt  }
0x7b: {  	_ =	shalt  }
0x7c: {  	_ =	shalt  }
0x7d: {  	_ =	shalt  }
0x7e: {  	_ =	shalt  }
0x7f: {  	_ =	shalt  }
0x80: {  	_ =	shalt  }
0x81: {  	_ =	shalt  }
0x82: {  	_ =	shalt  }
0x83: {  	_ =	shalt  }
0x84: {  	_ =	shalt  }
0x85: {  	_ =	shalt  }
0x86: {  	_ =	shalt  }
0x87: {  	_ =	shalt  }
.Lfunc_end0:
.L_simem_size_0:
called_computation.1_lowered:
.L_overlay_start_0:
0x88: {  	s2 =	sld [smem:$0x3FD9]  }
0x89: {  	s3 =	sld [smem:$0x3FFE];
	_ =	sdelay $0x1  }
0x8a: {  	s1 =	srdreg.scid  }
0x8b: {  	s0 =	sand.u32 $0x1, s1  }
0x8c: {  	s16 =	sshll.u32 s0, $0xA;
	s2 =	sadd.s32 s3, s2  }
0x8d: {  	s2 =	sadd.s32 s2, s16  }
0x8e: {  	[smem:$0x3FC1] =	sst s2  }
0x8f: {  	_ = 	snop  }
0x90: {  	(tm) =	ssettm $0x1  }
0x91: {  	s17 =	sld [smem:$0x3FFB];
	_ =	sdelay $0x3  }
0x92: {  	_ =	strace s17  }
0x93: {  	s2 =	sld [smem:$0x3FFC];
	_ =	sdelay $0x3  }
0x94: {  	_ =	strace s2  }
0x95: {  	s2 =	sld [smem:$0x3FFD];
	_ =	sdelay $0x3  }
0x96: {  	_ =	strace s2  }
0x97: {  	_ =	strace $0x8FFFFFFF  }
0x98: {  	s18 =	sld [smem:$0x3FDB];
	_ =	sdelay $0x1  }
0x99: {  	s19 =	simm.s32 $_scs_section_size  }
0x9a: {  	s4 =	simm.s32 $_size__tile_overlayer_lowered;
	s5 =	simm.s32 $_tile_overlayer_lowered  }
0x9b: {  	s22 =	simm.s32 $0x1BFF;
	s21 =	sshll.u32 s5, $0x1;
	s2 =	sadd.s32 s19, s18  }
0x9c: {  	s6 =	simm.s32 $0x0;
	s20 =	sshll.u32 s4, $0x1;
	s4 =	sadd.s32 s21, s2  }
0x9d: {  	[timem:s6], [sflag:s22] =	dma.local [hbm:s4], s20  }
0x9e: {  	_ =	swait.ge [sflag:s22], s20  }
0x9f: {  	s3 =	ssub.s32 $0x0, s20;
	[sflag:s22] =	ssyncset.done $0x0  }
0xa0: {  	[sflag:s22] =	ssyncadd.s32 s3;
	_ =	sdelay $0x1  }
0xa1: {  	s23 =	simm.s32 $0x1B8B  }
0xa2: {  	_ =	swait.ge [sflag:s23], $0x1  }
0xa3: {  	[sflag:s23] =	ssyncset.done $0x0  }
0xa4: {  	s25 =	simm.s32 $0x1B8E;
	s24 =	sld [smem:$0x3FFE];
	[sflag:s23] =	ssyncadd.s32 $0xFFFFFFFF  }
0xa5: {  	s26 =	simm.s32 $execute0_lowered;
	[smem:$0x3FD2] =	sst s25  }
0xa6: {  	s4 =	sshll.u32 s26, $0x1;
	_ =	strace $0x80000049;
	[dreg:$0x1] =	wrdreg $0xFFFFFFFF  }
0xa7: {  	s28 =	simm.s32 $_size_execute0_lowered;
	s2 =	sadd.s32 s2, s4;
	[dreg:$0x0] =	wrdreg $0x0  }
0xa8: {  	s4 =	sshll.u32 s28, $0x1;
	[dreg:$0x2] =	wrdreg s2  }
0xa9: {  	[dreg:$0x3] =	wrdreg s4  }
0xaa: {  	[dreg:$0x4] =	wrdreg $0xC0  }
0xab: {  	_ =	task [dreg:s6], $0x5FFFF  }
0xac: {  	[dreg:$0x1] =	wrdreg $0xFFFFFFFF  }
0xad: {  	[dreg:$0x0] =	wrdreg $0x60  }
0xae: {  	[dreg:$0x2] =	wrdreg s24  }
0xaf: {  	[dreg:$0x3] =	wrdreg $0x190000  }
0xb0: {  	[dreg:$0x4] =	wrdreg $0x9  }
0xb1: {  	_ =	task.clear_ibuf [dreg:s6], $0x5FFFF;
	_ =	strace $0x90000049  }
0xb2: {  	s29 =	simm.s32 $0x9;
	_ =	strace $0x8000004B  }
0xb3: {  	_ =	swait.ge [sflag:s29], $0x1  }
0xb4: {  	[sflag:s29] =	ssyncadd.s32 $0xFFFFFFFF  }
0xb5: {  	_ =	strace $0x9000004B  }
0xb6: {  	_ =	sfence  }
0xb7: {  	s30 =	sld [smem:$0x0];
	_ =	sdelay $0x2  }
0xb8: {  	s31 =	sshll.u32 s1, $0xD;
	s1 =	sshrl.u32 s1, $0x2  }
0xb9: {  	s3 =	sand.u32 $0x4000, s31;
	s1 =	sadd.s32 s1, s30  }
0xba: {  	s0 =	sor.u32 s3, s0;
	s1 =	sshll.u32 s1, $0x11  }
0xbb: {  	s0 =	sor.u32 s1, s0  }
0xbc: {  	s0 =	sadd.s32 $0x8F2B, s0  }
0xbd: {  	[sflag:s0] =	ssyncadd.remote.s32 $0x1  }
0xbe: {  	_ =	sfence.sel $0xFFFF  }
0xbf: {  	[dreg:$0x0] =	wrdreg $0xFFFFFFFF;
	(pc) =	sbr.abs _section_cstart, $3  }
0xc0: {  	[dreg:$0x1] =	wrdreg $0xFFFFFFFF  }
0xc1: {  	_ =	task.clear_ibuf [dreg:s6], $0x2FFFF;
	_ =	strace $0x9FFFFFFF  }
0xc2: {  	(tm) =	ssettm $0x7FFFFFFF  }
0xc3: {  	_ =	shalt  }
tec
execute0_lowered:
.L_overlay_start_1:
0x0: {  	(tag) =	ssettag $0x1  }
0x1: {  	s0 =	srdreg.scid;
	s5 =	rddreg [dreg:$0x0]  }
0x2: {  	s11 =	stileid.u32;
	s2 =	rddreg [dreg:$0x1]  }
0x3: {  	s3 =	simm.s32 $0x0;
	s14 =	simm.s32 $0x100;
	s24 =	simm.s32 $0xA000  }
0x4: {  	s28 =	simm.s32 $0x700;
	s29 =	simm.s32 $0xC000;
	s30 =	simm.s32 $0x800  }
0x5: {  	s31 =	simm.s32 $0xD000;
	s15 =	simm.s32 $0x2;
	s16 =	simm.s32 $0x0  }
0x6: {  	s0 =	sand.u32 $0x1, s0;
	s1 =	sshll.u32 s11, $0x1;
	s7 =	smul.u32 $0x2800, s11  }
0x7: {  	[smem:$0x7FF] =	sst s3;
	s4 =	sadd.s32 $0x10800, s5;
	s26 =	sshll.u32 s11, $0x6  }
0x8: {  	s11 =	simm.s32 $0x1;
	s1 =	sor.u32 s0, s1;
	s6 =	smul.u32 $0x28000, s0  }
0x9: {  	_ =	strace $0x8000004A;
	s0 =	ssub.s32 $0x2, s0;
	s12 =	sor.u32 $0x1C03, s26  }
0xa: {  	s26 =	simm.s32 $0xB000;
	s1 =	smul.u32 $0x500, s1;
	s8 =	sshrl.u32 s7, $0x3  }
0xb: {  	s9 =	sshrl.u32 s0, $0x1;
	s25 =	sadd.s32 s7, s2;
	s6 =	sadd.s32 s7, s6  }
0xc: {  	s8 =	sadd.s32 s8, s5;
	s0 =	ssub.s32 s0, s9;
	s13 =	sshrl.u32 s25, $0x3  }
0xd: {  	s25 =	simm.s32 $0x600;
	s1 =	sadd.s32 s1, s5;
	s6 =	sshrl.u32 s6, $0x3  }
0xe: {  	s7 =	sadd.s32 $0xB800, s8;
	s9 =	smax.u32 s0, $0x1;
	s0 =	simm.s32 $0xE000  }
0xf: {  	s10 =	sadd.s32 s6, s5;
	s5 =	sadd.s32 $0x1A800, s1;
	s6 =	sadd.s32 $0x1800, s1  }
0x10: {  	s1 =	simm.s32 $0x900;
	s8 =	sadd.s32 $0x24800, s10;
	s10 =	simm.s32 $0x3  }
.LBB2_1:
0x11: {  	[tilespmem:s3], [sflag:$0x3] =	stream.linear.gather [hbm4b:s5+s3], $0x2800, $0x38;
	[tilespmem:$0x1B800] =	vst v63  }
0x12: {  	_ =	swait.ge [sflag:s10], $0x2800  }
0x13: {  	[sflag:s10] =	ssyncset.done $0x0  }
0x14: {  	s17 =	simm.s32 $0x2800;
	[sflag:s10] =	ssyncadd.s32 $0xFFFFD800  }
0x15: {  	[tilespmem:s17], [sflag:$0x3] =	stream.linear.gather [hbm4b:s6+s3], $0x2800, $0x38;
	[tilespmem:$0x1B800] =	vst v63  }
0x16: {  	_ =	swait.ge [sflag:s10], $0x2800  }
0x17: {  	[sflag:s10] =	ssyncset.done $0x0  }
0x18: {  	[sflag:s10] =	ssyncadd.s32 $0xFFFFD800  }
0x19: {  	[spmem:s13], [sflag:s12] =	dma.local [hbm:s7], $0x500  }
0x1a: {  	_ =	swait.ge [sflag:s10], $0x500  }
0x1b: {  	[sflag:s10] =	ssyncset.done $0x0  }
0x1c: {  	[sflag:s10] =	ssyncadd.s32 $0xFFFFFB00  }
0x1d: {  	s21 =	simm.s32 $0x5000;
	[bflag:$0x0] =	sbarrier.arrive $0xFFFF  }
0x1e: {  	[tilespmem:s21], [sflag:$0x1] =	stream.indirect.gather [hbm4b:s4+s14], $0x10, s3, s14, $0xb8;
	[tilespmem:$0x1B800] =	vst v63  }
0x1f: {  	s22 =	simm.s32 $0x6000  }
0x20: {  	[tilespmem:s22], [sflag:$0x1] =	stream.indirect.gather [hbm4b:s4+s14], $0x10, s14, s14, $0xb8;
	[tilespmem:$0x1B800] =	vst v63  }
0x21: {  	s23 =	simm.s32 $0x200;
	s18 =	simm.s32 $0x7000  }
0x22: {  	[tilespmem:s18], [sflag:$0x1] =	stream.indirect.gather [hbm4b:s4+s14], $0x10, s23, s14, $0xb8;
	[tilespmem:$0x1B800] =	vst v63  }
0x23: {  	s19 =	simm.s32 $0x300;
	s20 =	simm.s32 $0x8000  }
0x24: {  	[tilespmem:s20], [sflag:$0x1] =	stream.indirect.gather [hbm4b:s4+s14], $0x10, s19, s14, $0xb8;
	[tilespmem:$0x1B800] =	vst v63  }
0x25: {  	s21 =	simm.s32 $0x400;
	s22 =	simm.s32 $0x9000  }
0x26: {  	[tilespmem:s22], [sflag:$0x1] =	stream.indirect.gather [hbm4b:s4+s14], $0x10, s21, s14, $0xb8;
	[tilespmem:$0x1B800] =	vst v63  }
0x27: {  	s23 =	simm.s32 $0x500  }
0x28: {  	[tilespmem:s24], [sflag:$0x1] =	stream.indirect.gather [hbm4b:s4+s14], $0x10, s23, s14, $0xb8;
	[tilespmem:$0x1B800] =	vst v63  }
0x29: {  	_ = 	snop  }
0x2a: {  	[tilespmem:s26], [sflag:$0x1] =	stream.indirect.gather [hbm4b:s4+s14], $0x10, s25, s14, $0xb8;
	[tilespmem:$0x1B800] =	vst v63  }
0x2b: {  	_ = 	snop  }
0x2c: {  	[tilespmem:s29], [sflag:$0x1] =	stream.indirect.gather [hbm4b:s4+s14], $0x10, s28, s14, $0xb8;
	[tilespmem:$0x1B800] =	vst v63  }
0x2d: {  	_ = 	snop  }
0x2e: {  	[tilespmem:s31], [sflag:$0x1] =	stream.indirect.gather [hbm4b:s4+s14], $0x10, s30, s14, $0xb8;
	[tilespmem:$0x1B800] =	vst v63  }
0x2f: {  	s18 =	simm.s32 $0x0;
	s20 =	simm.s32 $0x0  }
0x30: {  	[tilespmem:s0], [sflag:$0x1] =	stream.indirect.gather [hbm4b:s4+s14], $0x10, s1, s14, $0xb8;
	[tilespmem:$0x1B800] =	vst v63  }
.LBB2_2:
0x31: {  	_ =	swait.ge [sflag:s11], $0x1000  }
0x32: {  	[sflag:s11] =	ssyncset.done $0x0  }
0x33: {  	[sflag:s11] =	ssyncadd.s32 $0xFFFFF000  }
0x34: {  	_ =	swait.ge [sflag:s11], $0x1000  }
0x35: {  	[sflag:s11] =	ssyncset.done $0x0  }
0x36: {  	[sflag:s11] =	ssyncadd.s32 $0xFFFFF000  }
0x37: {  	_ =	swait.ge [sflag:s11], $0x1000  }
0x38: {  	[sflag:s11] =	ssyncset.done $0x0  }
0x39: {  	[sflag:s11] =	ssyncadd.s32 $0xFFFFF000  }
0x3a: {  	_ =	swait.ge [sflag:s11], $0x1000  }
0x3b: {  	[sflag:s11] =	ssyncset.done $0x0  }
0x3c: {  	[sflag:s11] =	ssyncadd.s32 $0xFFFFF000  }
0x3d: {  	_ =	swait.ge [sflag:s11], $0x1000  }
0x3e: {  	[sflag:s11] =	ssyncset.done $0x0  }
0x3f: {  	[sflag:s11] =	ssyncadd.s32 $0xFFFFF000  }
0x40: {  	_ =	swait.ge [sflag:s11], $0x1000  }
0x41: {  	[sflag:s11] =	ssyncset.done $0x0  }
0x42: {  	[sflag:s11] =	ssyncadd.s32 $0xFFFFF000  }
0x43: {  	_ =	swait.ge [sflag:s11], $0x1000  }
0x44: {  	[sflag:s11] =	ssyncset.done $0x0  }
0x45: {  	[sflag:s11] =	ssyncadd.s32 $0xFFFFF000  }
0x46: {  	_ =	swait.ge [sflag:s11], $0x1000  }
0x47: {  	[sflag:s11] =	ssyncset.done $0x0  }
0x48: {  	[sflag:s11] =	ssyncadd.s32 $0xFFFFF000  }
0x49: {  	_ =	swait.ge [sflag:s11], $0x1000  }
0x4a: {  	[sflag:s11] =	ssyncset.done $0x0  }
0x4b: {  	[sflag:s11] =	ssyncadd.s32 $0xFFFFF000  }
0x4c: {  	_ =	swait.ge [sflag:s11], $0x1000  }
0x4d: {  	p0 =	seq.s32 s20, $0x0;
	[sflag:s11] =	ssyncset.done $0x0  }
0x4e: {  	s17 =	simm.s32 @!p0 $0x2;
	[sflag:s11] =	ssyncadd.s32 $0xFFFFF000  }
0x4f: {  	_ =	swait.ge @!p0 [sflag:s17], $0x1000  }
0x50: {  	[sflag:s17] =	ssyncset.done @!p0 $0x0  }
0x51: {  	[sflag:s17] =	ssyncadd.s32 @!p0 $0xFFFFF000  }
0x52: {  	_ =	swait.ge @!p0 [sflag:s17], $0x1000  }
0x53: {  	[sflag:s17] =	ssyncset.done @!p0 $0x0  }
0x54: {  	[sflag:s17] =	ssyncadd.s32 @!p0 $0xFFFFF000  }
0x55: {  	_ =	swait.ge @!p0 [sflag:s17], $0x1000  }
0x56: {  	[sflag:s17] =	ssyncset.done @!p0 $0x0  }
0x57: {  	[sflag:s17] =	ssyncadd.s32 @!p0 $0xFFFFF000  }
0x58: {  	_ =	swait.ge @!p0 [sflag:s17], $0x1000  }
0x59: {  	[sflag:s17] =	ssyncset.done @!p0 $0x0  }
0x5a: {  	[sflag:s17] =	ssyncadd.s32 @!p0 $0xFFFFF000  }
0x5b: {  	_ =	swait.ge @!p0 [sflag:s17], $0x1000  }
0x5c: {  	[sflag:s17] =	ssyncset.done @!p0 $0x0  }
0x5d: {  	[sflag:s17] =	ssyncadd.s32 @!p0 $0xFFFFF000  }
0x5e: {  	_ =	swait.ge @!p0 [sflag:s17], $0x1000  }
0x5f: {  	[sflag:s17] =	ssyncset.done @!p0 $0x0  }
0x60: {  	[sflag:s17] =	ssyncadd.s32 @!p0 $0xFFFFF000  }
0x61: {  	_ =	swait.ge @!p0 [sflag:s17], $0x1000  }
0x62: {  	[sflag:s17] =	ssyncset.done @!p0 $0x0  }
0x63: {  	[sflag:s17] =	ssyncadd.s32 @!p0 $0xFFFFF000  }
0x64: {  	_ =	swait.ge @!p0 [sflag:s17], $0x1000  }
0x65: {  	[sflag:s17] =	ssyncset.done @!p0 $0x0  }
0x66: {  	[sflag:s17] =	ssyncadd.s32 @!p0 $0xFFFFF000  }
0x67: {  	_ =	swait.ge @!p0 [sflag:s17], $0x1000  }
0x68: {  	[sflag:s17] =	ssyncset.done @!p0 $0x0  }
0x69: {  	[sflag:s17] =	ssyncadd.s32 @!p0 $0xFFFFF000  }
0x6a: {  	_ =	swait.ge @!p0 [sflag:s17], $0x1000  }
0x6b: {  	s19 =	sand.u32 $0x1, s18;
	p1 =	seq.s32 @!p0 s20, $0x7800;
	[sflag:s17] =	ssyncset.done @!p0 $0x0  }
0x6c: {  	p1 =	por p0, !p1;
	[sflag:s17] =	ssyncadd.s32 @!p0 $0xFFFFF000;
	s17 =	simm.s32 @!p0 $0x7800  }
0x6d: {  	s17 =	sxor.u32 @p1 $0x1, s19  }
0x6e: {  	s17 =	smul.u32 @p1 $0x28000, s17;
	_ =	sdelay $0x1  }
0x6f: {  	s21 =	sshra.s32 @p1 s20, $0x2;
	s17 =	sshrl.u32 @p1 s17, $0x2  }
0x70: {  	s23 =	sadd.s32 @p1 $0xA00, s21;
	s22 =	sadd.s32 @p1 $0x5000, s17  }
0x71: {  	[tilespmem:s22], [sflag:$0x1] =	stream.indirect.gather @p1 [hbm4b:s4+s14], $0x10, s23, s14, $0xb8;
	[tilespmem:$0x1B800] =	vst v63  }
0x72: {  	s22 =	sadd.s32 @p1 $0x6000, s17;
	s23 =	sadd.s32 @p1 $0xB00, s21  }
0x73: {  	[tilespmem:s22], [sflag:$0x1] =	stream.indirect.gather @p1 [hbm4b:s4+s14], $0x10, s23, s14, $0xb8;
	[tilespmem:$0x1B800] =	vst v63  }
0x74: {  	s22 =	sadd.s32 @p1 $0x7000, s17;
	s23 =	sadd.s32 @p1 $0xC00, s21  }
0x75: {  	[tilespmem:s22], [sflag:$0x1] =	stream.indirect.gather @p1 [hbm4b:s4+s14], $0x10, s23, s14, $0xb8;
	[tilespmem:$0x1B800] =	vst v63  }
0x76: {  	s22 =	sadd.s32 @p1 $0x8000, s17;
	s23 =	sadd.s32 @p1 $0xD00, s21  }
0x77: {  	[tilespmem:s22], [sflag:$0x1] =	stream.indirect.gather @p1 [hbm4b:s4+s14], $0x10, s23, s14, $0xb8;
	[tilespmem:$0x1B800] =	vst v63  }
0x78: {  	s22 =	sadd.s32 @p1 $0x9000, s17;
	s23 =	sadd.s32 @p1 $0xE00, s21  }
0x79: {  	[tilespmem:s22], [sflag:$0x1] =	stream.indirect.gather @p1 [hbm4b:s4+s14], $0x10, s23, s14, $0xb8;
	[tilespmem:$0x1B800] =	vst v63  }
0x7a: {  	s22 =	sadd.s32 @p1 $0xA000, s17;
	s23 =	sadd.s32 @p1 $0xF00, s21  }
0x7b: {  	[tilespmem:s22], [sflag:$0x1] =	stream.indirect.gather @p1 [hbm4b:s4+s14], $0x10, s23, s14, $0xb8;
	[tilespmem:$0x1B800] =	vst v63  }
0x7c: {  	s22 =	sadd.s32 @p1 $0xB000, s17;
	s23 =	sadd.s32 @p1 $0x1000, s21  }
0x7d: {  	[tilespmem:s22], [sflag:$0x1] =	stream.indirect.gather @p1 [hbm4b:s4+s14], $0x10, s23, s14, $0xb8;
	[tilespmem:$0x1B800] =	vst v63  }
0x7e: {  	s22 =	sadd.s32 @p1 $0xC000, s17;
	s23 =	sadd.s32 @p1 $0x1100, s21  }
0x7f: {  	[tilespmem:s22], [sflag:$0x1] =	stream.indirect.gather @p1 [hbm4b:s4+s14], $0x10, s23, s14, $0xb8;
	[tilespmem:$0x1B800] =	vst v63  }
0x80: {  	s22 =	sadd.s32 @p1 $0xD000, s17;
	s23 =	sadd.s32 @p1 $0x1200, s21  }
0x81: {  	[tilespmem:s22], [sflag:$0x1] =	stream.indirect.gather @p1 [hbm4b:s4+s14], $0x10, s23, s14, $0xb8;
	[tilespmem:$0x1B800] =	vst v63  }
0x82: {  	s19 =	smul.u32 $0x28000, s19;
	s17 =	sadd.s32 @p1 $0xE000, s17;
	s21 =	sadd.s32 @p1 $0x1300, s21  }
0x83: {  	[tilespmem:s17], [sflag:$0x1] =	stream.indirect.gather @p1 [hbm4b:s4+s14], $0x10, s21, s14, $0xb8;
	[tilespmem:$0x1B800] =	vst v63  }
0x84: {  	s17 =	smov.u32 @p1 s20  }
0x85: {  	s19 =	sshrl.u32 s19, $0x2;
	s17 =	sshra.s32 s17, $0x2  }
0x86: {  	s22 =	sadd.s32 $0x5000, s19;
	s23 =	sadd.s32 $0x2800, s17  }
0x87: {  	[spmem:s2] =	stream.indirect.scatter.add.f32 [tilespmem:s22], [sflag:$0x2], $0x10, s23, s14, $0xb8;
	[tilespmem:$0x1B800] =	vst v63  }
0x88: {  	s22 =	sadd.s32 $0x6000, s19;
	s23 =	sadd.s32 $0x2900, s17  }
0x89: {  	[spmem:s2] =	stream.indirect.scatter.add.f32 [tilespmem:s22], [sflag:$0x2], $0x10, s23, s14, $0xb8;
	[tilespmem:$0x1B800] =	vst v63  }
0x8a: {  	s22 =	sadd.s32 $0x7000, s19;
	s23 =	sadd.s32 $0x2A00, s17  }
0x8b: {  	[spmem:s2] =	stream.indirect.scatter.add.f32 [tilespmem:s22], [sflag:$0x2], $0x10, s23, s14, $0xb8;
	[tilespmem:$0x1B800] =	vst v63  }
0x8c: {  	s22 =	sadd.s32 $0x8000, s19;
	s23 =	sadd.s32 $0x2B00, s17  }
0x8d: {  	[spmem:s2] =	stream.indirect.scatter.add.f32 [tilespmem:s22], [sflag:$0x2], $0x10, s23, s14, $0xb8;
	[tilespmem:$0x1B800] =	vst v63  }
0x8e: {  	s22 =	sadd.s32 $0x9000, s19;
	s23 =	sadd.s32 $0x2C00, s17  }
0x8f: {  	[spmem:s2] =	stream.indirect.scatter.add.f32 [tilespmem:s22], [sflag:$0x2], $0x10, s23, s14, $0xb8;
	[tilespmem:$0x1B800] =	vst v63  }
0x90: {  	s22 =	sadd.s32 $0xA000, s19;
	s23 =	sadd.s32 $0x2D00, s17  }
0x91: {  	[spmem:s2] =	stream.indirect.scatter.add.f32 [tilespmem:s22], [sflag:$0x2], $0x10, s23, s14, $0xb8;
	[tilespmem:$0x1B800] =	vst v63  }
0x92: {  	s20 =	sadd.s32 $0x2800, s20;
	s22 =	sadd.s32 $0xB000, s19;
	s23 =	sadd.s32 $0x2E00, s17  }
0x93: {  	[spmem:s2] =	stream.indirect.scatter.add.f32 [tilespmem:s22], [sflag:$0x2], $0x10, s23, s14, $0xb8;
	[tilespmem:$0x1B800] =	vst v63  }
0x94: {  	p0 =	sne.s32 s20, $0xA000;
	s22 =	sadd.s32 $0xC000, s19;
	s23 =	sadd.s32 $0x2F00, s17  }
0x95: {  	[spmem:s2] =	stream.indirect.scatter.add.f32 [tilespmem:s22], [sflag:$0x2], $0x10, s23, s14, $0xb8;
	[tilespmem:$0x1B800] =	vst v63  }
.Ltmp0:
0x96: {  	_ = 	snop;
	(pc) =	sbr.rel @p0 .LBB2_2-.Ltmp0, $4  }
0x97: {  	s22 =	sadd.s32 $0xD000, s19;
	s23 =	sadd.s32 $0x3000, s17  }
0x98: {  	[spmem:s2] =	stream.indirect.scatter.add.f32 [tilespmem:s22], [sflag:$0x2], $0x10, s23, s14, $0xb8;
	[tilespmem:$0x1B800] =	vst v63  }
0x99: {  	s18 =	sadd.s32 $0x1, s18;
	s19 =	sadd.s32 $0xE000, s19;
	s17 =	sadd.s32 $0x3100, s17  }
0x9a: {  	[spmem:s2] =	stream.indirect.scatter.add.f32 [tilespmem:s19], [sflag:$0x2], $0x10, s17, s14, $0xb8;
	[tilespmem:$0x1B800] =	vst v63  }
0x9b: {  	_ =	swait.ge [sflag:s15], $0x1000  }
0x9c: {  	[sflag:s15] =	ssyncset.done $0x0  }
0x9d: {  	[sflag:s15] =	ssyncadd.s32 $0xFFFFF000  }
0x9e: {  	_ =	swait.ge [sflag:s15], $0x1000  }
0x9f: {  	[sflag:s15] =	ssyncset.done $0x0  }
0xa0: {  	[sflag:s15] =	ssyncadd.s32 $0xFFFFF000  }
0xa1: {  	_ =	swait.ge [sflag:s15], $0x1000  }
0xa2: {  	[sflag:s15] =	ssyncset.done $0x0  }
0xa3: {  	[sflag:s15] =	ssyncadd.s32 $0xFFFFF000  }
0xa4: {  	_ =	swait.ge [sflag:s15], $0x1000  }
0xa5: {  	[sflag:s15] =	ssyncset.done $0x0  }
0xa6: {  	[sflag:s15] =	ssyncadd.s32 $0xFFFFF000  }
0xa7: {  	_ =	swait.ge [sflag:s15], $0x1000  }
0xa8: {  	[sflag:s15] =	ssyncset.done $0x0  }
0xa9: {  	[sflag:s15] =	ssyncadd.s32 $0xFFFFF000  }
0xaa: {  	_ =	swait.ge [sflag:s15], $0x1000  }
0xab: {  	[sflag:s15] =	ssyncset.done $0x0  }
0xac: {  	[sflag:s15] =	ssyncadd.s32 $0xFFFFF000  }
0xad: {  	_ =	swait.ge [sflag:s15], $0x1000  }
0xae: {  	[sflag:s15] =	ssyncset.done $0x0  }
0xaf: {  	[sflag:s15] =	ssyncadd.s32 $0xFFFFF000  }
0xb0: {  	_ =	swait.ge [sflag:s15], $0x1000  }
0xb1: {  	[sflag:s15] =	ssyncset.done $0x0  }
0xb2: {  	[sflag:s15] =	ssyncadd.s32 $0xFFFFF000  }
0xb3: {  	_ =	swait.ge [sflag:s15], $0x1000  }
0xb4: {  	[sflag:s15] =	ssyncset.done $0x0  }
0xb5: {  	[sflag:s15] =	ssyncadd.s32 $0xFFFFF000  }
0xb6: {  	_ =	swait.ge [sflag:s15], $0x1000  }
0xb7: {  	s16 =	sadd.s32 $0x1, s16;
	[sflag:s15] =	ssyncset.done $0x0  }
0xb8: {  	p0 =	sne.s32 s16, s9;
	[sflag:s15] =	ssyncadd.s32 $0xFFFFF000  }
.Ltmp1:
0xb9: {  	[bflag:$0x0] =	sbarrier.arrive $0xFFFF;
	(pc) =	sbr.rel @p0 .LBB2_1-.Ltmp1, $4  }
0xba: {  	[hbm:s8], [sflag:s12] =	dma.local [spmem:s13], $0x500  }
0xbb: {  	_ =	swait.ge [sflag:s10], $0x500  }
0xbc: {  	[sflag:s10] =	ssyncset.done $0x0  }
0xbd: {  	[sflag:s10] =	ssyncadd.s32 $0xFFFFFB00  }
0xbe: {  	_ =	sfence.sel $0x180000  }
0xbf: {  	[bflag:$0x0] =	sbarrier.arrive $0xFFFF  }
0xc0: {  	_ =	strace $0x9000004A  }
0xc1: {  	s0 =	stileid.u32;
	[bflag:$0x2] =	sbarrier.arrive $0xFFFF  }
0xc2: {  	p0 =	sne.s32 s0, $0x0;
	s0 =	rddreg [dreg:$0x2]  }
0xc3: {  	s0 =	sadd.s32 @!p0 $0x100000, s0  }
0xc4: {  	[sflag:s0] =	ssyncadd.tile.s32 @!p0 $0x1;
	_ =	shalt  }
.Lfunc_end2:
_tile_overlayer_lowered:
.L_overlay_start_2:
0xc5: {  	(tag) =	ssettag $0x2  }
0xc6: {  	s0 =	rddreg [dreg:$0x0];
	s2 =	stileid.u32  }
0xc7: {  	s1 =	rddreg [dreg:$0x1];
	p0 =	sne.s32 s2, $0x0  }
0xc8: {  	s3 =	rddreg [dreg:$0x2];
	[bflag:$0x3] =	sbarrier.arrive $0xFFFF;
	s2 =	simm.s32 @!p0 $0x1C03  }
0xc9: {  	[timem:s3], [sflag:s2] =	dma.local @!p0 [hbm:s0], s1  }
0xca: {  	s0 =	simm.s32 @!p0 $0x3  }
0xcb: {  	_ =	swait.ge @!p0 [sflag:s0], s1  }
0xcc: {  	s1 =	ssub.s32 @!p0 $0x0, s1;
	[sflag:s0] =	ssyncset.done @!p0 $0x0  }
0xcd: {  	[sflag:s0] =	ssyncadd.s32 @!p0 s1  }
0xce: {  	[bflag:$0x3] =	sbarrier.arrive $0xFFFF  }
0xcf: {  	_ =	shalt  }

// kernel: kernel.15.cloned.1.call-start
scs
__scs_entry_jumppad:
0x0: {  	(pc) =	sbr.rel $0x88, $3  }
0x1: {  	(tag) =	ssettag $0x0;
	lr =	simm.s32 $0x1  }
0x2: {  	[smem:$0x3F9A] =	sst lr;
	_ =	strace $0xD0000000  }
0x3: {  	_ = 	snop  }
0x4: {  	_ = 	snop  }
0x5: {  	_ = 	snop  }
0x6: {  	_ = 	snop  }
0x7: {  	_ = 	snop  }
__scs_overlays_trampoline_lowered:
0x8: {  	[smem:$0x3FA9] =	sst s0  }
0x9: {  	[smem:$0x3FAA] =	sst s1  }
0xa: {  	[smem:$0x3FAB] =	sst s2  }
0xb: {  	[smem:$0x3FAC] =	sst s3  }
0xc: {  	[smem:$0x3FAD] =	sst s4  }
0xd: {  	[smem:$0x3FAE] =	sst s5  }
0xe: {  	[smem:$0x3FAF] =	sst s6  }
0xf: {  	[smem:$0x3FB0] =	sst s7  }
0x10: {  	[smem:$0x3FB1] =	sst s8  }
0x11: {  	[smem:$0x3FB2] =	sst s9;
	s0 =	simm.s32 @!p0 $0x0  }
0x12: {  	s1 =	sld [smem:$0x3F98];
	s0 =	simm.s32 @p0 $0x1  }
0x13: {  	[smem:$0x3FB3] =	sst s0;
	s0 =	simm.s32 @!p1 $0x0  }
0x14: {  	s2 =	sld [smem:$0x3F97];
	s0 =	simm.s32 @p1 $0x1  }
0x15: {  	[smem:$0x3FB4] =	sst s0;
	s0 =	simm.s32 @!p2 $0x0  }
0x16: {  	s3 =	sld [smem:$0x3FDB];
	s0 =	simm.s32 @p2 $0x1  }
0x17: {  	s4 =	simm.s32 $0x1BF5;
	[smem:$0x3FB6] =	sst s0  }
0x18: {  	s0 =	sld [smem:$0x3F99];
	_ =	swait.ge [sflag:s4], $0x0  }
0x19: {  	s7 =	sld [smem:$0x3F9A]  }
0x1a: {  	s8 =	sadd.s32 $0xFFFFE003, lr  }
0x1b: {  	s9 =	sadd.s32 $0xFFFFFEF7, lr;
	s5 =	simm.s32 $0xFFFFFFFF;
	p2 =	slt.u32 s8, $0xFFFFF086  }
0x1c: {  	p1 =	slt.u32 s9, $0xF7A;
	s5 =	simm.s32 @!p2 $0x0  }
0x1d: {  	s5 =	simm.s32 @p1 $0x1;
	p0 =	seq.s32 s7, s2  }
0x1e: {  	s7 =	smul.u32 @!p0 $0xF7A, s2;
	p2 =	seq.s32 @!p0 s5, $0x0  }
0x1f: {  	s9 =	smul.u32 $0xF7A, s1;
	s8 =	simm.s32 @!p0 $0x1BF5;
	p2 =	por !p2, p0  }
0x20: {  	[sflag:s8] =	ssyncset.s32 @!p0 $0xFFFFF086;
	s6 =	sadd.s32 @!p0 s3, s7;
	s7 =	simm.s32 @!p0 $0x108  }
0x21: {  	s3 =	sadd.s32 s3, s9;
	s6 =	sadd.s32 @!p0 $0x88, s6;
	s7 =	simm.s32 @p2 $0x1082  }
0x22: {  	[simem:s7], [sflag:s8] =	dma.local @!p0 [hbm:s6], $0xF7A  }
0x23: {  	s9 =	sor.u32 $0xD0000000, s2;
	s6 =	simm.s32 $0x108;
	_ =	swait.ge @!p0 [sflag:s8], $0x0  }
0x24: {  	s3 =	sadd.s32 $0x88, s3;
	s6 =	simm.s32 @!p1 $0x1082;
	[sflag:s4] =	ssyncset.s32 $0xFFFFF086  }
0x25: {  	[simem:s6], [sflag:s4] =	dma.local [hbm:s3], $0xF7A  }
0x26: {  	[smem:$0x3F9A] =	sst s1;
	(tag) =	ssettag s2;
	_ =	strace s9  }
0x27: {  	s1 =	sld [smem:$0x3FAA]  }
0x28: {  	s2 =	sld [smem:$0x3FAB]  }
0x29: {  	s4 =	sld [smem:$0x3FAD]  }
0x2a: {  	p0 =	seq.s32 s5, $0x0;
	s5 =	sld [smem:$0x3FAE]  }
0x2b: {  	s6 =	sld [smem:$0x3FAF]  }
0x2c: {  	s7 =	sld [smem:$0x3FB0]  }
0x2d: {  	s3 =	simm.s32 $0x108;
	s8 =	sld [smem:$0x3FB1]  }
0x2e: {  	s3 =	simm.s32 @!p0 $0x1082;
	s9 =	sld [smem:$0x3FB2]  }
0x2f: {  	lr =	sadd.s32 s0, s3;
	s0 =	sld [smem:$0x3FA9]  }
0x30: {  	s3 =	sld [smem:$0x3FAC]  }
0x31: {  	[smem:$0x3FB5] =	sst s10  }
0x32: {  	s10 =	sld [smem:$0x3FB3];
	_ =	sdelay $0x3  }
0x33: {  	p0 =	seq.s32 s10, $0x1;
	s10 =	sld [smem:$0x3FB5];
	_ =	sdelay $0x3  }
0x34: {  	[smem:$0x3FB5] =	sst s10  }
0x35: {  	s10 =	sld [smem:$0x3FB4];
	_ =	sdelay $0x3  }
0x36: {  	p1 =	seq.s32 s10, $0x1;
	s10 =	sld [smem:$0x3FB5];
	_ =	sdelay $0x3  }
0x37: {  	[smem:$0x3FB5] =	sst s10  }
0x38: {  	s10 =	sld [smem:$0x3FB6]  }
0x39: {  	_ = 	snop;
	(pc) =	sbr.ind lr, $3  }
0x3a: {  	_ = 	snop  }
0x3b: {  	_ = 	snop  }
0x3c: {  	p2 =	seq.s32 s10, $0x1;
	s10 =	sld [smem:$0x3FB5]  }
0x3d: {  	_ =	shalt  }
0x3e: {  	_ =	shalt  }
0x3f: {  	_ =	shalt  }
0x40: {  	_ =	shalt  }
0x41: {  	_ =	shalt  }
0x42: {  	_ =	shalt  }
0x43: {  	_ =	shalt  }
0x44: {  	_ =	shalt  }
0x45: {  	_ =	shalt  }
0x46: {  	_ =	shalt  }
0x47: {  	_ =	shalt  }
0x48: {  	_ =	shalt  }
0x49: {  	_ =	shalt  }
0x4a: {  	_ =	shalt  }
0x4b: {  	_ =	shalt  }
0x4c: {  	_ =	shalt  }
0x4d: {  	_ =	shalt  }
0x4e: {  	_ =	shalt  }
0x4f: {  	_ =	shalt  }
0x50: {  	_ =	shalt  }
0x51: {  	_ =	shalt  }
0x52: {  	_ =	shalt  }
0x53: {  	_ =	shalt  }
0x54: {  	_ =	shalt  }
0x55: {  	_ =	shalt  }
0x56: {  	_ =	shalt  }
0x57: {  	_ =	shalt  }
0x58: {  	_ =	shalt  }
0x59: {  	_ =	shalt  }
0x5a: {  	_ =	shalt  }
0x5b: {  	_ =	shalt  }
0x5c: {  	_ =	shalt  }
0x5d: {  	_ =	shalt  }
0x5e: {  	_ =	shalt  }
0x5f: {  	_ =	shalt  }
0x60: {  	_ =	shalt  }
0x61: {  	_ =	shalt  }
0x62: {  	_ =	shalt  }
0x63: {  	_ =	shalt  }
0x64: {  	_ =	shalt  }
0x65: {  	_ =	shalt  }
0x66: {  	_ =	shalt  }
0x67: {  	_ =	shalt  }
0x68: {  	_ =	shalt  }
0x69: {  	_ =	shalt  }
0x6a: {  	_ =	shalt  }
0x6b: {  	_ =	shalt  }
0x6c: {  	_ =	shalt  }
0x6d: {  	_ =	shalt  }
0x6e: {  	_ =	shalt  }
0x6f: {  	_ =	shalt  }
0x70: {  	_ =	shalt  }
0x71: {  	_ =	shalt  }
0x72: {  	_ =	shalt  }
0x73: {  	_ =	shalt  }
0x74: {  	_ =	shalt  }
0x75: {  	_ =	shalt  }
0x76: {  	_ =	shalt  }
0x77: {  	_ =	shalt  }
0x78: {  	_ =	shalt  }
0x79: {  	_ =	shalt  }
0x7a: {  	_ =	shalt  }
0x7b: {  	_ =	shalt  }
0x7c: {  	_ =	shalt  }
0x7d: {  	_ =	shalt  }
0x7e: {  	_ =	shalt  }
0x7f: {  	_ =	shalt  }
0x80: {  	_ =	shalt  }
0x81: {  	_ =	shalt  }
0x82: {  	_ =	shalt  }
0x83: {  	_ =	shalt  }
0x84: {  	_ =	shalt  }
0x85: {  	_ =	shalt  }
0x86: {  	_ =	shalt  }
0x87: {  	_ =	shalt  }
.Lfunc_end0:
.L_simem_size_0:
called_computation.2_lowered:
.L_overlay_start_0:
0x88: {  	s2 =	sld [smem:$0x3FD9]  }
0x89: {  	s3 =	sld [smem:$0x3FFE];
	_ =	sdelay $0x1  }
0x8a: {  	s1 =	srdreg.scid  }
0x8b: {  	s0 =	sand.u32 $0x1, s1  }
0x8c: {  	s16 =	sshll.u32 s0, $0xA;
	s2 =	sadd.s32 s3, s2  }
0x8d: {  	s2 =	sadd.s32 s2, s16  }
0x8e: {  	[smem:$0x3FC1] =	sst s2  }
0x8f: {  	_ = 	snop  }
0x90: {  	(tm) =	ssettm $0x1  }
0x91: {  	s17 =	sld [smem:$0x3FFB];
	_ =	sdelay $0x3  }
0x92: {  	_ =	strace s17  }
0x93: {  	s2 =	sld [smem:$0x3FFC];
	_ =	sdelay $0x3  }
0x94: {  	_ =	strace s2  }
0x95: {  	s2 =	sld [smem:$0x3FFD];
	_ =	sdelay $0x3  }
0x96: {  	_ =	strace s2  }
0x97: {  	_ =	strace $0x8FFFFFFF  }
0x98: {  	s18 =	sld [smem:$0x3FDB];
	_ =	sdelay $0x1  }
0x99: {  	s19 =	simm.s32 $_scs_section_size  }
0x9a: {  	s4 =	simm.s32 $_size__tile_overlayer_lowered;
	s5 =	simm.s32 $_tile_overlayer_lowered  }
0x9b: {  	s22 =	simm.s32 $0x1BFF;
	s21 =	sshll.u32 s5, $0x1;
	s2 =	sadd.s32 s19, s18  }
0x9c: {  	s6 =	simm.s32 $0x0;
	s20 =	sshll.u32 s4, $0x1;
	s4 =	sadd.s32 s21, s2  }
0x9d: {  	[timem:s6], [sflag:s22] =	dma.local [hbm:s4], s20  }
0x9e: {  	_ =	swait.ge [sflag:s22], s20  }
0x9f: {  	s3 =	ssub.s32 $0x0, s20;
	[sflag:s22] =	ssyncset.done $0x0  }
0xa0: {  	[sflag:s22] =	ssyncadd.s32 s3;
	_ =	sdelay $0x1  }
0xa1: {  	s23 =	simm.s32 $0x1B8B  }
0xa2: {  	_ =	swait.ge [sflag:s23], $0x1  }
0xa3: {  	[sflag:s23] =	ssyncset.done $0x0  }
0xa4: {  	s25 =	simm.s32 $0x1B8E;
	s24 =	sld [smem:$0x3FFE];
	[sflag:s23] =	ssyncadd.s32 $0xFFFFFFFF  }
0xa5: {  	s26 =	simm.s32 $execute0_lowered;
	[smem:$0x3FD2] =	sst s25  }
0xa6: {  	s4 =	sshll.u32 s26, $0x1;
	_ =	strace $0x8000004C;
	[dreg:$0x1] =	wrdreg $0xFFFFFFFF  }
0xa7: {  	s28 =	simm.s32 $_size_execute0_lowered;
	s2 =	sadd.s32 s2, s4;
	[dreg:$0x0] =	wrdreg $0x0  }
0xa8: {  	s4 =	sshll.u32 s28, $0x1;
	[dreg:$0x2] =	wrdreg s2  }
0xa9: {  	[dreg:$0x3] =	wrdreg s4  }
0xaa: {  	[dreg:$0x4] =	wrdreg $0xC0  }
0xab: {  	_ =	task [dreg:s6], $0x5FFFF  }
0xac: {  	[dreg:$0x1] =	wrdreg $0xFFFFFFFF  }
0xad: {  	[dreg:$0x0] =	wrdreg $0x60  }
0xae: {  	[dreg:$0x2] =	wrdreg s24  }
0xaf: {  	[dreg:$0x3] =	wrdreg $0x190000  }
0xb0: {  	[dreg:$0x4] =	wrdreg $0x9  }
0xb1: {  	_ =	task.clear_ibuf [dreg:s6], $0x5FFFF;
	_ =	strace $0x9000004C  }
0xb2: {  	s29 =	simm.s32 $0x9;
	_ =	strace $0x8000004E  }
0xb3: {  	_ =	swait.ge [sflag:s29], $0x1  }
0xb4: {  	[sflag:s29] =	ssyncadd.s32 $0xFFFFFFFF  }
0xb5: {  	_ =	strace $0x9000004E  }
0xb6: {  	_ =	sfence  }
0xb7: {  	s30 =	sld [smem:$0x0];
	_ =	sdelay $0x2  }
0xb8: {  	s31 =	sshll.u32 s1, $0xD;
	s1 =	sshrl.u32 s1, $0x2  }
0xb9: {  	s3 =	sand.u32 $0x4000, s31;
	s1 =	sadd.s32 s1, s30  }
0xba: {  	s0 =	sor.u32 s3, s0;
	s1 =	sshll.u32 s1, $0x11  }
0xbb: {  	s0 =	sor.u32 s1, s0  }
0xbc: {  	s0 =	sadd.s32 $0x8F2B, s0  }
0xbd: {  	[sflag:s0] =	ssyncadd.remote.s32 $0x1  }
0xbe: {  	_ =	sfence.sel $0xFFFF  }
0xbf: {  	[dreg:$0x0] =	wrdreg $0xFFFFFFFF;
	(pc) =	sbr.abs _section_cstart, $3  }
0xc0: {  	[dreg:$0x1] =	wrdreg $0xFFFFFFFF  }
0xc1: {  	_ =	task.clear_ibuf [dreg:s6], $0x2FFFF;
	_ =	strace $0x9FFFFFFF  }
0xc2: {  	(tm) =	ssettm $0x7FFFFFFF  }
0xc3: {  	_ =	shalt  }
tec
execute0_lowered:
.L_overlay_start_1:
0x0: {  	(tag) =	ssettag $0x1  }
0x1: {  	s0 =	srdreg.scid;
	s5 =	rddreg [dreg:$0x0]  }
0x2: {  	s11 =	stileid.u32;
	s2 =	rddreg [dreg:$0x1]  }
0x3: {  	s3 =	simm.s32 $0x0;
	s14 =	simm.s32 $0x100;
	s24 =	simm.s32 $0xA000  }
0x4: {  	s28 =	simm.s32 $0x700;
	s29 =	simm.s32 $0xC000;
	s30 =	simm.s32 $0x800  }
0x5: {  	s31 =	simm.s32 $0xD000;
	s15 =	simm.s32 $0x2;
	s16 =	simm.s32 $0x0  }
0x6: {  	s0 =	sand.u32 $0x1, s0;
	s1 =	sshll.u32 s11, $0x1;
	s7 =	smul.u32 $0x2800, s11  }
0x7: {  	[smem:$0x7FF] =	sst s3;
	s4 =	sadd.s32 $0x10800, s5;
	s26 =	sshll.u32 s11, $0x6  }
0x8: {  	s11 =	simm.s32 $0x1;
	s1 =	sor.u32 s0, s1;
	s6 =	smul.u32 $0x28000, s0  }
0x9: {  	_ =	strace $0x8000004D;
	s0 =	ssub.s32 $0x2, s0;
	s12 =	sor.u32 $0x1C03, s26  }
0xa: {  	s26 =	simm.s32 $0xB000;
	s1 =	smul.u32 $0x500, s1;
	s8 =	sshrl.u32 s7, $0x3  }
0xb: {  	s9 =	sshrl.u32 s0, $0x1;
	s25 =	sadd.s32 s7, s2;
	s6 =	sadd.s32 s7, s6  }
0xc: {  	s8 =	sadd.s32 s8, s5;
	s0 =	ssub.s32 s0, s9;
	s13 =	sshrl.u32 s25, $0x3  }
0xd: {  	s25 =	simm.s32 $0x600;
	s1 =	sadd.s32 s1, s5;
	s6 =	sshrl.u32 s6, $0x3  }
0xe: {  	s7 =	sadd.s32 $0xB800, s8;
	s9 =	smax.u32 s0, $0x1;
	s0 =	simm.s32 $0xE000  }
0xf: {  	s10 =	sadd.s32 s6, s5;
	s5 =	sadd.s32 $0x1A800, s1;
	s6 =	sadd.s32 $0x1800, s1  }
0x10: {  	s1 =	simm.s32 $0x900;
	s8 =	sadd.s32 $0x24800, s10;
	s10 =	simm.s32 $0x3  }
.LBB2_1:
0x11: {  	[tilespmem:s3], [sflag:$0x3] =	stream.linear.gather [hbm4b:s5+s3], $0x2800, $0x38;
	[tilespmem:$0x1B800] =	vst v63  }
0x12: {  	_ =	swait.ge [sflag:s10], $0x2800  }
0x13: {  	[sflag:s10] =	ssyncset.done $0x0  }
0x14: {  	s17 =	simm.s32 $0x2800;
	[sflag:s10] =	ssyncadd.s32 $0xFFFFD800  }
0x15: {  	[tilespmem:s17], [sflag:$0x3] =	stream.linear.gather [hbm4b:s6+s3], $0x2800, $0x38;
	[tilespmem:$0x1B800] =	vst v63  }
0x16: {  	_ =	swait.ge [sflag:s10], $0x2800  }
0x17: {  	[sflag:s10] =	ssyncset.done $0x0  }
0x18: {  	[sflag:s10] =	ssyncadd.s32 $0xFFFFD800  }
0x19: {  	[spmem:s13], [sflag:s12] =	dma.local [hbm:s7], $0x500  }
0x1a: {  	_ =	swait.ge [sflag:s10], $0x500  }
0x1b: {  	[sflag:s10] =	ssyncset.done $0x0  }
0x1c: {  	[sflag:s10] =	ssyncadd.s32 $0xFFFFFB00  }
0x1d: {  	s21 =	simm.s32 $0x5000;
	[bflag:$0x0] =	sbarrier.arrive $0xFFFF  }
0x1e: {  	[tilespmem:s21], [sflag:$0x1] =	stream.indirect.gather [hbm4b:s4+s14], $0x10, s3, s14, $0xb8;
	[tilespmem:$0x1B800] =	vst v63  }
0x1f: {  	s22 =	simm.s32 $0x6000  }
0x20: {  	[tilespmem:s22], [sflag:$0x1] =	stream.indirect.gather [hbm4b:s4+s14], $0x10, s14, s14, $0xb8;
	[tilespmem:$0x1B800] =	vst v63  }
0x21: {  	s23 =	simm.s32 $0x200;
	s18 =	simm.s32 $0x7000  }
0x22: {  	[tilespmem:s18], [sflag:$0x1] =	stream.indirect.gather [hbm4b:s4+s14], $0x10, s23, s14, $0xb8;
	[tilespmem:$0x1B800] =	vst v63  }
0x23: {  	s19 =	simm.s32 $0x300;
	s20 =	simm.s32 $0x8000  }
0x24: {  	[tilespmem:s20], [sflag:$0x1] =	stream.indirect.gather [hbm4b:s4+s14], $0x10, s19, s14, $0xb8;
	[tilespmem:$0x1B800] =	vst v63  }
0x25: {  	s21 =	simm.s32 $0x400;
	s22 =	simm.s32 $0x9000  }
0x26: {  	[tilespmem:s22], [sflag:$0x1] =	stream.indirect.gather [hbm4b:s4+s14], $0x10, s21, s14, $0xb8;
	[tilespmem:$0x1B800] =	vst v63  }
0x27: {  	s23 =	simm.s32 $0x500  }
0x28: {  	[tilespmem:s24], [sflag:$0x1] =	stream.indirect.gather [hbm4b:s4+s14], $0x10, s23, s14, $0xb8;
	[tilespmem:$0x1B800] =	vst v63  }
0x29: {  	_ = 	snop  }
0x2a: {  	[tilespmem:s26], [sflag:$0x1] =	stream.indirect.gather [hbm4b:s4+s14], $0x10, s25, s14, $0xb8;
	[tilespmem:$0x1B800] =	vst v63  }
0x2b: {  	_ = 	snop  }
0x2c: {  	[tilespmem:s29], [sflag:$0x1] =	stream.indirect.gather [hbm4b:s4+s14], $0x10, s28, s14, $0xb8;
	[tilespmem:$0x1B800] =	vst v63  }
0x2d: {  	_ = 	snop  }
0x2e: {  	[tilespmem:s31], [sflag:$0x1] =	stream.indirect.gather [hbm4b:s4+s14], $0x10, s30, s14, $0xb8;
	[tilespmem:$0x1B800] =	vst v63  }
0x2f: {  	s18 =	simm.s32 $0x0;
	s20 =	simm.s32 $0x0  }
0x30: {  	[tilespmem:s0], [sflag:$0x1] =	stream.indirect.gather [hbm4b:s4+s14], $0x10, s1, s14, $0xb8;
	[tilespmem:$0x1B800] =	vst v63  }
.LBB2_2:
0x31: {  	_ =	swait.ge [sflag:s11], $0x1000  }
0x32: {  	[sflag:s11] =	ssyncset.done $0x0  }
0x33: {  	[sflag:s11] =	ssyncadd.s32 $0xFFFFF000  }
0x34: {  	_ =	swait.ge [sflag:s11], $0x1000  }
0x35: {  	[sflag:s11] =	ssyncset.done $0x0  }
0x36: {  	[sflag:s11] =	ssyncadd.s32 $0xFFFFF000  }
0x37: {  	_ =	swait.ge [sflag:s11], $0x1000  }
0x38: {  	[sflag:s11] =	ssyncset.done $0x0  }
0x39: {  	[sflag:s11] =	ssyncadd.s32 $0xFFFFF000  }
0x3a: {  	_ =	swait.ge [sflag:s11], $0x1000  }
0x3b: {  	[sflag:s11] =	ssyncset.done $0x0  }
0x3c: {  	[sflag:s11] =	ssyncadd.s32 $0xFFFFF000  }
0x3d: {  	_ =	swait.ge [sflag:s11], $0x1000  }
0x3e: {  	[sflag:s11] =	ssyncset.done $0x0  }
0x3f: {  	[sflag:s11] =	ssyncadd.s32 $0xFFFFF000  }
0x40: {  	_ =	swait.ge [sflag:s11], $0x1000  }
0x41: {  	[sflag:s11] =	ssyncset.done $0x0  }
0x42: {  	[sflag:s11] =	ssyncadd.s32 $0xFFFFF000  }
0x43: {  	_ =	swait.ge [sflag:s11], $0x1000  }
0x44: {  	[sflag:s11] =	ssyncset.done $0x0  }
0x45: {  	[sflag:s11] =	ssyncadd.s32 $0xFFFFF000  }
0x46: {  	_ =	swait.ge [sflag:s11], $0x1000  }
0x47: {  	[sflag:s11] =	ssyncset.done $0x0  }
0x48: {  	[sflag:s11] =	ssyncadd.s32 $0xFFFFF000  }
0x49: {  	_ =	swait.ge [sflag:s11], $0x1000  }
0x4a: {  	[sflag:s11] =	ssyncset.done $0x0  }
0x4b: {  	[sflag:s11] =	ssyncadd.s32 $0xFFFFF000  }
0x4c: {  	_ =	swait.ge [sflag:s11], $0x1000  }
0x4d: {  	p0 =	seq.s32 s20, $0x0;
	[sflag:s11] =	ssyncset.done $0x0  }
0x4e: {  	s17 =	simm.s32 @!p0 $0x2;
	[sflag:s11] =	ssyncadd.s32 $0xFFFFF000  }
0x4f: {  	_ =	swait.ge @!p0 [sflag:s17], $0x1000  }
0x50: {  	[sflag:s17] =	ssyncset.done @!p0 $0x0  }
0x51: {  	[sflag:s17] =	ssyncadd.s32 @!p0 $0xFFFFF000  }
0x52: {  	_ =	swait.ge @!p0 [sflag:s17], $0x1000  }
0x53: {  	[sflag:s17] =	ssyncset.done @!p0 $0x0  }
0x54: {  	[sflag:s17] =	ssyncadd.s32 @!p0 $0xFFFFF000  }
0x55: {  	_ =	swait.ge @!p0 [sflag:s17], $0x1000  }
0x56: {  	[sflag:s17] =	ssyncset.done @!p0 $0x0  }
0x57: {  	[sflag:s17] =	ssyncadd.s32 @!p0 $0xFFFFF000  }
0x58: {  	_ =	swait.ge @!p0 [sflag:s17], $0x1000  }
0x59: {  	[sflag:s17] =	ssyncset.done @!p0 $0x0  }
0x5a: {  	[sflag:s17] =	ssyncadd.s32 @!p0 $0xFFFFF000  }
0x5b: {  	_ =	swait.ge @!p0 [sflag:s17], $0x1000  }
0x5c: {  	[sflag:s17] =	ssyncset.done @!p0 $0x0  }
0x5d: {  	[sflag:s17] =	ssyncadd.s32 @!p0 $0xFFFFF000  }
0x5e: {  	_ =	swait.ge @!p0 [sflag:s17], $0x1000  }
0x5f: {  	[sflag:s17] =	ssyncset.done @!p0 $0x0  }
0x60: {  	[sflag:s17] =	ssyncadd.s32 @!p0 $0xFFFFF000  }
0x61: {  	_ =	swait.ge @!p0 [sflag:s17], $0x1000  }
0x62: {  	[sflag:s17] =	ssyncset.done @!p0 $0x0  }
0x63: {  	[sflag:s17] =	ssyncadd.s32 @!p0 $0xFFFFF000  }
0x64: {  	_ =	swait.ge @!p0 [sflag:s17], $0x1000  }
0x65: {  	[sflag:s17] =	ssyncset.done @!p0 $0x0  }
0x66: {  	[sflag:s17] =	ssyncadd.s32 @!p0 $0xFFFFF000  }
0x67: {  	_ =	swait.ge @!p0 [sflag:s17], $0x1000  }
0x68: {  	[sflag:s17] =	ssyncset.done @!p0 $0x0  }
0x69: {  	[sflag:s17] =	ssyncadd.s32 @!p0 $0xFFFFF000  }
0x6a: {  	_ =	swait.ge @!p0 [sflag:s17], $0x1000  }
0x6b: {  	s19 =	sand.u32 $0x1, s18;
	p1 =	seq.s32 @!p0 s20, $0x7800;
	[sflag:s17] =	ssyncset.done @!p0 $0x0  }
0x6c: {  	p1 =	por p0, !p1;
	[sflag:s17] =	ssyncadd.s32 @!p0 $0xFFFFF000;
	s17 =	simm.s32 @!p0 $0x7800  }
0x6d: {  	s17 =	sxor.u32 @p1 $0x1, s19  }
0x6e: {  	s17 =	smul.u32 @p1 $0x28000, s17;
	_ =	sdelay $0x1  }
0x6f: {  	s21 =	sshra.s32 @p1 s20, $0x2;
	s17 =	sshrl.u32 @p1 s17, $0x2  }
0x70: {  	s23 =	sadd.s32 @p1 $0xA00, s21;
	s22 =	sadd.s32 @p1 $0x5000, s17  }
0x71: {  	[tilespmem:s22], [sflag:$0x1] =	stream.indirect.gather @p1 [hbm4b:s4+s14], $0x10, s23, s14, $0xb8;
	[tilespmem:$0x1B800] =	vst v63  }
0x72: {  	s22 =	sadd.s32 @p1 $0x6000, s17;
	s23 =	sadd.s32 @p1 $0xB00, s21  }
0x73: {  	[tilespmem:s22], [sflag:$0x1] =	stream.indirect.gather @p1 [hbm4b:s4+s14], $0x10, s23, s14, $0xb8;
	[tilespmem:$0x1B800] =	vst v63  }
0x74: {  	s22 =	sadd.s32 @p1 $0x7000, s17;
	s23 =	sadd.s32 @p1 $0xC00, s21  }
0x75: {  	[tilespmem:s22], [sflag:$0x1] =	stream.indirect.gather @p1 [hbm4b:s4+s14], $0x10, s23, s14, $0xb8;
	[tilespmem:$0x1B800] =	vst v63  }
0x76: {  	s22 =	sadd.s32 @p1 $0x8000, s17;
	s23 =	sadd.s32 @p1 $0xD00, s21  }
0x77: {  	[tilespmem:s22], [sflag:$0x1] =	stream.indirect.gather @p1 [hbm4b:s4+s14], $0x10, s23, s14, $0xb8;
	[tilespmem:$0x1B800] =	vst v63  }
0x78: {  	s22 =	sadd.s32 @p1 $0x9000, s17;
	s23 =	sadd.s32 @p1 $0xE00, s21  }
0x79: {  	[tilespmem:s22], [sflag:$0x1] =	stream.indirect.gather @p1 [hbm4b:s4+s14], $0x10, s23, s14, $0xb8;
	[tilespmem:$0x1B800] =	vst v63  }
0x7a: {  	s22 =	sadd.s32 @p1 $0xA000, s17;
	s23 =	sadd.s32 @p1 $0xF00, s21  }
0x7b: {  	[tilespmem:s22], [sflag:$0x1] =	stream.indirect.gather @p1 [hbm4b:s4+s14], $0x10, s23, s14, $0xb8;
	[tilespmem:$0x1B800] =	vst v63  }
0x7c: {  	s22 =	sadd.s32 @p1 $0xB000, s17;
	s23 =	sadd.s32 @p1 $0x1000, s21  }
0x7d: {  	[tilespmem:s22], [sflag:$0x1] =	stream.indirect.gather @p1 [hbm4b:s4+s14], $0x10, s23, s14, $0xb8;
	[tilespmem:$0x1B800] =	vst v63  }
0x7e: {  	s22 =	sadd.s32 @p1 $0xC000, s17;
	s23 =	sadd.s32 @p1 $0x1100, s21  }
0x7f: {  	[tilespmem:s22], [sflag:$0x1] =	stream.indirect.gather @p1 [hbm4b:s4+s14], $0x10, s23, s14, $0xb8;
	[tilespmem:$0x1B800] =	vst v63  }
0x80: {  	s22 =	sadd.s32 @p1 $0xD000, s17;
	s23 =	sadd.s32 @p1 $0x1200, s21  }
0x81: {  	[tilespmem:s22], [sflag:$0x1] =	stream.indirect.gather @p1 [hbm4b:s4+s14], $0x10, s23, s14, $0xb8;
	[tilespmem:$0x1B800] =	vst v63  }
0x82: {  	s19 =	smul.u32 $0x28000, s19;
	s17 =	sadd.s32 @p1 $0xE000, s17;
	s21 =	sadd.s32 @p1 $0x1300, s21  }
0x83: {  	[tilespmem:s17], [sflag:$0x1] =	stream.indirect.gather @p1 [hbm4b:s4+s14], $0x10, s21, s14, $0xb8;
	[tilespmem:$0x1B800] =	vst v63  }
0x84: {  	s17 =	smov.u32 @p1 s20  }
0x85: {  	s19 =	sshrl.u32 s19, $0x2;
	s17 =	sshra.s32 s17, $0x2  }
0x86: {  	s22 =	sadd.s32 $0x5000, s19;
	s23 =	sadd.s32 $0x2800, s17  }
0x87: {  	[spmem:s2] =	stream.indirect.scatter.add.f32 [tilespmem:s22], [sflag:$0x2], $0x10, s23, s14, $0xb8;
	[tilespmem:$0x1B800] =	vst v63  }
0x88: {  	s22 =	sadd.s32 $0x6000, s19;
	s23 =	sadd.s32 $0x2900, s17  }
0x89: {  	[spmem:s2] =	stream.indirect.scatter.add.f32 [tilespmem:s22], [sflag:$0x2], $0x10, s23, s14, $0xb8;
	[tilespmem:$0x1B800] =	vst v63  }
0x8a: {  	s22 =	sadd.s32 $0x7000, s19;
	s23 =	sadd.s32 $0x2A00, s17  }
0x8b: {  	[spmem:s2] =	stream.indirect.scatter.add.f32 [tilespmem:s22], [sflag:$0x2], $0x10, s23, s14, $0xb8;
	[tilespmem:$0x1B800] =	vst v63  }
0x8c: {  	s22 =	sadd.s32 $0x8000, s19;
	s23 =	sadd.s32 $0x2B00, s17  }
0x8d: {  	[spmem:s2] =	stream.indirect.scatter.add.f32 [tilespmem:s22], [sflag:$0x2], $0x10, s23, s14, $0xb8;
	[tilespmem:$0x1B800] =	vst v63  }
0x8e: {  	s22 =	sadd.s32 $0x9000, s19;
	s23 =	sadd.s32 $0x2C00, s17  }
0x8f: {  	[spmem:s2] =	stream.indirect.scatter.add.f32 [tilespmem:s22], [sflag:$0x2], $0x10, s23, s14, $0xb8;
	[tilespmem:$0x1B800] =	vst v63  }
0x90: {  	s22 =	sadd.s32 $0xA000, s19;
	s23 =	sadd.s32 $0x2D00, s17  }
0x91: {  	[spmem:s2] =	stream.indirect.scatter.add.f32 [tilespmem:s22], [sflag:$0x2], $0x10, s23, s14, $0xb8;
	[tilespmem:$0x1B800] =	vst v63  }
0x92: {  	s20 =	sadd.s32 $0x2800, s20;
	s22 =	sadd.s32 $0xB000, s19;
	s23 =	sadd.s32 $0x2E00, s17  }
0x93: {  	[spmem:s2] =	stream.indirect.scatter.add.f32 [tilespmem:s22], [sflag:$0x2], $0x10, s23, s14, $0xb8;
	[tilespmem:$0x1B800] =	vst v63  }
0x94: {  	p0 =	sne.s32 s20, $0xA000;
	s22 =	sadd.s32 $0xC000, s19;
	s23 =	sadd.s32 $0x2F00, s17  }
0x95: {  	[spmem:s2] =	stream.indirect.scatter.add.f32 [tilespmem:s22], [sflag:$0x2], $0x10, s23, s14, $0xb8;
	[tilespmem:$0x1B800] =	vst v63  }
.Ltmp0:
0x96: {  	_ = 	snop;
	(pc) =	sbr.rel @p0 .LBB2_2-.Ltmp0, $4  }
0x97: {  	s22 =	sadd.s32 $0xD000, s19;
	s23 =	sadd.s32 $0x3000, s17  }
0x98: {  	[spmem:s2] =	stream.indirect.scatter.add.f32 [tilespmem:s22], [sflag:$0x2], $0x10, s23, s14, $0xb8;
	[tilespmem:$0x1B800] =	vst v63  }
0x99: {  	s18 =	sadd.s32 $0x1, s18;
	s19 =	sadd.s32 $0xE000, s19;
	s17 =	sadd.s32 $0x3100, s17  }
0x9a: {  	[spmem:s2] =	stream.indirect.scatter.add.f32 [tilespmem:s19], [sflag:$0x2], $0x10, s17, s14, $0xb8;
	[tilespmem:$0x1B800] =	vst v63  }
0x9b: {  	_ =	swait.ge [sflag:s15], $0x1000  }
0x9c: {  	[sflag:s15] =	ssyncset.done $0x0  }
0x9d: {  	[sflag:s15] =	ssyncadd.s32 $0xFFFFF000  }
0x9e: {  	_ =	swait.ge [sflag:s15], $0x1000  }
0x9f: {  	[sflag:s15] =	ssyncset.done $0x0  }
0xa0: {  	[sflag:s15] =	ssyncadd.s32 $0xFFFFF000  }
0xa1: {  	_ =	swait.ge [sflag:s15], $0x1000  }
0xa2: {  	[sflag:s15] =	ssyncset.done $0x0  }
0xa3: {  	[sflag:s15] =	ssyncadd.s32 $0xFFFFF000  }
0xa4: {  	_ =	swait.ge [sflag:s15], $0x1000  }
0xa5: {  	[sflag:s15] =	ssyncset.done $0x0  }
0xa6: {  	[sflag:s15] =	ssyncadd.s32 $0xFFFFF000  }
0xa7: {  	_ =	swait.ge [sflag:s15], $0x1000  }
0xa8: {  	[sflag:s15] =	ssyncset.done $0x0  }
0xa9: {  	[sflag:s15] =	ssyncadd.s32 $0xFFFFF000  }
0xaa: {  	_ =	swait.ge [sflag:s15], $0x1000  }
0xab: {  	[sflag:s15] =	ssyncset.done $0x0  }
0xac: {  	[sflag:s15] =	ssyncadd.s32 $0xFFFFF000  }
0xad: {  	_ =	swait.ge [sflag:s15], $0x1000  }
0xae: {  	[sflag:s15] =	ssyncset.done $0x0  }
0xaf: {  	[sflag:s15] =	ssyncadd.s32 $0xFFFFF000  }
0xb0: {  	_ =	swait.ge [sflag:s15], $0x1000  }
0xb1: {  	[sflag:s15] =	ssyncset.done $0x0  }
0xb2: {  	[sflag:s15] =	ssyncadd.s32 $0xFFFFF000  }
0xb3: {  	_ =	swait.ge [sflag:s15], $0x1000  }
0xb4: {  	[sflag:s15] =	ssyncset.done $0x0  }
0xb5: {  	[sflag:s15] =	ssyncadd.s32 $0xFFFFF000  }
0xb6: {  	_ =	swait.ge [sflag:s15], $0x1000  }
0xb7: {  	s16 =	sadd.s32 $0x1, s16;
	[sflag:s15] =	ssyncset.done $0x0  }
0xb8: {  	p0 =	sne.s32 s16, s9;
	[sflag:s15] =	ssyncadd.s32 $0xFFFFF000  }
.Ltmp1:
0xb9: {  	[bflag:$0x0] =	sbarrier.arrive $0xFFFF;
	(pc) =	sbr.rel @p0 .LBB2_1-.Ltmp1, $4  }
0xba: {  	[hbm:s8], [sflag:s12] =	dma.local [spmem:s13], $0x500  }
0xbb: {  	_ =	swait.ge [sflag:s10], $0x500  }
0xbc: {  	[sflag:s10] =	ssyncset.done $0x0  }
0xbd: {  	[sflag:s10] =	ssyncadd.s32 $0xFFFFFB00  }
0xbe: {  	_ =	sfence.sel $0x180000  }
0xbf: {  	[bflag:$0x0] =	sbarrier.arrive $0xFFFF  }
0xc0: {  	_ =	strace $0x9000004D  }
0xc1: {  	s0 =	stileid.u32;
	[bflag:$0x2] =	sbarrier.arrive $0xFFFF  }
0xc2: {  	p0 =	sne.s32 s0, $0x0;
	s0 =	rddreg [dreg:$0x2]  }
0xc3: {  	s0 =	sadd.s32 @!p0 $0x100000, s0  }
0xc4: {  	[sflag:s0] =	ssyncadd.tile.s32 @!p0 $0x1;
	_ =	shalt  }
.Lfunc_end2:
_tile_overlayer_lowered:
.L_overlay_start_2:
0xc5: {  	(tag) =	ssettag $0x2  }
0xc6: {  	s0 =	rddreg [dreg:$0x0];
	s2 =	stileid.u32  }
0xc7: {  	s1 =	rddreg [dreg:$0x1];
	p0 =	sne.s32 s2, $0x0  }
0xc8: {  	s3 =	rddreg [dreg:$0x2];
	[bflag:$0x3] =	sbarrier.arrive $0xFFFF;
	s2 =	simm.s32 @!p0 $0x1C03  }
0xc9: {  	[timem:s3], [sflag:s2] =	dma.local @!p0 [hbm:s0], s1  }
0xca: {  	s0 =	simm.s32 @!p0 $0x3  }
0xcb: {  	_ =	swait.ge @!p0 [sflag:s0], s1  }
0xcc: {  	s1 =	ssub.s32 @!p0 $0x0, s1;
	[sflag:s0] =	ssyncset.done @!p0 $0x0  }
0xcd: {  	[sflag:s0] =	ssyncadd.s32 @!p0 s1  }
0xce: {  	[bflag:$0x3] =	sbarrier.arrive $0xFFFF  }
0xcf: {  	_ =	shalt  }

// kernel: kernel.9.cloned.1.call-start
scs
__scs_entry_jumppad:
0x0: {  	(pc) =	sbr.rel $0x88, $3  }
0x1: {  	(tag) =	ssettag $0x0;
	lr =	simm.s32 $0x1  }
0x2: {  	[smem:$0x3F9A] =	sst lr;
	_ =	strace $0xD0000000  }
0x3: {  	_ = 	snop  }
0x4: {  	_ = 	snop  }
0x5: {  	_ = 	snop  }
0x6: {  	_ = 	snop  }
0x7: {  	_ = 	snop  }
__scs_overlays_trampoline_lowered:
0x8: {  	[smem:$0x3FA9] =	sst s0  }
0x9: {  	[smem:$0x3FAA] =	sst s1  }
0xa: {  	[smem:$0x3FAB] =	sst s2  }
0xb: {  	[smem:$0x3FAC] =	sst s3  }
0xc: {  	[smem:$0x3FAD] =	sst s4  }
0xd: {  	[smem:$0x3FAE] =	sst s5  }
0xe: {  	[smem:$0x3FAF] =	sst s6  }
0xf: {  	[smem:$0x3FB0] =	sst s7  }
0x10: {  	[smem:$0x3FB1] =	sst s8  }
0x11: {  	[smem:$0x3FB2] =	sst s9;
	s0 =	simm.s32 @!p0 $0x0  }
0x12: {  	s1 =	sld [smem:$0x3F98];
	s0 =	simm.s32 @p0 $0x1  }
0x13: {  	[smem:$0x3FB3] =	sst s0;
	s0 =	simm.s32 @!p1 $0x0  }
0x14: {  	s2 =	sld [smem:$0x3F97];
	s0 =	simm.s32 @p1 $0x1  }
0x15: {  	[smem:$0x3FB4] =	sst s0;
	s0 =	simm.s32 @!p2 $0x0  }
0x16: {  	s3 =	sld [smem:$0x3FDB];
	s0 =	simm.s32 @p2 $0x1  }
0x17: {  	s4 =	simm.s32 $0x1BF5;
	[smem:$0x3FB6] =	sst s0  }
0x18: {  	s0 =	sld [smem:$0x3F99];
	_ =	swait.ge [sflag:s4], $0x0  }
0x19: {  	s7 =	sld [smem:$0x3F9A]  }
0x1a: {  	s8 =	sadd.s32 $0xFFFFE003, lr  }
0x1b: {  	s9 =	sadd.s32 $0xFFFFFEF7, lr;
	s5 =	simm.s32 $0xFFFFFFFF;
	p2 =	slt.u32 s8, $0xFFFFF086  }
0x1c: {  	p1 =	slt.u32 s9, $0xF7A;
	s5 =	simm.s32 @!p2 $0x0  }
0x1d: {  	s5 =	simm.s32 @p1 $0x1;
	p0 =	seq.s32 s7, s2  }
0x1e: {  	s7 =	smul.u32 @!p0 $0xF7A, s2;
	p2 =	seq.s32 @!p0 s5, $0x0  }
0x1f: {  	s9 =	smul.u32 $0xF7A, s1;
	s8 =	simm.s32 @!p0 $0x1BF5;
	p2 =	por !p2, p0  }
0x20: {  	[sflag:s8] =	ssyncset.s32 @!p0 $0xFFFFF086;
	s6 =	sadd.s32 @!p0 s3, s7;
	s7 =	simm.s32 @!p0 $0x108  }
0x21: {  	s3 =	sadd.s32 s3, s9;
	s6 =	sadd.s32 @!p0 $0x88, s6;
	s7 =	simm.s32 @p2 $0x1082  }
0x22: {  	[simem:s7], [sflag:s8] =	dma.local @!p0 [hbm:s6], $0xF7A  }
0x23: {  	s9 =	sor.u32 $0xD0000000, s2;
	s6 =	simm.s32 $0x108;
	_ =	swait.ge @!p0 [sflag:s8], $0x0  }
0x24: {  	s3 =	sadd.s32 $0x88, s3;
	s6 =	simm.s32 @!p1 $0x1082;
	[sflag:s4] =	ssyncset.s32 $0xFFFFF086  }
0x25: {  	[simem:s6], [sflag:s4] =	dma.local [hbm:s3], $0xF7A  }
0x26: {  	[smem:$0x3F9A] =	sst s1;
	(tag) =	ssettag s2;
	_ =	strace s9  }
0x27: {  	s1 =	sld [smem:$0x3FAA]  }
0x28: {  	s2 =	sld [smem:$0x3FAB]  }
0x29: {  	s4 =	sld [smem:$0x3FAD]  }
0x2a: {  	p0 =	seq.s32 s5, $0x0;
	s5 =	sld [smem:$0x3FAE]  }
0x2b: {  	s6 =	sld [smem:$0x3FAF]  }
0x2c: {  	s7 =	sld [smem:$0x3FB0]  }
0x2d: {  	s3 =	simm.s32 $0x108;
	s8 =	sld [smem:$0x3FB1]  }
0x2e: {  	s3 =	simm.s32 @!p0 $0x1082;
	s9 =	sld [smem:$0x3FB2]  }
0x2f: {  	lr =	sadd.s32 s0, s3;
	s0 =	sld [smem:$0x3FA9]  }
0x30: {  	s3 =	sld [smem:$0x3FAC]  }
0x31: {  	[smem:$0x3FB5] =	sst s10  }
0x32: {  	s10 =	sld [smem:$0x3FB3];
	_ =	sdelay $0x3  }
0x33: {  	p0 =	seq.s32 s10, $0x1;
	s10 =	sld [smem:$0x3FB5];
	_ =	sdelay $0x3  }
0x34: {  	[smem:$0x3FB5] =	sst s10  }
0x35: {  	s10 =	sld [smem:$0x3FB4];
	_ =	sdelay $0x3  }
0x36: {  	p1 =	seq.s32 s10, $0x1;
	s10 =	sld [smem:$0x3FB5];
	_ =	sdelay $0x3  }
0x37: {  	[smem:$0x3FB5] =	sst s10  }
0x38: {  	s10 =	sld [smem:$0x3FB6]  }
0x39: {  	_ = 	snop;
	(pc) =	sbr.ind lr, $3  }
0x3a: {  	_ = 	snop  }
0x3b: {  	_ = 	snop  }
0x3c: {  	p2 =	seq.s32 s10, $0x1;
	s10 =	sld [smem:$0x3FB5]  }
0x3d: {  	_ =	shalt  }
0x3e: {  	_ =	shalt  }
0x3f: {  	_ =	shalt  }
0x40: {  	_ =	shalt  }
0x41: {  	_ =	shalt  }
0x42: {  	_ =	shalt  }
0x43: {  	_ =	shalt  }
0x44: {  	_ =	shalt  }
0x45: {  	_ =	shalt  }
0x46: {  	_ =	shalt  }
0x47: {  	_ =	shalt  }
0x48: {  	_ =	shalt  }
0x49: {  	_ =	shalt  }
0x4a: {  	_ =	shalt  }
0x4b: {  	_ =	shalt  }
0x4c: {  	_ =	shalt  }
0x4d: {  	_ =	shalt  }
0x4e: {  	_ =	shalt  }
0x4f: {  	_ =	shalt  }
0x50: {  	_ =	shalt  }
0x51: {  	_ =	shalt  }
0x52: {  	_ =	shalt  }
0x53: {  	_ =	shalt  }
0x54: {  	_ =	shalt  }
0x55: {  	_ =	shalt  }
0x56: {  	_ =	shalt  }
0x57: {  	_ =	shalt  }
0x58: {  	_ =	shalt  }
0x59: {  	_ =	shalt  }
0x5a: {  	_ =	shalt  }
0x5b: {  	_ =	shalt  }
0x5c: {  	_ =	shalt  }
0x5d: {  	_ =	shalt  }
0x5e: {  	_ =	shalt  }
0x5f: {  	_ =	shalt  }
0x60: {  	_ =	shalt  }
0x61: {  	_ =	shalt  }
0x62: {  	_ =	shalt  }
0x63: {  	_ =	shalt  }
0x64: {  	_ =	shalt  }
0x65: {  	_ =	shalt  }
0x66: {  	_ =	shalt  }
0x67: {  	_ =	shalt  }
0x68: {  	_ =	shalt  }
0x69: {  	_ =	shalt  }
0x6a: {  	_ =	shalt  }
0x6b: {  	_ =	shalt  }
0x6c: {  	_ =	shalt  }
0x6d: {  	_ =	shalt  }
0x6e: {  	_ =	shalt  }
0x6f: {  	_ =	shalt  }
0x70: {  	_ =	shalt  }
0x71: {  	_ =	shalt  }
0x72: {  	_ =	shalt  }
0x73: {  	_ =	shalt  }
0x74: {  	_ =	shalt  }
0x75: {  	_ =	shalt  }
0x76: {  	_ =	shalt  }
0x77: {  	_ =	shalt  }
0x78: {  	_ =	shalt  }
0x79: {  	_ =	shalt  }
0x7a: {  	_ =	shalt  }
0x7b: {  	_ =	shalt  }
0x7c: {  	_ =	shalt  }
0x7d: {  	_ =	shalt  }
0x7e: {  	_ =	shalt  }
0x7f: {  	_ =	shalt  }
0x80: {  	_ =	shalt  }
0x81: {  	_ =	shalt  }
0x82: {  	_ =	shalt  }
0x83: {  	_ =	shalt  }
0x84: {  	_ =	shalt  }
0x85: {  	_ =	shalt  }
0x86: {  	_ =	shalt  }
0x87: {  	_ =	shalt  }
.Lfunc_end0:
.L_simem_size_0:
called_computation_lowered:
.L_overlay_start_0:
0x88: {  	s2 =	sld [smem:$0x3FD9]  }
0x89: {  	s3 =	sld [smem:$0x3FFE];
	_ =	sdelay $0x1  }
0x8a: {  	s1 =	srdreg.scid  }
0x8b: {  	s0 =	sand.u32 $0x1, s1  }
0x8c: {  	s17 =	sshll.u32 s0, $0xA;
	s2 =	sadd.s32 s3, s2  }
0x8d: {  	s2 =	sadd.s32 s2, s17  }
0x8e: {  	[smem:$0x3FC1] =	sst s2  }
0x8f: {  	_ = 	snop  }
0x90: {  	s2 =	sld [smem:$0x3FD0];
	(tm) =	ssettm $0x1  }
0x91: {  	s18 =	sld [smem:$0x3FFB];
	_ =	sdelay $0x3  }
0x92: {  	_ =	strace s18  }
0x93: {  	s3 =	sld [smem:$0x3FFC];
	_ =	sdelay $0x3  }
0x94: {  	_ =	strace s3  }
0x95: {  	s3 =	sld [smem:$0x3FFD];
	_ =	sdelay $0x3  }
0x96: {  	_ =	strace s3  }
0x97: {  	_ =	strace $0x8FFFFFFF  }
0x98: {  	s19 =	sld [smem:$0x3FDB];
	_ =	sdelay $0x1  }
0x99: {  	s4 =	simm.s32 $_scs_section_size  }
0x9a: {  	s5 =	simm.s32 $_size__tile_overlayer_lowered;
	s6 =	simm.s32 $_tile_overlayer_lowered  }
0x9b: {  	s22 =	simm.s32 $0x1BFF;
	s21 =	sshll.u32 s6, $0x1;
	s3 =	sadd.s32 s4, s19  }
0x9c: {  	s7 =	simm.s32 $0x0;
	s20 =	sshll.u32 s5, $0x1;
	s5 =	sadd.s32 s21, s3  }
0x9d: {  	[timem:s7], [sflag:s22] =	dma.local [hbm:s5], s20  }
0x9e: {  	_ =	swait.ge [sflag:s22], s20  }
0x9f: {  	s4 =	ssub.s32 $0x0, s20;
	[sflag:s22] =	ssyncset.done $0x0  }
0xa0: {  	[sflag:s22] =	ssyncadd.s32 s4;
	_ =	sdelay $0x1  }
0xa1: {  	s23 =	simm.s32 $0x1B8B  }
0xa2: {  	_ =	swait.ge [sflag:s23], $0x1  }
0xa3: {  	[sflag:s23] =	ssyncset.done $0x0  }
0xa4: {  	s25 =	simm.s32 $0x1B8E;
	s24 =	sld [smem:$0x3FFE];
	[sflag:s23] =	ssyncadd.s32 $0xFFFFFFFF  }
0xa5: {  	s26 =	simm.s32 $execute0_lowered;
	[smem:$0x3FD2] =	sst s25  }
0xa6: {  	s5 =	sshll.u32 s26, $0x1;
	_ =	strace $0x80000046;
	[dreg:$0x1] =	wrdreg $0xFFFFFFFF  }
0xa7: {  	s28 =	simm.s32 $_size_execute0_lowered;
	s3 =	sadd.s32 s3, s5;
	[dreg:$0x0] =	wrdreg $0x0  }
0xa8: {  	s5 =	sshll.u32 s28, $0x1;
	[dreg:$0x2] =	wrdreg s3  }
0xa9: {  	[dreg:$0x3] =	wrdreg s5  }
0xaa: {  	[dreg:$0x4] =	wrdreg $0xC0  }
0xab: {  	_ =	task [dreg:s7], $0x5FFFF  }
0xac: {  	[dreg:$0x1] =	wrdreg $0xFFFFFFFF  }
0xad: {  	[dreg:$0x0] =	wrdreg $0x60  }
0xae: {  	[dreg:$0x2] =	wrdreg s2  }
0xaf: {  	[dreg:$0x3] =	wrdreg s24  }
0xb0: {  	[dreg:$0x4] =	wrdreg $0x38000  }
0xb1: {  	[dreg:$0x5] =	wrdreg $0x9  }
0xb2: {  	_ =	task.clear_ibuf [dreg:s7], $0x6FFFF;
	_ =	strace $0x90000046  }
0xb3: {  	s29 =	simm.s32 $0x9;
	_ =	strace $0x80000048  }
0xb4: {  	_ =	swait.ge [sflag:s29], $0x1  }
0xb5: {  	[sflag:s29] =	ssyncadd.s32 $0xFFFFFFFF  }
0xb6: {  	_ =	strace $0x90000048  }
0xb7: {  	_ =	sfence  }
0xb8: {  	s30 =	sld [smem:$0x0];
	_ =	sdelay $0x2  }
0xb9: {  	s31 =	sshll.u32 s1, $0xD;
	s1 =	sshrl.u32 s1, $0x2  }
0xba: {  	s3 =	sand.u32 $0x4000, s31;
	s1 =	sadd.s32 s1, s30  }
0xbb: {  	s0 =	sor.u32 s3, s0;
	s1 =	sshll.u32 s1, $0x11  }
0xbc: {  	s0 =	sor.u32 s1, s0  }
0xbd: {  	s0 =	sadd.s32 $0x8F2B, s0  }
0xbe: {  	[sflag:s0] =	ssyncadd.remote.s32 $0x1  }
0xbf: {  	_ =	sfence.sel $0xFFFF  }
0xc0: {  	[dreg:$0x0] =	wrdreg $0xFFFFFFFF;
	(pc) =	sbr.abs _section_cstart, $3  }
0xc1: {  	[dreg:$0x1] =	wrdreg $0xFFFFFFFF  }
0xc2: {  	_ =	task.clear_ibuf [dreg:s7], $0x2FFFF;
	_ =	strace $0x9FFFFFFF  }
0xc3: {  	(tm) =	ssettm $0x7FFFFFFF  }
tec
execute0_lowered:
.L_overlay_start_1:
0x0: {  	(tag) =	ssettag $0x1  }
0x1: {  	s0 =	rddreg [dreg:$0x0]  }
0x2: {  	s3 =	rddreg [dreg:$0x1]  }
0x3: {  	s2 =	rddreg [dreg:$0x2]  }
0x4: {  	s31 =	simm.s32 $0x0;
	[dreg:$0x4] =	wrdreg s0  }
0x5: {  	s1 =	srdreg.scid;
	s7 =	simm.s32 $0x300;
	[smem:$0x7FF] =	sst s31  }
0x6: {  	s8 =	simm.s32 $0x400;
	_ =	strace $0x80000047;
	[dreg:$0x9] =	wrdreg s7  }
0x7: {  	s9 =	stileid.u32;
	s10 =	simm.s32 $0x500;
	[dreg:$0xa] =	wrdreg s8  }
0x8: {  	s11 =	simm.s32 $0x600;
	s12 =	simm.s32 $0x700;
	[dreg:$0xb] =	wrdreg s10  }
0x9: {  	s13 =	simm.s32 $0x800;
	s15 =	simm.s32 $0x900;
	[dreg:$0xc] =	wrdreg s11  }
0xa: {  	s16 =	simm.s32 $0xA00;
	s18 =	simm.s32 $0xB00;
	[dreg:$0xd] =	wrdreg s12  }
0xb: {  	s19 =	simm.s32 $0xC00;
	s20 =	simm.s32 $0xD00;
	[dreg:$0xe] =	wrdreg s13  }
0xc: {  	s22 =	simm.s32 $0xE00;
	s23 =	simm.s32 $0xF00;
	[dreg:$0xf] =	wrdreg s15  }
0xd: {  	s28 =	simm.s32 $0x1B00;
	s29 =	simm.s32 $0x1C00;
	[dreg:$0x10] =	wrdreg s16  }
0xe: {  	s30 =	simm.s32 $0x1D00;
	p0 =	por $0x0, $0x0;
	[dreg:$0x11] =	wrdreg s18  }
0xf: {  	s24 =	sand.u32 $0x1, s1;
	s25 =	sshll.u32 s9, $0x1;
	[dreg:$0x12] =	wrdreg s19  }
0x10: {  	s4 =	smul.u32 $0x2800, s9;
	s21 =	sshll.u32 s9, $0x6;
	[dreg:$0x13] =	wrdreg s20  }
0x11: {  	s1 =	sor.u32 s24, s25;
	s5 =	smul.u32 $0x28000, s24;
	[dreg:$0x14] =	wrdreg s22  }
0x12: {  	s0 =	ssub.s32 $0x2, s24;
	[dreg:$0x15] =	wrdreg s23;
	s24 =	simm.s32 $0x1000  }
0x13: {  	s7 =	simm.s32 $0x2800;
	s25 =	simm.s32 $0x1100;
	s8 =	simm.s32 $0x100  }
0x14: {  	s20 =	simm.s32 $0x1300;
	s22 =	simm.s32 $0x1600;
	s23 =	simm.s32 $0x1700  }
0x15: {  	s10 =	simm.s32 $0x1E00;
	s11 =	simm.s32 $0x1F00;
	s12 =	simm.s32 $0x2000  }
0x16: {  	s13 =	simm.s32 $0x2100;
	s15 =	simm.s32 $0x2300;
	s16 =	simm.s32 $0x2400  }
0x17: {  	s18 =	simm.s32 $0x2600;
	s19 =	simm.s32 $0x2700;
	s1 =	smul.u32 $0x500, s1  }
0x18: {  	s6 =	sshrl.u32 s4, $0x3;
	s14 =	sshrl.u32 s0, $0x1;
	[dreg:$0x16] =	wrdreg s24  }
0x19: {  	s17 =	sadd.s32 s4, s2;
	[dreg:$0x17] =	wrdreg s25;
	s24 =	simm.s32 $0x1800  }
0x1a: {  	s25 =	simm.s32 $0x1900;
	s5 =	sadd.s32 s4, s5;
	s6 =	sadd.s32 s6, s3  }
0x1b: {  	s0 =	ssub.s32 s0, s14;
	s4 =	sor.u32 $0x1C02, s21;
	s21 =	simm.s32 $0x1500  }
0x1c: {  	s14 =	simm.s32 $0x2200;
	s1 =	sadd.s32 s1, s3;
	s5 =	sshrl.u32 s5, $0x3  }
0x1d: {  	s26 =	sadd.s32 $0xB800, s6;
	s6 =	simm.s32 $0x200;
	s0 =	smax.u32 s0, $0x1  }
0x1e: {  	s1 =	sadd.s32 $0x1800, s1;
	[dreg:$0x6] =	wrdreg s26;
	p1 =	sne.s32 s0, $0x1  }
.Ltmp0:
0x1f: {  	s3 =	sadd.s32 s5, s3;
	[dreg:$0x8] =	wrdreg s6;
	(pc) =	sbr.rel @!p1 .LBB2_1-.Ltmp0, $4  }
0x20: {  	s26 =	simm.s32 $0x1200;
	s6 =	simm.s32 $0x1;
	[dreg:$0x5] =	wrdreg s1  }
0x21: {  	s5 =	sadd.s32 $0x10800, s3;
	s3 =	simm.s32 $0x2;
	[dreg:$0x18] =	wrdreg s26  }
0x22: {  	s26 =	simm.s32 $0x1A00;
	s1 =	sadd.s32 $0xFFFFFFFF, s0;
	[dreg:$0x7] =	wrdreg s5  }
0x23: {  	s5 =	sshrl.u32 s17, $0x3;
	s17 =	simm.s32 $0x2500;
	s0 =	rddreg [dreg:$0x5]  }
0x24: {  	[tilespmem:s31], [sflag:$0x2] =	stream.linear.gather [hbm4b:s0+s31], $0x2800, $0x38;
	[tilespmem:$0x6000] =	vst v63  }
0x25: {  	_ =	swait.ge [sflag:s3], $0x2800  }
0x26: {  	[sflag:s3] =	ssyncset.done $0x0  }
0x27: {  	s9 =	rddreg [dreg:$0x6];
	[sflag:s3] =	ssyncadd.s32 $0xFFFFD800  }
0x28: {  	[spmem:s5], [sflag:s4] =	dma.local [hbm:s9], $0x500  }
0x29: {  	_ =	swait.ge [sflag:s3], $0x500  }
0x2a: {  	[sflag:s3] =	ssyncset.done $0x0  }
0x2b: {  	[sflag:s3] =	ssyncadd.s32 $0xFFFFFB00  }
0x2c: {  	[bflag:$0x0] =	sbarrier.arrive $0xFFFF  }
0x2d: {  	s9 =	rddreg [dreg:$0x4]  }
0x2e: {  	[tilespmem:s7], [sflag:$0x2] =	stream.linear.gather [hbm4b:s9+s31], $0x1000, $0x38;
	[tilespmem:$0x6000] =	vst v63  }
0x2f: {  	_ =	swait.ge [sflag:s3], $0x1000  }
0x30: {  	[sflag:s3] =	ssyncset.done $0x0  }
0x31: {  	[sflag:s3] =	ssyncadd.s32 $0xFFFFF000  }
0x32: {  	[spmem:s2] =	stream.indirect.scatter.add.f32 [tilespmem:s7], [sflag:$0x1], $0x10, s31, s8, $0xb8;
	[tilespmem:$0x6000] =	vst v63  }
0x33: {  	_ = 	snop  }
0x34: {  	[spmem:s2] =	stream.indirect.scatter.add.f32 [tilespmem:s7], [sflag:$0x1], $0x10, s8, s8, $0xb8;
	[tilespmem:$0x6000] =	vst v63  }
0x35: {  	s0 =	rddreg [dreg:$0x8]  }
0x36: {  	[spmem:s2] =	stream.indirect.scatter.add.f32 [tilespmem:s7], [sflag:$0x1], $0x10, s0, s8, $0xb8;
	[tilespmem:$0x6000] =	vst v63  }
0x37: {  	s9 =	smov.u32 s1;
	s1 =	rddreg [dreg:$0x9]  }
0x38: {  	[spmem:s2] =	stream.indirect.scatter.add.f32 [tilespmem:s7], [sflag:$0x1], $0x10, s1, s8, $0xb8;
	[tilespmem:$0x6000] =	vst v63  }
0x39: {  	s0 =	rddreg [dreg:$0xa]  }
0x3a: {  	[spmem:s2] =	stream.indirect.scatter.add.f32 [tilespmem:s7], [sflag:$0x1], $0x10, s0, s8, $0xb8;
	[tilespmem:$0x6000] =	vst v63  }
0x3b: {  	s1 =	rddreg [dreg:$0xb]  }
0x3c: {  	[spmem:s2] =	stream.indirect.scatter.add.f32 [tilespmem:s7], [sflag:$0x1], $0x10, s1, s8, $0xb8;
	[tilespmem:$0x6000] =	vst v63  }
0x3d: {  	s0 =	rddreg [dreg:$0xc]  }
0x3e: {  	[spmem:s2] =	stream.indirect.scatter.add.f32 [tilespmem:s7], [sflag:$0x1], $0x10, s0, s8, $0xb8;
	[tilespmem:$0x6000] =	vst v63  }
0x3f: {  	s1 =	rddreg [dreg:$0xd]  }
0x40: {  	[spmem:s2] =	stream.indirect.scatter.add.f32 [tilespmem:s7], [sflag:$0x1], $0x10, s1, s8, $0xb8;
	[tilespmem:$0x6000] =	vst v63  }
0x41: {  	s0 =	rddreg [dreg:$0xe]  }
0x42: {  	[spmem:s2] =	stream.indirect.scatter.add.f32 [tilespmem:s7], [sflag:$0x1], $0x10, s0, s8, $0xb8;
	[tilespmem:$0x6000] =	vst v63  }
0x43: {  	s1 =	rddreg [dreg:$0xf]  }
0x44: {  	[spmem:s2] =	stream.indirect.scatter.add.f32 [tilespmem:s7], [sflag:$0x1], $0x10, s1, s8, $0xb8;
	[tilespmem:$0x6000] =	vst v63  }
0x45: {  	_ =	swait.ge [sflag:s6], $0x1000  }
0x46: {  	[sflag:s6] =	ssyncset.done $0x0  }
0x47: {  	[sflag:s6] =	ssyncadd.s32 $0xFFFFF000  }
0x48: {  	_ =	swait.ge [sflag:s6], $0x1000  }
0x49: {  	[sflag:s6] =	ssyncset.done $0x0  }
0x4a: {  	[sflag:s6] =	ssyncadd.s32 $0xFFFFF000  }
0x4b: {  	_ =	swait.ge [sflag:s6], $0x1000  }
0x4c: {  	[sflag:s6] =	ssyncset.done $0x0  }
0x4d: {  	[sflag:s6] =	ssyncadd.s32 $0xFFFFF000  }
0x4e: {  	_ =	swait.ge [sflag:s6], $0x1000  }
0x4f: {  	[sflag:s6] =	ssyncset.done $0x0  }
0x50: {  	[sflag:s6] =	ssyncadd.s32 $0xFFFFF000  }
0x51: {  	_ =	swait.ge [sflag:s6], $0x1000  }
0x52: {  	[sflag:s6] =	ssyncset.done $0x0  }
0x53: {  	[sflag:s6] =	ssyncadd.s32 $0xFFFFF000  }
0x54: {  	_ =	swait.ge [sflag:s6], $0x1000  }
0x55: {  	[sflag:s6] =	ssyncset.done $0x0  }
0x56: {  	[sflag:s6] =	ssyncadd.s32 $0xFFFFF000  }
0x57: {  	_ =	swait.ge [sflag:s6], $0x1000  }
0x58: {  	[sflag:s6] =	ssyncset.done $0x0  }
0x59: {  	[sflag:s6] =	ssyncadd.s32 $0xFFFFF000  }
0x5a: {  	_ =	swait.ge [sflag:s6], $0x1000  }
0x5b: {  	[sflag:s6] =	ssyncset.done $0x0  }
0x5c: {  	[sflag:s6] =	ssyncadd.s32 $0xFFFFF000  }
0x5d: {  	_ =	swait.ge [sflag:s6], $0x1000  }
0x5e: {  	[sflag:s6] =	ssyncset.done $0x0  }
0x5f: {  	[sflag:s6] =	ssyncadd.s32 $0xFFFFF000  }
0x60: {  	_ =	swait.ge [sflag:s6], $0x1000  }
0x61: {  	[sflag:s6] =	ssyncset.done $0x0  }
0x62: {  	s0 =	rddreg [dreg:$0x10];
	[sflag:s6] =	ssyncadd.s32 $0xFFFFF000  }
0x63: {  	[spmem:s2] =	stream.indirect.scatter.add.f32 [tilespmem:s7], [sflag:$0x1], $0x10, s0, s8, $0xb8;
	[tilespmem:$0x6000] =	vst v63  }
0x64: {  	s1 =	rddreg [dreg:$0x11]  }
0x65: {  	[spmem:s2] =	stream.indirect.scatter.add.f32 [tilespmem:s7], [sflag:$0x1], $0x10, s1, s8, $0xb8;
	[tilespmem:$0x6000] =	vst v63  }
0x66: {  	s0 =	rddreg [dreg:$0x12]  }
0x67: {  	[spmem:s2] =	stream.indirect.scatter.add.f32 [tilespmem:s7], [sflag:$0x1], $0x10, s0, s8, $0xb8;
	[tilespmem:$0x6000] =	vst v63  }
0x68: {  	s1 =	rddreg [dreg:$0x13]  }
0x69: {  	[spmem:s2] =	stream.indirect.scatter.add.f32 [tilespmem:s7], [sflag:$0x1], $0x10, s1, s8, $0xb8;
	[tilespmem:$0x6000] =	vst v63  }
0x6a: {  	s0 =	rddreg [dreg:$0x14]  }
0x6b: {  	[spmem:s2] =	stream.indirect.scatter.add.f32 [tilespmem:s7], [sflag:$0x1], $0x10, s0, s8, $0xb8;
	[tilespmem:$0x6000] =	vst v63  }
0x6c: {  	s1 =	rddreg [dreg:$0x15]  }
0x6d: {  	[spmem:s2] =	stream.indirect.scatter.add.f32 [tilespmem:s7], [sflag:$0x1], $0x10, s1, s8, $0xb8;
	[tilespmem:$0x6000] =	vst v63  }
0x6e: {  	s0 =	rddreg [dreg:$0x16]  }
0x6f: {  	[spmem:s2] =	stream.indirect.scatter.add.f32 [tilespmem:s7], [sflag:$0x1], $0x10, s0, s8, $0xb8;
	[tilespmem:$0x6000] =	vst v63  }
0x70: {  	s1 =	rddreg [dreg:$0x17]  }
0x71: {  	[spmem:s2] =	stream.indirect.scatter.add.f32 [tilespmem:s7], [sflag:$0x1], $0x10, s1, s8, $0xb8;
	[tilespmem:$0x6000] =	vst v63  }
0x72: {  	s0 =	rddreg [dreg:$0x18]  }
0x73: {  	[spmem:s2] =	stream.indirect.scatter.add.f32 [tilespmem:s7], [sflag:$0x1], $0x10, s0, s8, $0xb8;
	[tilespmem:$0x6000] =	vst v63  }
0x74: {  	_ = 	snop  }
0x75: {  	[spmem:s2] =	stream.indirect.scatter.add.f32 [tilespmem:s7], [sflag:$0x1], $0x10, s20, s8, $0xb8;
	[tilespmem:$0x6000] =	vst v63  }
0x76: {  	_ =	swait.ge [sflag:s6], $0x1000  }
0x77: {  	[sflag:s6] =	ssyncset.done $0x0  }
0x78: {  	[sflag:s6] =	ssyncadd.s32 $0xFFFFF000  }
0x79: {  	_ =	swait.ge [sflag:s6], $0x1000  }
0x7a: {  	[sflag:s6] =	ssyncset.done $0x0  }
0x7b: {  	[sflag:s6] =	ssyncadd.s32 $0xFFFFF000  }
0x7c: {  	_ =	swait.ge [sflag:s6], $0x1000  }
0x7d: {  	[sflag:s6] =	ssyncset.done $0x0  }
0x7e: {  	[sflag:s6] =	ssyncadd.s32 $0xFFFFF000  }
0x7f: {  	_ =	swait.ge [sflag:s6], $0x1000  }
0x80: {  	[sflag:s6] =	ssyncset.done $0x0  }
0x81: {  	[sflag:s6] =	ssyncadd.s32 $0xFFFFF000  }
0x82: {  	_ =	swait.ge [sflag:s6], $0x1000  }
0x83: {  	[sflag:s6] =	ssyncset.done $0x0  }
0x84: {  	[sflag:s6] =	ssyncadd.s32 $0xFFFFF000  }
0x85: {  	_ =	swait.ge [sflag:s6], $0x1000  }
0x86: {  	[sflag:s6] =	ssyncset.done $0x0  }
0x87: {  	[sflag:s6] =	ssyncadd.s32 $0xFFFFF000  }
0x88: {  	_ =	swait.ge [sflag:s6], $0x1000  }
0x89: {  	[sflag:s6] =	ssyncset.done $0x0  }
0x8a: {  	[sflag:s6] =	ssyncadd.s32 $0xFFFFF000  }
0x8b: {  	_ =	swait.ge [sflag:s6], $0x1000  }
0x8c: {  	[sflag:s6] =	ssyncset.done $0x0  }
0x8d: {  	[sflag:s6] =	ssyncadd.s32 $0xFFFFF000  }
0x8e: {  	_ =	swait.ge [sflag:s6], $0x1000  }
0x8f: {  	[sflag:s6] =	ssyncset.done $0x0  }
0x90: {  	[sflag:s6] =	ssyncadd.s32 $0xFFFFF000  }
0x91: {  	_ =	swait.ge [sflag:s6], $0x1000  }
0x92: {  	[sflag:s6] =	ssyncset.done $0x0  }
0x93: {  	s1 =	simm.s32 $0x1400;
	[sflag:s6] =	ssyncadd.s32 $0xFFFFF000  }
0x94: {  	[spmem:s2] =	stream.indirect.scatter.add.f32 [tilespmem:s7], [sflag:$0x1], $0x10, s1, s8, $0xb8;
	[tilespmem:$0x6000] =	vst v63  }
0x95: {  	_ = 	snop  }
0x96: {  	[spmem:s2] =	stream.indirect.scatter.add.f32 [tilespmem:s7], [sflag:$0x1], $0x10, s21, s8, $0xb8;
	[tilespmem:$0x6000] =	vst v63  }
0x97: {  	_ = 	snop  }
0x98: {  	[spmem:s2] =	stream.indirect.scatter.add.f32 [tilespmem:s7], [sflag:$0x1], $0x10, s22, s8, $0xb8;
	[tilespmem:$0x6000] =	vst v63  }
0x99: {  	_ = 	snop  }
0x9a: {  	[spmem:s2] =	stream.indirect.scatter.add.f32 [tilespmem:s7], [sflag:$0x1], $0x10, s23, s8, $0xb8;
	[tilespmem:$0x6000] =	vst v63  }
0x9b: {  	_ = 	snop  }
0x9c: {  	[spmem:s2] =	stream.indirect.scatter.add.f32 [tilespmem:s7], [sflag:$0x1], $0x10, s24, s8, $0xb8;
	[tilespmem:$0x6000] =	vst v63  }
0x9d: {  	_ = 	snop  }
0x9e: {  	[spmem:s2] =	stream.indirect.scatter.add.f32 [tilespmem:s7], [sflag:$0x1], $0x10, s25, s8, $0xb8;
	[tilespmem:$0x6000] =	vst v63  }
0x9f: {  	_ = 	snop  }
0xa0: {  	[spmem:s2] =	stream.indirect.scatter.add.f32 [tilespmem:s7], [sflag:$0x1], $0x10, s26, s8, $0xb8;
	[tilespmem:$0x6000] =	vst v63  }
0xa1: {  	_ = 	snop  }
0xa2: {  	[spmem:s2] =	stream.indirect.scatter.add.f32 [tilespmem:s7], [sflag:$0x1], $0x10, s28, s8, $0xb8;
	[tilespmem:$0x6000] =	vst v63  }
0xa3: {  	_ = 	snop  }
0xa4: {  	[spmem:s2] =	stream.indirect.scatter.add.f32 [tilespmem:s7], [sflag:$0x1], $0x10, s29, s8, $0xb8;
	[tilespmem:$0x6000] =	vst v63  }
0xa5: {  	_ = 	snop  }
0xa6: {  	[spmem:s2] =	stream.indirect.scatter.add.f32 [tilespmem:s7], [sflag:$0x1], $0x10, s30, s8, $0xb8;
	[tilespmem:$0x6000] =	vst v63  }
0xa7: {  	_ =	swait.ge [sflag:s6], $0x1000  }
0xa8: {  	[sflag:s6] =	ssyncset.done $0x0  }
0xa9: {  	[sflag:s6] =	ssyncadd.s32 $0xFFFFF000  }
0xaa: {  	_ =	swait.ge [sflag:s6], $0x1000  }
0xab: {  	[sflag:s6] =	ssyncset.done $0x0  }
0xac: {  	[sflag:s6] =	ssyncadd.s32 $0xFFFFF000  }
0xad: {  	_ =	swait.ge [sflag:s6], $0x1000  }
0xae: {  	[sflag:s6] =	ssyncset.done $0x0  }
0xaf: {  	[sflag:s6] =	ssyncadd.s32 $0xFFFFF000  }
0xb0: {  	_ =	swait.ge [sflag:s6], $0x1000  }
0xb1: {  	[sflag:s6] =	ssyncset.done $0x0  }
0xb2: {  	[sflag:s6] =	ssyncadd.s32 $0xFFFFF000  }
0xb3: {  	_ =	swait.ge [sflag:s6], $0x1000  }
0xb4: {  	[sflag:s6] =	ssyncset.done $0x0  }
0xb5: {  	[sflag:s6] =	ssyncadd.s32 $0xFFFFF000  }
0xb6: {  	_ =	swait.ge [sflag:s6], $0x1000  }
0xb7: {  	[sflag:s6] =	ssyncset.done $0x0  }
0xb8: {  	[sflag:s6] =	ssyncadd.s32 $0xFFFFF000  }
0xb9: {  	_ =	swait.ge [sflag:s6], $0x1000  }
0xba: {  	[sflag:s6] =	ssyncset.done $0x0  }
0xbb: {  	[sflag:s6] =	ssyncadd.s32 $0xFFFFF000  }
0xbc: {  	_ =	swait.ge [sflag:s6], $0x1000  }
0xbd: {  	[sflag:s6] =	ssyncset.done $0x0  }
0xbe: {  	[sflag:s6] =	ssyncadd.s32 $0xFFFFF000  }
0xbf: {  	_ =	swait.ge [sflag:s6], $0x1000  }
0xc0: {  	[sflag:s6] =	ssyncset.done $0x0  }
0xc1: {  	[sflag:s6] =	ssyncadd.s32 $0xFFFFF000  }
0xc2: {  	_ =	swait.ge [sflag:s6], $0x1000  }
0xc3: {  	[sflag:s6] =	ssyncset.done $0x0  }
0xc4: {  	[sflag:s6] =	ssyncadd.s32 $0xFFFFF000  }
0xc5: {  	[spmem:s2] =	stream.indirect.scatter.add.f32 [tilespmem:s7], [sflag:$0x1], $0x10, s10, s8, $0xb8;
	[tilespmem:$0x6000] =	vst v63  }
0xc6: {  	_ = 	snop  }
0xc7: {  	[spmem:s2] =	stream.indirect.scatter.add.f32 [tilespmem:s7], [sflag:$0x1], $0x10, s11, s8, $0xb8;
	[tilespmem:$0x6000] =	vst v63  }
0xc8: {  	_ = 	snop  }
0xc9: {  	[spmem:s2] =	stream.indirect.scatter.add.f32 [tilespmem:s7], [sflag:$0x1], $0x10, s12, s8, $0xb8;
	[tilespmem:$0x6000] =	vst v63  }
0xca: {  	_ = 	snop  }
0xcb: {  	[spmem:s2] =	stream.indirect.scatter.add.f32 [tilespmem:s7], [sflag:$0x1], $0x10, s13, s8, $0xb8;
	[tilespmem:$0x6000] =	vst v63  }
0xcc: {  	_ = 	snop  }
0xcd: {  	[spmem:s2] =	stream.indirect.scatter.add.f32 [tilespmem:s7], [sflag:$0x1], $0x10, s14, s8, $0xb8;
	[tilespmem:$0x6000] =	vst v63  }
0xce: {  	_ = 	snop  }
0xcf: {  	[spmem:s2] =	stream.indirect.scatter.add.f32 [tilespmem:s7], [sflag:$0x1], $0x10, s15, s8, $0xb8;
	[tilespmem:$0x6000] =	vst v63  }
0xd0: {  	_ = 	snop  }
0xd1: {  	[spmem:s2] =	stream.indirect.scatter.add.f32 [tilespmem:s7], [sflag:$0x1], $0x10, s16, s8, $0xb8;
	[tilespmem:$0x6000] =	vst v63  }
0xd2: {  	_ = 	snop  }
0xd3: {  	[spmem:s2] =	stream.indirect.scatter.add.f32 [tilespmem:s7], [sflag:$0x1], $0x10, s17, s8, $0xb8;
	[tilespmem:$0x6000] =	vst v63  }
0xd4: {  	_ = 	snop  }
0xd5: {  	[spmem:s2] =	stream.indirect.scatter.add.f32 [tilespmem:s7], [sflag:$0x1], $0x10, s18, s8, $0xb8;
	[tilespmem:$0x6000] =	vst v63  }
0xd6: {  	_ = 	snop  }
0xd7: {  	[spmem:s2] =	stream.indirect.scatter.add.f32 [tilespmem:s7], [sflag:$0x1], $0x10, s19, s8, $0xb8;
	[tilespmem:$0x6000] =	vst v63  }
0xd8: {  	_ =	swait.ge [sflag:s6], $0x1000  }
0xd9: {  	[sflag:s6] =	ssyncset.done $0x0  }
0xda: {  	[sflag:s6] =	ssyncadd.s32 $0xFFFFF000  }
0xdb: {  	_ =	swait.ge [sflag:s6], $0x1000  }
0xdc: {  	[sflag:s6] =	ssyncset.done $0x0  }
0xdd: {  	[sflag:s6] =	ssyncadd.s32 $0xFFFFF000  }
0xde: {  	_ =	swait.ge [sflag:s6], $0x1000  }
0xdf: {  	[sflag:s6] =	ssyncset.done $0x0  }
0xe0: {  	[sflag:s6] =	ssyncadd.s32 $0xFFFFF000  }
0xe1: {  	_ =	swait.ge [sflag:s6], $0x1000  }
0xe2: {  	[sflag:s6] =	ssyncset.done $0x0  }
0xe3: {  	[sflag:s6] =	ssyncadd.s32 $0xFFFFF000  }
0xe4: {  	_ =	swait.ge [sflag:s6], $0x1000  }
0xe5: {  	[sflag:s6] =	ssyncset.done $0x0  }
0xe6: {  	[sflag:s6] =	ssyncadd.s32 $0xFFFFF000  }
0xe7: {  	_ =	swait.ge [sflag:s6], $0x1000  }
0xe8: {  	[sflag:s6] =	ssyncset.done $0x0  }
0xe9: {  	[sflag:s6] =	ssyncadd.s32 $0xFFFFF000  }
0xea: {  	_ =	swait.ge [sflag:s6], $0x1000  }
0xeb: {  	[sflag:s6] =	ssyncset.done $0x0  }
0xec: {  	[sflag:s6] =	ssyncadd.s32 $0xFFFFF000  }
0xed: {  	_ =	swait.ge [sflag:s6], $0x1000  }
0xee: {  	[sflag:s6] =	ssyncset.done $0x0  }
0xef: {  	[sflag:s6] =	ssyncadd.s32 $0xFFFFF000  }
0xf0: {  	_ =	swait.ge [sflag:s6], $0x1000  }
0xf1: {  	[sflag:s6] =	ssyncset.done $0x0  }
0xf2: {  	[sflag:s6] =	ssyncadd.s32 $0xFFFFF000  }
0xf3: {  	_ =	swait.ge [sflag:s6], $0x1000  }
0xf4: {  	[sflag:s6] =	ssyncset.done $0x0  }
0xf5: {  	p1 =	sne.s32 s9, $0x1;
	[sflag:s6] =	ssyncadd.s32 $0xFFFFF000  }
.Ltmp1:
0xf6: {  	[bflag:$0x0] =	sbarrier.arrive $0xFFFF;
	(pc) =	sbr.rel @!p1 .LBB2_3-.Ltmp1, $4  }
0xf7: {  	s1 =	rddreg [dreg:$0x7]  }
0xf8: {  	[hbm:s1], [sflag:s4] =	dma.local [spmem:s5], $0x500  }
0xf9: {  	p0 =	por $0x1, $0x1;
	_ =	swait.ge [sflag:s3], $0x500  }
0xfa: {  	s1 =	sadd.s32 $0xFFFFFFFF, s9;
	s0 =	rddreg [dreg:$0x5];
	[sflag:s3] =	ssyncset.done $0x0  }
.LBB2_4:
0xfb: {  	[sflag:s3] =	ssyncadd.s32 $0xFFFFFB00  }
0xfc: {  	[tilespmem:s31], [sflag:$0x2] =	stream.linear.gather [hbm4b:s0+s31], $0x2800, $0x38;
	[tilespmem:$0x6000] =	vst v63  }
0xfd: {  	_ =	swait.ge [sflag:s3], $0x2800  }
0xfe: {  	[sflag:s3] =	ssyncset.done $0x0  }
0xff: {  	s9 =	rddreg [dreg:$0x6];
	[sflag:s3] =	ssyncadd.s32 $0xFFFFD800  }
0x100: {  	[spmem:s5], [sflag:s4] =	dma.local [hbm:s9], $0x500  }
0x101: {  	_ =	swait.ge [sflag:s3], $0x500  }
0x102: {  	[sflag:s3] =	ssyncset.done $0x0  }
0x103: {  	[sflag:s3] =	ssyncadd.s32 $0xFFFFFB00  }
0x104: {  	[bflag:$0x0] =	sbarrier.arrive $0xFFFF  }
0x105: {  	s9 =	rddreg [dreg:$0x4]  }
0x106: {  	[tilespmem:s7], [sflag:$0x2] =	stream.linear.gather [hbm4b:s9+s31], $0x1000, $0x38;
	[tilespmem:$0x6000] =	vst v63  }
0x107: {  	_ =	swait.ge [sflag:s3], $0x1000  }
0x108: {  	[sflag:s3] =	ssyncset.done $0x0  }
0x109: {  	[sflag:s3] =	ssyncadd.s32 $0xFFFFF000  }
0x10a: {  	[spmem:s2] =	stream.indirect.scatter.add.f32 [tilespmem:s7], [sflag:$0x1], $0x10, s31, s8, $0xb8;
	[tilespmem:$0x6000] =	vst v63  }
0x10b: {  	_ = 	snop  }
0x10c: {  	[spmem:s2] =	stream.indirect.scatter.add.f32 [tilespmem:s7], [sflag:$0x1], $0x10, s8, s8, $0xb8;
	[tilespmem:$0x6000] =	vst v63  }
0x10d: {  	s0 =	rddreg [dreg:$0x8]  }
0x10e: {  	[spmem:s2] =	stream.indirect.scatter.add.f32 [tilespmem:s7], [sflag:$0x1], $0x10, s0, s8, $0xb8;
	[tilespmem:$0x6000] =	vst v63  }
0x10f: {  	s9 =	rddreg [dreg:$0x9]  }
0x110: {  	[spmem:s2] =	stream.indirect.scatter.add.f32 [tilespmem:s7], [sflag:$0x1], $0x10, s9, s8, $0xb8;
	[tilespmem:$0x6000] =	vst v63  }
0x111: {  	s0 =	rddreg [dreg:$0xa]  }
0x112: {  	[spmem:s2] =	stream.indirect.scatter.add.f32 [tilespmem:s7], [sflag:$0x1], $0x10, s0, s8, $0xb8;
	[tilespmem:$0x6000] =	vst v63  }
0x113: {  	s9 =	rddreg [dreg:$0xb]  }
0x114: {  	[spmem:s2] =	stream.indirect.scatter.add.f32 [tilespmem:s7], [sflag:$0x1], $0x10, s9, s8, $0xb8;
	[tilespmem:$0x6000] =	vst v63  }
0x115: {  	s0 =	rddreg [dreg:$0xc]  }
0x116: {  	[spmem:s2] =	stream.indirect.scatter.add.f32 [tilespmem:s7], [sflag:$0x1], $0x10, s0, s8, $0xb8;
	[tilespmem:$0x6000] =	vst v63  }
0x117: {  	s9 =	rddreg [dreg:$0xd]  }
0x118: {  	[spmem:s2] =	stream.indirect.scatter.add.f32 [tilespmem:s7], [sflag:$0x1], $0x10, s9, s8, $0xb8;
	[tilespmem:$0x6000] =	vst v63  }
0x119: {  	s0 =	rddreg [dreg:$0xe]  }
0x11a: {  	[spmem:s2] =	stream.indirect.scatter.add.f32 [tilespmem:s7], [sflag:$0x1], $0x10, s0, s8, $0xb8;
	[tilespmem:$0x6000] =	vst v63  }
0x11b: {  	s9 =	rddreg [dreg:$0xf]  }
0x11c: {  	[spmem:s2] =	stream.indirect.scatter.add.f32 [tilespmem:s7], [sflag:$0x1], $0x10, s9, s8, $0xb8;
	[tilespmem:$0x6000] =	vst v63  }
0x11d: {  	_ =	swait.ge [sflag:s6], $0x1000  }
0x11e: {  	[sflag:s6] =	ssyncset.done $0x0  }
0x11f: {  	[sflag:s6] =	ssyncadd.s32 $0xFFFFF000  }
0x120: {  	_ =	swait.ge [sflag:s6], $0x1000  }
0x121: {  	[sflag:s6] =	ssyncset.done $0x0  }
0x122: {  	[sflag:s6] =	ssyncadd.s32 $0xFFFFF000  }
0x123: {  	_ =	swait.ge [sflag:s6], $0x1000  }
0x124: {  	[sflag:s6] =	ssyncset.done $0x0  }
0x125: {  	[sflag:s6] =	ssyncadd.s32 $0xFFFFF000  }
0x126: {  	_ =	swait.ge [sflag:s6], $0x1000  }
0x127: {  	[sflag:s6] =	ssyncset.done $0x0  }
0x128: {  	[sflag:s6] =	ssyncadd.s32 $0xFFFFF000  }
0x129: {  	_ =	swait.ge [sflag:s6], $0x1000  }
0x12a: {  	[sflag:s6] =	ssyncset.done $0x0  }
0x12b: {  	[sflag:s6] =	ssyncadd.s32 $0xFFFFF000  }
0x12c: {  	_ =	swait.ge [sflag:s6], $0x1000  }
0x12d: {  	[sflag:s6] =	ssyncset.done $0x0  }
0x12e: {  	[sflag:s6] =	ssyncadd.s32 $0xFFFFF000  }
0x12f: {  	_ =	swait.ge [sflag:s6], $0x1000  }
0x130: {  	[sflag:s6] =	ssyncset.done $0x0  }
0x131: {  	[sflag:s6] =	ssyncadd.s32 $0xFFFFF000  }
0x132: {  	_ =	swait.ge [sflag:s6], $0x1000  }
0x133: {  	[sflag:s6] =	ssyncset.done $0x0  }
0x134: {  	[sflag:s6] =	ssyncadd.s32 $0xFFFFF000  }
0x135: {  	_ =	swait.ge [sflag:s6], $0x1000  }
0x136: {  	[sflag:s6] =	ssyncset.done $0x0  }
0x137: {  	[sflag:s6] =	ssyncadd.s32 $0xFFFFF000  }
0x138: {  	_ =	swait.ge [sflag:s6], $0x1000  }
0x139: {  	[sflag:s6] =	ssyncset.done $0x0  }
0x13a: {  	s0 =	rddreg [dreg:$0x10];
	[sflag:s6] =	ssyncadd.s32 $0xFFFFF000  }
0x13b: {  	[spmem:s2] =	stream.indirect.scatter.add.f32 [tilespmem:s7], [sflag:$0x1], $0x10, s0, s8, $0xb8;
	[tilespmem:$0x6000] =	vst v63  }
0x13c: {  	s9 =	rddreg [dreg:$0x11]  }
0x13d: {  	[spmem:s2] =	stream.indirect.scatter.add.f32 [tilespmem:s7], [sflag:$0x1], $0x10, s9, s8, $0xb8;
	[tilespmem:$0x6000] =	vst v63  }
0x13e: {  	s0 =	rddreg [dreg:$0x12]  }
0x13f: {  	[spmem:s2] =	stream.indirect.scatter.add.f32 [tilespmem:s7], [sflag:$0x1], $0x10, s0, s8, $0xb8;
	[tilespmem:$0x6000] =	vst v63  }
0x140: {  	s9 =	rddreg [dreg:$0x13]  }
0x141: {  	[spmem:s2] =	stream.indirect.scatter.add.f32 [tilespmem:s7], [sflag:$0x1], $0x10, s9, s8, $0xb8;
	[tilespmem:$0x6000] =	vst v63  }
0x142: {  	s0 =	rddreg [dreg:$0x14]  }
0x143: {  	[spmem:s2] =	stream.indirect.scatter.add.f32 [tilespmem:s7], [sflag:$0x1], $0x10, s0, s8, $0xb8;
	[tilespmem:$0x6000] =	vst v63  }
0x144: {  	s9 =	rddreg [dreg:$0x15]  }
0x145: {  	[spmem:s2] =	stream.indirect.scatter.add.f32 [tilespmem:s7], [sflag:$0x1], $0x10, s9, s8, $0xb8;
	[tilespmem:$0x6000] =	vst v63  }
0x146: {  	s0 =	rddreg [dreg:$0x16]  }
0x147: {  	[spmem:s2] =	stream.indirect.scatter.add.f32 [tilespmem:s7], [sflag:$0x1], $0x10, s0, s8, $0xb8;
	[tilespmem:$0x6000] =	vst v63  }
0x148: {  	s9 =	rddreg [dreg:$0x17]  }
0x149: {  	[spmem:s2] =	stream.indirect.scatter.add.f32 [tilespmem:s7], [sflag:$0x1], $0x10, s9, s8, $0xb8;
	[tilespmem:$0x6000] =	vst v63  }
0x14a: {  	s0 =	rddreg [dreg:$0x18]  }
0x14b: {  	[spmem:s2] =	stream.indirect.scatter.add.f32 [tilespmem:s7], [sflag:$0x1], $0x10, s0, s8, $0xb8;
	[tilespmem:$0x6000] =	vst v63  }
0x14c: {  	_ = 	snop  }
0x14d: {  	[spmem:s2] =	stream.indirect.scatter.add.f32 [tilespmem:s7], [sflag:$0x1], $0x10, s20, s8, $0xb8;
	[tilespmem:$0x6000] =	vst v63  }
0x14e: {  	_ =	swait.ge [sflag:s6], $0x1000  }
0x14f: {  	[sflag:s6] =	ssyncset.done $0x0  }
0x150: {  	[sflag:s6] =	ssyncadd.s32 $0xFFFFF000  }
0x151: {  	_ =	swait.ge [sflag:s6], $0x1000  }
0x152: {  	[sflag:s6] =	ssyncset.done $0x0  }
0x153: {  	[sflag:s6] =	ssyncadd.s32 $0xFFFFF000  }
0x154: {  	_ =	swait.ge [sflag:s6], $0x1000  }
0x155: {  	[sflag:s6] =	ssyncset.done $0x0  }
0x156: {  	[sflag:s6] =	ssyncadd.s32 $0xFFFFF000  }
0x157: {  	_ =	swait.ge [sflag:s6], $0x1000  }
0x158: {  	[sflag:s6] =	ssyncset.done $0x0  }
0x159: {  	[sflag:s6] =	ssyncadd.s32 $0xFFFFF000  }
0x15a: {  	_ =	swait.ge [sflag:s6], $0x1000  }
0x15b: {  	[sflag:s6] =	ssyncset.done $0x0  }
0x15c: {  	[sflag:s6] =	ssyncadd.s32 $0xFFFFF000  }
0x15d: {  	_ =	swait.ge [sflag:s6], $0x1000  }
0x15e: {  	[sflag:s6] =	ssyncset.done $0x0  }
0x15f: {  	[sflag:s6] =	ssyncadd.s32 $0xFFFFF000  }
0x160: {  	_ =	swait.ge [sflag:s6], $0x1000  }
0x161: {  	[sflag:s6] =	ssyncset.done $0x0  }
0x162: {  	[sflag:s6] =	ssyncadd.s32 $0xFFFFF000  }
0x163: {  	_ =	swait.ge [sflag:s6], $0x1000  }
0x164: {  	[sflag:s6] =	ssyncset.done $0x0  }
0x165: {  	[sflag:s6] =	ssyncadd.s32 $0xFFFFF000  }
0x166: {  	_ =	swait.ge [sflag:s6], $0x1000  }
0x167: {  	[sflag:s6] =	ssyncset.done $0x0  }
0x168: {  	[sflag:s6] =	ssyncadd.s32 $0xFFFFF000  }
0x169: {  	_ =	swait.ge [sflag:s6], $0x1000  }
0x16a: {  	[sflag:s6] =	ssyncset.done $0x0  }
0x16b: {  	s9 =	simm.s32 $0x1400;
	[sflag:s6] =	ssyncadd.s32 $0xFFFFF000  }
0x16c: {  	[spmem:s2] =	stream.indirect.scatter.add.f32 [tilespmem:s7], [sflag:$0x1], $0x10, s9, s8, $0xb8;
	[tilespmem:$0x6000] =	vst v63  }
0x16d: {  	_ = 	snop  }
0x16e: {  	[spmem:s2] =	stream.indirect.scatter.add.f32 [tilespmem:s7], [sflag:$0x1], $0x10, s21, s8, $0xb8;
	[tilespmem:$0x6000] =	vst v63  }
0x16f: {  	_ = 	snop  }
0x170: {  	[spmem:s2] =	stream.indirect.scatter.add.f32 [tilespmem:s7], [sflag:$0x1], $0x10, s22, s8, $0xb8;
	[tilespmem:$0x6000] =	vst v63  }
0x171: {  	_ = 	snop  }
0x172: {  	[spmem:s2] =	stream.indirect.scatter.add.f32 [tilespmem:s7], [sflag:$0x1], $0x10, s23, s8, $0xb8;
	[tilespmem:$0x6000] =	vst v63  }
0x173: {  	_ = 	snop  }
0x174: {  	[spmem:s2] =	stream.indirect.scatter.add.f32 [tilespmem:s7], [sflag:$0x1], $0x10, s24, s8, $0xb8;
	[tilespmem:$0x6000] =	vst v63  }
0x175: {  	_ = 	snop  }
0x176: {  	[spmem:s2] =	stream.indirect.scatter.add.f32 [tilespmem:s7], [sflag:$0x1], $0x10, s25, s8, $0xb8;
	[tilespmem:$0x6000] =	vst v63  }
0x177: {  	_ = 	snop  }
0x178: {  	[spmem:s2] =	stream.indirect.scatter.add.f32 [tilespmem:s7], [sflag:$0x1], $0x10, s26, s8, $0xb8;
	[tilespmem:$0x6000] =	vst v63  }
0x179: {  	_ = 	snop  }
0x17a: {  	[spmem:s2] =	stream.indirect.scatter.add.f32 [tilespmem:s7], [sflag:$0x1], $0x10, s28, s8, $0xb8;
	[tilespmem:$0x6000] =	vst v63  }
0x17b: {  	_ = 	snop  }
0x17c: {  	[spmem:s2] =	stream.indirect.scatter.add.f32 [tilespmem:s7], [sflag:$0x1], $0x10, s29, s8, $0xb8;
	[tilespmem:$0x6000] =	vst v63  }
0x17d: {  	_ = 	snop  }
0x17e: {  	[spmem:s2] =	stream.indirect.scatter.add.f32 [tilespmem:s7], [sflag:$0x1], $0x10, s30, s8, $0xb8;
	[tilespmem:$0x6000] =	vst v63  }
0x17f: {  	_ =	swait.ge [sflag:s6], $0x1000  }
0x180: {  	[sflag:s6] =	ssyncset.done $0x0  }
0x181: {  	[sflag:s6] =	ssyncadd.s32 $0xFFFFF000  }
0x182: {  	_ =	swait.ge [sflag:s6], $0x1000  }
0x183: {  	[sflag:s6] =	ssyncset.done $0x0  }
0x184: {  	[sflag:s6] =	ssyncadd.s32 $0xFFFFF000  }
0x185: {  	_ =	swait.ge [sflag:s6], $0x1000  }
0x186: {  	[sflag:s6] =	ssyncset.done $0x0  }
0x187: {  	[sflag:s6] =	ssyncadd.s32 $0xFFFFF000  }
0x188: {  	_ =	swait.ge [sflag:s6], $0x1000  }
0x189: {  	[sflag:s6] =	ssyncset.done $0x0  }
0x18a: {  	[sflag:s6] =	ssyncadd.s32 $0xFFFFF000  }
0x18b: {  	_ =	swait.ge [sflag:s6], $0x1000  }
0x18c: {  	[sflag:s6] =	ssyncset.done $0x0  }
0x18d: {  	[sflag:s6] =	ssyncadd.s32 $0xFFFFF000  }
0x18e: {  	_ =	swait.ge [sflag:s6], $0x1000  }
0x18f: {  	[sflag:s6] =	ssyncset.done $0x0  }
0x190: {  	[sflag:s6] =	ssyncadd.s32 $0xFFFFF000  }
0x191: {  	_ =	swait.ge [sflag:s6], $0x1000  }
0x192: {  	[sflag:s6] =	ssyncset.done $0x0  }
0x193: {  	[sflag:s6] =	ssyncadd.s32 $0xFFFFF000  }
0x194: {  	_ =	swait.ge [sflag:s6], $0x1000  }
0x195: {  	[sflag:s6] =	ssyncset.done $0x0  }
0x196: {  	[sflag:s6] =	ssyncadd.s32 $0xFFFFF000  }
0x197: {  	_ =	swait.ge [sflag:s6], $0x1000  }
0x198: {  	[sflag:s6] =	ssyncset.done $0x0  }
0x199: {  	[sflag:s6] =	ssyncadd.s32 $0xFFFFF000  }
0x19a: {  	_ =	swait.ge [sflag:s6], $0x1000  }
0x19b: {  	[sflag:s6] =	ssyncset.done $0x0  }
0x19c: {  	[sflag:s6] =	ssyncadd.s32 $0xFFFFF000  }
0x19d: {  	[spmem:s2] =	stream.indirect.scatter.add.f32 [tilespmem:s7], [sflag:$0x1], $0x10, s10, s8, $0xb8;
	[tilespmem:$0x6000] =	vst v63  }
0x19e: {  	_ = 	snop  }
0x19f: {  	[spmem:s2] =	stream.indirect.scatter.add.f32 [tilespmem:s7], [sflag:$0x1], $0x10, s11, s8, $0xb8;
	[tilespmem:$0x6000] =	vst v63  }
0x1a0: {  	_ = 	snop  }
0x1a1: {  	[spmem:s2] =	stream.indirect.scatter.add.f32 [tilespmem:s7], [sflag:$0x1], $0x10, s12, s8, $0xb8;
	[tilespmem:$0x6000] =	vst v63  }
0x1a2: {  	_ = 	snop  }
0x1a3: {  	[spmem:s2] =	stream.indirect.scatter.add.f32 [tilespmem:s7], [sflag:$0x1], $0x10, s13, s8, $0xb8;
	[tilespmem:$0x6000] =	vst v63  }
0x1a4: {  	_ = 	snop  }
0x1a5: {  	[spmem:s2] =	stream.indirect.scatter.add.f32 [tilespmem:s7], [sflag:$0x1], $0x10, s14, s8, $0xb8;
	[tilespmem:$0x6000] =	vst v63  }
0x1a6: {  	_ = 	snop  }
0x1a7: {  	[spmem:s2] =	stream.indirect.scatter.add.f32 [tilespmem:s7], [sflag:$0x1], $0x10, s15, s8, $0xb8;
	[tilespmem:$0x6000] =	vst v63  }
0x1a8: {  	_ = 	snop  }
0x1a9: {  	[spmem:s2] =	stream.indirect.scatter.add.f32 [tilespmem:s7], [sflag:$0x1], $0x10, s16, s8, $0xb8;
	[tilespmem:$0x6000] =	vst v63  }
0x1aa: {  	_ = 	snop  }
0x1ab: {  	[spmem:s2] =	stream.indirect.scatter.add.f32 [tilespmem:s7], [sflag:$0x1], $0x10, s17, s8, $0xb8;
	[tilespmem:$0x6000] =	vst v63  }
0x1ac: {  	_ = 	snop  }
0x1ad: {  	[spmem:s2] =	stream.indirect.scatter.add.f32 [tilespmem:s7], [sflag:$0x1], $0x10, s18, s8, $0xb8;
	[tilespmem:$0x6000] =	vst v63  }
0x1ae: {  	_ = 	snop  }
0x1af: {  	[spmem:s2] =	stream.indirect.scatter.add.f32 [tilespmem:s7], [sflag:$0x1], $0x10, s19, s8, $0xb8;
	[tilespmem:$0x6000] =	vst v63  }
0x1b0: {  	_ =	swait.ge [sflag:s6], $0x1000  }
0x1b1: {  	[sflag:s6] =	ssyncset.done $0x0  }
0x1b2: {  	[sflag:s6] =	ssyncadd.s32 $0xFFFFF000  }
0x1b3: {  	_ =	swait.ge [sflag:s6], $0x1000  }
0x1b4: {  	[sflag:s6] =	ssyncset.done $0x0  }
0x1b5: {  	[sflag:s6] =	ssyncadd.s32 $0xFFFFF000  }
0x1b6: {  	_ =	swait.ge [sflag:s6], $0x1000  }
0x1b7: {  	[sflag:s6] =	ssyncset.done $0x0  }
0x1b8: {  	[sflag:s6] =	ssyncadd.s32 $0xFFFFF000  }
0x1b9: {  	_ =	swait.ge [sflag:s6], $0x1000  }
0x1ba: {  	[sflag:s6] =	ssyncset.done $0x0  }
0x1bb: {  	[sflag:s6] =	ssyncadd.s32 $0xFFFFF000  }
0x1bc: {  	_ =	swait.ge [sflag:s6], $0x1000  }
0x1bd: {  	[sflag:s6] =	ssyncset.done $0x0  }
0x1be: {  	[sflag:s6] =	ssyncadd.s32 $0xFFFFF000  }
0x1bf: {  	_ =	swait.ge [sflag:s6], $0x1000  }
0x1c0: {  	[sflag:s6] =	ssyncset.done $0x0  }
0x1c1: {  	[sflag:s6] =	ssyncadd.s32 $0xFFFFF000  }
0x1c2: {  	_ =	swait.ge [sflag:s6], $0x1000  }
0x1c3: {  	[sflag:s6] =	ssyncset.done $0x0  }
0x1c4: {  	[sflag:s6] =	ssyncadd.s32 $0xFFFFF000  }
0x1c5: {  	_ =	swait.ge [sflag:s6], $0x1000  }
0x1c6: {  	[sflag:s6] =	ssyncset.done $0x0  }
0x1c7: {  	[sflag:s6] =	ssyncadd.s32 $0xFFFFF000  }
0x1c8: {  	_ =	swait.ge [sflag:s6], $0x1000  }
0x1c9: {  	[sflag:s6] =	ssyncset.done $0x0  }
0x1ca: {  	[sflag:s6] =	ssyncadd.s32 $0xFFFFF000  }
0x1cb: {  	_ =	swait.ge [sflag:s6], $0x1000  }
0x1cc: {  	[sflag:s6] =	ssyncset.done $0x0  }
0x1cd: {  	p1 =	sne.s32 s1, $0x1;
	[sflag:s6] =	ssyncadd.s32 $0xFFFFF000  }
.Ltmp2:
0x1ce: {  	[bflag:$0x0] =	sbarrier.arrive $0xFFFF;
	(pc) =	sbr.rel @p1 .LBB2_4-.Ltmp2, $4  }
0x1cf: {  	s9 =	rddreg [dreg:$0x7]  }
0x1d0: {  	[hbm:s9], [sflag:s4] =	dma.local [spmem:s5], $0x500  }
0x1d1: {  	_ =	swait.ge [sflag:s3], $0x500  }
0x1d2: {  	s1 =	sadd.s32 $0xFFFFFFFF, s1;
	s0 =	rddreg [dreg:$0x5];
	[sflag:s3] =	ssyncset.done $0x0  }
0x1d3: {  	s19 =	simm.s32 $0x1300;
	s30 =	simm.s32 $0x1D00;
	s29 =	simm.s32 $0x1C00  }
0x1d4: {  	s28 =	simm.s32 $0x1B00;
	s26 =	simm.s32 $0x1A00;
	s25 =	simm.s32 $0x1900  }
0x1d5: {  	s24 =	simm.s32 $0x1800;
	s23 =	simm.s32 $0x1700;
	s22 =	simm.s32 $0x1600  }
0x1d6: {  	s21 =	simm.s32 $0x1500;
	s20 =	simm.s32 $0x1400;
	s18 =	simm.s32 $0x2600  }
0x1d7: {  	s17 =	simm.s32 $0x2500;
	s16 =	simm.s32 $0x2400;
	s15 =	simm.s32 $0x2300  }
0x1d8: {  	s14 =	simm.s32 $0x2200;
	s13 =	simm.s32 $0x2100;
	s12 =	simm.s32 $0x2000  }
0x1d9: {  	s11 =	simm.s32 $0x1F00;
	s10 =	simm.s32 $0x1E00;
	s9 =	stileid.u32  }
.LBB2_6:
0x1da: {  	[sflag:s3] =	ssyncadd.s32 @p0 $0xFFFFFB00  }
0x1db: {  	[tilespmem:s31], [sflag:$0x2] =	stream.linear.gather [hbm4b:s0+s31], $0x2800, $0x38;
	[tilespmem:$0x6000] =	vst v63  }
0x1dc: {  	_ =	swait.ge [sflag:s3], $0x2800  }
0x1dd: {  	[sflag:s3] =	ssyncset.done $0x0  }
0x1de: {  	s1 =	rddreg [dreg:$0x6];
	[sflag:s3] =	ssyncadd.s32 $0xFFFFD800  }
0x1df: {  	[spmem:s5], [sflag:s4] =	dma.local [hbm:s1], $0x500  }
0x1e0: {  	_ =	swait.ge [sflag:s3], $0x500  }
0x1e1: {  	[sflag:s3] =	ssyncset.done $0x0  }
0x1e2: {  	[sflag:s3] =	ssyncadd.s32 $0xFFFFFB00  }
0x1e3: {  	[bflag:$0x0] =	sbarrier.arrive $0xFFFF  }
0x1e4: {  	s1 =	rddreg [dreg:$0x4]  }
0x1e5: {  	[tilespmem:s7], [sflag:$0x2] =	stream.linear.gather [hbm4b:s1+s31], $0x1000, $0x38;
	[tilespmem:$0x6000] =	vst v63  }
0x1e6: {  	_ =	swait.ge [sflag:s3], $0x1000  }
0x1e7: {  	[sflag:s3] =	ssyncset.done $0x0  }
0x1e8: {  	[sflag:s3] =	ssyncadd.s32 $0xFFFFF000  }
0x1e9: {  	[spmem:s2] =	stream.indirect.scatter.add.f32 [tilespmem:s7], [sflag:$0x1], $0x10, s31, s8, $0xb8;
	[tilespmem:$0x6000] =	vst v63  }
0x1ea: {  	_ = 	snop  }
0x1eb: {  	[spmem:s2] =	stream.indirect.scatter.add.f32 [tilespmem:s7], [sflag:$0x1], $0x10, s8, s8, $0xb8;
	[tilespmem:$0x6000] =	vst v63  }
0x1ec: {  	s31 =	rddreg [dreg:$0x8]  }
0x1ed: {  	[spmem:s2] =	stream.indirect.scatter.add.f32 [tilespmem:s7], [sflag:$0x1], $0x10, s31, s8, $0xb8;
	[tilespmem:$0x6000] =	vst v63  }
0x1ee: {  	s1 =	rddreg [dreg:$0x9]  }
0x1ef: {  	[spmem:s2] =	stream.indirect.scatter.add.f32 [tilespmem:s7], [sflag:$0x1], $0x10, s1, s8, $0xb8;
	[tilespmem:$0x6000] =	vst v63  }
0x1f0: {  	s0 =	rddreg [dreg:$0xa]  }
0x1f1: {  	[spmem:s2] =	stream.indirect.scatter.add.f32 [tilespmem:s7], [sflag:$0x1], $0x10, s0, s8, $0xb8;
	[tilespmem:$0x6000] =	vst v63  }
0x1f2: {  	s31 =	rddreg [dreg:$0xb]  }
0x1f3: {  	[spmem:s2] =	stream.indirect.scatter.add.f32 [tilespmem:s7], [sflag:$0x1], $0x10, s31, s8, $0xb8;
	[tilespmem:$0x6000] =	vst v63  }
0x1f4: {  	s0 =	rddreg [dreg:$0xc]  }
0x1f5: {  	[spmem:s2] =	stream.indirect.scatter.add.f32 [tilespmem:s7], [sflag:$0x1], $0x10, s0, s8, $0xb8;
	[tilespmem:$0x6000] =	vst v63  }
0x1f6: {  	s31 =	rddreg [dreg:$0xd]  }
0x1f7: {  	[spmem:s2] =	stream.indirect.scatter.add.f32 [tilespmem:s7], [sflag:$0x1], $0x10, s31, s8, $0xb8;
	[tilespmem:$0x6000] =	vst v63  }
0x1f8: {  	s0 =	rddreg [dreg:$0xe]  }
0x1f9: {  	[spmem:s2] =	stream.indirect.scatter.add.f32 [tilespmem:s7], [sflag:$0x1], $0x10, s0, s8, $0xb8;
	[tilespmem:$0x6000] =	vst v63  }
0x1fa: {  	s31 =	rddreg [dreg:$0xf]  }
0x1fb: {  	[spmem:s2] =	stream.indirect.scatter.add.f32 [tilespmem:s7], [sflag:$0x1], $0x10, s31, s8, $0xb8;
	[tilespmem:$0x6000] =	vst v63  }
0x1fc: {  	_ =	swait.ge [sflag:s6], $0x1000  }
0x1fd: {  	[sflag:s6] =	ssyncset.done $0x0  }
0x1fe: {  	[sflag:s6] =	ssyncadd.s32 $0xFFFFF000  }
0x1ff: {  	_ =	swait.ge [sflag:s6], $0x1000  }
0x200: {  	[sflag:s6] =	ssyncset.done $0x0  }
0x201: {  	[sflag:s6] =	ssyncadd.s32 $0xFFFFF000  }
0x202: {  	_ =	swait.ge [sflag:s6], $0x1000  }
0x203: {  	[sflag:s6] =	ssyncset.done $0x0  }
0x204: {  	[sflag:s6] =	ssyncadd.s32 $0xFFFFF000  }
0x205: {  	_ =	swait.ge [sflag:s6], $0x1000  }
0x206: {  	[sflag:s6] =	ssyncset.done $0x0  }
0x207: {  	[sflag:s6] =	ssyncadd.s32 $0xFFFFF000  }
0x208: {  	_ =	swait.ge [sflag:s6], $0x1000  }
0x209: {  	[sflag:s6] =	ssyncset.done $0x0  }
0x20a: {  	[sflag:s6] =	ssyncadd.s32 $0xFFFFF000  }
0x20b: {  	_ =	swait.ge [sflag:s6], $0x1000  }
0x20c: {  	[sflag:s6] =	ssyncset.done $0x0  }
0x20d: {  	[sflag:s6] =	ssyncadd.s32 $0xFFFFF000  }
0x20e: {  	_ =	swait.ge [sflag:s6], $0x1000  }
0x20f: {  	[sflag:s6] =	ssyncset.done $0x0  }
0x210: {  	[sflag:s6] =	ssyncadd.s32 $0xFFFFF000  }
0x211: {  	_ =	swait.ge [sflag:s6], $0x1000  }
0x212: {  	[sflag:s6] =	ssyncset.done $0x0  }
0x213: {  	[sflag:s6] =	ssyncadd.s32 $0xFFFFF000  }
0x214: {  	_ =	swait.ge [sflag:s6], $0x1000  }
0x215: {  	[sflag:s6] =	ssyncset.done $0x0  }
0x216: {  	[sflag:s6] =	ssyncadd.s32 $0xFFFFF000  }
0x217: {  	_ =	swait.ge [sflag:s6], $0x1000  }
0x218: {  	[sflag:s6] =	ssyncset.done $0x0  }
0x219: {  	s31 =	rddreg [dreg:$0x10];
	[sflag:s6] =	ssyncadd.s32 $0xFFFFF000  }
0x21a: {  	[spmem:s2] =	stream.indirect.scatter.add.f32 [tilespmem:s7], [sflag:$0x1], $0x10, s31, s8, $0xb8;
	[tilespmem:$0x6000] =	vst v63  }
0x21b: {  	s1 =	rddreg [dreg:$0x11]  }
0x21c: {  	[spmem:s2] =	stream.indirect.scatter.add.f32 [tilespmem:s7], [sflag:$0x1], $0x10, s1, s8, $0xb8;
	[tilespmem:$0x6000] =	vst v63  }
0x21d: {  	s31 =	rddreg [dreg:$0x12]  }
0x21e: {  	[spmem:s2] =	stream.indirect.scatter.add.f32 [tilespmem:s7], [sflag:$0x1], $0x10, s31, s8, $0xb8;
	[tilespmem:$0x6000] =	vst v63  }
0x21f: {  	s1 =	rddreg [dreg:$0x13]  }
0x220: {  	[spmem:s2] =	stream.indirect.scatter.add.f32 [tilespmem:s7], [sflag:$0x1], $0x10, s1, s8, $0xb8;
	[tilespmem:$0x6000] =	vst v63  }
0x221: {  	s31 =	rddreg [dreg:$0x14]  }
0x222: {  	[spmem:s2] =	stream.indirect.scatter.add.f32 [tilespmem:s7], [sflag:$0x1], $0x10, s31, s8, $0xb8;
	[tilespmem:$0x6000] =	vst v63  }
0x223: {  	s1 =	rddreg [dreg:$0x15]  }
0x224: {  	[spmem:s2] =	stream.indirect.scatter.add.f32 [tilespmem:s7], [sflag:$0x1], $0x10, s1, s8, $0xb8;
	[tilespmem:$0x6000] =	vst v63  }
0x225: {  	s31 =	rddreg [dreg:$0x16]  }
0x226: {  	[spmem:s2] =	stream.indirect.scatter.add.f32 [tilespmem:s7], [sflag:$0x1], $0x10, s31, s8, $0xb8;
	[tilespmem:$0x6000] =	vst v63  }
0x227: {  	s1 =	rddreg [dreg:$0x17]  }
0x228: {  	[spmem:s2] =	stream.indirect.scatter.add.f32 [tilespmem:s7], [sflag:$0x1], $0x10, s1, s8, $0xb8;
	[tilespmem:$0x6000] =	vst v63  }
0x229: {  	s31 =	rddreg [dreg:$0x18]  }
0x22a: {  	[spmem:s2] =	stream.indirect.scatter.add.f32 [tilespmem:s7], [sflag:$0x1], $0x10, s31, s8, $0xb8;
	[tilespmem:$0x6000] =	vst v63  }
0x22b: {  	_ = 	snop  }
0x22c: {  	[spmem:s2] =	stream.indirect.scatter.add.f32 [tilespmem:s7], [sflag:$0x1], $0x10, s19, s8, $0xb8;
	[tilespmem:$0x6000] =	vst v63  }
0x22d: {  	_ =	swait.ge [sflag:s6], $0x1000  }
0x22e: {  	[sflag:s6] =	ssyncset.done $0x0  }
0x22f: {  	[sflag:s6] =	ssyncadd.s32 $0xFFFFF000  }
0x230: {  	_ =	swait.ge [sflag:s6], $0x1000  }
0x231: {  	[sflag:s6] =	ssyncset.done $0x0  }
0x232: {  	[sflag:s6] =	ssyncadd.s32 $0xFFFFF000  }
0x233: {  	_ =	swait.ge [sflag:s6], $0x1000  }
0x234: {  	[sflag:s6] =	ssyncset.done $0x0  }
0x235: {  	[sflag:s6] =	ssyncadd.s32 $0xFFFFF000  }
0x236: {  	_ =	swait.ge [sflag:s6], $0x1000  }
0x237: {  	[sflag:s6] =	ssyncset.done $0x0  }
0x238: {  	[sflag:s6] =	ssyncadd.s32 $0xFFFFF000  }
0x239: {  	_ =	swait.ge [sflag:s6], $0x1000  }
0x23a: {  	[sflag:s6] =	ssyncset.done $0x0  }
0x23b: {  	[sflag:s6] =	ssyncadd.s32 $0xFFFFF000  }
0x23c: {  	_ =	swait.ge [sflag:s6], $0x1000  }
0x23d: {  	[sflag:s6] =	ssyncset.done $0x0  }
0x23e: {  	[sflag:s6] =	ssyncadd.s32 $0xFFFFF000  }
0x23f: {  	_ =	swait.ge [sflag:s6], $0x1000  }
0x240: {  	[sflag:s6] =	ssyncset.done $0x0  }
0x241: {  	[sflag:s6] =	ssyncadd.s32 $0xFFFFF000  }
0x242: {  	_ =	swait.ge [sflag:s6], $0x1000  }
0x243: {  	[sflag:s6] =	ssyncset.done $0x0  }
0x244: {  	[sflag:s6] =	ssyncadd.s32 $0xFFFFF000  }
0x245: {  	_ =	swait.ge [sflag:s6], $0x1000  }
0x246: {  	[sflag:s6] =	ssyncset.done $0x0  }
0x247: {  	[sflag:s6] =	ssyncadd.s32 $0xFFFFF000  }
0x248: {  	_ =	swait.ge [sflag:s6], $0x1000  }
0x249: {  	[sflag:s6] =	ssyncset.done $0x0  }
0x24a: {  	[sflag:s6] =	ssyncadd.s32 $0xFFFFF000  }
0x24b: {  	[spmem:s2] =	stream.indirect.scatter.add.f32 [tilespmem:s7], [sflag:$0x1], $0x10, s20, s8, $0xb8;
	[tilespmem:$0x6000] =	vst v63  }
0x24c: {  	_ = 	snop  }
0x24d: {  	[spmem:s2] =	stream.indirect.scatter.add.f32 [tilespmem:s7], [sflag:$0x1], $0x10, s21, s8, $0xb8;
	[tilespmem:$0x6000] =	vst v63  }
0x24e: {  	_ = 	snop  }
0x24f: {  	[spmem:s2] =	stream.indirect.scatter.add.f32 [tilespmem:s7], [sflag:$0x1], $0x10, s22, s8, $0xb8;
	[tilespmem:$0x6000] =	vst v63  }
0x250: {  	_ = 	snop  }
0x251: {  	[spmem:s2] =	stream.indirect.scatter.add.f32 [tilespmem:s7], [sflag:$0x1], $0x10, s23, s8, $0xb8;
	[tilespmem:$0x6000] =	vst v63  }
0x252: {  	_ = 	snop  }
0x253: {  	[spmem:s2] =	stream.indirect.scatter.add.f32 [tilespmem:s7], [sflag:$0x1], $0x10, s24, s8, $0xb8;
	[tilespmem:$0x6000] =	vst v63  }
0x254: {  	_ = 	snop  }
0x255: {  	[spmem:s2] =	stream.indirect.scatter.add.f32 [tilespmem:s7], [sflag:$0x1], $0x10, s25, s8, $0xb8;
	[tilespmem:$0x6000] =	vst v63  }
0x256: {  	_ = 	snop  }
0x257: {  	[spmem:s2] =	stream.indirect.scatter.add.f32 [tilespmem:s7], [sflag:$0x1], $0x10, s26, s8, $0xb8;
	[tilespmem:$0x6000] =	vst v63  }
0x258: {  	_ = 	snop  }
0x259: {  	[spmem:s2] =	stream.indirect.scatter.add.f32 [tilespmem:s7], [sflag:$0x1], $0x10, s28, s8, $0xb8;
	[tilespmem:$0x6000] =	vst v63  }
0x25a: {  	_ = 	snop  }
0x25b: {  	[spmem:s2] =	stream.indirect.scatter.add.f32 [tilespmem:s7], [sflag:$0x1], $0x10, s29, s8, $0xb8;
	[tilespmem:$0x6000] =	vst v63  }
0x25c: {  	_ = 	snop  }
0x25d: {  	[spmem:s2] =	stream.indirect.scatter.add.f32 [tilespmem:s7], [sflag:$0x1], $0x10, s30, s8, $0xb8;
	[tilespmem:$0x6000] =	vst v63  }
0x25e: {  	_ =	swait.ge [sflag:s6], $0x1000  }
0x25f: {  	[sflag:s6] =	ssyncset.done $0x0  }
0x260: {  	[sflag:s6] =	ssyncadd.s32 $0xFFFFF000  }
0x261: {  	_ =	swait.ge [sflag:s6], $0x1000  }
0x262: {  	[sflag:s6] =	ssyncset.done $0x0  }
0x263: {  	[sflag:s6] =	ssyncadd.s32 $0xFFFFF000  }
0x264: {  	_ =	swait.ge [sflag:s6], $0x1000  }
0x265: {  	[sflag:s6] =	ssyncset.done $0x0  }
0x266: {  	[sflag:s6] =	ssyncadd.s32 $0xFFFFF000  }
0x267: {  	_ =	swait.ge [sflag:s6], $0x1000  }
0x268: {  	[sflag:s6] =	ssyncset.done $0x0  }
0x269: {  	[sflag:s6] =	ssyncadd.s32 $0xFFFFF000  }
0x26a: {  	_ =	swait.ge [sflag:s6], $0x1000  }
0x26b: {  	[sflag:s6] =	ssyncset.done $0x0  }
0x26c: {  	[sflag:s6] =	ssyncadd.s32 $0xFFFFF000  }
0x26d: {  	_ =	swait.ge [sflag:s6], $0x1000  }
0x26e: {  	[sflag:s6] =	ssyncset.done $0x0  }
0x26f: {  	[sflag:s6] =	ssyncadd.s32 $0xFFFFF000  }
0x270: {  	_ =	swait.ge [sflag:s6], $0x1000  }
0x271: {  	[sflag:s6] =	ssyncset.done $0x0  }
0x272: {  	[sflag:s6] =	ssyncadd.s32 $0xFFFFF000  }
0x273: {  	_ =	swait.ge [sflag:s6], $0x1000  }
0x274: {  	[sflag:s6] =	ssyncset.done $0x0  }
0x275: {  	[sflag:s6] =	ssyncadd.s32 $0xFFFFF000  }
0x276: {  	_ =	swait.ge [sflag:s6], $0x1000  }
0x277: {  	[sflag:s6] =	ssyncset.done $0x0  }
0x278: {  	[sflag:s6] =	ssyncadd.s32 $0xFFFFF000  }
0x279: {  	_ =	swait.ge [sflag:s6], $0x1000  }
0x27a: {  	[sflag:s6] =	ssyncset.done $0x0  }
0x27b: {  	[sflag:s6] =	ssyncadd.s32 $0xFFFFF000  }
0x27c: {  	[spmem:s2] =	stream.indirect.scatter.add.f32 [tilespmem:s7], [sflag:$0x1], $0x10, s10, s8, $0xb8;
	[tilespmem:$0x6000] =	vst v63  }
0x27d: {  	_ = 	snop  }
0x27e: {  	[spmem:s2] =	stream.indirect.scatter.add.f32 [tilespmem:s7], [sflag:$0x1], $0x10, s11, s8, $0xb8;
	[tilespmem:$0x6000] =	vst v63  }
0x27f: {  	_ = 	snop  }
0x280: {  	[spmem:s2] =	stream.indirect.scatter.add.f32 [tilespmem:s7], [sflag:$0x1], $0x10, s12, s8, $0xb8;
	[tilespmem:$0x6000] =	vst v63  }
0x281: {  	_ = 	snop  }
0x282: {  	[spmem:s2] =	stream.indirect.scatter.add.f32 [tilespmem:s7], [sflag:$0x1], $0x10, s13, s8, $0xb8;
	[tilespmem:$0x6000] =	vst v63  }
0x283: {  	_ = 	snop  }
0x284: {  	[spmem:s2] =	stream.indirect.scatter.add.f32 [tilespmem:s7], [sflag:$0x1], $0x10, s14, s8, $0xb8;
	[tilespmem:$0x6000] =	vst v63  }
0x285: {  	_ = 	snop  }
0x286: {  	[spmem:s2] =	stream.indirect.scatter.add.f32 [tilespmem:s7], [sflag:$0x1], $0x10, s15, s8, $0xb8;
	[tilespmem:$0x6000] =	vst v63  }
0x287: {  	_ = 	snop  }
0x288: {  	[spmem:s2] =	stream.indirect.scatter.add.f32 [tilespmem:s7], [sflag:$0x1], $0x10, s16, s8, $0xb8;
	[tilespmem:$0x6000] =	vst v63  }
0x289: {  	_ = 	snop  }
0x28a: {  	[spmem:s2] =	stream.indirect.scatter.add.f32 [tilespmem:s7], [sflag:$0x1], $0x10, s17, s8, $0xb8;
	[tilespmem:$0x6000] =	vst v63  }
0x28b: {  	_ = 	snop  }
0x28c: {  	[spmem:s2] =	stream.indirect.scatter.add.f32 [tilespmem:s7], [sflag:$0x1], $0x10, s18, s8, $0xb8;
	[tilespmem:$0x6000] =	vst v63  }
0x28d: {  	s30 =	simm.s32 $0x2700  }
0x28e: {  	[spmem:s2] =	stream.indirect.scatter.add.f32 [tilespmem:s7], [sflag:$0x1], $0x10, s30, s8, $0xb8;
	[tilespmem:$0x6000] =	vst v63  }
0x28f: {  	_ =	swait.ge [sflag:s6], $0x1000  }
0x290: {  	[sflag:s6] =	ssyncset.done $0x0  }
0x291: {  	[sflag:s6] =	ssyncadd.s32 $0xFFFFF000  }
0x292: {  	_ =	swait.ge [sflag:s6], $0x1000  }
0x293: {  	[sflag:s6] =	ssyncset.done $0x0  }
0x294: {  	[sflag:s6] =	ssyncadd.s32 $0xFFFFF000  }
0x295: {  	_ =	swait.ge [sflag:s6], $0x1000  }
0x296: {  	[sflag:s6] =	ssyncset.done $0x0  }
0x297: {  	[sflag:s6] =	ssyncadd.s32 $0xFFFFF000  }
0x298: {  	_ =	swait.ge [sflag:s6], $0x1000  }
0x299: {  	[sflag:s6] =	ssyncset.done $0x0  }
0x29a: {  	[sflag:s6] =	ssyncadd.s32 $0xFFFFF000  }
0x29b: {  	_ =	swait.ge [sflag:s6], $0x1000  }
0x29c: {  	[sflag:s6] =	ssyncset.done $0x0  }
0x29d: {  	[sflag:s6] =	ssyncadd.s32 $0xFFFFF000  }
0x29e: {  	_ =	swait.ge [sflag:s6], $0x1000  }
0x29f: {  	[sflag:s6] =	ssyncset.done $0x0  }
0x2a0: {  	[sflag:s6] =	ssyncadd.s32 $0xFFFFF000  }
0x2a1: {  	_ =	swait.ge [sflag:s6], $0x1000  }
0x2a2: {  	[sflag:s6] =	ssyncset.done $0x0  }
0x2a3: {  	[sflag:s6] =	ssyncadd.s32 $0xFFFFF000  }
0x2a4: {  	_ =	swait.ge [sflag:s6], $0x1000  }
0x2a5: {  	[sflag:s6] =	ssyncset.done $0x0  }
0x2a6: {  	[sflag:s6] =	ssyncadd.s32 $0xFFFFF000  }
0x2a7: {  	_ =	swait.ge [sflag:s6], $0x1000  }
0x2a8: {  	[sflag:s6] =	ssyncset.done $0x0  }
0x2a9: {  	[sflag:s6] =	ssyncadd.s32 $0xFFFFF000  }
0x2aa: {  	_ =	swait.ge [sflag:s6], $0x1000  }
0x2ab: {  	[sflag:s6] =	ssyncset.done $0x0  }
0x2ac: {  	[sflag:s6] =	ssyncadd.s32 $0xFFFFF000  }
0x2ad: {  	[bflag:$0x0] =	sbarrier.arrive $0xFFFF  }
0x2ae: {  	s31 =	rddreg [dreg:$0x7]  }
0x2af: {  	[hbm:s31], [sflag:s4] =	dma.local [spmem:s5], $0x500  }
0x2b0: {  	_ =	swait.ge [sflag:s3], $0x500  }
0x2b1: {  	[sflag:s3] =	ssyncset.done $0x0  }
0x2b2: {  	[sflag:s3] =	ssyncadd.s32 $0xFFFFFB00  }
0x2b3: {  	_ =	sfence.sel $0x180000  }
0x2b4: {  	[bflag:$0x0] =	sbarrier.arrive $0xFFFF  }
0x2b5: {  	_ =	strace $0x90000047  }
0x2b6: {  	[bflag:$0x2] =	sbarrier.arrive $0xFFFF  }
0x2b7: {  	p0 =	sne.s32 s9, $0x0;
	s0 =	rddreg [dreg:$0x3]  }
0x2b8: {  	s0 =	sadd.s32 @!p0 $0x100000, s0  }
0x2b9: {  	[sflag:s0] =	ssyncadd.tile.s32 @!p0 $0x1;
	_ =	shalt  }
.LBB2_1:
0x2ba: {  	s19 =	simm.s32 $0x1300;
	s30 =	simm.s32 $0x1D00;
	s29 =	simm.s32 $0x1C00  }
0x2bb: {  	s28 =	simm.s32 $0x1B00;
	s26 =	simm.s32 $0x1A00;
	s25 =	simm.s32 $0x1900  }
.Ltmp3:
0x2bc: {  	s24 =	simm.s32 $0x1800;
	s23 =	simm.s32 $0x1700;
	(pc) =	sbr.rel .LBB2_6-.Ltmp3, $4  }
0x2bd: {  	s22 =	simm.s32 $0x1600;
	s21 =	simm.s32 $0x1500;
	s20 =	simm.s32 $0x1400  }
0x2be: {  	s18 =	simm.s32 $0x2600;
	s17 =	simm.s32 $0x2500;
	s16 =	simm.s32 $0x2400  }
0x2bf: {  	s15 =	simm.s32 $0x2300;
	s14 =	simm.s32 $0x2200;
	s13 =	simm.s32 $0x2100  }
0x2c0: {  	s12 =	simm.s32 $0x2000;
	s11 =	simm.s32 $0x1F00;
	s10 =	simm.s32 $0x1E00  }
.LBB2_3:
0x2c1: {  	s19 =	simm.s32 $0x1300  }
0x2c2: {  	s30 =	simm.s32 $0x1D00;
	s29 =	simm.s32 $0x1C00;
	s28 =	simm.s32 $0x1B00  }
0x2c3: {  	s26 =	simm.s32 $0x1A00;
	s25 =	simm.s32 $0x1900;
	s24 =	simm.s32 $0x1800  }
.Ltmp4:
0x2c4: {  	s23 =	simm.s32 $0x1700;
	s22 =	simm.s32 $0x1600;
	(pc) =	sbr.rel .LBB2_6-.Ltmp4, $4  }
0x2c5: {  	s21 =	simm.s32 $0x1500;
	s20 =	simm.s32 $0x1400;
	s18 =	simm.s32 $0x2600  }
0x2c6: {  	s17 =	simm.s32 $0x2500;
	s16 =	simm.s32 $0x2400;
	s15 =	simm.s32 $0x2300  }
0x2c7: {  	s14 =	simm.s32 $0x2200;
	s13 =	simm.s32 $0x2100;
	s12 =	simm.s32 $0x2000  }
0x2c8: {  	s11 =	simm.s32 $0x1F00;
	s10 =	simm.s32 $0x1E00;
	s9 =	stileid.u32  }
.Lfunc_end2:
_tile_overlayer_lowered:
.L_overlay_start_2:
0x2c9: {  	(tag) =	ssettag $0x2  }
0x2ca: {  	s0 =	rddreg [dreg:$0x0];
	s2 =	stileid.u32  }
0x2cb: {  	s1 =	rddreg [dreg:$0x1];
	p0 =	sne.s32 s2, $0x0  }
0x2cc: {  	s3 =	rddreg [dreg:$0x2];
	[bflag:$0x3] =	sbarrier.arrive $0xFFFF;
	s2 =	simm.s32 @!p0 $0x1C02  }
0x2cd: {  	[timem:s3], [sflag:s2] =	dma.local @!p0 [hbm:s0], s1  }
0x2ce: {  	s0 =	simm.s32 @!p0 $0x2  }
0x2cf: {  	_ =	swait.ge @!p0 [sflag:s0], s1  }
0x2d0: {  	s1 =	ssub.s32 @!p0 $0x0, s1;
	[sflag:s0] =	ssyncset.done @!p0 $0x0  }
0x2d1: {  	[sflag:s0] =	ssyncadd.s32 @!p0 s1  }
0x2d2: {  	[bflag:$0x3] =	sbarrier.arrive $0xFFFF  }
0x2d3: {  	_ =	shalt  }

</sc_bundles>
